<compile_context>
chip_gen: v7x
topology: tpu7x:2x2x1
jax: 0.10.2.dev20260603
libtpu: 0.0.44.dev20260713+nightly
codegen_flags: <defaults>
</compile_context>

<pallas_src>
import functools

import jax
import jax.numpy as jnp
from jax import lax
from jax.experimental import pallas as pl
from jax.experimental.pallas import tpu as pltpu
from jax.experimental.pallas import tpu_sc as plsc

L = 16
NC = 2
NS = 16
NW = NC * NS
TRASH = 262144
K_ROUNDS = 6

_SC_PARAMS = pltpu.CompilerParams(use_tc_tiling_on_sc=False)


def _fill_positions(posv_v, base, n):
    @plsc.parallel_loop(0, n // L, unroll=8)
    def _(j):
        off = pl.multiple_of(j * L, L)
        posv_v[pl.ds(off, L)] = base + j * L + lax.iota(jnp.int32, 16)


def _make_gather_round0(M, B, D):
    ch = B // NW
    mesh = plsc.VectorSubcoreMesh(core_axis_name="c", subcore_axis_name="s")

    @functools.partial(
        pl.kernel,
        out_type=jax.ShapeDtypeStruct((B, D), jnp.float32),
        mesh=mesh,
        compiler_params=_SC_PARAMS,
        scratch_types=[
            pltpu.VMEM((ch,), jnp.int32),
            pltpu.VMEM((ch, D), jnp.float32),
            pltpu.VMEM((ch,), jnp.int32),
            pltpu.SemaphoreType.DMA,
            pltpu.SemaphoreType.DMA,
        ],
    )
    def gather_k(mem_hbm, idx_hbm, pos_hbm, ext_hbm, idx_v, rows_v,
                 posv_v, sem_g, sem_s):
        wid = lax.axis_index("s") * NC + lax.axis_index("c")
        base = wid * ch
        pltpu.sync_copy(idx_hbm.at[pl.ds(base, ch)], idx_v)
        _fill_positions(posv_v, base, ch)
        g = pltpu.async_copy(mem_hbm.at[idx_v], rows_v, sem_g)
        s = pltpu.async_copy(posv_v, pos_hbm.at[idx_v], sem_s)
        g.wait()
        pltpu.sync_copy(rows_v, ext_hbm.at[pl.ds(base, ch)])
        s.wait()

    return gather_k


def _make_round(M, B):
    ch = B // NW
    mesh = plsc.VectorSubcoreMesh(core_axis_name="c", subcore_axis_name="s")

    nchunk = 4
    h = ch // nchunk

    @functools.partial(
        pl.kernel,
        mesh=mesh,
        compiler_params=_SC_PARAMS,
        scratch_types=[
            pltpu.VMEM((ch,), jnp.int32),
            pltpu.VMEM((ch,), jnp.int32),
            pltpu.VMEM((ch,), jnp.int32),
            pltpu.VMEM((ch,), jnp.int32),
        ] + [pltpu.SemaphoreType.DMA] * (2 * nchunk),
    )
    def round_k(idx_hbm, pos_hbm, idx_v, w_v, posv_v, idx2_v, *sems):
        wid = lax.axis_index("s") * NC + lax.axis_index("c")
        base = wid * ch
        pltpu.sync_copy(idx_hbm.at[pl.ds(base, ch)], idx_v)
        _fill_positions(posv_v, base, ch)
        gs = [
            pltpu.async_copy(pos_hbm.at[idx_v.at[pl.ds(k * h, h)]],
                             w_v.at[pl.ds(k * h, h)], sems[k])
            for k in range(nchunk)
        ]
        ss = []
        for k in range(nchunk):
            gs[k].wait()

            @plsc.parallel_loop(k * (h // L), (k + 1) * (h // L), unroll=8)
            def _(j):
                off = pl.multiple_of(j * L, L)
                w16 = w_v[pl.ds(off, L)]
                p16 = posv_v[pl.ds(off, L)]
                i16 = idx_v[pl.ds(off, L)]
                pend = w16 < p16
                t16 = M + p16
                idx2_v[pl.ds(off, L)] = jnp.where(pend, i16, t16)

            ss.append(
                pltpu.async_copy(posv_v.at[pl.ds(k * h, h)],
                                 pos_hbm.at[idx2_v.at[pl.ds(k * h, h)]],
                                 sems[nchunk + k]))
        for s in ss:
            s.wait()

    return round_k


def _make_apply(M, B, D):
    ch = B // NW
    mesh = plsc.VectorSubcoreMesh(core_axis_name="c", subcore_axis_name="s")

    @functools.partial(
        pl.kernel,
        mesh=mesh,
        compiler_params=_SC_PARAMS,
        scratch_types=[
            pltpu.VMEM((ch,), jnp.int32),
            pltpu.VMEM((ch,), jnp.int32),
            pltpu.VMEM((ch, D), jnp.float32),
            pltpu.SemaphoreType.DMA,
            pltpu.SemaphoreType.DMA,
        ],
    )
    def apply_k(idx_hbm, pos_hbm, fused_hbm, out_hbm, idx_v, w_v, rows_v,
                sem_g, sem_s):
        wid = lax.axis_index("s") * NC + lax.axis_index("c")
        base = wid * ch
        pltpu.sync_copy(idx_hbm.at[pl.ds(base, ch)], idx_v)
        pltpu.async_copy(pos_hbm.at[idx_v], w_v, sem_g).wait()
        pltpu.async_copy(fused_hbm.at[w_v], rows_v, sem_g).wait()
        pltpu.async_copy(rows_v, out_hbm.at[idx_v], sem_s).wait()

    return apply_k


def _fusion_body(cv_ref, ext_ref, wc_ref, we_ref, b_ref, o_ref):
    acc = jnp.dot(cv_ref[...], wc_ref[...], preferred_element_type=jnp.float32)
    acc = acc + jnp.dot(ext_ref[...], we_ref[...],
                        preferred_element_type=jnp.float32)
    o_ref[...] = jnp.tanh(acc + b_ref[...])


def _fusion(cost_volume, ext, W, b, B, C, D):
    gpr = 16
    rows = B // gpr
    blk = 2048
    cv2 = cost_volume.reshape(rows, gpr * C)
    ext2 = ext.reshape(rows, gpr * D)
    eye = jnp.eye(gpr, dtype=W.dtype)
    wc_big = jnp.kron(eye, W[:C])
    we_big = jnp.kron(eye, W[C:])
    bt = jnp.tile(b, gpr).reshape(1, gpr * D)
    out2 = pl.pallas_call(
        _fusion_body,
        grid=(rows // blk,),
        in_specs=[
            pl.BlockSpec((blk, gpr * C), lambda i: (i, 0)),
            pl.BlockSpec((blk, gpr * D), lambda i: (i, 0)),
            pl.BlockSpec((gpr * C, gpr * D), lambda i: (0, 0)),
            pl.BlockSpec((gpr * D, gpr * D), lambda i: (0, 0)),
            pl.BlockSpec((1, gpr * D), lambda i: (0, 0)),
        ],
        out_specs=pl.BlockSpec((blk, gpr * D), lambda i: (i, 0)),
        out_shape=jax.ShapeDtypeStruct((rows, gpr * D), jnp.float32),
    )(cv2, ext2, wc_big, we_big, bt)
    return out2.reshape(B, D)


def kernel(mem, cost_volume, W, b, indices):
    M, D = mem.shape
    B, C = cost_volume.shape
    idx = indices.astype(jnp.int32)

    pos_ref = jax.new_ref(jnp.zeros((M + TRASH,), jnp.int32))
    ext = _make_gather_round0(M, B, D)(mem, idx, pos_ref)
    fused = _fusion(cost_volume, ext, W, b, B, C, D)
    round_k = _make_round(M, B)
    for _ in range(K_ROUNDS):
        round_k(idx, pos_ref)
    out_ref = jax.new_ref(jnp.copy(mem))
    _make_apply(M, B, D)(idx, pos_ref, fused, out_ref)
    return out_ref[...]

# --- scband reference (transcript-rebuilt; emitter-appended) ---
"""Pipeline reference for scband-pipeline-87033217286586 (READ-ONLY COPY).

The authoritative reference and input builder live on the scoring server;
editing this copy changes nothing except your own understanding.
"""

import jax, jax.numpy as jnp
import numpy as np

M = 4194304
B = 262144
D = 8
C = 8


def setup_inputs(seed: int = 0) -> dict:
    key = jax.random.key(seed)
    k1, k2, k3, k4 = jax.random.split(key, 4)
    mem = jax.random.normal(k1, (M, D), dtype=jnp.float32)
    cost_volume = jax.random.normal(k2, (B, C), dtype=jnp.float32)
    W = jax.random.normal(k3, (C + D, D), dtype=jnp.float32) * 0.1
    b = jnp.zeros((D,), dtype=jnp.float32)
    indices = jax.random.randint(k4, (B,), 0, M, dtype=jnp.int64)
    return {"mem": mem, "cost_volume": cost_volume, "W": W, "b": b, "indices": indices}


def reference(mem, cost_volume, W, b, indices):
    # Extractor: gather current latent features from the global volume
    extracted_volume = jnp.take(mem, indices, axis=0)  # [B, D]
    # Fusion: concat cost volume with extracted state, small learned fusion network
    fusion_input = jnp.concatenate([cost_volume, extracted_volume], axis=1)  # [B, C+D]
    fusion_output = jnp.tanh(fusion_input @ W + b)  # [B, D]
    # Integrator: scatter fused values back into the global latent volume
    updated_volume = mem.at[indices].set(fusion_output)  # [M, D]
    return updated_volume

if __name__ == "__main__":
    import jax
    _d = setup_inputs()
    print(jax.jit(kernel)(*tuple(_d.values())))

</pallas_src>

<mosaic_0001>
#map = affine_map<(d0, d1) -> (0)>
module attributes {stable_mosaic.version = 14 : i64} {
  func.func @new_body(%arg0: i32, %arg1: i32, %arg2: memref<262144xi32, #tpu.memory_space<hbm>>, %arg3: memref<4456448xi32, #tpu.memory_space<hbm>>, %arg4: memref<4456448xi32, #tpu.memory_space<hbm>>, %arg5: memref<8192xi32, #tpu.memory_space<vmem>>, %arg6: memref<8192xi32, #tpu.memory_space<vmem>>, %arg7: memref<8192xi32, #tpu.memory_space<vmem>>, %arg8: memref<8192xi32, #tpu.memory_space<vmem>>, %arg9: memref<!tpu.dma_semaphore, #tpu.memory_space<semaphore_mem>>, %arg10: memref<!tpu.dma_semaphore, #tpu.memory_space<semaphore_mem>>, %arg11: memref<!tpu.dma_semaphore, #tpu.memory_space<semaphore_mem>>, %arg12: memref<!tpu.dma_semaphore, #tpu.memory_space<semaphore_mem>>, %arg13: memref<!tpu.dma_semaphore, #tpu.memory_space<semaphore_mem>>, %arg14: memref<!tpu.dma_semaphore, #tpu.memory_space<semaphore_mem>>, %arg15: memref<!tpu.dma_semaphore, #tpu.memory_space<semaphore_mem>>, %arg16: memref<!tpu.dma_semaphore, #tpu.memory_space<semaphore_mem>>) attributes {dimension_semantics = [#tpu.dimension_semantics<core_parallel>, #tpu.dimension_semantics<subcore_parallel>], iteration_bounds = array<i64: 2, 16>, scalar_prefetch = 0 : i64, scratch_operands = 12 : i64, tpu.core_type = #tpu.core_type<sc_vector_subcore>, window_params = [{transform_indices = #map}, {transform_indices = #map}, {transform_indices = #map}]} {
    %mul3A = arith.constant 2 : i32
    %mul3A_0 = arith.muli %arg1, %mul3A : i32
    %add3A = arith.addi %mul3A_0, %arg0 : i32
    %mul3A_1 = arith.constant 8192 : i32
    %mul3A_2 = arith.muli %add3A, %mul3A_1 : i32
    "tpu.region"() ({
      %run_scoped3A = tpu.sem_alloc : memref<!tpu.dma_semaphore, #tpu.memory_space<semaphore_mem>>
      %dma_start3A_111 = tpu.memref_slice %arg2[%mul3A_2] : memref<262144xi32, #tpu.memory_space<hbm>> -> memref<8192xi32, #tpu.memory_space<hbm>>
      %dma_start3A_112 = tpu.memref_slice %arg2[%mul3A_2] : memref<262144xi32, #tpu.memory_space<hbm>> -> memref<8192xi32, #tpu.memory_space<hbm>>
      tpu.enqueue_dma source(%dma_start3A_112 : memref<8192xi32, #tpu.memory_space<hbm>>) target(%arg5 : memref<8192xi32, #tpu.memory_space<vmem>>) target_semaphore(%run_scoped3A : memref<!tpu.dma_semaphore, #tpu.memory_space<semaphore_mem>>)
      %dma_wait3A_113 = tpu.memref_slice %arg2[%mul3A_2] : memref<262144xi32, #tpu.memory_space<hbm>> -> memref<8192xi32, #tpu.memory_space<hbm>>
      %dma_wait3A_114 = tpu.memref_slice %arg2[%mul3A_2] : memref<262144xi32, #tpu.memory_space<hbm>> -> memref<8192xi32, #tpu.memory_space<hbm>>
      tpu.wait_dma2 semaphore(%run_scoped3A : memref<!tpu.dma_semaphore, #tpu.memory_space<semaphore_mem>>) src(%dma_wait3A_114 : memref<8192xi32, #tpu.memory_space<hbm>>) dst(%arg5 : memref<8192xi32, #tpu.memory_space<vmem>>)
      tpu.yield
    }) : () -> ()
    %parallel_loop3A = arith.constant 0 : i32
    %parallel_loop3A_3 = arith.constant 512 : i32
    %parallel_loop3A_4 = arith.constant 1 : i32
    scf.for %parallel_loop3A_111 = %parallel_loop3A to %parallel_loop3A_3 step %parallel_loop3A_4  : i32 {
      %parallel_loop3A_112 = arith.constant 16 : i32
      %parallel_loop3A_113 = arith.muli %parallel_loop3A_111, %parallel_loop3A_112 : i32
      %parallel_loop3A_114 = tpu.assume_multiple %parallel_loop3A_113, 16 : i32
      %parallel_loop3A_115 = arith.constant 16 : i32
      %parallel_loop3A_116 = arith.muli %parallel_loop3A_111, %parallel_loop3A_115 : i32
      %parallel_loop3A_117 = arith.addi %mul3A_2, %parallel_loop3A_116 : i32
      %parallel_loop3A_118 = tpu.iota {dimensions = array<i32: 0>} : vector<16xi32>
      %parallel_loop3A_119 = vector.broadcast %parallel_loop3A_117 : i32 to vector<16xi32>
      %parallel_loop3A_120 = arith.addi %parallel_loop3A_119, %parallel_loop3A_118 : vector<16xi32>
      %parallel_loop3A_121 = arith.index_cast %parallel_loop3A_114 : i32 to index
      %parallel_loop3A_122 = tpu.vector_load %arg7[%parallel_loop3A_121] {strides = array<i32>} : memref<8192xi32, #tpu.memory_space<vmem>>, vector<16xi32>,
      %parallel_loop3A_123 = vector.shape_cast %parallel_loop3A_122 : vector<16xi32> to vector<16xi32>
      %parallel_loop3A_124 = vector.shape_cast %parallel_loop3A_120 : vector<16xi32> to vector<16xi32>
      tpu.vector_store %arg7[%parallel_loop3A_121], %parallel_loop3A_124 {strides = array<i32>} : memref<8192xi32, #tpu.memory_space<vmem>>, vector<16xi32>,
    } {sc.loop_unroll_factor = 8 : i64, sc.parallel_access}
    %dma_start3A = arith.constant 0 : i32
    %dma_start3A_5 = tpu.memref_slice %arg6[%dma_start3A] : memref<8192xi32, #tpu.memory_space<vmem>> -> memref<2048xi32, #tpu.memory_space<vmem>>
    %dma_start3A_6 = arith.constant 0 : i32
    %dma_start3A_7 = tpu.memref_slice %arg5[%dma_start3A_6] : memref<8192xi32, #tpu.memory_space<vmem>> -> memref<2048xi32, #tpu.memory_space<vmem>>
    %dma_start3A_8 = arith.constant 0 : i32
    %dma_start3A_9 = tpu.memref_slice %arg3[%dma_start3A_8] : memref<4456448xi32, #tpu.memory_space<hbm>> -> memref<4456448xi32, #tpu.memory_space<hbm>>
    tpu.enqueue_indirect_dma source(%dma_start3A_9 : memref<4456448xi32, #tpu.memory_space<hbm>>) target(%dma_start3A_5 : memref<2048xi32, #tpu.memory_space<vmem>>) offsets(%dma_start3A_7 : memref<2048xi32, #tpu.memory_space<vmem>>) semaphore(%arg9 : memref<!tpu.dma_semaphore, #tpu.memory_space<semaphore_mem>>)
    %dma_start3A_10 = arith.constant 2048 : i32
    %dma_start3A_11 = tpu.memref_slice %arg6[%dma_start3A_10] : memref<8192xi32, #tpu.memory_space<vmem>> -> memref<2048xi32, #tpu.memory_space<vmem>>
    %dma_start3A_12 = arith.constant 2048 : i32
    %dma_start3A_13 = tpu.memref_slice %arg5[%dma_start3A_12] : memref<8192xi32, #tpu.memory_space<vmem>> -> memref<2048xi32, #tpu.memory_space<vmem>>
    %dma_start3A_14 = arith.constant 0 : i32
    %dma_start3A_15 = tpu.memref_slice %arg3[%dma_start3A_14] : memref<4456448xi32, #tpu.memory_space<hbm>> -> memref<4456448xi32, #tpu.memory_space<hbm>>
    tpu.enqueue_indirect_dma source(%dma_start3A_15 : memref<4456448xi32, #tpu.memory_space<hbm>>) target(%dma_start3A_11 : memref<2048xi32, #tpu.memory_space<vmem>>) offsets(%dma_start3A_13 : memref<2048xi32, #tpu.memory_space<vmem>>) semaphore(%arg10 : memref<!tpu.dma_semaphore, #tpu.memory_space<semaphore_mem>>)
    %dma_start3A_16 = arith.constant 4096 : i32
    %dma_start3A_17 = tpu.memref_slice %arg6[%dma_start3A_16] : memref<8192xi32, #tpu.memory_space<vmem>> -> memref<2048xi32, #tpu.memory_space<vmem>>
    %dma_start3A_18 = arith.constant 4096 : i32
    %dma_start3A_19 = tpu.memref_slice %arg5[%dma_start3A_18] : memref<8192xi32, #tpu.memory_space<vmem>> -> memref<2048xi32, #tpu.memory_space<vmem>>
    %dma_start3A_20 = arith.constant 0 : i32
    %dma_start3A_21 = tpu.memref_slice %arg3[%dma_start3A_20] : memref<4456448xi32, #tpu.memory_space<hbm>> -> memref<4456448xi32, #tpu.memory_space<hbm>>
    tpu.enqueue_indirect_dma source(%dma_start3A_21 : memref<4456448xi32, #tpu.memory_space<hbm>>) target(%dma_start3A_17 : memref<2048xi32, #tpu.memory_space<vmem>>) offsets(%dma_start3A_19 : memref<2048xi32, #tpu.memory_space<vmem>>) semaphore(%arg11 : memref<!tpu.dma_semaphore, #tpu.memory_space<semaphore_mem>>)
    %dma_start3A_22 = arith.constant 6144 : i32
    %dma_start3A_23 = tpu.memref_slice %arg6[%dma_start3A_22] : memref<8192xi32, #tpu.memory_space<vmem>> -> memref<2048xi32, #tpu.memory_space<vmem>>
    %dma_start3A_24 = arith.constant 6144 : i32
    %dma_start3A_25 = tpu.memref_slice %arg5[%dma_start3A_24] : memref<8192xi32, #tpu.memory_space<vmem>> -> memref<2048xi32, #tpu.memory_space<vmem>>
    %dma_start3A_26 = arith.constant 0 : i32
    %dma_start3A_27 = tpu.memref_slice %arg3[%dma_start3A_26] : memref<4456448xi32, #tpu.memory_space<hbm>> -> memref<4456448xi32, #tpu.memory_space<hbm>>
    tpu.enqueue_indirect_dma source(%dma_start3A_27 : memref<4456448xi32, #tpu.memory_space<hbm>>) target(%dma_start3A_23 : memref<2048xi32, #tpu.memory_space<vmem>>) offsets(%dma_start3A_25 : memref<2048xi32, #tpu.memory_space<vmem>>) semaphore(%arg12 : memref<!tpu.dma_semaphore, #tpu.memory_space<semaphore_mem>>)
    %dma_wait3A = arith.constant 0 : i32
    %dma_wait3A_28 = tpu.memref_slice %arg6[%dma_wait3A] : memref<8192xi32, #tpu.memory_space<vmem>> -> memref<2048xi32, #tpu.memory_space<vmem>>
    %dma_wait3A_29 = arith.constant 0 : i32
    %dma_wait3A_30 = tpu.memref_slice %arg5[%dma_wait3A_29] : memref<8192xi32, #tpu.memory_space<vmem>> -> memref<2048xi32, #tpu.memory_space<vmem>>
    %dma_wait3A_31 = arith.constant 0 : i32
    %dma_wait3A_32 = tpu.memref_slice %arg3[%dma_wait3A_31] : memref<4456448xi32, #tpu.memory_space<hbm>> -> memref<4456448xi32, #tpu.memory_space<hbm>>
    tpu.wait_indirect_dma semaphore(%arg9 : memref<!tpu.dma_semaphore, #tpu.memory_space<semaphore_mem>>) src(%dma_wait3A_32 : memref<4456448xi32, #tpu.memory_space<hbm>>) dst(%dma_wait3A_28 : memref<2048xi32, #tpu.memory_space<vmem>>)
    %parallel_loop3A_33 = arith.constant 0 : i32
    %parallel_loop3A_34 = arith.constant 128 : i32
    %parallel_loop3A_35 = arith.constant 1 : i32
    scf.for %parallel_loop3A_111 = %parallel_loop3A_33 to %parallel_loop3A_34 step %parallel_loop3A_35  : i32 {
      %parallel_loop3A_112 = arith.constant 16 : i32
      %parallel_loop3A_113 = arith.muli %parallel_loop3A_111, %parallel_loop3A_112 : i32
      %parallel_loop3A_114 = tpu.assume_multiple %parallel_loop3A_113, 16 : i32
      %parallel_loop3A_115 = arith.index_cast %parallel_loop3A_114 : i32 to index
      %parallel_loop3A_116 = tpu.vector_load %arg6[%parallel_loop3A_115] {strides = array<i32>} : memref<8192xi32, #tpu.memory_space<vmem>>, vector<16xi32>,
      %parallel_loop3A_117 = vector.shape_cast %parallel_loop3A_116 : vector<16xi32> to vector<16xi32>
      %parallel_loop3A_118 = arith.index_cast %parallel_loop3A_114 : i32 to index
      %parallel_loop3A_119 = tpu.vector_load %arg7[%parallel_loop3A_118] {strides = array<i32>} : memref<8192xi32, #tpu.memory_space<vmem>>, vector<16xi32>,
      %parallel_loop3A_120 = vector.shape_cast %parallel_loop3A_119 : vector<16xi32> to vector<16xi32>
      %parallel_loop3A_121 = arith.index_cast %parallel_loop3A_114 : i32 to index
      %parallel_loop3A_122 = tpu.vector_load %arg5[%parallel_loop3A_121] {strides = array<i32>} : memref<8192xi32, #tpu.memory_space<vmem>>, vector<16xi32>,
      %parallel_loop3A_123 = vector.shape_cast %parallel_loop3A_122 : vector<16xi32> to vector<16xi32>
      %parallel_loop3A_124 = arith.cmpi slt, %parallel_loop3A_117, %parallel_loop3A_120 : vector<16xi32>
      %parallel_loop3A_125 = arith.constant 4194304 : i32
      %parallel_loop3A_126 = vector.broadcast %parallel_loop3A_125 : i32 to vector<16xi32>
      %parallel_loop3A_127 = arith.addi %parallel_loop3A_126, %parallel_loop3A_120 : vector<16xi32>
      %parallel_loop3A_128 = arith.select %parallel_loop3A_124, %parallel_loop3A_123, %parallel_loop3A_127 : vector<16xi1>, vector<16xi32>
      %parallel_loop3A_129 = arith.index_cast %parallel_loop3A_114 : i32 to index
      %parallel_loop3A_130 = tpu.vector_load %arg8[%parallel_loop3A_129] {strides = array<i32>} : memref<8192xi32, #tpu.memory_space<vmem>>, vector<16xi32>,
      %parallel_loop3A_131 = vector.shape_cast %parallel_loop3A_130 : vector<16xi32> to vector<16xi32>
      %parallel_loop3A_132 = vector.shape_cast %parallel_loop3A_128 : vector<16xi32> to vector<16xi32>
      tpu.vector_store %arg8[%parallel_loop3A_129], %parallel_loop3A_132 {strides = array<i32>} : memref<8192xi32, #tpu.memory_space<vmem>>, vector<16xi32>,
    } {sc.loop_unroll_factor = 8 : i64, sc.parallel_access}
    %dma_start3A_36 = arith.constant 0 : i32
    %dma_start3A_37 = tpu.memref_slice %arg7[%dma_start3A_36] : memref<8192xi32, #tpu.memory_space<vmem>> -> memref<2048xi32, #tpu.memory_space<vmem>>
    %dma_start3A_38 = arith.constant 0 : i32
    %dma_start3A_39 = tpu.memref_slice %arg8[%dma_start3A_38] : memref<8192xi32, #tpu.memory_space<vmem>> -> memref<2048xi32, #tpu.memory_space<vmem>>
    %dma_start3A_40 = arith.constant 0 : i32
    %dma_start3A_41 = tpu.memref_slice %arg3[%dma_start3A_40] : memref<4456448xi32, #tpu.memory_space<hbm>> -> memref<4456448xi32, #tpu.memory_space<hbm>>
    tpu.enqueue_indirect_dma source(%dma_start3A_37 : memref<2048xi32, #tpu.memory_space<vmem>>) target(%dma_start3A_41 : memref<4456448xi32, #tpu.memory_space<hbm>>) offsets(%dma_start3A_39 : memref<2048xi32, #tpu.memory_space<vmem>>) semaphore(%arg13 : memref<!tpu.dma_semaphore, #tpu.memory_space<semaphore_mem>>)
    %dma_wait3A_42 = arith.constant 2048 : i32
    %dma_wait3A_43 = tpu.memref_slice %arg6[%dma_wait3A_42] : memref<8192xi32, #tpu.memory_space<vmem>> -> memref<2048xi32, #tpu.memory_space<vmem>>
    %dma_wait3A_44 = arith.constant 2048 : i32
    %dma_wait3A_45 = tpu.memref_slice %arg5[%dma_wait3A_44] : memref<8192xi32, #tpu.memory_space<vmem>> -> memref<2048xi32, #tpu.memory_space<vmem>>
    %dma_wait3A_46 = arith.constant 0 : i32
    %dma_wait3A_47 = tpu.memref_slice %arg3[%dma_wait3A_46] : memref<4456448xi32, #tpu.memory_space<hbm>> -> memref<4456448xi32, #tpu.memory_space<hbm>>
    tpu.wait_indirect_dma semaphore(%arg10 : memref<!tpu.dma_semaphore, #tpu.memory_space<semaphore_mem>>) src(%dma_wait3A_47 : memref<4456448xi32, #tpu.memory_space<hbm>>) dst(%dma_wait3A_43 : memref<2048xi32, #tpu.memory_space<vmem>>)
    %parallel_loop3A_48 = arith.constant 128 : i32
    %parallel_loop3A_49 = arith.constant 256 : i32
    %parallel_loop3A_50 = arith.constant 1 : i32
    scf.for %parallel_loop3A_111 = %parallel_loop3A_48 to %parallel_loop3A_49 step %parallel_loop3A_50  : i32 {
      %parallel_loop3A_112 = arith.constant 16 : i32
      %parallel_loop3A_113 = arith.muli %parallel_loop3A_111, %parallel_loop3A_112 : i32
      %parallel_loop3A_114 = tpu.assume_multiple %parallel_loop3A_113, 16 : i32
      %parallel_loop3A_115 = arith.index_cast %parallel_loop3A_114 : i32 to index
      %parallel_loop3A_116 = tpu.vector_load %arg6[%parallel_loop3A_115] {strides = array<i32>} : memref<8192xi32, #tpu.memory_space<vmem>>, vector<16xi32>,
      %parallel_loop3A_117 = vector.shape_cast %parallel_loop3A_116 : vector<16xi32> to vector<16xi32>
      %parallel_loop3A_118 = arith.index_cast %parallel_loop3A_114 : i32 to index
      %parallel_loop3A_119 = tpu.vector_load %arg7[%parallel_loop3A_118] {strides = array<i32>} : memref<8192xi32, #tpu.memory_space<vmem>>, vector<16xi32>,
      %parallel_loop3A_120 = vector.shape_cast %parallel_loop3A_119 : vector<16xi32> to vector<16xi32>
      %parallel_loop3A_121 = arith.index_cast %parallel_loop3A_114 : i32 to index
      %parallel_loop3A_122 = tpu.vector_load %arg5[%parallel_loop3A_121] {strides = array<i32>} : memref<8192xi32, #tpu.memory_space<vmem>>, vector<16xi32>,
      %parallel_loop3A_123 = vector.shape_cast %parallel_loop3A_122 : vector<16xi32> to vector<16xi32>
      %parallel_loop3A_124 = arith.cmpi slt, %parallel_loop3A_117, %parallel_loop3A_120 : vector<16xi32>
      %parallel_loop3A_125 = arith.constant 4194304 : i32
      %parallel_loop3A_126 = vector.broadcast %parallel_loop3A_125 : i32 to vector<16xi32>
      %parallel_loop3A_127 = arith.addi %parallel_loop3A_126, %parallel_loop3A_120 : vector<16xi32>
      %parallel_loop3A_128 = arith.select %parallel_loop3A_124, %parallel_loop3A_123, %parallel_loop3A_127 : vector<16xi1>, vector<16xi32>
      %parallel_loop3A_129 = arith.index_cast %parallel_loop3A_114 : i32 to index
      %parallel_loop3A_130 = tpu.vector_load %arg8[%parallel_loop3A_129] {strides = array<i32>} : memref<8192xi32, #tpu.memory_space<vmem>>, vector<16xi32>,
      %parallel_loop3A_131 = vector.shape_cast %parallel_loop3A_130 : vector<16xi32> to vector<16xi32>
      %parallel_loop3A_132 = vector.shape_cast %parallel_loop3A_128 : vector<16xi32> to vector<16xi32>
      tpu.vector_store %arg8[%parallel_loop3A_129], %parallel_loop3A_132 {strides = array<i32>} : memref<8192xi32, #tpu.memory_space<vmem>>, vector<16xi32>,
    } {sc.loop_unroll_factor = 8 : i64, sc.parallel_access}
    %dma_start3A_51 = arith.constant 2048 : i32
    %dma_start3A_52 = tpu.memref_slice %arg7[%dma_start3A_51] : memref<8192xi32, #tpu.memory_space<vmem>> -> memref<2048xi32, #tpu.memory_space<vmem>>
    %dma_start3A_53 = arith.constant 2048 : i32
    %dma_start3A_54 = tpu.memref_slice %arg8[%dma_start3A_53] : memref<8192xi32, #tpu.memory_space<vmem>> -> memref<2048xi32, #tpu.memory_space<vmem>>
    %dma_start3A_55 = arith.constant 0 : i32
    %dma_start3A_56 = tpu.memref_slice %arg3[%dma_start3A_55] : memref<4456448xi32, #tpu.memory_space<hbm>> -> memref<4456448xi32, #tpu.memory_space<hbm>>
    tpu.enqueue_indirect_dma source(%dma_start3A_52 : memref<2048xi32, #tpu.memory_space<vmem>>) target(%dma_start3A_56 : memref<4456448xi32, #tpu.memory_space<hbm>>) offsets(%dma_start3A_54 : memref<2048xi32, #tpu.memory_space<vmem>>) semaphore(%arg14 : memref<!tpu.dma_semaphore, #tpu.memory_space<semaphore_mem>>)
    %dma_wait3A_57 = arith.constant 4096 : i32
    %dma_wait3A_58 = tpu.memref_slice %arg6[%dma_wait3A_57] : memref<8192xi32, #tpu.memory_space<vmem>> -> memref<2048xi32, #tpu.memory_space<vmem>>
    %dma_wait3A_59 = arith.constant 4096 : i32
    %dma_wait3A_60 = tpu.memref_slice %arg5[%dma_wait3A_59] : memref<8192xi32, #tpu.memory_space<vmem>> -> memref<2048xi32, #tpu.memory_space<vmem>>
    %dma_wait3A_61 = arith.constant 0 : i32
    %dma_wait3A_62 = tpu.memref_slice %arg3[%dma_wait3A_61] : memref<4456448xi32, #tpu.memory_space<hbm>> -> memref<4456448xi32, #tpu.memory_space<hbm>>
    tpu.wait_indirect_dma semaphore(%arg11 : memref<!tpu.dma_semaphore, #tpu.memory_space<semaphore_mem>>) src(%dma_wait3A_62 : memref<4456448xi32, #tpu.memory_space<hbm>>) dst(%dma_wait3A_58 : memref<2048xi32, #tpu.memory_space<vmem>>)
    %parallel_loop3A_63 = arith.constant 256 : i32
    %parallel_loop3A_64 = arith.constant 384 : i32
    %parallel_loop3A_65 = arith.constant 1 : i32
    scf.for %parallel_loop3A_111 = %parallel_loop3A_63 to %parallel_loop3A_64 step %parallel_loop3A_65  : i32 {
      %parallel_loop3A_112 = arith.constant 16 : i32
      %parallel_loop3A_113 = arith.muli %parallel_loop3A_111, %parallel_loop3A_112 : i32
      %parallel_loop3A_114 = tpu.assume_multiple %parallel_loop3A_113, 16 : i32
      %parallel_loop3A_115 = arith.index_cast %parallel_loop3A_114 : i32 to index
      %parallel_loop3A_116 = tpu.vector_load %arg6[%parallel_loop3A_115] {strides = array<i32>} : memref<8192xi32, #tpu.memory_space<vmem>>, vector<16xi32>,
      %parallel_loop3A_117 = vector.shape_cast %parallel_loop3A_116 : vector<16xi32> to vector<16xi32>
      %parallel_loop3A_118 = arith.index_cast %parallel_loop3A_114 : i32 to index
      %parallel_loop3A_119 = tpu.vector_load %arg7[%parallel_loop3A_118] {strides = array<i32>} : memref<8192xi32, #tpu.memory_space<vmem>>, vector<16xi32>,
      %parallel_loop3A_120 = vector.shape_cast %parallel_loop3A_119 : vector<16xi32> to vector<16xi32>
      %parallel_loop3A_121 = arith.index_cast %parallel_loop3A_114 : i32 to index
      %parallel_loop3A_122 = tpu.vector_load %arg5[%parallel_loop3A_121] {strides = array<i32>} : memref<8192xi32, #tpu.memory_space<vmem>>, vector<16xi32>,
      %parallel_loop3A_123 = vector.shape_cast %parallel_loop3A_122 : vector<16xi32> to vector<16xi32>
      %parallel_loop3A_124 = arith.cmpi slt, %parallel_loop3A_117, %parallel_loop3A_120 : vector<16xi32>
      %parallel_loop3A_125 = arith.constant 4194304 : i32
      %parallel_loop3A_126 = vector.broadcast %parallel_loop3A_125 : i32 to vector<16xi32>
      %parallel_loop3A_127 = arith.addi %parallel_loop3A_126, %parallel_loop3A_120 : vector<16xi32>
      %parallel_loop3A_128 = arith.select %parallel_loop3A_124, %parallel_loop3A_123, %parallel_loop3A_127 : vector<16xi1>, vector<16xi32>
      %parallel_loop3A_129 = arith.index_cast %parallel_loop3A_114 : i32 to index
      %parallel_loop3A_130 = tpu.vector_load %arg8[%parallel_loop3A_129] {strides = array<i32>} : memref<8192xi32, #tpu.memory_space<vmem>>, vector<16xi32>,
      %parallel_loop3A_131 = vector.shape_cast %parallel_loop3A_130 : vector<16xi32> to vector<16xi32>
      %parallel_loop3A_132 = vector.shape_cast %parallel_loop3A_128 : vector<16xi32> to vector<16xi32>
      tpu.vector_store %arg8[%parallel_loop3A_129], %parallel_loop3A_132 {strides = array<i32>} : memref<8192xi32, #tpu.memory_space<vmem>>, vector<16xi32>,
    } {sc.loop_unroll_factor = 8 : i64, sc.parallel_access}
    %dma_start3A_66 = arith.constant 4096 : i32
    %dma_start3A_67 = tpu.memref_slice %arg7[%dma_start3A_66] : memref<8192xi32, #tpu.memory_space<vmem>> -> memref<2048xi32, #tpu.memory_space<vmem>>
    %dma_start3A_68 = arith.constant 4096 : i32
    %dma_start3A_69 = tpu.memref_slice %arg8[%dma_start3A_68] : memref<8192xi32, #tpu.memory_space<vmem>> -> memref<2048xi32, #tpu.memory_space<vmem>>
    %dma_start3A_70 = arith.constant 0 : i32
    %dma_start3A_71 = tpu.memref_slice %arg3[%dma_start3A_70] : memref<4456448xi32, #tpu.memory_space<hbm>> -> memref<4456448xi32, #tpu.memory_space<hbm>>
    tpu.enqueue_indirect_dma source(%dma_start3A_67 : memref<2048xi32, #tpu.memory_space<vmem>>) target(%dma_start3A_71 : memref<4456448xi32, #tpu.memory_space<hbm>>) offsets(%dma_start3A_69 : memref<2048xi32, #tpu.memory_space<vmem>>) semaphore(%arg15 : memref<!tpu.dma_semaphore, #tpu.memory_space<semaphore_mem>>)
    %dma_wait3A_72 = arith.constant 6144 : i32
    %dma_wait3A_73 = tpu.memref_slice %arg6[%dma_wait3A_72] : memref<8192xi32, #tpu.memory_space<vmem>> -> memref<2048xi32, #tpu.memory_space<vmem>>
    %dma_wait3A_74 = arith.constant 6144 : i32
    %dma_wait3A_75 = tpu.memref_slice %arg5[%dma_wait3A_74] : memref<8192xi32, #tpu.memory_space<vmem>> -> memref<2048xi32, #tpu.memory_space<vmem>>
    %dma_wait3A_76 = arith.constant 0 : i32
    %dma_wait3A_77 = tpu.memref_slice %arg3[%dma_wait3A_76] : memref<4456448xi32, #tpu.memory_space<hbm>> -> memref<4456448xi32, #tpu.memory_space<hbm>>
    tpu.wait_indirect_dma semaphore(%arg12 : memref<!tpu.dma_semaphore, #tpu.memory_space<semaphore_mem>>) src(%dma_wait3A_77 : memref<4456448xi32, #tpu.memory_space<hbm>>) dst(%dma_wait3A_73 : memref<2048xi32, #tpu.memory_space<vmem>>)
    %parallel_loop3A_78 = arith.constant 384 : i32
    %parallel_loop3A_79 = arith.constant 512 : i32
    %parallel_loop3A_80 = arith.constant 1 : i32
    scf.for %parallel_loop3A_111 = %parallel_loop3A_78 to %parallel_loop3A_79 step %parallel_loop3A_80  : i32 {
      %parallel_loop3A_112 = arith.constant 16 : i32
      %parallel_loop3A_113 = arith.muli %parallel_loop3A_111, %parallel_loop3A_112 : i32
      %parallel_loop3A_114 = tpu.assume_multiple %parallel_loop3A_113, 16 : i32
      %parallel_loop3A_115 = arith.index_cast %parallel_loop3A_114 : i32 to index
      %parallel_loop3A_116 = tpu.vector_load %arg6[%parallel_loop3A_115] {strides = array<i32>} : memref<8192xi32, #tpu.memory_space<vmem>>, vector<16xi32>,
      %parallel_loop3A_117 = vector.shape_cast %parallel_loop3A_116 : vector<16xi32> to vector<16xi32>
      %parallel_loop3A_118 = arith.index_cast %parallel_loop3A_114 : i32 to index
      %parallel_loop3A_119 = tpu.vector_load %arg7[%parallel_loop3A_118] {strides = array<i32>} : memref<8192xi32, #tpu.memory_space<vmem>>, vector<16xi32>,
      %parallel_loop3A_120 = vector.shape_cast %parallel_loop3A_119 : vector<16xi32> to vector<16xi32>
      %parallel_loop3A_121 = arith.index_cast %parallel_loop3A_114 : i32 to index
      %parallel_loop3A_122 = tpu.vector_load %arg5[%parallel_loop3A_121] {strides = array<i32>} : memref<8192xi32, #tpu.memory_space<vmem>>, vector<16xi32>,
      %parallel_loop3A_123 = vector.shape_cast %parallel_loop3A_122 : vector<16xi32> to vector<16xi32>
      %parallel_loop3A_124 = arith.cmpi slt, %parallel_loop3A_117, %parallel_loop3A_120 : vector<16xi32>
      %parallel_loop3A_125 = arith.constant 4194304 : i32
      %parallel_loop3A_126 = vector.broadcast %parallel_loop3A_125 : i32 to vector<16xi32>
      %parallel_loop3A_127 = arith.addi %parallel_loop3A_126, %parallel_loop3A_120 : vector<16xi32>
      %parallel_loop3A_128 = arith.select %parallel_loop3A_124, %parallel_loop3A_123, %parallel_loop3A_127 : vector<16xi1>, vector<16xi32>
      %parallel_loop3A_129 = arith.index_cast %parallel_loop3A_114 : i32 to index
      %parallel_loop3A_130 = tpu.vector_load %arg8[%parallel_loop3A_129] {strides = array<i32>} : memref<8192xi32, #tpu.memory_space<vmem>>, vector<16xi32>,
      %parallel_loop3A_131 = vector.shape_cast %parallel_loop3A_130 : vector<16xi32> to vector<16xi32>
      %parallel_loop3A_132 = vector.shape_cast %parallel_loop3A_128 : vector<16xi32> to vector<16xi32>
      tpu.vector_store %arg8[%parallel_loop3A_129], %parallel_loop3A_132 {strides = array<i32>} : memref<8192xi32, #tpu.memory_space<vmem>>, vector<16xi32>,
    } {sc.loop_unroll_factor = 8 : i64, sc.parallel_access}
    %dma_start3A_81 = arith.constant 6144 : i32
    %dma_start3A_82 = tpu.memref_slice %arg7[%dma_start3A_81] : memref<8192xi32, #tpu.memory_space<vmem>> -> memref<2048xi32, #tpu.memory_space<vmem>>
    %dma_start3A_83 = arith.constant 6144 : i32
    %dma_start3A_84 = tpu.memref_slice %arg8[%dma_start3A_83] : memref<8192xi32, #tpu.memory_space<vmem>> -> memref<2048xi32, #tpu.memory_space<vmem>>
    %dma_start3A_85 = arith.constant 0 : i32
    %dma_start3A_86 = tpu.memref_slice %arg3[%dma_start3A_85] : memref<4456448xi32, #tpu.memory_space<hbm>> -> memref<4456448xi32, #tpu.memory_space<hbm>>
    tpu.enqueue_indirect_dma source(%dma_start3A_82 : memref<2048xi32, #tpu.memory_space<vmem>>) target(%dma_start3A_86 : memref<4456448xi32, #tpu.memory_space<hbm>>) offsets(%dma_start3A_84 : memref<2048xi32, #tpu.memory_space<vmem>>) semaphore(%arg16 : memref<!tpu.dma_semaphore, #tpu.memory_space<semaphore_mem>>)
    %dma_wait3A_87 = arith.constant 0 : i32
    %dma_wait3A_88 = tpu.memref_slice %arg7[%dma_wait3A_87] : memref<8192xi32, #tpu.memory_space<vmem>> -> memref<2048xi32, #tpu.memory_space<vmem>>
    %dma_wait3A_89 = arith.constant 0 : i32
    %dma_wait3A_90 = tpu.memref_slice %arg8[%dma_wait3A_89] : memref<8192xi32, #tpu.memory_space<vmem>> -> memref<2048xi32, #tpu.memory_space<vmem>>
    %dma_wait3A_91 = arith.constant 0 : i32
    %dma_wait3A_92 = tpu.memref_slice %arg3[%dma_wait3A_91] : memref<4456448xi32, #tpu.memory_space<hbm>> -> memref<4456448xi32, #tpu.memory_space<hbm>>
    tpu.wait_indirect_dma semaphore(%arg13 : memref<!tpu.dma_semaphore, #tpu.memory_space<semaphore_mem>>) src(%dma_wait3A_88 : memref<2048xi32, #tpu.memory_space<vmem>>) dst(%dma_wait3A_92 : memref<4456448xi32, #tpu.memory_space<hbm>>)
    %dma_wait3A_93 = arith.constant 2048 : i32
    %dma_wait3A_94 = tpu.memref_slice %arg7[%dma_wait3A_93] : memref<8192xi32, #tpu.memory_space<vmem>> -> memref<2048xi32, #tpu.memory_space<vmem>>
    %dma_wait3A_95 = arith.constant 2048 : i32
    %dma_wait3A_96 = tpu.memref_slice %arg8[%dma_wait3A_95] : memref<8192xi32, #tpu.memory_space<vmem>> -> memref<2048xi32, #tpu.memory_space<vmem>>
    %dma_wait3A_97 = arith.constant 0 : i32
    %dma_wait3A_98 = tpu.memref_slice %arg3[%dma_wait3A_97] : memref<4456448xi32, #tpu.memory_space<hbm>> -> memref<4456448xi32, #tpu.memory_space<hbm>>
    tpu.wait_indirect_dma semaphore(%arg14 : memref<!tpu.dma_semaphore, #tpu.memory_space<semaphore_mem>>) src(%dma_wait3A_94 : memref<2048xi32, #tpu.memory_space<vmem>>) dst(%dma_wait3A_98 : memref<4456448xi32, #tpu.memory_space<hbm>>)
    %dma_wait3A_99 = arith.constant 4096 : i32
    %dma_wait3A_100 = tpu.memref_slice %arg7[%dma_wait3A_99] : memref<8192xi32, #tpu.memory_space<vmem>> -> memref<2048xi32, #tpu.memory_space<vmem>>
    %dma_wait3A_101 = arith.constant 4096 : i32
    %dma_wait3A_102 = tpu.memref_slice %arg8[%dma_wait3A_101] : memref<8192xi32, #tpu.memory_space<vmem>> -> memref<2048xi32, #tpu.memory_space<vmem>>
    %dma_wait3A_103 = arith.constant 0 : i32
    %dma_wait3A_104 = tpu.memref_slice %arg3[%dma_wait3A_103] : memref<4456448xi32, #tpu.memory_space<hbm>> -> memref<4456448xi32, #tpu.memory_space<hbm>>
    tpu.wait_indirect_dma semaphore(%arg15 : memref<!tpu.dma_semaphore, #tpu.memory_space<semaphore_mem>>) src(%dma_wait3A_100 : memref<2048xi32, #tpu.memory_space<vmem>>) dst(%dma_wait3A_104 : memref<4456448xi32, #tpu.memory_space<hbm>>)
    %dma_wait3A_105 = arith.constant 6144 : i32
    %dma_wait3A_106 = tpu.memref_slice %arg7[%dma_wait3A_105] : memref<8192xi32, #tpu.memory_space<vmem>> -> memref<2048xi32, #tpu.memory_space<vmem>>
    %dma_wait3A_107 = arith.constant 6144 : i32
    %dma_wait3A_108 = tpu.memref_slice %arg8[%dma_wait3A_107] : memref<8192xi32, #tpu.memory_space<vmem>> -> memref<2048xi32, #tpu.memory_space<vmem>>
    %dma_wait3A_109 = arith.constant 0 : i32
    %dma_wait3A_110 = tpu.memref_slice %arg3[%dma_wait3A_109] : memref<4456448xi32, #tpu.memory_space<hbm>> -> memref<4456448xi32, #tpu.memory_space<hbm>>
    tpu.wait_indirect_dma semaphore(%arg16 : memref<!tpu.dma_semaphore, #tpu.memory_space<semaphore_mem>>) src(%dma_wait3A_106 : memref<2048xi32, #tpu.memory_space<vmem>>) dst(%dma_wait3A_110 : memref<4456448xi32, #tpu.memory_space<hbm>>)
    return
  }
}

#map = affine_map<(d0, d1) -> (0)>
module attributes {stable_mosaic.version = 14 : i64} {
  func.func @new_body(%arg0: i32, %arg1: i32, %arg2: memref<262144xi32, #tpu.memory_space<hbm>>, %arg3: memref<4456448xi32, #tpu.memory_space<hbm>>, %arg4: memref<4456448xi32, #tpu.memory_space<hbm>>, %arg5: memref<8192xi32, #tpu.memory_space<vmem>>, %arg6: memref<8192xi32, #tpu.memory_space<vmem>>, %arg7: memref<8192xi32, #tpu.memory_space<vmem>>, %arg8: memref<8192xi32, #tpu.memory_space<vmem>>, %arg9: memref<!tpu.dma_semaphore, #tpu.memory_space<semaphore_mem>>, %arg10: memref<!tpu.dma_semaphore, #tpu.memory_space<semaphore_mem>>, %arg11: memref<!tpu.dma_semaphore, #tpu.memory_space<semaphore_mem>>, %arg12: memref<!tpu.dma_semaphore, #tpu.memory_space<semaphore_mem>>, %arg13: memref<!tpu.dma_semaphore, #tpu.memory_space<semaphore_mem>>, %arg14: memref<!tpu.dma_semaphore, #tpu.memory_space<semaphore_mem>>, %arg15: memref<!tpu.dma_semaphore, #tpu.memory_space<semaphore_mem>>, %arg16: memref<!tpu.dma_semaphore, #tpu.memory_space<semaphore_mem>>) attributes {dimension_semantics = [#tpu.dimension_semantics<core_parallel>, #tpu.dimension_semantics<subcore_parallel>], iteration_bounds = array<i64: 2, 16>, scalar_prefetch = 0 : i64, scratch_operands = 12 : i64, tpu.core_type = #tpu.core_type<sc_vector_subcore>, window_params = [{transform_indices = #map}, {transform_indices = #map}, {transform_indices = #map}]} {
    %mul3A = arith.constant 2 : i32
    %mul3A_0 = arith.muli %arg1, %mul3A : i32
    %add3A = arith.addi %mul3A_0, %arg0 : i32
    %mul3A_1 = arith.constant 8192 : i32
    %mul3A_2 = arith.muli %add3A, %mul3A_1 : i32
    "tpu.region"() ({
      %run_scoped3A = tpu.sem_alloc : memref<!tpu.dma_semaphore, #tpu.memory_space<semaphore_mem>>
      %dma_start3A_111 = tpu.memref_slice %arg2[%mul3A_2] : memref<262144xi32, #tpu.memory_space<hbm>> -> memref<8192xi32, #tpu.memory_space<hbm>>
      %dma_start3A_112 = tpu.memref_slice %arg2[%mul3A_2] : memref<262144xi32, #tpu.memory_space<hbm>> -> memref<8192xi32, #tpu.memory_space<hbm>>
      tpu.enqueue_dma source(%dma_start3A_112 : memref<8192xi32, #tpu.memory_space<hbm>>) target(%arg5 : memref<8192xi32, #tpu.memory_space<vmem>>) target_semaphore(%run_scoped3A : memref<!tpu.dma_semaphore, #tpu.memory_space<semaphore_mem>>)
      %dma_wait3A_113 = tpu.memref_slice %arg2[%mul3A_2] : memref<262144xi32, #tpu.memory_space<hbm>> -> memref<8192xi32, #tpu.memory_space<hbm>>
      %dma_wait3A_114 = tpu.memref_slice %arg2[%mul3A_2] : memref<262144xi32, #tpu.memory_space<hbm>> -> memref<8192xi32, #tpu.memory_space<hbm>>
      tpu.wait_dma2 semaphore(%run_scoped3A : memref<!tpu.dma_semaphore, #tpu.memory_space<semaphore_mem>>) src(%dma_wait3A_114 : memref<8192xi32, #tpu.memory_space<hbm>>) dst(%arg5 : memref<8192xi32, #tpu.memory_space<vmem>>)
      tpu.yield
    }) : () -> ()
    %parallel_loop3A = arith.constant 0 : i32
    %parallel_loop3A_3 = arith.constant 512 : i32
    %parallel_loop3A_4 = arith.constant 1 : i32
    scf.for %parallel_loop3A_111 = %parallel_loop3A to %parallel_loop3A_3 step %parallel_loop3A_4  : i32 {
      %parallel_loop3A_112 = arith.constant 16 : i32
      %parallel_loop3A_113 = arith.muli %parallel_loop3A_111, %parallel_loop3A_112 : i32
      %parallel_loop3A_114 = tpu.assume_multiple %parallel_loop3A_113, 16 : i32
      %parallel_loop3A_115 = arith.constant 16 : i32
      %parallel_loop3A_116 = arith.muli %parallel_loop3A_111, %parallel_loop3A_115 : i32
      %parallel_loop3A_117 = arith.addi %mul3A_2, %parallel_loop3A_116 : i32
      %parallel_loop3A_118 = tpu.iota {dimensions = array<i32: 0>} : vector<16xi32>
      %parallel_loop3A_119 = vector.broadcast %parallel_loop3A_117 : i32 to vector<16xi32>
      %parallel_loop3A_120 = arith.addi %parallel_loop3A_119, %parallel_loop3A_118 : vector<16xi32>
      %parallel_loop3A_121 = arith.index_cast %parallel_loop3A_114 : i32 to index
      %parallel_loop3A_122 = tpu.vector_load %arg7[%parallel_loop3A_121] {strides = array<i32>} : memref<8192xi32, #tpu.memory_space<vmem>>, vector<16xi32>,
      %parallel_loop3A_123 = vector.shape_cast %parallel_loop3A_122 : vector<16xi32> to vector<16xi32>
      %parallel_loop3A_124 = vector.shape_cast %parallel_loop3A_120 : vector<16xi32> to vector<16xi32>
      tpu.vector_store %arg7[%parallel_loop3A_121], %parallel_loop3A_124 {strides = array<i32>} : memref<8192xi32, #tpu.memory_space<vmem>>, vector<16xi32>,
    } {sc.loop_unroll_factor = 8 : i64, sc.parallel_access}
    %dma_start3A = arith.constant 0 : i32
    %dma_start3A_5 = tpu.memref_slice %arg6[%dma_start3A] : memref<8192xi32, #tpu.memory_space<vmem>> -> memref<2048xi32, #tpu.memory_space<vmem>>
    %dma_start3A_6 = arith.constant 0 : i32
    %dma_start3A_7 = tpu.memref_slice %arg5[%dma_start3A_6] : memref<8192xi32, #tpu.memory_space<vmem>> -> memref<2048xi32, #tpu.memory_space<vmem>>
    %dma_start3A_8 = arith.constant 0 : i32
    %dma_start3A_9 = tpu.memref_slice %arg3[%dma_start3A_8] : memref<4456448xi32, #tpu.memory_space<hbm>> -> memref<4456448xi32, #tpu.memory_space<hbm>>
    tpu.enqueue_indirect_dma source(%dma_start3A_9 : memref<4456448xi32, #tpu.memory_space<hbm>>) target(%dma_start3A_5 : memref<2048xi32, #tpu.memory_space<vmem>>) offsets(%dma_start3A_7 : memref<2048xi32, #tpu.memory_space<vmem>>) semaphore(%arg9 : memref<!tpu.dma_semaphore, #tpu.memory_space<semaphore_mem>>)
    %dma_start3A_10 = arith.constant 2048 : i32
    %dma_start3A_11 = tpu.memref_slice %arg6[%dma_start3A_10] : memref<8192xi32, #tpu.memory_space<vmem>> -> memref<2048xi32, #tpu.memory_space<vmem>>
    %dma_start3A_12 = arith.constant 2048 : i32
    %dma_start3A_13 = tpu.memref_slice %arg5[%dma_start3A_12] : memref<8192xi32, #tpu.memory_space<vmem>> -> memref<2048xi32, #tpu.memory_space<vmem>>
    %dma_start3A_14 = arith.constant 0 : i32
    %dma_start3A_15 = tpu.memref_slice %arg3[%dma_start3A_14] : memref<4456448xi32, #tpu.memory_space<hbm>> -> memref<4456448xi32, #tpu.memory_space<hbm>>
    tpu.enqueue_indirect_dma source(%dma_start3A_15 : memref<4456448xi32, #tpu.memory_space<hbm>>) target(%dma_start3A_11 : memref<2048xi32, #tpu.memory_space<vmem>>) offsets(%dma_start3A_13 : memref<2048xi32, #tpu.memory_space<vmem>>) semaphore(%arg10 : memref<!tpu.dma_semaphore, #tpu.memory_space<semaphore_mem>>)
    %dma_start3A_16 = arith.constant 4096 : i32
    %dma_start3A_17 = tpu.memref_slice %arg6[%dma_start3A_16] : memref<8192xi32, #tpu.memory_space<vmem>> -> memref<2048xi32, #tpu.memory_space<vmem>>
    %dma_start3A_18 = arith.constant 4096 : i32
    %dma_start3A_19 = tpu.memref_slice %arg5[%dma_start3A_18] : memref<8192xi32, #tpu.memory_space<vmem>> -> memref<2048xi32, #tpu.memory_space<vmem>>
    %dma_start3A_20 = arith.constant 0 : i32
    %dma_start3A_21 = tpu.memref_slice %arg3[%dma_start3A_20] : memref<4456448xi32, #tpu.memory_space<hbm>> -> memref<4456448xi32, #tpu.memory_space<hbm>>
    tpu.enqueue_indirect_dma source(%dma_start3A_21 : memref<4456448xi32, #tpu.memory_space<hbm>>) target(%dma_start3A_17 : memref<2048xi32, #tpu.memory_space<vmem>>) offsets(%dma_start3A_19 : memref<2048xi32, #tpu.memory_space<vmem>>) semaphore(%arg11 : memref<!tpu.dma_semaphore, #tpu.memory_space<semaphore_mem>>)
    %dma_start3A_22 = arith.constant 6144 : i32
    %dma_start3A_23 = tpu.memref_slice %arg6[%dma_start3A_22] : memref<8192xi32, #tpu.memory_space<vmem>> -> memref<2048xi32, #tpu.memory_space<vmem>>
    %dma_start3A_24 = arith.constant 6144 : i32
    %dma_start3A_25 = tpu.memref_slice %arg5[%dma_start3A_24] : memref<8192xi32, #tpu.memory_space<vmem>> -> memref<2048xi32, #tpu.memory_space<vmem>>
    %dma_start3A_26 = arith.constant 0 : i32
    %dma_start3A_27 = tpu.memref_slice %arg3[%dma_start3A_26] : memref<4456448xi32, #tpu.memory_space<hbm>> -> memref<4456448xi32, #tpu.memory_space<hbm>>
    tpu.enqueue_indirect_dma source(%dma_start3A_27 : memref<4456448xi32, #tpu.memory_space<hbm>>) target(%dma_start3A_23 : memref<2048xi32, #tpu.memory_space<vmem>>) offsets(%dma_start3A_25 : memref<2048xi32, #tpu.memory_space<vmem>>) semaphore(%arg12 : memref<!tpu.dma_semaphore, #tpu.memory_space<semaphore_mem>>)
    %dma_wait3A = arith.constant 0 : i32
    %dma_wait3A_28 = tpu.memref_slice %arg6[%dma_wait3A] : memref<8192xi32, #tpu.memory_space<vmem>> -> memref<2048xi32, #tpu.memory_space<vmem>>
    %dma_wait3A_29 = arith.constant 0 : i32
    %dma_wait3A_30 = tpu.memref_slice %arg5[%dma_wait3A_29] : memref<8192xi32, #tpu.memory_space<vmem>> -> memref<2048xi32, #tpu.memory_space<vmem>>
    %dma_wait3A_31 = arith.constant 0 : i32
    %dma_wait3A_32 = tpu.memref_slice %arg3[%dma_wait3A_31] : memref<4456448xi32, #tpu.memory_space<hbm>> -> memref<4456448xi32, #tpu.memory_space<hbm>>
    tpu.wait_indirect_dma semaphore(%arg9 : memref<!tpu.dma_semaphore, #tpu.memory_space<semaphore_mem>>) src(%dma_wait3A_32 : memref<4456448xi32, #tpu.memory_space<hbm>>) dst(%dma_wait3A_28 : memref<2048xi32, #tpu.memory_space<vmem>>)
    %parallel_loop3A_33 = arith.constant 0 : i32
    %parallel_loop3A_34 = arith.constant 128 : i32
    %parallel_loop3A_35 = arith.constant 1 : i32
    scf.for %parallel_loop3A_111 = %parallel_loop3A_33 to %parallel_loop3A_34 step %parallel_loop3A_35  : i32 {
      %parallel_loop3A_112 = arith.constant 16 : i32
      %parallel_loop3A_113 = arith.muli %parallel_loop3A_111, %parallel_loop3A_112 : i32
      %parallel_loop3A_114 = tpu.assume_multiple %parallel_loop3A_113, 16 : i32
      %parallel_loop3A_115 = arith.index_cast %parallel_loop3A_114 : i32 to index
      %parallel_loop3A_116 = tpu.vector_load %arg6[%parallel_loop3A_115] {strides = array<i32>} : memref<8192xi32, #tpu.memory_space<vmem>>, vector<16xi32>,
      %parallel_loop3A_117 = vector.shape_cast %parallel_loop3A_116 : vector<16xi32> to vector<16xi32>
      %parallel_loop3A_118 = arith.index_cast %parallel_loop3A_114 : i32 to index
      %parallel_loop3A_119 = tpu.vector_load %arg7[%parallel_loop3A_118] {strides = array<i32>} : memref<8192xi32, #tpu.memory_space<vmem>>, vector<16xi32>,
      %parallel_loop3A_120 = vector.shape_cast %parallel_loop3A_119 : vector<16xi32> to vector<16xi32>
      %parallel_loop3A_121 = arith.index_cast %parallel_loop3A_114 : i32 to index
      %parallel_loop3A_122 = tpu.vector_load %arg5[%parallel_loop3A_121] {strides = array<i32>} : memref<8192xi32, #tpu.memory_space<vmem>>, vector<16xi32>,
      %parallel_loop3A_123 = vector.shape_cast %parallel_loop3A_122 : vector<16xi32> to vector<16xi32>
      %parallel_loop3A_124 = arith.cmpi slt, %parallel_loop3A_117, %parallel_loop3A_120 : vector<16xi32>
      %parallel_loop3A_125 = arith.constant 4194304 : i32
      %parallel_loop3A_126 = vector.broadcast %parallel_loop3A_125 : i32 to vector<16xi32>
      %parallel_loop3A_127 = arith.addi %parallel_loop3A_126, %parallel_loop3A_120 : vector<16xi32>
      %parallel_loop3A_128 = arith.select %parallel_loop3A_124, %parallel_loop3A_123, %parallel_loop3A_127 : vector<16xi1>, vector<16xi32>
      %parallel_loop3A_129 = arith.index_cast %parallel_loop3A_114 : i32 to index
      %parallel_loop3A_130 = tpu.vector_load %arg8[%parallel_loop3A_129] {strides = array<i32>} : memref<8192xi32, #tpu.memory_space<vmem>>, vector<16xi32>,
      %parallel_loop3A_131 = vector.shape_cast %parallel_loop3A_130 : vector<16xi32> to vector<16xi32>
      %parallel_loop3A_132 = vector.shape_cast %parallel_loop3A_128 : vector<16xi32> to vector<16xi32>
      tpu.vector_store %arg8[%parallel_loop3A_129], %parallel_loop3A_132 {strides = array<i32>} : memref<8192xi32, #tpu.memory_space<vmem>>, vector<16xi32>,
    } {sc.loop_unroll_factor = 8 : i64, sc.parallel_access}
    %dma_start3A_36 = arith.constant 0 : i32
    %dma_start3A_37 = tpu.memref_slice %arg7[%dma_start3A_36] : memref<8192xi32, #tpu.memory_space<vmem>> -> memref<2048xi32, #tpu.memory_space<vmem>>
    %dma_start3A_38 = arith.constant 0 : i32
    %dma_start3A_39 = tpu.memref_slice %arg8[%dma_start3A_38] : memref<8192xi32, #tpu.memory_space<vmem>> -> memref<2048xi32, #tpu.memory_space<vmem>>
    %dma_start3A_40 = arith.constant 0 : i32
    %dma_start3A_41 = tpu.memref_slice %arg3[%dma_start3A_40] : memref<4456448xi32, #tpu.memory_space<hbm>> -> memref<4456448xi32, #tpu.memory_space<hbm>>
    tpu.enqueue_indirect_dma source(%dma_start3A_37 : memref<2048xi32, #tpu.memory_space<vmem>>) target(%dma_start3A_41 : memref<4456448xi32, #tpu.memory_space<hbm>>) offsets(%dma_start3A_39 : memref<2048xi32, #tpu.memory_space<vmem>>) semaphore(%arg13 : memref<!tpu.dma_semaphore, #tpu.memory_space<semaphore_mem>>)
    %dma_wait3A_42 = arith.constant 2048 : i32
    %dma_wait3A_43 = tpu.memref_slice %arg6[%dma_wait3A_42] : memref<8192xi32, #tpu.memory_space<vmem>> -> memref<2048xi32, #tpu.memory_space<vmem>>
    %dma_wait3A_44 = arith.constant 2048 : i32
    %dma_wait3A_45 = tpu.memref_slice %arg5[%dma_wait3A_44] : memref<8192xi32, #tpu.memory_space<vmem>> -> memref<2048xi32, #tpu.memory_space<vmem>>
    %dma_wait3A_46 = arith.constant 0 : i32
    %dma_wait3A_47 = tpu.memref_slice %arg3[%dma_wait3A_46] : memref<4456448xi32, #tpu.memory_space<hbm>> -> memref<4456448xi32, #tpu.memory_space<hbm>>
    tpu.wait_indirect_dma semaphore(%arg10 : memref<!tpu.dma_semaphore, #tpu.memory_space<semaphore_mem>>) src(%dma_wait3A_47 : memref<4456448xi32, #tpu.memory_space<hbm>>) dst(%dma_wait3A_43 : memref<2048xi32, #tpu.memory_space<vmem>>)
    %parallel_loop3A_48 = arith.constant 128 : i32
    %parallel_loop3A_49 = arith.constant 256 : i32
    %parallel_loop3A_50 = arith.constant 1 : i32
    scf.for %parallel_loop3A_111 = %parallel_loop3A_48 to %parallel_loop3A_49 step %parallel_loop3A_50  : i32 {
      %parallel_loop3A_112 = arith.constant 16 : i32
      %parallel_loop3A_113 = arith.muli %parallel_loop3A_111, %parallel_loop3A_112 : i32
      %parallel_loop3A_114 = tpu.assume_multiple %parallel_loop3A_113, 16 : i32
      %parallel_loop3A_115 = arith.index_cast %parallel_loop3A_114 : i32 to index
      %parallel_loop3A_116 = tpu.vector_load %arg6[%parallel_loop3A_115] {strides = array<i32>} : memref<8192xi32, #tpu.memory_space<vmem>>, vector<16xi32>,
      %parallel_loop3A_117 = vector.shape_cast %parallel_loop3A_116 : vector<16xi32> to vector<16xi32>
      %parallel_loop3A_118 = arith.index_cast %parallel_loop3A_114 : i32 to index
      %parallel_loop3A_119 = tpu.vector_load %arg7[%parallel_loop3A_118] {strides = array<i32>} : memref<8192xi32, #tpu.memory_space<vmem>>, vector<16xi32>,
      %parallel_loop3A_120 = vector.shape_cast %parallel_loop3A_119 : vector<16xi32> to vector<16xi32>
      %parallel_loop3A_121 = arith.index_cast %parallel_loop3A_114 : i32 to index
      %parallel_loop3A_122 = tpu.vector_load %arg5[%parallel_loop3A_121] {strides = array<i32>} : memref<8192xi32, #tpu.memory_space<vmem>>, vector<16xi32>,
      %parallel_loop3A_123 = vector.shape_cast %parallel_loop3A_122 : vector<16xi32> to vector<16xi32>
      %parallel_loop3A_124 = arith.cmpi slt, %parallel_loop3A_117, %parallel_loop3A_120 : vector<16xi32>
      %parallel_loop3A_125 = arith.constant 4194304 : i32
      %parallel_loop3A_126 = vector.broadcast %parallel_loop3A_125 : i32 to vector<16xi32>
      %parallel_loop3A_127 = arith.addi %parallel_loop3A_126, %parallel_loop3A_120 : vector<16xi32>
      %parallel_loop3A_128 = arith.select %parallel_loop3A_124, %parallel_loop3A_123, %parallel_loop3A_127 : vector<16xi1>, vector<16xi32>
      %parallel_loop3A_129 = arith.index_cast %parallel_loop3A_114 : i32 to index
      %parallel_loop3A_130 = tpu.vector_load %arg8[%parallel_loop3A_129] {strides = array<i32>} : memref<8192xi32, #tpu.memory_space<vmem>>, vector<16xi32>,
      %parallel_loop3A_131 = vector.shape_cast %parallel_loop3A_130 : vector<16xi32> to vector<16xi32>
      %parallel_loop3A_132 = vector.shape_cast %parallel_loop3A_128 : vector<16xi32> to vector<16xi32>
      tpu.vector_store %arg8[%parallel_loop3A_129], %parallel_loop3A_132 {strides = array<i32>} : memref<8192xi32, #tpu.memory_space<vmem>>, vector<16xi32>,
    } {sc.loop_unroll_factor = 8 : i64, sc.parallel_access}
    %dma_start3A_51 = arith.constant 2048 : i32
    %dma_start3A_52 = tpu.memref_slice %arg7[%dma_start3A_51] : memref<8192xi32, #tpu.memory_space<vmem>> -> memref<2048xi32, #tpu.memory_space<vmem>>
    %dma_start3A_53 = arith.constant 2048 : i32
    %dma_start3A_54 = tpu.memref_slice %arg8[%dma_start3A_53] : memref<8192xi32, #tpu.memory_space<vmem>> -> memref<2048xi32, #tpu.memory_space<vmem>>
    %dma_start3A_55 = arith.constant 0 : i32
    %dma_start3A_56 = tpu.memref_slice %arg3[%dma_start3A_55] : memref<4456448xi32, #tpu.memory_space<hbm>> -> memref<4456448xi32, #tpu.memory_space<hbm>>
    tpu.enqueue_indirect_dma source(%dma_start3A_52 : memref<2048xi32, #tpu.memory_space<vmem>>) target(%dma_start3A_56 : memref<4456448xi32, #tpu.memory_space<hbm>>) offsets(%dma_start3A_54 : memref<2048xi32, #tpu.memory_space<vmem>>) semaphore(%arg14 : memref<!tpu.dma_semaphore, #tpu.memory_space<semaphore_mem>>)
    %dma_wait3A_57 = arith.constant 4096 : i32
    %dma_wait3A_58 = tpu.memref_slice %arg6[%dma_wait3A_57] : memref<8192xi32, #tpu.memory_space<vmem>> -> memref<2048xi32, #tpu.memory_space<vmem>>
    %dma_wait3A_59 = arith.constant 4096 : i32
    %dma_wait3A_60 = tpu.memref_slice %arg5[%dma_wait3A_59] : memref<8192xi32, #tpu.memory_space<vmem>> -> memref<2048xi32, #tpu.memory_space<vmem>>
    %dma_wait3A_61 = arith.constant 0 : i32
    %dma_wait3A_62 = tpu.memref_slice %arg3[%dma_wait3A_61] : memref<4456448xi32, #tpu.memory_space<hbm>> -> memref<4456448xi32, #tpu.memory_space<hbm>>
    tpu.wait_indirect_dma semaphore(%arg11 : memref<!tpu.dma_semaphore, #tpu.memory_space<semaphore_mem>>) src(%dma_wait3A_62 : memref<4456448xi32, #tpu.memory_space<hbm>>) dst(%dma_wait3A_58 : memref<2048xi32, #tpu.memory_space<vmem>>)
    %parallel_loop3A_63 = arith.constant 256 : i32
    %parallel_loop3A_64 = arith.constant 384 : i32
    %parallel_loop3A_65 = arith.constant 1 : i32
    scf.for %parallel_loop3A_111 = %parallel_loop3A_63 to %parallel_loop3A_64 step %parallel_loop3A_65  : i32 {
      %parallel_loop3A_112 = arith.constant 16 : i32
      %parallel_loop3A_113 = arith.muli %parallel_loop3A_111, %parallel_loop3A_112 : i32
      %parallel_loop3A_114 = tpu.assume_multiple %parallel_loop3A_113, 16 : i32
      %parallel_loop3A_115 = arith.index_cast %parallel_loop3A_114 : i32 to index
      %parallel_loop3A_116 = tpu.vector_load %arg6[%parallel_loop3A_115] {strides = array<i32>} : memref<8192xi32, #tpu.memory_space<vmem>>, vector<16xi32>,
      %parallel_loop3A_117 = vector.shape_cast %parallel_loop3A_116 : vector<16xi32> to vector<16xi32>
      %parallel_loop3A_118 = arith.index_cast %parallel_loop3A_114 : i32 to index
      %parallel_loop3A_119 = tpu.vector_load %arg7[%parallel_loop3A_118] {strides = array<i32>} : memref<8192xi32, #tpu.memory_space<vmem>>, vector<16xi32>,
      %parallel_loop3A_120 = vector.shape_cast %parallel_loop3A_119 : vector<16xi32> to vector<16xi32>
      %parallel_loop3A_121 = arith.index_cast %parallel_loop3A_114 : i32 to index
      %parallel_loop3A_122 = tpu.vector_load %arg5[%parallel_loop3A_121] {strides = array<i32>} : memref<8192xi32, #tpu.memory_space<vmem>>, vector<16xi32>,
      %parallel_loop3A_123 = vector.shape_cast %parallel_loop3A_122 : vector<16xi32> to vector<16xi32>
      %parallel_loop3A_124 = arith.cmpi slt, %parallel_loop3A_117, %parallel_loop3A_120 : vector<16xi32>
      %parallel_loop3A_125 = arith.constant 4194304 : i32
      %parallel_loop3A_126 = vector.broadcast %parallel_loop3A_125 : i32 to vector<16xi32>
      %parallel_loop3A_127 = arith.addi %parallel_loop3A_126, %parallel_loop3A_120 : vector<16xi32>
      %parallel_loop3A_128 = arith.select %parallel_loop3A_124, %parallel_loop3A_123, %parallel_loop3A_127 : vector<16xi1>, vector<16xi32>
      %parallel_loop3A_129 = arith.index_cast %parallel_loop3A_114 : i32 to index
      %parallel_loop3A_130 = tpu.vector_load %arg8[%parallel_loop3A_129] {strides = array<i32>} : memref<8192xi32, #tpu.memory_space<vmem>>, vector<16xi32>,
      %parallel_loop3A_131 = vector.shape_cast %parallel_loop3A_130 : vector<16xi32> to vector<16xi32>
      %parallel_loop3A_132 = vector.shape_cast %parallel_loop3A_128 : vector<16xi32> to vector<16xi32>
      tpu.vector_store %arg8[%parallel_loop3A_129], %parallel_loop3A_132 {strides = array<i32>} : memref<8192xi32, #tpu.memory_space<vmem>>, vector<16xi32>,
    } {sc.loop_unroll_factor = 8 : i64, sc.parallel_access}
    %dma_start3A_66 = arith.constant 4096 : i32
    %dma_start3A_67 = tpu.memref_slice %arg7[%dma_start3A_66] : memref<8192xi32, #tpu.memory_space<vmem>> -> memref<2048xi32, #tpu.memory_space<vmem>>
    %dma_start3A_68 = arith.constant 4096 : i32
    %dma_start3A_69 = tpu.memref_slice %arg8[%dma_start3A_68] : memref<8192xi32, #tpu.memory_space<vmem>> -> memref<2048xi32, #tpu.memory_space<vmem>>
    %dma_start3A_70 = arith.constant 0 : i32
    %dma_start3A_71 = tpu.memref_slice %arg3[%dma_start3A_70] : memref<4456448xi32, #tpu.memory_space<hbm>> -> memref<4456448xi32, #tpu.memory_space<hbm>>
    tpu.enqueue_indirect_dma source(%dma_start3A_67 : memref<2048xi32, #tpu.memory_space<vmem>>) target(%dma_start3A_71 : memref<4456448xi32, #tpu.memory_space<hbm>>) offsets(%dma_start3A_69 : memref<2048xi32, #tpu.memory_space<vmem>>) semaphore(%arg15 : memref<!tpu.dma_semaphore, #tpu.memory_space<semaphore_mem>>)
    %dma_wait3A_72 = arith.constant 6144 : i32
    %dma_wait3A_73 = tpu.memref_slice %arg6[%dma_wait3A_72] : memref<8192xi32, #tpu.memory_space<vmem>> -> memref<2048xi32, #tpu.memory_space<vmem>>
    %dma_wait3A_74 = arith.constant 6144 : i32
    %dma_wait3A_75 = tpu.memref_slice %arg5[%dma_wait3A_74] : memref<8192xi32, #tpu.memory_space<vmem>> -> memref<2048xi32, #tpu.memory_space<vmem>>
    %dma_wait3A_76 = arith.constant 0 : i32
    %dma_wait3A_77 = tpu.memref_slice %arg3[%dma_wait3A_76] : memref<4456448xi32, #tpu.memory_space<hbm>> -> memref<4456448xi32, #tpu.memory_space<hbm>>
    tpu.wait_indirect_dma semaphore(%arg12 : memref<!tpu.dma_semaphore, #tpu.memory_space<semaphore_mem>>) src(%dma_wait3A_77 : memref<4456448xi32, #tpu.memory_space<hbm>>) dst(%dma_wait3A_73 : memref<2048xi32, #tpu.memory_space<vmem>>)
    %parallel_loop3A_78 = arith.constant 384 : i32
    %parallel_loop3A_79 = arith.constant 512 : i32
    %parallel_loop3A_80 = arith.constant 1 : i32
    scf.for %parallel_loop3A_111 = %parallel_loop3A_78 to %parallel_loop3A_79 step %parallel_loop3A_80  : i32 {
      %parallel_loop3A_112 = arith.constant 16 : i32
      %parallel_loop3A_113 = arith.muli %parallel_loop3A_111, %parallel_loop3A_112 : i32
      %parallel_loop3A_114 = tpu.assume_multiple %parallel_loop3A_113, 16 : i32
      %parallel_loop3A_115 = arith.index_cast %parallel_loop3A_114 : i32 to index
      %parallel_loop3A_116 = tpu.vector_load %arg6[%parallel_loop3A_115] {strides = array<i32>} : memref<8192xi32, #tpu.memory_space<vmem>>, vector<16xi32>,
      %parallel_loop3A_117 = vector.shape_cast %parallel_loop3A_116 : vector<16xi32> to vector<16xi32>
      %parallel_loop3A_118 = arith.index_cast %parallel_loop3A_114 : i32 to index
      %parallel_loop3A_119 = tpu.vector_load %arg7[%parallel_loop3A_118] {strides = array<i32>} : memref<8192xi32, #tpu.memory_space<vmem>>, vector<16xi32>,
      %parallel_loop3A_120 = vector.shape_cast %parallel_loop3A_119 : vector<16xi32> to vector<16xi32>
      %parallel_loop3A_121 = arith.index_cast %parallel_loop3A_114 : i32 to index
      %parallel_loop3A_122 = tpu.vector_load %arg5[%parallel_loop3A_121] {strides = array<i32>} : memref<8192xi32, #tpu.memory_space<vmem>>, vector<16xi32>,
      %parallel_loop3A_123 = vector.shape_cast %parallel_loop3A_122 : vector<16xi32> to vector<16xi32>
      %parallel_loop3A_124 = arith.cmpi slt, %parallel_loop3A_117, %parallel_loop3A_120 : vector<16xi32>
      %parallel_loop3A_125 = arith.constant 4194304 : i32
      %parallel_loop3A_126 = vector.broadcast %parallel_loop3A_125 : i32 to vector<16xi32>
      %parallel_loop3A_127 = arith.addi %parallel_loop3A_126, %parallel_loop3A_120 : vector<16xi32>
      %parallel_loop3A_128 = arith.select %parallel_loop3A_124, %parallel_loop3A_123, %parallel_loop3A_127 : vector<16xi1>, vector<16xi32>
      %parallel_loop3A_129 = arith.index_cast %parallel_loop3A_114 : i32 to index
      %parallel_loop3A_130 = tpu.vector_load %arg8[%parallel_loop3A_129] {strides = array<i32>} : memref<8192xi32, #tpu.memory_space<vmem>>, vector<16xi32>,
      %parallel_loop3A_131 = vector.shape_cast %parallel_loop3A_130 : vector<16xi32> to vector<16xi32>
      %parallel_loop3A_132 = vector.shape_cast %parallel_loop3A_128 : vector<16xi32> to vector<16xi32>
      tpu.vector_store %arg8[%parallel_loop3A_129], %parallel_loop3A_132 {strides = array<i32>} : memref<8192xi32, #tpu.memory_space<vmem>>, vector<16xi32>,
    } {sc.loop_unroll_factor = 8 : i64, sc.parallel_access}
    %dma_start3A_81 = arith.constant 6144 : i32
    %dma_start3A_82 = tpu.memref_slice %arg7[%dma_start3A_81] : memref<8192xi32, #tpu.memory_space<vmem>> -> memref<2048xi32, #tpu.memory_space<vmem>>
    %dma_start3A_83 = arith.constant 6144 : i32
    %dma_start3A_84 = tpu.memref_slice %arg8[%dma_start3A_83] : memref<8192xi32, #tpu.memory_space<vmem>> -> memref<2048xi32, #tpu.memory_space<vmem>>
    %dma_start3A_85 = arith.constant 0 : i32
    %dma_start3A_86 = tpu.memref_slice %arg3[%dma_start3A_85] : memref<4456448xi32, #tpu.memory_space<hbm>> -> memref<4456448xi32, #tpu.memory_space<hbm>>
    tpu.enqueue_indirect_dma source(%dma_start3A_82 : memref<2048xi32, #tpu.memory_space<vmem>>) target(%dma_start3A_86 : memref<4456448xi32, #tpu.memory_space<hbm>>) offsets(%dma_start3A_84 : memref<2048xi32, #tpu.memory_space<vmem>>) semaphore(%arg16 : memref<!tpu.dma_semaphore, #tpu.memory_space<semaphore_mem>>)
    %dma_wait3A_87 = arith.constant 0 : i32
    %dma_wait3A_88 = tpu.memref_slice %arg7[%dma_wait3A_87] : memref<8192xi32, #tpu.memory_space<vmem>> -> memref<2048xi32, #tpu.memory_space<vmem>>
    %dma_wait3A_89 = arith.constant 0 : i32
    %dma_wait3A_90 = tpu.memref_slice %arg8[%dma_wait3A_89] : memref<8192xi32, #tpu.memory_space<vmem>> -> memref<2048xi32, #tpu.memory_space<vmem>>
    %dma_wait3A_91 = arith.constant 0 : i32
    %dma_wait3A_92 = tpu.memref_slice %arg3[%dma_wait3A_91] : memref<4456448xi32, #tpu.memory_space<hbm>> -> memref<4456448xi32, #tpu.memory_space<hbm>>
    tpu.wait_indirect_dma semaphore(%arg13 : memref<!tpu.dma_semaphore, #tpu.memory_space<semaphore_mem>>) src(%dma_wait3A_88 : memref<2048xi32, #tpu.memory_space<vmem>>) dst(%dma_wait3A_92 : memref<4456448xi32, #tpu.memory_space<hbm>>)
    %dma_wait3A_93 = arith.constant 2048 : i32
    %dma_wait3A_94 = tpu.memref_slice %arg7[%dma_wait3A_93] : memref<8192xi32, #tpu.memory_space<vmem>> -> memref<2048xi32, #tpu.memory_space<vmem>>
    %dma_wait3A_95 = arith.constant 2048 : i32
    %dma_wait3A_96 = tpu.memref_slice %arg8[%dma_wait3A_95] : memref<8192xi32, #tpu.memory_space<vmem>> -> memref<2048xi32, #tpu.memory_space<vmem>>
    %dma_wait3A_97 = arith.constant 0 : i32
    %dma_wait3A_98 = tpu.memref_slice %arg3[%dma_wait3A_97] : memref<4456448xi32, #tpu.memory_space<hbm>> -> memref<4456448xi32, #tpu.memory_space<hbm>>
    tpu.wait_indirect_dma semaphore(%arg14 : memref<!tpu.dma_semaphore, #tpu.memory_space<semaphore_mem>>) src(%dma_wait3A_94 : memref<2048xi32, #tpu.memory_space<vmem>>) dst(%dma_wait3A_98 : memref<4456448xi32, #tpu.memory_space<hbm>>)
    %dma_wait3A_99 = arith.constant 4096 : i32
    %dma_wait3A_100 = tpu.memref_slice %arg7[%dma_wait3A_99] : memref<8192xi32, #tpu.memory_space<vmem>> -> memref<2048xi32, #tpu.memory_space<vmem>>
    %dma_wait3A_101 = arith.constant 4096 : i32
    %dma_wait3A_102 = tpu.memref_slice %arg8[%dma_wait3A_101] : memref<8192xi32, #tpu.memory_space<vmem>> -> memref<2048xi32, #tpu.memory_space<vmem>>
    %dma_wait3A_103 = arith.constant 0 : i32
    %dma_wait3A_104 = tpu.memref_slice %arg3[%dma_wait3A_103] : memref<4456448xi32, #tpu.memory_space<hbm>> -> memref<4456448xi32, #tpu.memory_space<hbm>>
    tpu.wait_indirect_dma semaphore(%arg15 : memref<!tpu.dma_semaphore, #tpu.memory_space<semaphore_mem>>) src(%dma_wait3A_100 : memref<2048xi32, #tpu.memory_space<vmem>>) dst(%dma_wait3A_104 : memref<4456448xi32, #tpu.memory_space<hbm>>)
    %dma_wait3A_105 = arith.constant 6144 : i32
    %dma_wait3A_106 = tpu.memref_slice %arg7[%dma_wait3A_105] : memref<8192xi32, #tpu.memory_space<vmem>> -> memref<2048xi32, #tpu.memory_space<vmem>>
    %dma_wait3A_107 = arith.constant 6144 : i32
    %dma_wait3A_108 = tpu.memref_slice %arg8[%dma_wait3A_107] : memref<8192xi32, #tpu.memory_space<vmem>> -> memref<2048xi32, #tpu.memory_space<vmem>>
    %dma_wait3A_109 = arith.constant 0 : i32
    %dma_wait3A_110 = tpu.memref_slice %arg3[%dma_wait3A_109] : memref<4456448xi32, #tpu.memory_space<hbm>> -> memref<4456448xi32, #tpu.memory_space<hbm>>
    tpu.wait_indirect_dma semaphore(%arg16 : memref<!tpu.dma_semaphore, #tpu.memory_space<semaphore_mem>>) src(%dma_wait3A_106 : memref<2048xi32, #tpu.memory_space<vmem>>) dst(%dma_wait3A_110 : memref<4456448xi32, #tpu.memory_space<hbm>>)
    return
  }
}

#map = affine_map<(d0, d1) -> (0)>
module attributes {stable_mosaic.version = 14 : i64} {
  func.func @new_body(%arg0: i32, %arg1: i32, %arg2: memref<262144xi32, #tpu.memory_space<hbm>>, %arg3: memref<4456448xi32, #tpu.memory_space<hbm>>, %arg4: memref<4456448xi32, #tpu.memory_space<hbm>>, %arg5: memref<8192xi32, #tpu.memory_space<vmem>>, %arg6: memref<8192xi32, #tpu.memory_space<vmem>>, %arg7: memref<8192xi32, #tpu.memory_space<vmem>>, %arg8: memref<8192xi32, #tpu.memory_space<vmem>>, %arg9: memref<!tpu.dma_semaphore, #tpu.memory_space<semaphore_mem>>, %arg10: memref<!tpu.dma_semaphore, #tpu.memory_space<semaphore_mem>>, %arg11: memref<!tpu.dma_semaphore, #tpu.memory_space<semaphore_mem>>, %arg12: memref<!tpu.dma_semaphore, #tpu.memory_space<semaphore_mem>>, %arg13: memref<!tpu.dma_semaphore, #tpu.memory_space<semaphore_mem>>, %arg14: memref<!tpu.dma_semaphore, #tpu.memory_space<semaphore_mem>>, %arg15: memref<!tpu.dma_semaphore, #tpu.memory_space<semaphore_mem>>, %arg16: memref<!tpu.dma_semaphore, #tpu.memory_space<semaphore_mem>>) attributes {dimension_semantics = [#tpu.dimension_semantics<core_parallel>, #tpu.dimension_semantics<subcore_parallel>], iteration_bounds = array<i64: 2, 16>, scalar_prefetch = 0 : i64, scratch_operands = 12 : i64, tpu.core_type = #tpu.core_type<sc_vector_subcore>, window_params = [{transform_indices = #map}, {transform_indices = #map}, {transform_indices = #map}]} {
    %mul3A = arith.constant 2 : i32
    %mul3A_0 = arith.muli %arg1, %mul3A : i32
    %add3A = arith.addi %mul3A_0, %arg0 : i32
    %mul3A_1 = arith.constant 8192 : i32
    %mul3A_2 = arith.muli %add3A, %mul3A_1 : i32
    "tpu.region"() ({
      %run_scoped3A = tpu.sem_alloc : memref<!tpu.dma_semaphore, #tpu.memory_space<semaphore_mem>>
      %dma_start3A_111 = tpu.memref_slice %arg2[%mul3A_2] : memref<262144xi32, #tpu.memory_space<hbm>> -> memref<8192xi32, #tpu.memory_space<hbm>>
      %dma_start3A_112 = tpu.memref_slice %arg2[%mul3A_2] : memref<262144xi32, #tpu.memory_space<hbm>> -> memref<8192xi32, #tpu.memory_space<hbm>>
      tpu.enqueue_dma source(%dma_start3A_112 : memref<8192xi32, #tpu.memory_space<hbm>>) target(%arg5 : memref<8192xi32, #tpu.memory_space<vmem>>) target_semaphore(%run_scoped3A : memref<!tpu.dma_semaphore, #tpu.memory_space<semaphore_mem>>)
      %dma_wait3A_113 = tpu.memref_slice %arg2[%mul3A_2] : memref<262144xi32, #tpu.memory_space<hbm>> -> memref<8192xi32, #tpu.memory_space<hbm>>
      %dma_wait3A_114 = tpu.memref_slice %arg2[%mul3A_2] : memref<262144xi32, #tpu.memory_space<hbm>> -> memref<8192xi32, #tpu.memory_space<hbm>>
      tpu.wait_dma2 semaphore(%run_scoped3A : memref<!tpu.dma_semaphore, #tpu.memory_space<semaphore_mem>>) src(%dma_wait3A_114 : memref<8192xi32, #tpu.memory_space<hbm>>) dst(%arg5 : memref<8192xi32, #tpu.memory_space<vmem>>)
      tpu.yield
    }) : () -> ()
    %parallel_loop3A = arith.constant 0 : i32
    %parallel_loop3A_3 = arith.constant 512 : i32
    %parallel_loop3A_4 = arith.constant 1 : i32
    scf.for %parallel_loop3A_111 = %parallel_loop3A to %parallel_loop3A_3 step %parallel_loop3A_4  : i32 {
      %parallel_loop3A_112 = arith.constant 16 : i32
      %parallel_loop3A_113 = arith.muli %parallel_loop3A_111, %parallel_loop3A_112 : i32
      %parallel_loop3A_114 = tpu.assume_multiple %parallel_loop3A_113, 16 : i32
      %parallel_loop3A_115 = arith.constant 16 : i32
      %parallel_loop3A_116 = arith.muli %parallel_loop3A_111, %parallel_loop3A_115 : i32
      %parallel_loop3A_117 = arith.addi %mul3A_2, %parallel_loop3A_116 : i32
      %parallel_loop3A_118 = tpu.iota {dimensions = array<i32: 0>} : vector<16xi32>
      %parallel_loop3A_119 = vector.broadcast %parallel_loop3A_117 : i32 to vector<16xi32>
      %parallel_loop3A_120 = arith.addi %parallel_loop3A_119, %parallel_loop3A_118 : vector<16xi32>
      %parallel_loop3A_121 = arith.index_cast %parallel_loop3A_114 : i32 to index
      %parallel_loop3A_122 = tpu.vector_load %arg7[%parallel_loop3A_121] {strides = array<i32>} : memref<8192xi32, #tpu.memory_space<vmem>>, vector<16xi32>,
      %parallel_loop3A_123 = vector.shape_cast %parallel_loop3A_122 : vector<16xi32> to vector<16xi32>
      %parallel_loop3A_124 = vector.shape_cast %parallel_loop3A_120 : vector<16xi32> to vector<16xi32>
      tpu.vector_store %arg7[%parallel_loop3A_121], %parallel_loop3A_124 {strides = array<i32>} : memref<8192xi32, #tpu.memory_space<vmem>>, vector<16xi32>,
    } {sc.loop_unroll_factor = 8 : i64, sc.parallel_access}
    %dma_start3A = arith.constant 0 : i32
    %dma_start3A_5 = tpu.memref_slice %arg6[%dma_start3A] : memref<8192xi32, #tpu.memory_space<vmem>> -> memref<2048xi32, #tpu.memory_space<vmem>>
    %dma_start3A_6 = arith.constant 0 : i32
    %dma_start3A_7 = tpu.memref_slice %arg5[%dma_start3A_6] : memref<8192xi32, #tpu.memory_space<vmem>> -> memref<2048xi32, #tpu.memory_space<vmem>>
    %dma_start3A_8 = arith.constant 0 : i32
    %dma_start3A_9 = tpu.memref_slice %arg3[%dma_start3A_8] : memref<4456448xi32, #tpu.memory_space<hbm>> -> memref<4456448xi32, #tpu.memory_space<hbm>>
    tpu.enqueue_indirect_dma source(%dma_start3A_9 : memref<4456448xi32, #tpu.memory_space<hbm>>) target(%dma_start3A_5 : memref<2048xi32, #tpu.memory_space<vmem>>) offsets(%dma_start3A_7 : memref<2048xi32, #tpu.memory_space<vmem>>) semaphore(%arg9 : memref<!tpu.dma_semaphore, #tpu.memory_space<semaphore_mem>>)
    %dma_start3A_10 = arith.constant 2048 : i32
    %dma_start3A_11 = tpu.memref_slice %arg6[%dma_start3A_10] : memref<8192xi32, #tpu.memory_space<vmem>> -> memref<2048xi32, #tpu.memory_space<vmem>>
    %dma_start3A_12 = arith.constant 2048 : i32
    %dma_start3A_13 = tpu.memref_slice %arg5[%dma_start3A_12] : memref<8192xi32, #tpu.memory_space<vmem>> -> memref<2048xi32, #tpu.memory_space<vmem>>
    %dma_start3A_14 = arith.constant 0 : i32
    %dma_start3A_15 = tpu.memref_slice %arg3[%dma_start3A_14] : memref<4456448xi32, #tpu.memory_space<hbm>> -> memref<4456448xi32, #tpu.memory_space<hbm>>
    tpu.enqueue_indirect_dma source(%dma_start3A_15 : memref<4456448xi32, #tpu.memory_space<hbm>>) target(%dma_start3A_11 : memref<2048xi32, #tpu.memory_space<vmem>>) offsets(%dma_start3A_13 : memref<2048xi32, #tpu.memory_space<vmem>>) semaphore(%arg10 : memref<!tpu.dma_semaphore, #tpu.memory_space<semaphore_mem>>)
    %dma_start3A_16 = arith.constant 4096 : i32
    %dma_start3A_17 = tpu.memref_slice %arg6[%dma_start3A_16] : memref<8192xi32, #tpu.memory_space<vmem>> -> memref<2048xi32, #tpu.memory_space<vmem>>
    %dma_start3A_18 = arith.constant 4096 : i32
    %dma_start3A_19 = tpu.memref_slice %arg5[%dma_start3A_18] : memref<8192xi32, #tpu.memory_space<vmem>> -> memref<2048xi32, #tpu.memory_space<vmem>>
    %dma_start3A_20 = arith.constant 0 : i32
    %dma_start3A_21 = tpu.memref_slice %arg3[%dma_start3A_20] : memref<4456448xi32, #tpu.memory_space<hbm>> -> memref<4456448xi32, #tpu.memory_space<hbm>>
    tpu.enqueue_indirect_dma source(%dma_start3A_21 : memref<4456448xi32, #tpu.memory_space<hbm>>) target(%dma_start3A_17 : memref<2048xi32, #tpu.memory_space<vmem>>) offsets(%dma_start3A_19 : memref<2048xi32, #tpu.memory_space<vmem>>) semaphore(%arg11 : memref<!tpu.dma_semaphore, #tpu.memory_space<semaphore_mem>>)
    %dma_start3A_22 = arith.constant 6144 : i32
    %dma_start3A_23 = tpu.memref_slice %arg6[%dma_start3A_22] : memref<8192xi32, #tpu.memory_space<vmem>> -> memref<2048xi32, #tpu.memory_space<vmem>>
    %dma_start3A_24 = arith.constant 6144 : i32
    %dma_start3A_25 = tpu.memref_slice %arg5[%dma_start3A_24] : memref<8192xi32, #tpu.memory_space<vmem>> -> memref<2048xi32, #tpu.memory_space<vmem>>
    %dma_start3A_26 = arith.constant 0 : i32
    %dma_start3A_27 = tpu.memref_slice %arg3[%dma_start3A_26] : memref<4456448xi32, #tpu.memory_space<hbm>> -> memref<4456448xi32, #tpu.memory_space<hbm>>
    tpu.enqueue_indirect_dma source(%dma_start3A_27 : memref<4456448xi32, #tpu.memory_space<hbm>>) target(%dma_start3A_23 : memref<2048xi32, #tpu.memory_space<vmem>>) offsets(%dma_start3A_25 : memref<2048xi32, #tpu.memory_space<vmem>>) semaphore(%arg12 : memref<!tpu.dma_semaphore, #tpu.memory_space<semaphore_mem>>)
    %dma_wait3A = arith.constant 0 : i32
    %dma_wait3A_28 = tpu.memref_slice %arg6[%dma_wait3A] : memref<8192xi32, #tpu.memory_space<vmem>> -> memref<2048xi32, #tpu.memory_space<vmem>>
    %dma_wait3A_29 = arith.constant 0 : i32
    %dma_wait3A_30 = tpu.memref_slice %arg5[%dma_wait3A_29] : memref<8192xi32, #tpu.memory_space<vmem>> -> memref<2048xi32, #tpu.memory_space<vmem>>
    %dma_wait3A_31 = arith.constant 0 : i32
    %dma_wait3A_32 = tpu.memref_slice %arg3[%dma_wait3A_31] : memref<4456448xi32, #tpu.memory_space<hbm>> -> memref<4456448xi32, #tpu.memory_space<hbm>>
    tpu.wait_indirect_dma semaphore(%arg9 : memref<!tpu.dma_semaphore, #tpu.memory_space<semaphore_mem>>) src(%dma_wait3A_32 : memref<4456448xi32, #tpu.memory_space<hbm>>) dst(%dma_wait3A_28 : memref<2048xi32, #tpu.memory_space<vmem>>)
    %parallel_loop3A_33 = arith.constant 0 : i32
    %parallel_loop3A_34 = arith.constant 128 : i32
    %parallel_loop3A_35 = arith.constant 1 : i32
    scf.for %parallel_loop3A_111 = %parallel_loop3A_33 to %parallel_loop3A_34 step %parallel_loop3A_35  : i32 {
      %parallel_loop3A_112 = arith.constant 16 : i32
      %parallel_loop3A_113 = arith.muli %parallel_loop3A_111, %parallel_loop3A_112 : i32
      %parallel_loop3A_114 = tpu.assume_multiple %parallel_loop3A_113, 16 : i32
      %parallel_loop3A_115 = arith.index_cast %parallel_loop3A_114 : i32 to index
      %parallel_loop3A_116 = tpu.vector_load %arg6[%parallel_loop3A_115] {strides = array<i32>} : memref<8192xi32, #tpu.memory_space<vmem>>, vector<16xi32>,
      %parallel_loop3A_117 = vector.shape_cast %parallel_loop3A_116 : vector<16xi32> to vector<16xi32>
      %parallel_loop3A_118 = arith.index_cast %parallel_loop3A_114 : i32 to index
      %parallel_loop3A_119 = tpu.vector_load %arg7[%parallel_loop3A_118] {strides = array<i32>} : memref<8192xi32, #tpu.memory_space<vmem>>, vector<16xi32>,
      %parallel_loop3A_120 = vector.shape_cast %parallel_loop3A_119 : vector<16xi32> to vector<16xi32>
      %parallel_loop3A_121 = arith.index_cast %parallel_loop3A_114 : i32 to index
      %parallel_loop3A_122 = tpu.vector_load %arg5[%parallel_loop3A_121] {strides = array<i32>} : memref<8192xi32, #tpu.memory_space<vmem>>, vector<16xi32>,
      %parallel_loop3A_123 = vector.shape_cast %parallel_loop3A_122 : vector<16xi32> to vector<16xi32>
      %parallel_loop3A_124 = arith.cmpi slt, %parallel_loop3A_117, %parallel_loop3A_120 : vector<16xi32>
      %parallel_loop3A_125 = arith.constant 4194304 : i32
      %parallel_loop3A_126 = vector.broadcast %parallel_loop3A_125 : i32 to vector<16xi32>
      %parallel_loop3A_127 = arith.addi %parallel_loop3A_126, %parallel_loop3A_120 : vector<16xi32>
      %parallel_loop3A_128 = arith.select %parallel_loop3A_124, %parallel_loop3A_123, %parallel_loop3A_127 : vector<16xi1>, vector<16xi32>
      %parallel_loop3A_129 = arith.index_cast %parallel_loop3A_114 : i32 to index
      %parallel_loop3A_130 = tpu.vector_load %arg8[%parallel_loop3A_129] {strides = array<i32>} : memref<8192xi32, #tpu.memory_space<vmem>>, vector<16xi32>,
      %parallel_loop3A_131 = vector.shape_cast %parallel_loop3A_130 : vector<16xi32> to vector<16xi32>
      %parallel_loop3A_132 = vector.shape_cast %parallel_loop3A_128 : vector<16xi32> to vector<16xi32>
      tpu.vector_store %arg8[%parallel_loop3A_129], %parallel_loop3A_132 {strides = array<i32>} : memref<8192xi32, #tpu.memory_space<vmem>>, vector<16xi32>,
    } {sc.loop_unroll_factor = 8 : i64, sc.parallel_access}
    %dma_start3A_36 = arith.constant 0 : i32
    %dma_start3A_37 = tpu.memref_slice %arg7[%dma_start3A_36] : memref<8192xi32, #tpu.memory_space<vmem>> -> memref<2048xi32, #tpu.memory_space<vmem>>
    %dma_start3A_38 = arith.constant 0 : i32
    %dma_start3A_39 = tpu.memref_slice %arg8[%dma_start3A_38] : memref<8192xi32, #tpu.memory_space<vmem>> -> memref<2048xi32, #tpu.memory_space<vmem>>
    %dma_start3A_40 = arith.constant 0 : i32
    %dma_start3A_41 = tpu.memref_slice %arg3[%dma_start3A_40] : memref<4456448xi32, #tpu.memory_space<hbm>> -> memref<4456448xi32, #tpu.memory_space<hbm>>
    tpu.enqueue_indirect_dma source(%dma_start3A_37 : memref<2048xi32, #tpu.memory_space<vmem>>) target(%dma_start3A_41 : memref<4456448xi32, #tpu.memory_space<hbm>>) offsets(%dma_start3A_39 : memref<2048xi32, #tpu.memory_space<vmem>>) semaphore(%arg13 : memref<!tpu.dma_semaphore, #tpu.memory_space<semaphore_mem>>)
    %dma_wait3A_42 = arith.constant 2048 : i32
    %dma_wait3A_43 = tpu.memref_slice %arg6[%dma_wait3A_42] : memref<8192xi32, #tpu.memory_space<vmem>> -> memref<2048xi32, #tpu.memory_space<vmem>>
    %dma_wait3A_44 = arith.constant 2048 : i32
    %dma_wait3A_45 = tpu.memref_slice %arg5[%dma_wait3A_44] : memref<8192xi32, #tpu.memory_space<vmem>> -> memref<2048xi32, #tpu.memory_space<vmem>>
    %dma_wait3A_46 = arith.constant 0 : i32
    %dma_wait3A_47 = tpu.memref_slice %arg3[%dma_wait3A_46] : memref<4456448xi32, #tpu.memory_space<hbm>> -> memref<4456448xi32, #tpu.memory_space<hbm>>
    tpu.wait_indirect_dma semaphore(%arg10 : memref<!tpu.dma_semaphore, #tpu.memory_space<semaphore_mem>>) src(%dma_wait3A_47 : memref<4456448xi32, #tpu.memory_space<hbm>>) dst(%dma_wait3A_43 : memref<2048xi32, #tpu.memory_space<vmem>>)
    %parallel_loop3A_48 = arith.constant 128 : i32
    %parallel_loop3A_49 = arith.constant 256 : i32
    %parallel_loop3A_50 = arith.constant 1 : i32
    scf.for %parallel_loop3A_111 = %parallel_loop3A_48 to %parallel_loop3A_49 step %parallel_loop3A_50  : i32 {
      %parallel_loop3A_112 = arith.constant 16 : i32
      %parallel_loop3A_113 = arith.muli %parallel_loop3A_111, %parallel_loop3A_112 : i32
      %parallel_loop3A_114 = tpu.assume_multiple %parallel_loop3A_113, 16 : i32
      %parallel_loop3A_115 = arith.index_cast %parallel_loop3A_114 : i32 to index
      %parallel_loop3A_116 = tpu.vector_load %arg6[%parallel_loop3A_115] {strides = array<i32>} : memref<8192xi32, #tpu.memory_space<vmem>>, vector<16xi32>,
      %parallel_loop3A_117 = vector.shape_cast %parallel_loop3A_116 : vector<16xi32> to vector<16xi32>
      %parallel_loop3A_118 = arith.index_cast %parallel_loop3A_114 : i32 to index
      %parallel_loop3A_119 = tpu.vector_load %arg7[%parallel_loop3A_118] {strides = array<i32>} : memref<8192xi32, #tpu.memory_space<vmem>>, vector<16xi32>,
      %parallel_loop3A_120 = vector.shape_cast %parallel_loop3A_119 : vector<16xi32> to vector<16xi32>
      %parallel_loop3A_121 = arith.index_cast %parallel_loop3A_114 : i32 to index
      %parallel_loop3A_122 = tpu.vector_load %arg5[%parallel_loop3A_121] {strides = array<i32>} : memref<8192xi32, #tpu.memory_space<vmem>>, vector<16xi32>,
      %parallel_loop3A_123 = vector.shape_cast %parallel_loop3A_122 : vector<16xi32> to vector<16xi32>
      %parallel_loop3A_124 = arith.cmpi slt, %parallel_loop3A_117, %parallel_loop3A_120 : vector<16xi32>
      %parallel_loop3A_125 = arith.constant 4194304 : i32
      %parallel_loop3A_126 = vector.broadcast %parallel_loop3A_125 : i32 to vector<16xi32>
      %parallel_loop3A_127 = arith.addi %parallel_loop3A_126, %parallel_loop3A_120 : vector<16xi32>
      %parallel_loop3A_128 = arith.select %parallel_loop3A_124, %parallel_loop3A_123, %parallel_loop3A_127 : vector<16xi1>, vector<16xi32>
      %parallel_loop3A_129 = arith.index_cast %parallel_loop3A_114 : i32 to index
      %parallel_loop3A_130 = tpu.vector_load %arg8[%parallel_loop3A_129] {strides = array<i32>} : memref<8192xi32, #tpu.memory_space<vmem>>, vector<16xi32>,
      %parallel_loop3A_131 = vector.shape_cast %parallel_loop3A_130 : vector<16xi32> to vector<16xi32>
      %parallel_loop3A_132 = vector.shape_cast %parallel_loop3A_128 : vector<16xi32> to vector<16xi32>
      tpu.vector_store %arg8[%parallel_loop3A_129], %parallel_loop3A_132 {strides = array<i32>} : memref<8192xi32, #tpu.memory_space<vmem>>, vector<16xi32>,
    } {sc.loop_unroll_factor = 8 : i64, sc.parallel_access}
    %dma_start3A_51 = arith.constant 2048 : i32
    %dma_start3A_52 = tpu.memref_slice %arg7[%dma_start3A_51] : memref<8192xi32, #tpu.memory_space<vmem>> -> memref<2048xi32, #tpu.memory_space<vmem>>
    %dma_start3A_53 = arith.constant 2048 : i32
    %dma_start3A_54 = tpu.memref_slice %arg8[%dma_start3A_53] : memref<8192xi32, #tpu.memory_space<vmem>> -> memref<2048xi32, #tpu.memory_space<vmem>>
    %dma_start3A_55 = arith.constant 0 : i32
    %dma_start3A_56 = tpu.memref_slice %arg3[%dma_start3A_55] : memref<4456448xi32, #tpu.memory_space<hbm>> -> memref<4456448xi32, #tpu.memory_space<hbm>>
    tpu.enqueue_indirect_dma source(%dma_start3A_52 : memref<2048xi32, #tpu.memory_space<vmem>>) target(%dma_start3A_56 : memref<4456448xi32, #tpu.memory_space<hbm>>) offsets(%dma_start3A_54 : memref<2048xi32, #tpu.memory_space<vmem>>) semaphore(%arg14 : memref<!tpu.dma_semaphore, #tpu.memory_space<semaphore_mem>>)
    %dma_wait3A_57 = arith.constant 4096 : i32
    %dma_wait3A_58 = tpu.memref_slice %arg6[%dma_wait3A_57] : memref<8192xi32, #tpu.memory_space<vmem>> -> memref<2048xi32, #tpu.memory_space<vmem>>
    %dma_wait3A_59 = arith.constant 4096 : i32
    %dma_wait3A_60 = tpu.memref_slice %arg5[%dma_wait3A_59] : memref<8192xi32, #tpu.memory_space<vmem>> -> memref<2048xi32, #tpu.memory_space<vmem>>
    %dma_wait3A_61 = arith.constant 0 : i32
    %dma_wait3A_62 = tpu.memref_slice %arg3[%dma_wait3A_61] : memref<4456448xi32, #tpu.memory_space<hbm>> -> memref<4456448xi32, #tpu.memory_space<hbm>>
    tpu.wait_indirect_dma semaphore(%arg11 : memref<!tpu.dma_semaphore, #tpu.memory_space<semaphore_mem>>) src(%dma_wait3A_62 : memref<4456448xi32, #tpu.memory_space<hbm>>) dst(%dma_wait3A_58 : memref<2048xi32, #tpu.memory_space<vmem>>)
    %parallel_loop3A_63 = arith.constant 256 : i32
    %parallel_loop3A_64 = arith.constant 384 : i32
    %parallel_loop3A_65 = arith.constant 1 : i32
    scf.for %parallel_loop3A_111 = %parallel_loop3A_63 to %parallel_loop3A_64 step %parallel_loop3A_65  : i32 {
      %parallel_loop3A_112 = arith.constant 16 : i32
      %parallel_loop3A_113 = arith.muli %parallel_loop3A_111, %parallel_loop3A_112 : i32
      %parallel_loop3A_114 = tpu.assume_multiple %parallel_loop3A_113, 16 : i32
      %parallel_loop3A_115 = arith.index_cast %parallel_loop3A_114 : i32 to index
      %parallel_loop3A_116 = tpu.vector_load %arg6[%parallel_loop3A_115] {strides = array<i32>} : memref<8192xi32, #tpu.memory_space<vmem>>, vector<16xi32>,
      %parallel_loop3A_117 = vector.shape_cast %parallel_loop3A_116 : vector<16xi32> to vector<16xi32>
      %parallel_loop3A_118 = arith.index_cast %parallel_loop3A_114 : i32 to index
      %parallel_loop3A_119 = tpu.vector_load %arg7[%parallel_loop3A_118] {strides = array<i32>} : memref<8192xi32, #tpu.memory_space<vmem>>, vector<16xi32>,
      %parallel_loop3A_120 = vector.shape_cast %parallel_loop3A_119 : vector<16xi32> to vector<16xi32>
      %parallel_loop3A_121 = arith.index_cast %parallel_loop3A_114 : i32 to index
      %parallel_loop3A_122 = tpu.vector_load %arg5[%parallel_loop3A_121] {strides = array<i32>} : memref<8192xi32, #tpu.memory_space<vmem>>, vector<16xi32>,
      %parallel_loop3A_123 = vector.shape_cast %parallel_loop3A_122 : vector<16xi32> to vector<16xi32>
      %parallel_loop3A_124 = arith.cmpi slt, %parallel_loop3A_117, %parallel_loop3A_120 : vector<16xi32>
      %parallel_loop3A_125 = arith.constant 4194304 : i32
      %parallel_loop3A_126 = vector.broadcast %parallel_loop3A_125 : i32 to vector<16xi32>
      %parallel_loop3A_127 = arith.addi %parallel_loop3A_126, %parallel_loop3A_120 : vector<16xi32>
      %parallel_loop3A_128 = arith.select %parallel_loop3A_124, %parallel_loop3A_123, %parallel_loop3A_127 : vector<16xi1>, vector<16xi32>
      %parallel_loop3A_129 = arith.index_cast %parallel_loop3A_114 : i32 to index
      %parallel_loop3A_130 = tpu.vector_load %arg8[%parallel_loop3A_129] {strides = array<i32>} : memref<8192xi32, #tpu.memory_space<vmem>>, vector<16xi32>,
      %parallel_loop3A_131 = vector.shape_cast %parallel_loop3A_130 : vector<16xi32> to vector<16xi32>
      %parallel_loop3A_132 = vector.shape_cast %parallel_loop3A_128 : vector<16xi32> to vector<16xi32>
      tpu.vector_store %arg8[%parallel_loop3A_129], %parallel_loop3A_132 {strides = array<i32>} : memref<8192xi32, #tpu.memory_space<vmem>>, vector<16xi32>,
    } {sc.loop_unroll_factor = 8 : i64, sc.parallel_access}
    %dma_start3A_66 = arith.constant 4096 : i32
    %dma_start3A_67 = tpu.memref_slice %arg7[%dma_start3A_66] : memref<8192xi32, #tpu.memory_space<vmem>> -> memref<2048xi32, #tpu.memory_space<vmem>>
    %dma_start3A_68 = arith.constant 4096 : i32
    %dma_start3A_69 = tpu.memref_slice %arg8[%dma_start3A_68] : memref<8192xi32, #tpu.memory_space<vmem>> -> memref<2048xi32, #tpu.memory_space<vmem>>
    %dma_start3A_70 = arith.constant 0 : i32
    %dma_start3A_71 = tpu.memref_slice %arg3[%dma_start3A_70] : memref<4456448xi32, #tpu.memory_space<hbm>> -> memref<4456448xi32, #tpu.memory_space<hbm>>
    tpu.enqueue_indirect_dma source(%dma_start3A_67 : memref<2048xi32, #tpu.memory_space<vmem>>) target(%dma_start3A_71 : memref<4456448xi32, #tpu.memory_space<hbm>>) offsets(%dma_start3A_69 : memref<2048xi32, #tpu.memory_space<vmem>>) semaphore(%arg15 : memref<!tpu.dma_semaphore, #tpu.memory_space<semaphore_mem>>)
    %dma_wait3A_72 = arith.constant 6144 : i32
    %dma_wait3A_73 = tpu.memref_slice %arg6[%dma_wait3A_72] : memref<8192xi32, #tpu.memory_space<vmem>> -> memref<2048xi32, #tpu.memory_space<vmem>>
    %dma_wait3A_74 = arith.constant 6144 : i32
    %dma_wait3A_75 = tpu.memref_slice %arg5[%dma_wait3A_74] : memref<8192xi32, #tpu.memory_space<vmem>> -> memref<2048xi32, #tpu.memory_space<vmem>>
    %dma_wait3A_76 = arith.constant 0 : i32
    %dma_wait3A_77 = tpu.memref_slice %arg3[%dma_wait3A_76] : memref<4456448xi32, #tpu.memory_space<hbm>> -> memref<4456448xi32, #tpu.memory_space<hbm>>
    tpu.wait_indirect_dma semaphore(%arg12 : memref<!tpu.dma_semaphore, #tpu.memory_space<semaphore_mem>>) src(%dma_wait3A_77 : memref<4456448xi32, #tpu.memory_space<hbm>>) dst(%dma_wait3A_73 : memref<2048xi32, #tpu.memory_space<vmem>>)
    %parallel_loop3A_78 = arith.constant 384 : i32
    %parallel_loop3A_79 = arith.constant 512 : i32
    %parallel_loop3A_80 = arith.constant 1 : i32
    scf.for %parallel_loop3A_111 = %parallel_loop3A_78 to %parallel_loop3A_79 step %parallel_loop3A_80  : i32 {
      %parallel_loop3A_112 = arith.constant 16 : i32
      %parallel_loop3A_113 = arith.muli %parallel_loop3A_111, %parallel_loop3A_112 : i32
      %parallel_loop3A_114 = tpu.assume_multiple %parallel_loop3A_113, 16 : i32
      %parallel_loop3A_115 = arith.index_cast %parallel_loop3A_114 : i32 to index
      %parallel_loop3A_116 = tpu.vector_load %arg6[%parallel_loop3A_115] {strides = array<i32>} : memref<8192xi32, #tpu.memory_space<vmem>>, vector<16xi32>,
      %parallel_loop3A_117 = vector.shape_cast %parallel_loop3A_116 : vector<16xi32> to vector<16xi32>
      %parallel_loop3A_118 = arith.index_cast %parallel_loop3A_114 : i32 to index
      %parallel_loop3A_119 = tpu.vector_load %arg7[%parallel_loop3A_118] {strides = array<i32>} : memref<8192xi32, #tpu.memory_space<vmem>>, vector<16xi32>,
      %parallel_loop3A_120 = vector.shape_cast %parallel_loop3A_119 : vector<16xi32> to vector<16xi32>
      %parallel_loop3A_121 = arith.index_cast %parallel_loop3A_114 : i32 to index
      %parallel_loop3A_122 = tpu.vector_load %arg5[%parallel_loop3A_121] {strides = array<i32>} : memref<8192xi32, #tpu.memory_space<vmem>>, vector<16xi32>,
      %parallel_loop3A_123 = vector.shape_cast %parallel_loop3A_122 : vector<16xi32> to vector<16xi32>
      %parallel_loop3A_124 = arith.cmpi slt, %parallel_loop3A_117, %parallel_loop3A_120 : vector<16xi32>
      %parallel_loop3A_125 = arith.constant 4194304 : i32
      %parallel_loop3A_126 = vector.broadcast %parallel_loop3A_125 : i32 to vector<16xi32>
      %parallel_loop3A_127 = arith.addi %parallel_loop3A_126, %parallel_loop3A_120 : vector<16xi32>
      %parallel_loop3A_128 = arith.select %parallel_loop3A_124, %parallel_loop3A_123, %parallel_loop3A_127 : vector<16xi1>, vector<16xi32>
      %parallel_loop3A_129 = arith.index_cast %parallel_loop3A_114 : i32 to index
      %parallel_loop3A_130 = tpu.vector_load %arg8[%parallel_loop3A_129] {strides = array<i32>} : memref<8192xi32, #tpu.memory_space<vmem>>, vector<16xi32>,
      %parallel_loop3A_131 = vector.shape_cast %parallel_loop3A_130 : vector<16xi32> to vector<16xi32>
      %parallel_loop3A_132 = vector.shape_cast %parallel_loop3A_128 : vector<16xi32> to vector<16xi32>
      tpu.vector_store %arg8[%parallel_loop3A_129], %parallel_loop3A_132 {strides = array<i32>} : memref<8192xi32, #tpu.memory_space<vmem>>, vector<16xi32>,
    } {sc.loop_unroll_factor = 8 : i64, sc.parallel_access}
    %dma_start3A_81 = arith.constant 6144 : i32
    %dma_start3A_82 = tpu.memref_slice %arg7[%dma_start3A_81] : memref<8192xi32, #tpu.memory_space<vmem>> -> memref<2048xi32, #tpu.memory_space<vmem>>
    %dma_start3A_83 = arith.constant 6144 : i32
    %dma_start3A_84 = tpu.memref_slice %arg8[%dma_start3A_83] : memref<8192xi32, #tpu.memory_space<vmem>> -> memref<2048xi32, #tpu.memory_space<vmem>>
    %dma_start3A_85 = arith.constant 0 : i32
    %dma_start3A_86 = tpu.memref_slice %arg3[%dma_start3A_85] : memref<4456448xi32, #tpu.memory_space<hbm>> -> memref<4456448xi32, #tpu.memory_space<hbm>>
    tpu.enqueue_indirect_dma source(%dma_start3A_82 : memref<2048xi32, #tpu.memory_space<vmem>>) target(%dma_start3A_86 : memref<4456448xi32, #tpu.memory_space<hbm>>) offsets(%dma_start3A_84 : memref<2048xi32, #tpu.memory_space<vmem>>) semaphore(%arg16 : memref<!tpu.dma_semaphore, #tpu.memory_space<semaphore_mem>>)
    %dma_wait3A_87 = arith.constant 0 : i32
    %dma_wait3A_88 = tpu.memref_slice %arg7[%dma_wait3A_87] : memref<8192xi32, #tpu.memory_space<vmem>> -> memref<2048xi32, #tpu.memory_space<vmem>>
    %dma_wait3A_89 = arith.constant 0 : i32
    %dma_wait3A_90 = tpu.memref_slice %arg8[%dma_wait3A_89] : memref<8192xi32, #tpu.memory_space<vmem>> -> memref<2048xi32, #tpu.memory_space<vmem>>
    %dma_wait3A_91 = arith.constant 0 : i32
    %dma_wait3A_92 = tpu.memref_slice %arg3[%dma_wait3A_91] : memref<4456448xi32, #tpu.memory_space<hbm>> -> memref<4456448xi32, #tpu.memory_space<hbm>>
    tpu.wait_indirect_dma semaphore(%arg13 : memref<!tpu.dma_semaphore, #tpu.memory_space<semaphore_mem>>) src(%dma_wait3A_88 : memref<2048xi32, #tpu.memory_space<vmem>>) dst(%dma_wait3A_92 : memref<4456448xi32, #tpu.memory_space<hbm>>)
    %dma_wait3A_93 = arith.constant 2048 : i32
    %dma_wait3A_94 = tpu.memref_slice %arg7[%dma_wait3A_93] : memref<8192xi32, #tpu.memory_space<vmem>> -> memref<2048xi32, #tpu.memory_space<vmem>>
    %dma_wait3A_95 = arith.constant 2048 : i32
    %dma_wait3A_96 = tpu.memref_slice %arg8[%dma_wait3A_95] : memref<8192xi32, #tpu.memory_space<vmem>> -> memref<2048xi32, #tpu.memory_space<vmem>>
    %dma_wait3A_97 = arith.constant 0 : i32
    %dma_wait3A_98 = tpu.memref_slice %arg3[%dma_wait3A_97] : memref<4456448xi32, #tpu.memory_space<hbm>> -> memref<4456448xi32, #tpu.memory_space<hbm>>
    tpu.wait_indirect_dma semaphore(%arg14 : memref<!tpu.dma_semaphore, #tpu.memory_space<semaphore_mem>>) src(%dma_wait3A_94 : memref<2048xi32, #tpu.memory_space<vmem>>) dst(%dma_wait3A_98 : memref<4456448xi32, #tpu.memory_space<hbm>>)
    %dma_wait3A_99 = arith.constant 4096 : i32
    %dma_wait3A_100 = tpu.memref_slice %arg7[%dma_wait3A_99] : memref<8192xi32, #tpu.memory_space<vmem>> -> memref<2048xi32, #tpu.memory_space<vmem>>
    %dma_wait3A_101 = arith.constant 4096 : i32
    %dma_wait3A_102 = tpu.memref_slice %arg8[%dma_wait3A_101] : memref<8192xi32, #tpu.memory_space<vmem>> -> memref<2048xi32, #tpu.memory_space<vmem>>
    %dma_wait3A_103 = arith.constant 0 : i32
    %dma_wait3A_104 = tpu.memref_slice %arg3[%dma_wait3A_103] : memref<4456448xi32, #tpu.memory_space<hbm>> -> memref<4456448xi32, #tpu.memory_space<hbm>>
    tpu.wait_indirect_dma semaphore(%arg15 : memref<!tpu.dma_semaphore, #tpu.memory_space<semaphore_mem>>) src(%dma_wait3A_100 : memref<2048xi32, #tpu.memory_space<vmem>>) dst(%dma_wait3A_104 : memref<4456448xi32, #tpu.memory_space<hbm>>)
    %dma_wait3A_105 = arith.constant 6144 : i32
    %dma_wait3A_106 = tpu.memref_slice %arg7[%dma_wait3A_105] : memref<8192xi32, #tpu.memory_space<vmem>> -> memref<2048xi32, #tpu.memory_space<vmem>>
    %dma_wait3A_107 = arith.constant 6144 : i32
    %dma_wait3A_108 = tpu.memref_slice %arg8[%dma_wait3A_107] : memref<8192xi32, #tpu.memory_space<vmem>> -> memref<2048xi32, #tpu.memory_space<vmem>>
    %dma_wait3A_109 = arith.constant 0 : i32
    %dma_wait3A_110 = tpu.memref_slice %arg3[%dma_wait3A_109] : memref<4456448xi32, #tpu.memory_space<hbm>> -> memref<4456448xi32, #tpu.memory_space<hbm>>
    tpu.wait_indirect_dma semaphore(%arg16 : memref<!tpu.dma_semaphore, #tpu.memory_space<semaphore_mem>>) src(%dma_wait3A_106 : memref<2048xi32, #tpu.memory_space<vmem>>) dst(%dma_wait3A_110 : memref<4456448xi32, #tpu.memory_space<hbm>>)
    return
  }
}

#map = affine_map<(d0, d1) -> (0, 0)>
#map1 = affine_map<(d0, d1) -> (0)>
module attributes {stable_mosaic.version = 14 : i64} {
  func.func @new_body(%arg0: i32, %arg1: i32, %arg2: memref<4194304x8xf32, #tpu.memory_space<hbm>>, %arg3: memref<262144xi32, #tpu.memory_space<hbm>>, %arg4: memref<4456448xi32, #tpu.memory_space<hbm>>, %arg5: memref<262144x8xf32, #tpu.memory_space<hbm>>, %arg6: memref<4456448xi32, #tpu.memory_space<hbm>>, %arg7: memref<8192xi32, #tpu.memory_space<vmem>>, %arg8: memref<8192x8xf32, #tpu.memory_space<vmem>>, %arg9: memref<8192xi32, #tpu.memory_space<vmem>>, %arg10: memref<!tpu.dma_semaphore, #tpu.memory_space<semaphore_mem>>, %arg11: memref<!tpu.dma_semaphore, #tpu.memory_space<semaphore_mem>>) attributes {dimension_semantics = [#tpu.dimension_semantics<core_parallel>, #tpu.dimension_semantics<subcore_parallel>], iteration_bounds = array<i64: 2, 16>, scalar_prefetch = 0 : i64, scratch_operands = 5 : i64, tpu.core_type = #tpu.core_type<sc_vector_subcore>, window_params = [{transform_indices = #map}, {transform_indices = #map1}, {transform_indices = #map1}, {transform_indices = #map}, {transform_indices = #map1}]} {
    %mul3A = arith.constant 2 : i32
    %mul3A_0 = arith.muli %arg1, %mul3A : i32
    %add3A = arith.addi %mul3A_0, %arg0 : i32
    %mul3A_1 = arith.constant 8192 : i32
    %mul3A_2 = arith.muli %add3A, %mul3A_1 : i32
    "tpu.region"() ({
      %run_scoped3A = tpu.sem_alloc : memref<!tpu.dma_semaphore, #tpu.memory_space<semaphore_mem>>
      %dma_start3A_13 = tpu.memref_slice %arg3[%mul3A_2] : memref<262144xi32, #tpu.memory_space<hbm>> -> memref<8192xi32, #tpu.memory_space<hbm>>
      %dma_start3A_14 = tpu.memref_slice %arg3[%mul3A_2] : memref<262144xi32, #tpu.memory_space<hbm>> -> memref<8192xi32, #tpu.memory_space<hbm>>
      tpu.enqueue_dma source(%dma_start3A_14 : memref<8192xi32, #tpu.memory_space<hbm>>) target(%arg7 : memref<8192xi32, #tpu.memory_space<vmem>>) target_semaphore(%run_scoped3A : memref<!tpu.dma_semaphore, #tpu.memory_space<semaphore_mem>>)
      %dma_wait3A_15 = tpu.memref_slice %arg3[%mul3A_2] : memref<262144xi32, #tpu.memory_space<hbm>> -> memref<8192xi32, #tpu.memory_space<hbm>>
      %dma_wait3A_16 = tpu.memref_slice %arg3[%mul3A_2] : memref<262144xi32, #tpu.memory_space<hbm>> -> memref<8192xi32, #tpu.memory_space<hbm>>
      tpu.wait_dma2 semaphore(%run_scoped3A : memref<!tpu.dma_semaphore, #tpu.memory_space<semaphore_mem>>) src(%dma_wait3A_16 : memref<8192xi32, #tpu.memory_space<hbm>>) dst(%arg7 : memref<8192xi32, #tpu.memory_space<vmem>>)
      tpu.yield
    }) : () -> ()
    %parallel_loop3A = arith.constant 0 : i32
    %parallel_loop3A_3 = arith.constant 512 : i32
    %parallel_loop3A_4 = arith.constant 1 : i32
    scf.for %parallel_loop3A_13 = %parallel_loop3A to %parallel_loop3A_3 step %parallel_loop3A_4  : i32 {
      %parallel_loop3A_14 = arith.constant 16 : i32
      %parallel_loop3A_15 = arith.muli %parallel_loop3A_13, %parallel_loop3A_14 : i32
      %parallel_loop3A_16 = tpu.assume_multiple %parallel_loop3A_15, 16 : i32
      %parallel_loop3A_17 = arith.constant 16 : i32
      %parallel_loop3A_18 = arith.muli %parallel_loop3A_13, %parallel_loop3A_17 : i32
      %parallel_loop3A_19 = arith.addi %mul3A_2, %parallel_loop3A_18 : i32
      %parallel_loop3A_20 = tpu.iota {dimensions = array<i32: 0>} : vector<16xi32>
      %parallel_loop3A_21 = vector.broadcast %parallel_loop3A_19 : i32 to vector<16xi32>
      %parallel_loop3A_22 = arith.addi %parallel_loop3A_21, %parallel_loop3A_20 : vector<16xi32>
      %parallel_loop3A_23 = arith.index_cast %parallel_loop3A_16 : i32 to index
      %parallel_loop3A_24 = tpu.vector_load %arg9[%parallel_loop3A_23] {strides = array<i32>} : memref<8192xi32, #tpu.memory_space<vmem>>, vector<16xi32>,
      %parallel_loop3A_25 = vector.shape_cast %parallel_loop3A_24 : vector<16xi32> to vector<16xi32>
      %parallel_loop3A_26 = vector.shape_cast %parallel_loop3A_22 : vector<16xi32> to vector<16xi32>
      tpu.vector_store %arg9[%parallel_loop3A_23], %parallel_loop3A_26 {strides = array<i32>} : memref<8192xi32, #tpu.memory_space<vmem>>, vector<16xi32>,
    } {sc.loop_unroll_factor = 8 : i64, sc.parallel_access}
    %dma_start3A = arith.constant 0 : i32
    %dma_start3A_5 = arith.constant 0 : i32
    %dma_start3A_6 = tpu.memref_slice %arg2[%dma_start3A, %dma_start3A_5] : memref<4194304x8xf32, #tpu.memory_space<hbm>> -> memref<4194304x8xf32, #tpu.memory_space<hbm>>
    tpu.enqueue_indirect_dma source(%dma_start3A_6 : memref<4194304x8xf32, #tpu.memory_space<hbm>>) target(%arg8 : memref<8192x8xf32, #tpu.memory_space<vmem>>) offsets(%arg7 : memref<8192xi32, #tpu.memory_space<vmem>>) semaphore(%arg10 : memref<!tpu.dma_semaphore, #tpu.memory_space<semaphore_mem>>)
    %dma_start3A_7 = arith.constant 0 : i32
    %dma_start3A_8 = tpu.memref_slice %arg4[%dma_start3A_7] : memref<4456448xi32, #tpu.memory_space<hbm>> -> memref<4456448xi32, #tpu.memory_space<hbm>>
    tpu.enqueue_indirect_dma source(%arg9 : memref<8192xi32, #tpu.memory_space<vmem>>) target(%dma_start3A_8 : memref<4456448xi32, #tpu.memory_space<hbm>>) offsets(%arg7 : memref<8192xi32, #tpu.memory_space<vmem>>) semaphore(%arg11 : memref<!tpu.dma_semaphore, #tpu.memory_space<semaphore_mem>>)
    %dma_wait3A = arith.constant 0 : i32
    %dma_wait3A_9 = arith.constant 0 : i32
    %dma_wait3A_10 = tpu.memref_slice %arg2[%dma_wait3A, %dma_wait3A_9] : memref<4194304x8xf32, #tpu.memory_space<hbm>> -> memref<4194304x8xf32, #tpu.memory_space<hbm>>
    tpu.wait_indirect_dma semaphore(%arg10 : memref<!tpu.dma_semaphore, #tpu.memory_space<semaphore_mem>>) src(%dma_wait3A_10 : memref<4194304x8xf32, #tpu.memory_space<hbm>>) dst(%arg8 : memref<8192x8xf32, #tpu.memory_space<vmem>>)
    "tpu.region"() ({
      %run_scoped3A = tpu.sem_alloc : memref<!tpu.dma_semaphore, #tpu.memory_space<semaphore_mem>>
      %dma_start3A_13 = arith.constant 0 : i32
      %dma_start3A_14 = tpu.memref_slice %arg5[%mul3A_2, %dma_start3A_13] : memref<262144x8xf32, #tpu.memory_space<hbm>> -> memref<8192x8xf32, #tpu.memory_space<hbm>>
      %dma_start3A_15 = arith.constant 0 : i32
      %dma_start3A_16 = tpu.memref_slice %arg5[%mul3A_2, %dma_start3A_15] : memref<262144x8xf32, #tpu.memory_space<hbm>> -> memref<8192x8xf32, #tpu.memory_space<hbm>>
      tpu.enqueue_dma source(%arg8 : memref<8192x8xf32, #tpu.memory_space<vmem>>) target(%dma_start3A_16 : memref<8192x8xf32, #tpu.memory_space<hbm>>) target_semaphore(%run_scoped3A : memref<!tpu.dma_semaphore, #tpu.memory_space<semaphore_mem>>)
      %dma_wait3A_17 = arith.constant 0 : i32
      %dma_wait3A_18 = tpu.memref_slice %arg5[%mul3A_2, %dma_wait3A_17] : memref<262144x8xf32, #tpu.memory_space<hbm>> -> memref<8192x8xf32, #tpu.memory_space<hbm>>
      %dma_wait3A_19 = arith.constant 0 : i32
      %dma_wait3A_20 = tpu.memref_slice %arg5[%mul3A_2, %dma_wait3A_19] : memref<262144x8xf32, #tpu.memory_space<hbm>> -> memref<8192x8xf32, #tpu.memory_space<hbm>>
      tpu.wait_dma2 semaphore(%run_scoped3A : memref<!tpu.dma_semaphore, #tpu.memory_space<semaphore_mem>>) src(%arg8 : memref<8192x8xf32, #tpu.memory_space<vmem>>) dst(%dma_wait3A_20 : memref<8192x8xf32, #tpu.memory_space<hbm>>)
      tpu.yield
    }) : () -> ()
    %dma_wait3A_11 = arith.constant 0 : i32
    %dma_wait3A_12 = tpu.memref_slice %arg4[%dma_wait3A_11] : memref<4456448xi32, #tpu.memory_space<hbm>> -> memref<4456448xi32, #tpu.memory_space<hbm>>
    tpu.wait_indirect_dma semaphore(%arg11 : memref<!tpu.dma_semaphore, #tpu.memory_space<semaphore_mem>>) src(%arg9 : memref<8192xi32, #tpu.memory_space<vmem>>) dst(%dma_wait3A_12 : memref<4456448xi32, #tpu.memory_space<hbm>>)
    return
  }
}

#map = affine_map<(d0, d1) -> (0)>
module attributes {stable_mosaic.version = 14 : i64} {
  func.func @new_body(%arg0: i32, %arg1: i32, %arg2: memref<262144xi32, #tpu.memory_space<hbm>>, %arg3: memref<4456448xi32, #tpu.memory_space<hbm>>, %arg4: memref<4456448xi32, #tpu.memory_space<hbm>>, %arg5: memref<8192xi32, #tpu.memory_space<vmem>>, %arg6: memref<8192xi32, #tpu.memory_space<vmem>>, %arg7: memref<8192xi32, #tpu.memory_space<vmem>>, %arg8: memref<8192xi32, #tpu.memory_space<vmem>>, %arg9: memref<!tpu.dma_semaphore, #tpu.memory_space<semaphore_mem>>, %arg10: memref<!tpu.dma_semaphore, #tpu.memory_space<semaphore_mem>>, %arg11: memref<!tpu.dma_semaphore, #tpu.memory_space<semaphore_mem>>, %arg12: memref<!tpu.dma_semaphore, #tpu.memory_space<semaphore_mem>>, %arg13: memref<!tpu.dma_semaphore, #tpu.memory_space<semaphore_mem>>, %arg14: memref<!tpu.dma_semaphore, #tpu.memory_space<semaphore_mem>>, %arg15: memref<!tpu.dma_semaphore, #tpu.memory_space<semaphore_mem>>, %arg16: memref<!tpu.dma_semaphore, #tpu.memory_space<semaphore_mem>>) attributes {dimension_semantics = [#tpu.dimension_semantics<core_parallel>, #tpu.dimension_semantics<subcore_parallel>], iteration_bounds = array<i64: 2, 16>, scalar_prefetch = 0 : i64, scratch_operands = 12 : i64, tpu.core_type = #tpu.core_type<sc_vector_subcore>, window_params = [{transform_indices = #map}, {transform_indices = #map}, {transform_indices = #map}]} {
    %mul3A = arith.constant 2 : i32
    %mul3A_0 = arith.muli %arg1, %mul3A : i32
    %add3A = arith.addi %mul3A_0, %arg0 : i32
    %mul3A_1 = arith.constant 8192 : i32
    %mul3A_2 = arith.muli %add3A, %mul3A_1 : i32
    "tpu.region"() ({
      %run_scoped3A = tpu.sem_alloc : memref<!tpu.dma_semaphore, #tpu.memory_space<semaphore_mem>>
      %dma_start3A_111 = tpu.memref_slice %arg2[%mul3A_2] : memref<262144xi32, #tpu.memory_space<hbm>> -> memref<8192xi32, #tpu.memory_space<hbm>>
      %dma_start3A_112 = tpu.memref_slice %arg2[%mul3A_2] : memref<262144xi32, #tpu.memory_space<hbm>> -> memref<8192xi32, #tpu.memory_space<hbm>>
      tpu.enqueue_dma source(%dma_start3A_112 : memref<8192xi32, #tpu.memory_space<hbm>>) target(%arg5 : memref<8192xi32, #tpu.memory_space<vmem>>) target_semaphore(%run_scoped3A : memref<!tpu.dma_semaphore, #tpu.memory_space<semaphore_mem>>)
      %dma_wait3A_113 = tpu.memref_slice %arg2[%mul3A_2] : memref<262144xi32, #tpu.memory_space<hbm>> -> memref<8192xi32, #tpu.memory_space<hbm>>
      %dma_wait3A_114 = tpu.memref_slice %arg2[%mul3A_2] : memref<262144xi32, #tpu.memory_space<hbm>> -> memref<8192xi32, #tpu.memory_space<hbm>>
      tpu.wait_dma2 semaphore(%run_scoped3A : memref<!tpu.dma_semaphore, #tpu.memory_space<semaphore_mem>>) src(%dma_wait3A_114 : memref<8192xi32, #tpu.memory_space<hbm>>) dst(%arg5 : memref<8192xi32, #tpu.memory_space<vmem>>)
      tpu.yield
    }) : () -> ()
    %parallel_loop3A = arith.constant 0 : i32
    %parallel_loop3A_3 = arith.constant 512 : i32
    %parallel_loop3A_4 = arith.constant 1 : i32
    scf.for %parallel_loop3A_111 = %parallel_loop3A to %parallel_loop3A_3 step %parallel_loop3A_4  : i32 {
      %parallel_loop3A_112 = arith.constant 16 : i32
      %parallel_loop3A_113 = arith.muli %parallel_loop3A_111, %parallel_loop3A_112 : i32
      %parallel_loop3A_114 = tpu.assume_multiple %parallel_loop3A_113, 16 : i32
      %parallel_loop3A_115 = arith.constant 16 : i32
      %parallel_loop3A_116 = arith.muli %parallel_loop3A_111, %parallel_loop3A_115 : i32
      %parallel_loop3A_117 = arith.addi %mul3A_2, %parallel_loop3A_116 : i32
      %parallel_loop3A_118 = tpu.iota {dimensions = array<i32: 0>} : vector<16xi32>
      %parallel_loop3A_119 = vector.broadcast %parallel_loop3A_117 : i32 to vector<16xi32>
      %parallel_loop3A_120 = arith.addi %parallel_loop3A_119, %parallel_loop3A_118 : vector<16xi32>
      %parallel_loop3A_121 = arith.index_cast %parallel_loop3A_114 : i32 to index
      %parallel_loop3A_122 = tpu.vector_load %arg7[%parallel_loop3A_121] {strides = array<i32>} : memref<8192xi32, #tpu.memory_space<vmem>>, vector<16xi32>,
      %parallel_loop3A_123 = vector.shape_cast %parallel_loop3A_122 : vector<16xi32> to vector<16xi32>
      %parallel_loop3A_124 = vector.shape_cast %parallel_loop3A_120 : vector<16xi32> to vector<16xi32>
      tpu.vector_store %arg7[%parallel_loop3A_121], %parallel_loop3A_124 {strides = array<i32>} : memref<8192xi32, #tpu.memory_space<vmem>>, vector<16xi32>,
    } {sc.loop_unroll_factor = 8 : i64, sc.parallel_access}
    %dma_start3A = arith.constant 0 : i32
    %dma_start3A_5 = tpu.memref_slice %arg6[%dma_start3A] : memref<8192xi32, #tpu.memory_space<vmem>> -> memref<2048xi32, #tpu.memory_space<vmem>>
    %dma_start3A_6 = arith.constant 0 : i32
    %dma_start3A_7 = tpu.memref_slice %arg5[%dma_start3A_6] : memref<8192xi32, #tpu.memory_space<vmem>> -> memref<2048xi32, #tpu.memory_space<vmem>>
    %dma_start3A_8 = arith.constant 0 : i32
    %dma_start3A_9 = tpu.memref_slice %arg3[%dma_start3A_8] : memref<4456448xi32, #tpu.memory_space<hbm>> -> memref<4456448xi32, #tpu.memory_space<hbm>>
    tpu.enqueue_indirect_dma source(%dma_start3A_9 : memref<4456448xi32, #tpu.memory_space<hbm>>) target(%dma_start3A_5 : memref<2048xi32, #tpu.memory_space<vmem>>) offsets(%dma_start3A_7 : memref<2048xi32, #tpu.memory_space<vmem>>) semaphore(%arg9 : memref<!tpu.dma_semaphore, #tpu.memory_space<semaphore_mem>>)
    %dma_start3A_10 = arith.constant 2048 : i32
    %dma_start3A_11 = tpu.memref_slice %arg6[%dma_start3A_10] : memref<8192xi32, #tpu.memory_space<vmem>> -> memref<2048xi32, #tpu.memory_space<vmem>>
    %dma_start3A_12 = arith.constant 2048 : i32
    %dma_start3A_13 = tpu.memref_slice %arg5[%dma_start3A_12] : memref<8192xi32, #tpu.memory_space<vmem>> -> memref<2048xi32, #tpu.memory_space<vmem>>
    %dma_start3A_14 = arith.constant 0 : i32
    %dma_start3A_15 = tpu.memref_slice %arg3[%dma_start3A_14] : memref<4456448xi32, #tpu.memory_space<hbm>> -> memref<4456448xi32, #tpu.memory_space<hbm>>
    tpu.enqueue_indirect_dma source(%dma_start3A_15 : memref<4456448xi32, #tpu.memory_space<hbm>>) target(%dma_start3A_11 : memref<2048xi32, #tpu.memory_space<vmem>>) offsets(%dma_start3A_13 : memref<2048xi32, #tpu.memory_space<vmem>>) semaphore(%arg10 : memref<!tpu.dma_semaphore, #tpu.memory_space<semaphore_mem>>)
    %dma_start3A_16 = arith.constant 4096 : i32
    %dma_start3A_17 = tpu.memref_slice %arg6[%dma_start3A_16] : memref<8192xi32, #tpu.memory_space<vmem>> -> memref<2048xi32, #tpu.memory_space<vmem>>
    %dma_start3A_18 = arith.constant 4096 : i32
    %dma_start3A_19 = tpu.memref_slice %arg5[%dma_start3A_18] : memref<8192xi32, #tpu.memory_space<vmem>> -> memref<2048xi32, #tpu.memory_space<vmem>>
    %dma_start3A_20 = arith.constant 0 : i32
    %dma_start3A_21 = tpu.memref_slice %arg3[%dma_start3A_20] : memref<4456448xi32, #tpu.memory_space<hbm>> -> memref<4456448xi32, #tpu.memory_space<hbm>>
    tpu.enqueue_indirect_dma source(%dma_start3A_21 : memref<4456448xi32, #tpu.memory_space<hbm>>) target(%dma_start3A_17 : memref<2048xi32, #tpu.memory_space<vmem>>) offsets(%dma_start3A_19 : memref<2048xi32, #tpu.memory_space<vmem>>) semaphore(%arg11 : memref<!tpu.dma_semaphore, #tpu.memory_space<semaphore_mem>>)
    %dma_start3A_22 = arith.constant 6144 : i32
    %dma_start3A_23 = tpu.memref_slice %arg6[%dma_start3A_22] : memref<8192xi32, #tpu.memory_space<vmem>> -> memref<2048xi32, #tpu.memory_space<vmem>>
    %dma_start3A_24 = arith.constant 6144 : i32
    %dma_start3A_25 = tpu.memref_slice %arg5[%dma_start3A_24] : memref<8192xi32, #tpu.memory_space<vmem>> -> memref<2048xi32, #tpu.memory_space<vmem>>
    %dma_start3A_26 = arith.constant 0 : i32
    %dma_start3A_27 = tpu.memref_slice %arg3[%dma_start3A_26] : memref<4456448xi32, #tpu.memory_space<hbm>> -> memref<4456448xi32, #tpu.memory_space<hbm>>
    tpu.enqueue_indirect_dma source(%dma_start3A_27 : memref<4456448xi32, #tpu.memory_space<hbm>>) target(%dma_start3A_23 : memref<2048xi32, #tpu.memory_space<vmem>>) offsets(%dma_start3A_25 : memref<2048xi32, #tpu.memory_space<vmem>>) semaphore(%arg12 : memref<!tpu.dma_semaphore, #tpu.memory_space<semaphore_mem>>)
    %dma_wait3A = arith.constant 0 : i32
    %dma_wait3A_28 = tpu.memref_slice %arg6[%dma_wait3A] : memref<8192xi32, #tpu.memory_space<vmem>> -> memref<2048xi32, #tpu.memory_space<vmem>>
    %dma_wait3A_29 = arith.constant 0 : i32
    %dma_wait3A_30 = tpu.memref_slice %arg5[%dma_wait3A_29] : memref<8192xi32, #tpu.memory_space<vmem>> -> memref<2048xi32, #tpu.memory_space<vmem>>
    %dma_wait3A_31 = arith.constant 0 : i32
    %dma_wait3A_32 = tpu.memref_slice %arg3[%dma_wait3A_31] : memref<4456448xi32, #tpu.memory_space<hbm>> -> memref<4456448xi32, #tpu.memory_space<hbm>>
    tpu.wait_indirect_dma semaphore(%arg9 : memref<!tpu.dma_semaphore, #tpu.memory_space<semaphore_mem>>) src(%dma_wait3A_32 : memref<4456448xi32, #tpu.memory_space<hbm>>) dst(%dma_wait3A_28 : memref<2048xi32, #tpu.memory_space<vmem>>)
    %parallel_loop3A_33 = arith.constant 0 : i32
    %parallel_loop3A_34 = arith.constant 128 : i32
    %parallel_loop3A_35 = arith.constant 1 : i32
    scf.for %parallel_loop3A_111 = %parallel_loop3A_33 to %parallel_loop3A_34 step %parallel_loop3A_35  : i32 {
      %parallel_loop3A_112 = arith.constant 16 : i32
      %parallel_loop3A_113 = arith.muli %parallel_loop3A_111, %parallel_loop3A_112 : i32
      %parallel_loop3A_114 = tpu.assume_multiple %parallel_loop3A_113, 16 : i32
      %parallel_loop3A_115 = arith.index_cast %parallel_loop3A_114 : i32 to index
      %parallel_loop3A_116 = tpu.vector_load %arg6[%parallel_loop3A_115] {strides = array<i32>} : memref<8192xi32, #tpu.memory_space<vmem>>, vector<16xi32>,
      %parallel_loop3A_117 = vector.shape_cast %parallel_loop3A_116 : vector<16xi32> to vector<16xi32>
      %parallel_loop3A_118 = arith.index_cast %parallel_loop3A_114 : i32 to index
      %parallel_loop3A_119 = tpu.vector_load %arg7[%parallel_loop3A_118] {strides = array<i32>} : memref<8192xi32, #tpu.memory_space<vmem>>, vector<16xi32>,
      %parallel_loop3A_120 = vector.shape_cast %parallel_loop3A_119 : vector<16xi32> to vector<16xi32>
      %parallel_loop3A_121 = arith.index_cast %parallel_loop3A_114 : i32 to index
      %parallel_loop3A_122 = tpu.vector_load %arg5[%parallel_loop3A_121] {strides = array<i32>} : memref<8192xi32, #tpu.memory_space<vmem>>, vector<16xi32>,
      %parallel_loop3A_123 = vector.shape_cast %parallel_loop3A_122 : vector<16xi32> to vector<16xi32>
      %parallel_loop3A_124 = arith.cmpi slt, %parallel_loop3A_117, %parallel_loop3A_120 : vector<16xi32>
      %parallel_loop3A_125 = arith.constant 4194304 : i32
      %parallel_loop3A_126 = vector.broadcast %parallel_loop3A_125 : i32 to vector<16xi32>
      %parallel_loop3A_127 = arith.addi %parallel_loop3A_126, %parallel_loop3A_120 : vector<16xi32>
      %parallel_loop3A_128 = arith.select %parallel_loop3A_124, %parallel_loop3A_123, %parallel_loop3A_127 : vector<16xi1>, vector<16xi32>
      %parallel_loop3A_129 = arith.index_cast %parallel_loop3A_114 : i32 to index
      %parallel_loop3A_130 = tpu.vector_load %arg8[%parallel_loop3A_129] {strides = array<i32>} : memref<8192xi32, #tpu.memory_space<vmem>>, vector<16xi32>,
      %parallel_loop3A_131 = vector.shape_cast %parallel_loop3A_130 : vector<16xi32> to vector<16xi32>
      %parallel_loop3A_132 = vector.shape_cast %parallel_loop3A_128 : vector<16xi32> to vector<16xi32>
      tpu.vector_store %arg8[%parallel_loop3A_129], %parallel_loop3A_132 {strides = array<i32>} : memref<8192xi32, #tpu.memory_space<vmem>>, vector<16xi32>,
    } {sc.loop_unroll_factor = 8 : i64, sc.parallel_access}
    %dma_start3A_36 = arith.constant 0 : i32
    %dma_start3A_37 = tpu.memref_slice %arg7[%dma_start3A_36] : memref<8192xi32, #tpu.memory_space<vmem>> -> memref<2048xi32, #tpu.memory_space<vmem>>
    %dma_start3A_38 = arith.constant 0 : i32
    %dma_start3A_39 = tpu.memref_slice %arg8[%dma_start3A_38] : memref<8192xi32, #tpu.memory_space<vmem>> -> memref<2048xi32, #tpu.memory_space<vmem>>
    %dma_start3A_40 = arith.constant 0 : i32
    %dma_start3A_41 = tpu.memref_slice %arg3[%dma_start3A_40] : memref<4456448xi32, #tpu.memory_space<hbm>> -> memref<4456448xi32, #tpu.memory_space<hbm>>
    tpu.enqueue_indirect_dma source(%dma_start3A_37 : memref<2048xi32, #tpu.memory_space<vmem>>) target(%dma_start3A_41 : memref<4456448xi32, #tpu.memory_space<hbm>>) offsets(%dma_start3A_39 : memref<2048xi32, #tpu.memory_space<vmem>>) semaphore(%arg13 : memref<!tpu.dma_semaphore, #tpu.memory_space<semaphore_mem>>)
    %dma_wait3A_42 = arith.constant 2048 : i32
    %dma_wait3A_43 = tpu.memref_slice %arg6[%dma_wait3A_42] : memref<8192xi32, #tpu.memory_space<vmem>> -> memref<2048xi32, #tpu.memory_space<vmem>>
    %dma_wait3A_44 = arith.constant 2048 : i32
    %dma_wait3A_45 = tpu.memref_slice %arg5[%dma_wait3A_44] : memref<8192xi32, #tpu.memory_space<vmem>> -> memref<2048xi32, #tpu.memory_space<vmem>>
    %dma_wait3A_46 = arith.constant 0 : i32
    %dma_wait3A_47 = tpu.memref_slice %arg3[%dma_wait3A_46] : memref<4456448xi32, #tpu.memory_space<hbm>> -> memref<4456448xi32, #tpu.memory_space<hbm>>
    tpu.wait_indirect_dma semaphore(%arg10 : memref<!tpu.dma_semaphore, #tpu.memory_space<semaphore_mem>>) src(%dma_wait3A_47 : memref<4456448xi32, #tpu.memory_space<hbm>>) dst(%dma_wait3A_43 : memref<2048xi32, #tpu.memory_space<vmem>>)
    %parallel_loop3A_48 = arith.constant 128 : i32
    %parallel_loop3A_49 = arith.constant 256 : i32
    %parallel_loop3A_50 = arith.constant 1 : i32
    scf.for %parallel_loop3A_111 = %parallel_loop3A_48 to %parallel_loop3A_49 step %parallel_loop3A_50  : i32 {
      %parallel_loop3A_112 = arith.constant 16 : i32
      %parallel_loop3A_113 = arith.muli %parallel_loop3A_111, %parallel_loop3A_112 : i32
      %parallel_loop3A_114 = tpu.assume_multiple %parallel_loop3A_113, 16 : i32
      %parallel_loop3A_115 = arith.index_cast %parallel_loop3A_114 : i32 to index
      %parallel_loop3A_116 = tpu.vector_load %arg6[%parallel_loop3A_115] {strides = array<i32>} : memref<8192xi32, #tpu.memory_space<vmem>>, vector<16xi32>,
      %parallel_loop3A_117 = vector.shape_cast %parallel_loop3A_116 : vector<16xi32> to vector<16xi32>
      %parallel_loop3A_118 = arith.index_cast %parallel_loop3A_114 : i32 to index
      %parallel_loop3A_119 = tpu.vector_load %arg7[%parallel_loop3A_118] {strides = array<i32>} : memref<8192xi32, #tpu.memory_space<vmem>>, vector<16xi32>,
      %parallel_loop3A_120 = vector.shape_cast %parallel_loop3A_119 : vector<16xi32> to vector<16xi32>
      %parallel_loop3A_121 = arith.index_cast %parallel_loop3A_114 : i32 to index
      %parallel_loop3A_122 = tpu.vector_load %arg5[%parallel_loop3A_121] {strides = array<i32>} : memref<8192xi32, #tpu.memory_space<vmem>>, vector<16xi32>,
      %parallel_loop3A_123 = vector.shape_cast %parallel_loop3A_122 : vector<16xi32> to vector<16xi32>
      %parallel_loop3A_124 = arith.cmpi slt, %parallel_loop3A_117, %parallel_loop3A_120 : vector<16xi32>
      %parallel_loop3A_125 = arith.constant 4194304 : i32
      %parallel_loop3A_126 = vector.broadcast %parallel_loop3A_125 : i32 to vector<16xi32>
      %parallel_loop3A_127 = arith.addi %parallel_loop3A_126, %parallel_loop3A_120 : vector<16xi32>
      %parallel_loop3A_128 = arith.select %parallel_loop3A_124, %parallel_loop3A_123, %parallel_loop3A_127 : vector<16xi1>, vector<16xi32>
      %parallel_loop3A_129 = arith.index_cast %parallel_loop3A_114 : i32 to index
      %parallel_loop3A_130 = tpu.vector_load %arg8[%parallel_loop3A_129] {strides = array<i32>} : memref<8192xi32, #tpu.memory_space<vmem>>, vector<16xi32>,
      %parallel_loop3A_131 = vector.shape_cast %parallel_loop3A_130 : vector<16xi32> to vector<16xi32>
      %parallel_loop3A_132 = vector.shape_cast %parallel_loop3A_128 : vector<16xi32> to vector<16xi32>
      tpu.vector_store %arg8[%parallel_loop3A_129], %parallel_loop3A_132 {strides = array<i32>} : memref<8192xi32, #tpu.memory_space<vmem>>, vector<16xi32>,
    } {sc.loop_unroll_factor = 8 : i64, sc.parallel_access}
    %dma_start3A_51 = arith.constant 2048 : i32
    %dma_start3A_52 = tpu.memref_slice %arg7[%dma_start3A_51] : memref<8192xi32, #tpu.memory_space<vmem>> -> memref<2048xi32, #tpu.memory_space<vmem>>
    %dma_start3A_53 = arith.constant 2048 : i32
    %dma_start3A_54 = tpu.memref_slice %arg8[%dma_start3A_53] : memref<8192xi32, #tpu.memory_space<vmem>> -> memref<2048xi32, #tpu.memory_space<vmem>>
    %dma_start3A_55 = arith.constant 0 : i32
    %dma_start3A_56 = tpu.memref_slice %arg3[%dma_start3A_55] : memref<4456448xi32, #tpu.memory_space<hbm>> -> memref<4456448xi32, #tpu.memory_space<hbm>>
    tpu.enqueue_indirect_dma source(%dma_start3A_52 : memref<2048xi32, #tpu.memory_space<vmem>>) target(%dma_start3A_56 : memref<4456448xi32, #tpu.memory_space<hbm>>) offsets(%dma_start3A_54 : memref<2048xi32, #tpu.memory_space<vmem>>) semaphore(%arg14 : memref<!tpu.dma_semaphore, #tpu.memory_space<semaphore_mem>>)
    %dma_wait3A_57 = arith.constant 4096 : i32
    %dma_wait3A_58 = tpu.memref_slice %arg6[%dma_wait3A_57] : memref<8192xi32, #tpu.memory_space<vmem>> -> memref<2048xi32, #tpu.memory_space<vmem>>
    %dma_wait3A_59 = arith.constant 4096 : i32
    %dma_wait3A_60 = tpu.memref_slice %arg5[%dma_wait3A_59] : memref<8192xi32, #tpu.memory_space<vmem>> -> memref<2048xi32, #tpu.memory_space<vmem>>
    %dma_wait3A_61 = arith.constant 0 : i32
    %dma_wait3A_62 = tpu.memref_slice %arg3[%dma_wait3A_61] : memref<4456448xi32, #tpu.memory_space<hbm>> -> memref<4456448xi32, #tpu.memory_space<hbm>>
    tpu.wait_indirect_dma semaphore(%arg11 : memref<!tpu.dma_semaphore, #tpu.memory_space<semaphore_mem>>) src(%dma_wait3A_62 : memref<4456448xi32, #tpu.memory_space<hbm>>) dst(%dma_wait3A_58 : memref<2048xi32, #tpu.memory_space<vmem>>)
    %parallel_loop3A_63 = arith.constant 256 : i32
    %parallel_loop3A_64 = arith.constant 384 : i32
    %parallel_loop3A_65 = arith.constant 1 : i32
    scf.for %parallel_loop3A_111 = %parallel_loop3A_63 to %parallel_loop3A_64 step %parallel_loop3A_65  : i32 {
      %parallel_loop3A_112 = arith.constant 16 : i32
      %parallel_loop3A_113 = arith.muli %parallel_loop3A_111, %parallel_loop3A_112 : i32
      %parallel_loop3A_114 = tpu.assume_multiple %parallel_loop3A_113, 16 : i32
      %parallel_loop3A_115 = arith.index_cast %parallel_loop3A_114 : i32 to index
      %parallel_loop3A_116 = tpu.vector_load %arg6[%parallel_loop3A_115] {strides = array<i32>} : memref<8192xi32, #tpu.memory_space<vmem>>, vector<16xi32>,
      %parallel_loop3A_117 = vector.shape_cast %parallel_loop3A_116 : vector<16xi32> to vector<16xi32>
      %parallel_loop3A_118 = arith.index_cast %parallel_loop3A_114 : i32 to index
      %parallel_loop3A_119 = tpu.vector_load %arg7[%parallel_loop3A_118] {strides = array<i32>} : memref<8192xi32, #tpu.memory_space<vmem>>, vector<16xi32>,
      %parallel_loop3A_120 = vector.shape_cast %parallel_loop3A_119 : vector<16xi32> to vector<16xi32>
      %parallel_loop3A_121 = arith.index_cast %parallel_loop3A_114 : i32 to index
      %parallel_loop3A_122 = tpu.vector_load %arg5[%parallel_loop3A_121] {strides = array<i32>} : memref<8192xi32, #tpu.memory_space<vmem>>, vector<16xi32>,
      %parallel_loop3A_123 = vector.shape_cast %parallel_loop3A_122 : vector<16xi32> to vector<16xi32>
      %parallel_loop3A_124 = arith.cmpi slt, %parallel_loop3A_117, %parallel_loop3A_120 : vector<16xi32>
      %parallel_loop3A_125 = arith.constant 4194304 : i32
      %parallel_loop3A_126 = vector.broadcast %parallel_loop3A_125 : i32 to vector<16xi32>
      %parallel_loop3A_127 = arith.addi %parallel_loop3A_126, %parallel_loop3A_120 : vector<16xi32>
      %parallel_loop3A_128 = arith.select %parallel_loop3A_124, %parallel_loop3A_123, %parallel_loop3A_127 : vector<16xi1>, vector<16xi32>
      %parallel_loop3A_129 = arith.index_cast %parallel_loop3A_114 : i32 to index
      %parallel_loop3A_130 = tpu.vector_load %arg8[%parallel_loop3A_129] {strides = array<i32>} : memref<8192xi32, #tpu.memory_space<vmem>>, vector<16xi32>,
      %parallel_loop3A_131 = vector.shape_cast %parallel_loop3A_130 : vector<16xi32> to vector<16xi32>
      %parallel_loop3A_132 = vector.shape_cast %parallel_loop3A_128 : vector<16xi32> to vector<16xi32>
      tpu.vector_store %arg8[%parallel_loop3A_129], %parallel_loop3A_132 {strides = array<i32>} : memref<8192xi32, #tpu.memory_space<vmem>>, vector<16xi32>,
    } {sc.loop_unroll_factor = 8 : i64, sc.parallel_access}
    %dma_start3A_66 = arith.constant 4096 : i32
    %dma_start3A_67 = tpu.memref_slice %arg7[%dma_start3A_66] : memref<8192xi32, #tpu.memory_space<vmem>> -> memref<2048xi32, #tpu.memory_space<vmem>>
    %dma_start3A_68 = arith.constant 4096 : i32
    %dma_start3A_69 = tpu.memref_slice %arg8[%dma_start3A_68] : memref<8192xi32, #tpu.memory_space<vmem>> -> memref<2048xi32, #tpu.memory_space<vmem>>
    %dma_start3A_70 = arith.constant 0 : i32
    %dma_start3A_71 = tpu.memref_slice %arg3[%dma_start3A_70] : memref<4456448xi32, #tpu.memory_space<hbm>> -> memref<4456448xi32, #tpu.memory_space<hbm>>
    tpu.enqueue_indirect_dma source(%dma_start3A_67 : memref<2048xi32, #tpu.memory_space<vmem>>) target(%dma_start3A_71 : memref<4456448xi32, #tpu.memory_space<hbm>>) offsets(%dma_start3A_69 : memref<2048xi32, #tpu.memory_space<vmem>>) semaphore(%arg15 : memref<!tpu.dma_semaphore, #tpu.memory_space<semaphore_mem>>)
    %dma_wait3A_72 = arith.constant 6144 : i32
    %dma_wait3A_73 = tpu.memref_slice %arg6[%dma_wait3A_72] : memref<8192xi32, #tpu.memory_space<vmem>> -> memref<2048xi32, #tpu.memory_space<vmem>>
    %dma_wait3A_74 = arith.constant 6144 : i32
    %dma_wait3A_75 = tpu.memref_slice %arg5[%dma_wait3A_74] : memref<8192xi32, #tpu.memory_space<vmem>> -> memref<2048xi32, #tpu.memory_space<vmem>>
    %dma_wait3A_76 = arith.constant 0 : i32
    %dma_wait3A_77 = tpu.memref_slice %arg3[%dma_wait3A_76] : memref<4456448xi32, #tpu.memory_space<hbm>> -> memref<4456448xi32, #tpu.memory_space<hbm>>
    tpu.wait_indirect_dma semaphore(%arg12 : memref<!tpu.dma_semaphore, #tpu.memory_space<semaphore_mem>>) src(%dma_wait3A_77 : memref<4456448xi32, #tpu.memory_space<hbm>>) dst(%dma_wait3A_73 : memref<2048xi32, #tpu.memory_space<vmem>>)
    %parallel_loop3A_78 = arith.constant 384 : i32
    %parallel_loop3A_79 = arith.constant 512 : i32
    %parallel_loop3A_80 = arith.constant 1 : i32
    scf.for %parallel_loop3A_111 = %parallel_loop3A_78 to %parallel_loop3A_79 step %parallel_loop3A_80  : i32 {
      %parallel_loop3A_112 = arith.constant 16 : i32
      %parallel_loop3A_113 = arith.muli %parallel_loop3A_111, %parallel_loop3A_112 : i32
      %parallel_loop3A_114 = tpu.assume_multiple %parallel_loop3A_113, 16 : i32
      %parallel_loop3A_115 = arith.index_cast %parallel_loop3A_114 : i32 to index
      %parallel_loop3A_116 = tpu.vector_load %arg6[%parallel_loop3A_115] {strides = array<i32>} : memref<8192xi32, #tpu.memory_space<vmem>>, vector<16xi32>,
      %parallel_loop3A_117 = vector.shape_cast %parallel_loop3A_116 : vector<16xi32> to vector<16xi32>
      %parallel_loop3A_118 = arith.index_cast %parallel_loop3A_114 : i32 to index
      %parallel_loop3A_119 = tpu.vector_load %arg7[%parallel_loop3A_118] {strides = array<i32>} : memref<8192xi32, #tpu.memory_space<vmem>>, vector<16xi32>,
      %parallel_loop3A_120 = vector.shape_cast %parallel_loop3A_119 : vector<16xi32> to vector<16xi32>
      %parallel_loop3A_121 = arith.index_cast %parallel_loop3A_114 : i32 to index
      %parallel_loop3A_122 = tpu.vector_load %arg5[%parallel_loop3A_121] {strides = array<i32>} : memref<8192xi32, #tpu.memory_space<vmem>>, vector<16xi32>,
      %parallel_loop3A_123 = vector.shape_cast %parallel_loop3A_122 : vector<16xi32> to vector<16xi32>
      %parallel_loop3A_124 = arith.cmpi slt, %parallel_loop3A_117, %parallel_loop3A_120 : vector<16xi32>
      %parallel_loop3A_125 = arith.constant 4194304 : i32
      %parallel_loop3A_126 = vector.broadcast %parallel_loop3A_125 : i32 to vector<16xi32>
      %parallel_loop3A_127 = arith.addi %parallel_loop3A_126, %parallel_loop3A_120 : vector<16xi32>
      %parallel_loop3A_128 = arith.select %parallel_loop3A_124, %parallel_loop3A_123, %parallel_loop3A_127 : vector<16xi1>, vector<16xi32>
      %parallel_loop3A_129 = arith.index_cast %parallel_loop3A_114 : i32 to index
      %parallel_loop3A_130 = tpu.vector_load %arg8[%parallel_loop3A_129] {strides = array<i32>} : memref<8192xi32, #tpu.memory_space<vmem>>, vector<16xi32>,
      %parallel_loop3A_131 = vector.shape_cast %parallel_loop3A_130 : vector<16xi32> to vector<16xi32>
      %parallel_loop3A_132 = vector.shape_cast %parallel_loop3A_128 : vector<16xi32> to vector<16xi32>
      tpu.vector_store %arg8[%parallel_loop3A_129], %parallel_loop3A_132 {strides = array<i32>} : memref<8192xi32, #tpu.memory_space<vmem>>, vector<16xi32>,
    } {sc.loop_unroll_factor = 8 : i64, sc.parallel_access}
    %dma_start3A_81 = arith.constant 6144 : i32
    %dma_start3A_82 = tpu.memref_slice %arg7[%dma_start3A_81] : memref<8192xi32, #tpu.memory_space<vmem>> -> memref<2048xi32, #tpu.memory_space<vmem>>
    %dma_start3A_83 = arith.constant 6144 : i32
    %dma_start3A_84 = tpu.memref_slice %arg8[%dma_start3A_83] : memref<8192xi32, #tpu.memory_space<vmem>> -> memref<2048xi32, #tpu.memory_space<vmem>>
    %dma_start3A_85 = arith.constant 0 : i32
    %dma_start3A_86 = tpu.memref_slice %arg3[%dma_start3A_85] : memref<4456448xi32, #tpu.memory_space<hbm>> -> memref<4456448xi32, #tpu.memory_space<hbm>>
    tpu.enqueue_indirect_dma source(%dma_start3A_82 : memref<2048xi32, #tpu.memory_space<vmem>>) target(%dma_start3A_86 : memref<4456448xi32, #tpu.memory_space<hbm>>) offsets(%dma_start3A_84 : memref<2048xi32, #tpu.memory_space<vmem>>) semaphore(%arg16 : memref<!tpu.dma_semaphore, #tpu.memory_space<semaphore_mem>>)
    %dma_wait3A_87 = arith.constant 0 : i32
    %dma_wait3A_88 = tpu.memref_slice %arg7[%dma_wait3A_87] : memref<8192xi32, #tpu.memory_space<vmem>> -> memref<2048xi32, #tpu.memory_space<vmem>>
    %dma_wait3A_89 = arith.constant 0 : i32
    %dma_wait3A_90 = tpu.memref_slice %arg8[%dma_wait3A_89] : memref<8192xi32, #tpu.memory_space<vmem>> -> memref<2048xi32, #tpu.memory_space<vmem>>
    %dma_wait3A_91 = arith.constant 0 : i32
    %dma_wait3A_92 = tpu.memref_slice %arg3[%dma_wait3A_91] : memref<4456448xi32, #tpu.memory_space<hbm>> -> memref<4456448xi32, #tpu.memory_space<hbm>>
    tpu.wait_indirect_dma semaphore(%arg13 : memref<!tpu.dma_semaphore, #tpu.memory_space<semaphore_mem>>) src(%dma_wait3A_88 : memref<2048xi32, #tpu.memory_space<vmem>>) dst(%dma_wait3A_92 : memref<4456448xi32, #tpu.memory_space<hbm>>)
    %dma_wait3A_93 = arith.constant 2048 : i32
    %dma_wait3A_94 = tpu.memref_slice %arg7[%dma_wait3A_93] : memref<8192xi32, #tpu.memory_space<vmem>> -> memref<2048xi32, #tpu.memory_space<vmem>>
    %dma_wait3A_95 = arith.constant 2048 : i32
    %dma_wait3A_96 = tpu.memref_slice %arg8[%dma_wait3A_95] : memref<8192xi32, #tpu.memory_space<vmem>> -> memref<2048xi32, #tpu.memory_space<vmem>>
    %dma_wait3A_97 = arith.constant 0 : i32
    %dma_wait3A_98 = tpu.memref_slice %arg3[%dma_wait3A_97] : memref<4456448xi32, #tpu.memory_space<hbm>> -> memref<4456448xi32, #tpu.memory_space<hbm>>
    tpu.wait_indirect_dma semaphore(%arg14 : memref<!tpu.dma_semaphore, #tpu.memory_space<semaphore_mem>>) src(%dma_wait3A_94 : memref<2048xi32, #tpu.memory_space<vmem>>) dst(%dma_wait3A_98 : memref<4456448xi32, #tpu.memory_space<hbm>>)
    %dma_wait3A_99 = arith.constant 4096 : i32
    %dma_wait3A_100 = tpu.memref_slice %arg7[%dma_wait3A_99] : memref<8192xi32, #tpu.memory_space<vmem>> -> memref<2048xi32, #tpu.memory_space<vmem>>
    %dma_wait3A_101 = arith.constant 4096 : i32
    %dma_wait3A_102 = tpu.memref_slice %arg8[%dma_wait3A_101] : memref<8192xi32, #tpu.memory_space<vmem>> -> memref<2048xi32, #tpu.memory_space<vmem>>
    %dma_wait3A_103 = arith.constant 0 : i32
    %dma_wait3A_104 = tpu.memref_slice %arg3[%dma_wait3A_103] : memref<4456448xi32, #tpu.memory_space<hbm>> -> memref<4456448xi32, #tpu.memory_space<hbm>>
    tpu.wait_indirect_dma semaphore(%arg15 : memref<!tpu.dma_semaphore, #tpu.memory_space<semaphore_mem>>) src(%dma_wait3A_100 : memref<2048xi32, #tpu.memory_space<vmem>>) dst(%dma_wait3A_104 : memref<4456448xi32, #tpu.memory_space<hbm>>)
    %dma_wait3A_105 = arith.constant 6144 : i32
    %dma_wait3A_106 = tpu.memref_slice %arg7[%dma_wait3A_105] : memref<8192xi32, #tpu.memory_space<vmem>> -> memref<2048xi32, #tpu.memory_space<vmem>>
    %dma_wait3A_107 = arith.constant 6144 : i32
    %dma_wait3A_108 = tpu.memref_slice %arg8[%dma_wait3A_107] : memref<8192xi32, #tpu.memory_space<vmem>> -> memref<2048xi32, #tpu.memory_space<vmem>>
    %dma_wait3A_109 = arith.constant 0 : i32
    %dma_wait3A_110 = tpu.memref_slice %arg3[%dma_wait3A_109] : memref<4456448xi32, #tpu.memory_space<hbm>> -> memref<4456448xi32, #tpu.memory_space<hbm>>
    tpu.wait_indirect_dma semaphore(%arg16 : memref<!tpu.dma_semaphore, #tpu.memory_space<semaphore_mem>>) src(%dma_wait3A_106 : memref<2048xi32, #tpu.memory_space<vmem>>) dst(%dma_wait3A_110 : memref<4456448xi32, #tpu.memory_space<hbm>>)
    return
  }
}

#map = affine_map<(d0, d1) -> (0)>
module attributes {stable_mosaic.version = 14 : i64} {
  func.func @new_body(%arg0: i32, %arg1: i32, %arg2: memref<262144xi32, #tpu.memory_space<hbm>>, %arg3: memref<4456448xi32, #tpu.memory_space<hbm>>, %arg4: memref<4456448xi32, #tpu.memory_space<hbm>>, %arg5: memref<8192xi32, #tpu.memory_space<vmem>>, %arg6: memref<8192xi32, #tpu.memory_space<vmem>>, %arg7: memref<8192xi32, #tpu.memory_space<vmem>>, %arg8: memref<8192xi32, #tpu.memory_space<vmem>>, %arg9: memref<!tpu.dma_semaphore, #tpu.memory_space<semaphore_mem>>, %arg10: memref<!tpu.dma_semaphore, #tpu.memory_space<semaphore_mem>>, %arg11: memref<!tpu.dma_semaphore, #tpu.memory_space<semaphore_mem>>, %arg12: memref<!tpu.dma_semaphore, #tpu.memory_space<semaphore_mem>>, %arg13: memref<!tpu.dma_semaphore, #tpu.memory_space<semaphore_mem>>, %arg14: memref<!tpu.dma_semaphore, #tpu.memory_space<semaphore_mem>>, %arg15: memref<!tpu.dma_semaphore, #tpu.memory_space<semaphore_mem>>, %arg16: memref<!tpu.dma_semaphore, #tpu.memory_space<semaphore_mem>>) attributes {dimension_semantics = [#tpu.dimension_semantics<core_parallel>, #tpu.dimension_semantics<subcore_parallel>], iteration_bounds = array<i64: 2, 16>, scalar_prefetch = 0 : i64, scratch_operands = 12 : i64, tpu.core_type = #tpu.core_type<sc_vector_subcore>, window_params = [{transform_indices = #map}, {transform_indices = #map}, {transform_indices = #map}]} {
    %mul3A = arith.constant 2 : i32
    %mul3A_0 = arith.muli %arg1, %mul3A : i32
    %add3A = arith.addi %mul3A_0, %arg0 : i32
    %mul3A_1 = arith.constant 8192 : i32
    %mul3A_2 = arith.muli %add3A, %mul3A_1 : i32
    "tpu.region"() ({
      %run_scoped3A = tpu.sem_alloc : memref<!tpu.dma_semaphore, #tpu.memory_space<semaphore_mem>>
      %dma_start3A_111 = tpu.memref_slice %arg2[%mul3A_2] : memref<262144xi32, #tpu.memory_space<hbm>> -> memref<8192xi32, #tpu.memory_space<hbm>>
      %dma_start3A_112 = tpu.memref_slice %arg2[%mul3A_2] : memref<262144xi32, #tpu.memory_space<hbm>> -> memref<8192xi32, #tpu.memory_space<hbm>>
      tpu.enqueue_dma source(%dma_start3A_112 : memref<8192xi32, #tpu.memory_space<hbm>>) target(%arg5 : memref<8192xi32, #tpu.memory_space<vmem>>) target_semaphore(%run_scoped3A : memref<!tpu.dma_semaphore, #tpu.memory_space<semaphore_mem>>)
      %dma_wait3A_113 = tpu.memref_slice %arg2[%mul3A_2] : memref<262144xi32, #tpu.memory_space<hbm>> -> memref<8192xi32, #tpu.memory_space<hbm>>
      %dma_wait3A_114 = tpu.memref_slice %arg2[%mul3A_2] : memref<262144xi32, #tpu.memory_space<hbm>> -> memref<8192xi32, #tpu.memory_space<hbm>>
      tpu.wait_dma2 semaphore(%run_scoped3A : memref<!tpu.dma_semaphore, #tpu.memory_space<semaphore_mem>>) src(%dma_wait3A_114 : memref<8192xi32, #tpu.memory_space<hbm>>) dst(%arg5 : memref<8192xi32, #tpu.memory_space<vmem>>)
      tpu.yield
    }) : () -> ()
    %parallel_loop3A = arith.constant 0 : i32
    %parallel_loop3A_3 = arith.constant 512 : i32
    %parallel_loop3A_4 = arith.constant 1 : i32
    scf.for %parallel_loop3A_111 = %parallel_loop3A to %parallel_loop3A_3 step %parallel_loop3A_4  : i32 {
      %parallel_loop3A_112 = arith.constant 16 : i32
      %parallel_loop3A_113 = arith.muli %parallel_loop3A_111, %parallel_loop3A_112 : i32
      %parallel_loop3A_114 = tpu.assume_multiple %parallel_loop3A_113, 16 : i32
      %parallel_loop3A_115 = arith.constant 16 : i32
      %parallel_loop3A_116 = arith.muli %parallel_loop3A_111, %parallel_loop3A_115 : i32
      %parallel_loop3A_117 = arith.addi %mul3A_2, %parallel_loop3A_116 : i32
      %parallel_loop3A_118 = tpu.iota {dimensions = array<i32: 0>} : vector<16xi32>
      %parallel_loop3A_119 = vector.broadcast %parallel_loop3A_117 : i32 to vector<16xi32>
      %parallel_loop3A_120 = arith.addi %parallel_loop3A_119, %parallel_loop3A_118 : vector<16xi32>
      %parallel_loop3A_121 = arith.index_cast %parallel_loop3A_114 : i32 to index
      %parallel_loop3A_122 = tpu.vector_load %arg7[%parallel_loop3A_121] {strides = array<i32>} : memref<8192xi32, #tpu.memory_space<vmem>>, vector<16xi32>,
      %parallel_loop3A_123 = vector.shape_cast %parallel_loop3A_122 : vector<16xi32> to vector<16xi32>
      %parallel_loop3A_124 = vector.shape_cast %parallel_loop3A_120 : vector<16xi32> to vector<16xi32>
      tpu.vector_store %arg7[%parallel_loop3A_121], %parallel_loop3A_124 {strides = array<i32>} : memref<8192xi32, #tpu.memory_space<vmem>>, vector<16xi32>,
    } {sc.loop_unroll_factor = 8 : i64, sc.parallel_access}
    %dma_start3A = arith.constant 0 : i32
    %dma_start3A_5 = tpu.memref_slice %arg6[%dma_start3A] : memref<8192xi32, #tpu.memory_space<vmem>> -> memref<2048xi32, #tpu.memory_space<vmem>>
    %dma_start3A_6 = arith.constant 0 : i32
    %dma_start3A_7 = tpu.memref_slice %arg5[%dma_start3A_6] : memref<8192xi32, #tpu.memory_space<vmem>> -> memref<2048xi32, #tpu.memory_space<vmem>>
    %dma_start3A_8 = arith.constant 0 : i32
    %dma_start3A_9 = tpu.memref_slice %arg3[%dma_start3A_8] : memref<4456448xi32, #tpu.memory_space<hbm>> -> memref<4456448xi32, #tpu.memory_space<hbm>>
    tpu.enqueue_indirect_dma source(%dma_start3A_9 : memref<4456448xi32, #tpu.memory_space<hbm>>) target(%dma_start3A_5 : memref<2048xi32, #tpu.memory_space<vmem>>) offsets(%dma_start3A_7 : memref<2048xi32, #tpu.memory_space<vmem>>) semaphore(%arg9 : memref<!tpu.dma_semaphore, #tpu.memory_space<semaphore_mem>>)
    %dma_start3A_10 = arith.constant 2048 : i32
    %dma_start3A_11 = tpu.memref_slice %arg6[%dma_start3A_10] : memref<8192xi32, #tpu.memory_space<vmem>> -> memref<2048xi32, #tpu.memory_space<vmem>>
    %dma_start3A_12 = arith.constant 2048 : i32
    %dma_start3A_13 = tpu.memref_slice %arg5[%dma_start3A_12] : memref<8192xi32, #tpu.memory_space<vmem>> -> memref<2048xi32, #tpu.memory_space<vmem>>
    %dma_start3A_14 = arith.constant 0 : i32
    %dma_start3A_15 = tpu.memref_slice %arg3[%dma_start3A_14] : memref<4456448xi32, #tpu.memory_space<hbm>> -> memref<4456448xi32, #tpu.memory_space<hbm>>
    tpu.enqueue_indirect_dma source(%dma_start3A_15 : memref<4456448xi32, #tpu.memory_space<hbm>>) target(%dma_start3A_11 : memref<2048xi32, #tpu.memory_space<vmem>>) offsets(%dma_start3A_13 : memref<2048xi32, #tpu.memory_space<vmem>>) semaphore(%arg10 : memref<!tpu.dma_semaphore, #tpu.memory_space<semaphore_mem>>)
    %dma_start3A_16 = arith.constant 4096 : i32
    %dma_start3A_17 = tpu.memref_slice %arg6[%dma_start3A_16] : memref<8192xi32, #tpu.memory_space<vmem>> -> memref<2048xi32, #tpu.memory_space<vmem>>
    %dma_start3A_18 = arith.constant 4096 : i32
    %dma_start3A_19 = tpu.memref_slice %arg5[%dma_start3A_18] : memref<8192xi32, #tpu.memory_space<vmem>> -> memref<2048xi32, #tpu.memory_space<vmem>>
    %dma_start3A_20 = arith.constant 0 : i32
    %dma_start3A_21 = tpu.memref_slice %arg3[%dma_start3A_20] : memref<4456448xi32, #tpu.memory_space<hbm>> -> memref<4456448xi32, #tpu.memory_space<hbm>>
    tpu.enqueue_indirect_dma source(%dma_start3A_21 : memref<4456448xi32, #tpu.memory_space<hbm>>) target(%dma_start3A_17 : memref<2048xi32, #tpu.memory_space<vmem>>) offsets(%dma_start3A_19 : memref<2048xi32, #tpu.memory_space<vmem>>) semaphore(%arg11 : memref<!tpu.dma_semaphore, #tpu.memory_space<semaphore_mem>>)
    %dma_start3A_22 = arith.constant 6144 : i32
    %dma_start3A_23 = tpu.memref_slice %arg6[%dma_start3A_22] : memref<8192xi32, #tpu.memory_space<vmem>> -> memref<2048xi32, #tpu.memory_space<vmem>>
    %dma_start3A_24 = arith.constant 6144 : i32
    %dma_start3A_25 = tpu.memref_slice %arg5[%dma_start3A_24] : memref<8192xi32, #tpu.memory_space<vmem>> -> memref<2048xi32, #tpu.memory_space<vmem>>
    %dma_start3A_26 = arith.constant 0 : i32
    %dma_start3A_27 = tpu.memref_slice %arg3[%dma_start3A_26] : memref<4456448xi32, #tpu.memory_space<hbm>> -> memref<4456448xi32, #tpu.memory_space<hbm>>
    tpu.enqueue_indirect_dma source(%dma_start3A_27 : memref<4456448xi32, #tpu.memory_space<hbm>>) target(%dma_start3A_23 : memref<2048xi32, #tpu.memory_space<vmem>>) offsets(%dma_start3A_25 : memref<2048xi32, #tpu.memory_space<vmem>>) semaphore(%arg12 : memref<!tpu.dma_semaphore, #tpu.memory_space<semaphore_mem>>)
    %dma_wait3A = arith.constant 0 : i32
    %dma_wait3A_28 = tpu.memref_slice %arg6[%dma_wait3A] : memref<8192xi32, #tpu.memory_space<vmem>> -> memref<2048xi32, #tpu.memory_space<vmem>>
    %dma_wait3A_29 = arith.constant 0 : i32
    %dma_wait3A_30 = tpu.memref_slice %arg5[%dma_wait3A_29] : memref<8192xi32, #tpu.memory_space<vmem>> -> memref<2048xi32, #tpu.memory_space<vmem>>
    %dma_wait3A_31 = arith.constant 0 : i32
    %dma_wait3A_32 = tpu.memref_slice %arg3[%dma_wait3A_31] : memref<4456448xi32, #tpu.memory_space<hbm>> -> memref<4456448xi32, #tpu.memory_space<hbm>>
    tpu.wait_indirect_dma semaphore(%arg9 : memref<!tpu.dma_semaphore, #tpu.memory_space<semaphore_mem>>) src(%dma_wait3A_32 : memref<4456448xi32, #tpu.memory_space<hbm>>) dst(%dma_wait3A_28 : memref<2048xi32, #tpu.memory_space<vmem>>)
    %parallel_loop3A_33 = arith.constant 0 : i32
    %parallel_loop3A_34 = arith.constant 128 : i32
    %parallel_loop3A_35 = arith.constant 1 : i32
    scf.for %parallel_loop3A_111 = %parallel_loop3A_33 to %parallel_loop3A_34 step %parallel_loop3A_35  : i32 {
      %parallel_loop3A_112 = arith.constant 16 : i32
      %parallel_loop3A_113 = arith.muli %parallel_loop3A_111, %parallel_loop3A_112 : i32
      %parallel_loop3A_114 = tpu.assume_multiple %parallel_loop3A_113, 16 : i32
      %parallel_loop3A_115 = arith.index_cast %parallel_loop3A_114 : i32 to index
      %parallel_loop3A_116 = tpu.vector_load %arg6[%parallel_loop3A_115] {strides = array<i32>} : memref<8192xi32, #tpu.memory_space<vmem>>, vector<16xi32>,
      %parallel_loop3A_117 = vector.shape_cast %parallel_loop3A_116 : vector<16xi32> to vector<16xi32>
      %parallel_loop3A_118 = arith.index_cast %parallel_loop3A_114 : i32 to index
      %parallel_loop3A_119 = tpu.vector_load %arg7[%parallel_loop3A_118] {strides = array<i32>} : memref<8192xi32, #tpu.memory_space<vmem>>, vector<16xi32>,
      %parallel_loop3A_120 = vector.shape_cast %parallel_loop3A_119 : vector<16xi32> to vector<16xi32>
      %parallel_loop3A_121 = arith.index_cast %parallel_loop3A_114 : i32 to index
      %parallel_loop3A_122 = tpu.vector_load %arg5[%parallel_loop3A_121] {strides = array<i32>} : memref<8192xi32, #tpu.memory_space<vmem>>, vector<16xi32>,
      %parallel_loop3A_123 = vector.shape_cast %parallel_loop3A_122 : vector<16xi32> to vector<16xi32>
      %parallel_loop3A_124 = arith.cmpi slt, %parallel_loop3A_117, %parallel_loop3A_120 : vector<16xi32>
      %parallel_loop3A_125 = arith.constant 4194304 : i32
      %parallel_loop3A_126 = vector.broadcast %parallel_loop3A_125 : i32 to vector<16xi32>
      %parallel_loop3A_127 = arith.addi %parallel_loop3A_126, %parallel_loop3A_120 : vector<16xi32>
      %parallel_loop3A_128 = arith.select %parallel_loop3A_124, %parallel_loop3A_123, %parallel_loop3A_127 : vector<16xi1>, vector<16xi32>
      %parallel_loop3A_129 = arith.index_cast %parallel_loop3A_114 : i32 to index
      %parallel_loop3A_130 = tpu.vector_load %arg8[%parallel_loop3A_129] {strides = array<i32>} : memref<8192xi32, #tpu.memory_space<vmem>>, vector<16xi32>,
      %parallel_loop3A_131 = vector.shape_cast %parallel_loop3A_130 : vector<16xi32> to vector<16xi32>
      %parallel_loop3A_132 = vector.shape_cast %parallel_loop3A_128 : vector<16xi32> to vector<16xi32>
      tpu.vector_store %arg8[%parallel_loop3A_129], %parallel_loop3A_132 {strides = array<i32>} : memref<8192xi32, #tpu.memory_space<vmem>>, vector<16xi32>,
    } {sc.loop_unroll_factor = 8 : i64, sc.parallel_access}
    %dma_start3A_36 = arith.constant 0 : i32
    %dma_start3A_37 = tpu.memref_slice %arg7[%dma_start3A_36] : memref<8192xi32, #tpu.memory_space<vmem>> -> memref<2048xi32, #tpu.memory_space<vmem>>
    %dma_start3A_38 = arith.constant 0 : i32
    %dma_start3A_39 = tpu.memref_slice %arg8[%dma_start3A_38] : memref<8192xi32, #tpu.memory_space<vmem>> -> memref<2048xi32, #tpu.memory_space<vmem>>
    %dma_start3A_40 = arith.constant 0 : i32
    %dma_start3A_41 = tpu.memref_slice %arg3[%dma_start3A_40] : memref<4456448xi32, #tpu.memory_space<hbm>> -> memref<4456448xi32, #tpu.memory_space<hbm>>
    tpu.enqueue_indirect_dma source(%dma_start3A_37 : memref<2048xi32, #tpu.memory_space<vmem>>) target(%dma_start3A_41 : memref<4456448xi32, #tpu.memory_space<hbm>>) offsets(%dma_start3A_39 : memref<2048xi32, #tpu.memory_space<vmem>>) semaphore(%arg13 : memref<!tpu.dma_semaphore, #tpu.memory_space<semaphore_mem>>)
    %dma_wait3A_42 = arith.constant 2048 : i32
    %dma_wait3A_43 = tpu.memref_slice %arg6[%dma_wait3A_42] : memref<8192xi32, #tpu.memory_space<vmem>> -> memref<2048xi32, #tpu.memory_space<vmem>>
    %dma_wait3A_44 = arith.constant 2048 : i32
    %dma_wait3A_45 = tpu.memref_slice %arg5[%dma_wait3A_44] : memref<8192xi32, #tpu.memory_space<vmem>> -> memref<2048xi32, #tpu.memory_space<vmem>>
    %dma_wait3A_46 = arith.constant 0 : i32
    %dma_wait3A_47 = tpu.memref_slice %arg3[%dma_wait3A_46] : memref<4456448xi32, #tpu.memory_space<hbm>> -> memref<4456448xi32, #tpu.memory_space<hbm>>
    tpu.wait_indirect_dma semaphore(%arg10 : memref<!tpu.dma_semaphore, #tpu.memory_space<semaphore_mem>>) src(%dma_wait3A_47 : memref<4456448xi32, #tpu.memory_space<hbm>>) dst(%dma_wait3A_43 : memref<2048xi32, #tpu.memory_space<vmem>>)
    %parallel_loop3A_48 = arith.constant 128 : i32
    %parallel_loop3A_49 = arith.constant 256 : i32
    %parallel_loop3A_50 = arith.constant 1 : i32
    scf.for %parallel_loop3A_111 = %parallel_loop3A_48 to %parallel_loop3A_49 step %parallel_loop3A_50  : i32 {
      %parallel_loop3A_112 = arith.constant 16 : i32
      %parallel_loop3A_113 = arith.muli %parallel_loop3A_111, %parallel_loop3A_112 : i32
      %parallel_loop3A_114 = tpu.assume_multiple %parallel_loop3A_113, 16 : i32
      %parallel_loop3A_115 = arith.index_cast %parallel_loop3A_114 : i32 to index
      %parallel_loop3A_116 = tpu.vector_load %arg6[%parallel_loop3A_115] {strides = array<i32>} : memref<8192xi32, #tpu.memory_space<vmem>>, vector<16xi32>,
      %parallel_loop3A_117 = vector.shape_cast %parallel_loop3A_116 : vector<16xi32> to vector<16xi32>
      %parallel_loop3A_118 = arith.index_cast %parallel_loop3A_114 : i32 to index
      %parallel_loop3A_119 = tpu.vector_load %arg7[%parallel_loop3A_118] {strides = array<i32>} : memref<8192xi32, #tpu.memory_space<vmem>>, vector<16xi32>,
      %parallel_loop3A_120 = vector.shape_cast %parallel_loop3A_119 : vector<16xi32> to vector<16xi32>
      %parallel_loop3A_121 = arith.index_cast %parallel_loop3A_114 : i32 to index
      %parallel_loop3A_122 = tpu.vector_load %arg5[%parallel_loop3A_121] {strides = array<i32>} : memref<8192xi32, #tpu.memory_space<vmem>>, vector<16xi32>,
      %parallel_loop3A_123 = vector.shape_cast %parallel_loop3A_122 : vector<16xi32> to vector<16xi32>
      %parallel_loop3A_124 = arith.cmpi slt, %parallel_loop3A_117, %parallel_loop3A_120 : vector<16xi32>
      %parallel_loop3A_125 = arith.constant 4194304 : i32
      %parallel_loop3A_126 = vector.broadcast %parallel_loop3A_125 : i32 to vector<16xi32>
      %parallel_loop3A_127 = arith.addi %parallel_loop3A_126, %parallel_loop3A_120 : vector<16xi32>
      %parallel_loop3A_128 = arith.select %parallel_loop3A_124, %parallel_loop3A_123, %parallel_loop3A_127 : vector<16xi1>, vector<16xi32>
      %parallel_loop3A_129 = arith.index_cast %parallel_loop3A_114 : i32 to index
      %parallel_loop3A_130 = tpu.vector_load %arg8[%parallel_loop3A_129] {strides = array<i32>} : memref<8192xi32, #tpu.memory_space<vmem>>, vector<16xi32>,
      %parallel_loop3A_131 = vector.shape_cast %parallel_loop3A_130 : vector<16xi32> to vector<16xi32>
      %parallel_loop3A_132 = vector.shape_cast %parallel_loop3A_128 : vector<16xi32> to vector<16xi32>
      tpu.vector_store %arg8[%parallel_loop3A_129], %parallel_loop3A_132 {strides = array<i32>} : memref<8192xi32, #tpu.memory_space<vmem>>, vector<16xi32>,
    } {sc.loop_unroll_factor = 8 : i64, sc.parallel_access}
    %dma_start3A_51 = arith.constant 2048 : i32
    %dma_start3A_52 = tpu.memref_slice %arg7[%dma_start3A_51] : memref<8192xi32, #tpu.memory_space<vmem>> -> memref<2048xi32, #tpu.memory_space<vmem>>
    %dma_start3A_53 = arith.constant 2048 : i32
    %dma_start3A_54 = tpu.memref_slice %arg8[%dma_start3A_53] : memref<8192xi32, #tpu.memory_space<vmem>> -> memref<2048xi32, #tpu.memory_space<vmem>>
    %dma_start3A_55 = arith.constant 0 : i32
    %dma_start3A_56 = tpu.memref_slice %arg3[%dma_start3A_55] : memref<4456448xi32, #tpu.memory_space<hbm>> -> memref<4456448xi32, #tpu.memory_space<hbm>>
    tpu.enqueue_indirect_dma source(%dma_start3A_52 : memref<2048xi32, #tpu.memory_space<vmem>>) target(%dma_start3A_56 : memref<4456448xi32, #tpu.memory_space<hbm>>) offsets(%dma_start3A_54 : memref<2048xi32, #tpu.memory_space<vmem>>) semaphore(%arg14 : memref<!tpu.dma_semaphore, #tpu.memory_space<semaphore_mem>>)
    %dma_wait3A_57 = arith.constant 4096 : i32
    %dma_wait3A_58 = tpu.memref_slice %arg6[%dma_wait3A_57] : memref<8192xi32, #tpu.memory_space<vmem>> -> memref<2048xi32, #tpu.memory_space<vmem>>
    %dma_wait3A_59 = arith.constant 4096 : i32
    %dma_wait3A_60 = tpu.memref_slice %arg5[%dma_wait3A_59] : memref<8192xi32, #tpu.memory_space<vmem>> -> memref<2048xi32, #tpu.memory_space<vmem>>
    %dma_wait3A_61 = arith.constant 0 : i32
    %dma_wait3A_62 = tpu.memref_slice %arg3[%dma_wait3A_61] : memref<4456448xi32, #tpu.memory_space<hbm>> -> memref<4456448xi32, #tpu.memory_space<hbm>>
    tpu.wait_indirect_dma semaphore(%arg11 : memref<!tpu.dma_semaphore, #tpu.memory_space<semaphore_mem>>) src(%dma_wait3A_62 : memref<4456448xi32, #tpu.memory_space<hbm>>) dst(%dma_wait3A_58 : memref<2048xi32, #tpu.memory_space<vmem>>)
    %parallel_loop3A_63 = arith.constant 256 : i32
    %parallel_loop3A_64 = arith.constant 384 : i32
    %parallel_loop3A_65 = arith.constant 1 : i32
    scf.for %parallel_loop3A_111 = %parallel_loop3A_63 to %parallel_loop3A_64 step %parallel_loop3A_65  : i32 {
      %parallel_loop3A_112 = arith.constant 16 : i32
      %parallel_loop3A_113 = arith.muli %parallel_loop3A_111, %parallel_loop3A_112 : i32
      %parallel_loop3A_114 = tpu.assume_multiple %parallel_loop3A_113, 16 : i32
      %parallel_loop3A_115 = arith.index_cast %parallel_loop3A_114 : i32 to index
      %parallel_loop3A_116 = tpu.vector_load %arg6[%parallel_loop3A_115] {strides = array<i32>} : memref<8192xi32, #tpu.memory_space<vmem>>, vector<16xi32>,
      %parallel_loop3A_117 = vector.shape_cast %parallel_loop3A_116 : vector<16xi32> to vector<16xi32>
      %parallel_loop3A_118 = arith.index_cast %parallel_loop3A_114 : i32 to index
      %parallel_loop3A_119 = tpu.vector_load %arg7[%parallel_loop3A_118] {strides = array<i32>} : memref<8192xi32, #tpu.memory_space<vmem>>, vector<16xi32>,
      %parallel_loop3A_120 = vector.shape_cast %parallel_loop3A_119 : vector<16xi32> to vector<16xi32>
      %parallel_loop3A_121 = arith.index_cast %parallel_loop3A_114 : i32 to index
      %parallel_loop3A_122 = tpu.vector_load %arg5[%parallel_loop3A_121] {strides = array<i32>} : memref<8192xi32, #tpu.memory_space<vmem>>, vector<16xi32>,
      %parallel_loop3A_123 = vector.shape_cast %parallel_loop3A_122 : vector<16xi32> to vector<16xi32>
      %parallel_loop3A_124 = arith.cmpi slt, %parallel_loop3A_117, %parallel_loop3A_120 : vector<16xi32>
      %parallel_loop3A_125 = arith.constant 4194304 : i32
      %parallel_loop3A_126 = vector.broadcast %parallel_loop3A_125 : i32 to vector<16xi32>
      %parallel_loop3A_127 = arith.addi %parallel_loop3A_126, %parallel_loop3A_120 : vector<16xi32>
      %parallel_loop3A_128 = arith.select %parallel_loop3A_124, %parallel_loop3A_123, %parallel_loop3A_127 : vector<16xi1>, vector<16xi32>
      %parallel_loop3A_129 = arith.index_cast %parallel_loop3A_114 : i32 to index
      %parallel_loop3A_130 = tpu.vector_load %arg8[%parallel_loop3A_129] {strides = array<i32>} : memref<8192xi32, #tpu.memory_space<vmem>>, vector<16xi32>,
      %parallel_loop3A_131 = vector.shape_cast %parallel_loop3A_130 : vector<16xi32> to vector<16xi32>
      %parallel_loop3A_132 = vector.shape_cast %parallel_loop3A_128 : vector<16xi32> to vector<16xi32>
      tpu.vector_store %arg8[%parallel_loop3A_129], %parallel_loop3A_132 {strides = array<i32>} : memref<8192xi32, #tpu.memory_space<vmem>>, vector<16xi32>,
    } {sc.loop_unroll_factor = 8 : i64, sc.parallel_access}
    %dma_start3A_66 = arith.constant 4096 : i32
    %dma_start3A_67 = tpu.memref_slice %arg7[%dma_start3A_66] : memref<8192xi32, #tpu.memory_space<vmem>> -> memref<2048xi32, #tpu.memory_space<vmem>>
    %dma_start3A_68 = arith.constant 4096 : i32
    %dma_start3A_69 = tpu.memref_slice %arg8[%dma_start3A_68] : memref<8192xi32, #tpu.memory_space<vmem>> -> memref<2048xi32, #tpu.memory_space<vmem>>
    %dma_start3A_70 = arith.constant 0 : i32
    %dma_start3A_71 = tpu.memref_slice %arg3[%dma_start3A_70] : memref<4456448xi32, #tpu.memory_space<hbm>> -> memref<4456448xi32, #tpu.memory_space<hbm>>
    tpu.enqueue_indirect_dma source(%dma_start3A_67 : memref<2048xi32, #tpu.memory_space<vmem>>) target(%dma_start3A_71 : memref<4456448xi32, #tpu.memory_space<hbm>>) offsets(%dma_start3A_69 : memref<2048xi32, #tpu.memory_space<vmem>>) semaphore(%arg15 : memref<!tpu.dma_semaphore, #tpu.memory_space<semaphore_mem>>)
    %dma_wait3A_72 = arith.constant 6144 : i32
    %dma_wait3A_73 = tpu.memref_slice %arg6[%dma_wait3A_72] : memref<8192xi32, #tpu.memory_space<vmem>> -> memref<2048xi32, #tpu.memory_space<vmem>>
    %dma_wait3A_74 = arith.constant 6144 : i32
    %dma_wait3A_75 = tpu.memref_slice %arg5[%dma_wait3A_74] : memref<8192xi32, #tpu.memory_space<vmem>> -> memref<2048xi32, #tpu.memory_space<vmem>>
    %dma_wait3A_76 = arith.constant 0 : i32
    %dma_wait3A_77 = tpu.memref_slice %arg3[%dma_wait3A_76] : memref<4456448xi32, #tpu.memory_space<hbm>> -> memref<4456448xi32, #tpu.memory_space<hbm>>
    tpu.wait_indirect_dma semaphore(%arg12 : memref<!tpu.dma_semaphore, #tpu.memory_space<semaphore_mem>>) src(%dma_wait3A_77 : memref<4456448xi32, #tpu.memory_space<hbm>>) dst(%dma_wait3A_73 : memref<2048xi32, #tpu.memory_space<vmem>>)
    %parallel_loop3A_78 = arith.constant 384 : i32
    %parallel_loop3A_79 = arith.constant 512 : i32
    %parallel_loop3A_80 = arith.constant 1 : i32
    scf.for %parallel_loop3A_111 = %parallel_loop3A_78 to %parallel_loop3A_79 step %parallel_loop3A_80  : i32 {
      %parallel_loop3A_112 = arith.constant 16 : i32
      %parallel_loop3A_113 = arith.muli %parallel_loop3A_111, %parallel_loop3A_112 : i32
      %parallel_loop3A_114 = tpu.assume_multiple %parallel_loop3A_113, 16 : i32
      %parallel_loop3A_115 = arith.index_cast %parallel_loop3A_114 : i32 to index
      %parallel_loop3A_116 = tpu.vector_load %arg6[%parallel_loop3A_115] {strides = array<i32>} : memref<8192xi32, #tpu.memory_space<vmem>>, vector<16xi32>,
      %parallel_loop3A_117 = vector.shape_cast %parallel_loop3A_116 : vector<16xi32> to vector<16xi32>
      %parallel_loop3A_118 = arith.index_cast %parallel_loop3A_114 : i32 to index
      %parallel_loop3A_119 = tpu.vector_load %arg7[%parallel_loop3A_118] {strides = array<i32>} : memref<8192xi32, #tpu.memory_space<vmem>>, vector<16xi32>,
      %parallel_loop3A_120 = vector.shape_cast %parallel_loop3A_119 : vector<16xi32> to vector<16xi32>
      %parallel_loop3A_121 = arith.index_cast %parallel_loop3A_114 : i32 to index
      %parallel_loop3A_122 = tpu.vector_load %arg5[%parallel_loop3A_121] {strides = array<i32>} : memref<8192xi32, #tpu.memory_space<vmem>>, vector<16xi32>,
      %parallel_loop3A_123 = vector.shape_cast %parallel_loop3A_122 : vector<16xi32> to vector<16xi32>
      %parallel_loop3A_124 = arith.cmpi slt, %parallel_loop3A_117, %parallel_loop3A_120 : vector<16xi32>
      %parallel_loop3A_125 = arith.constant 4194304 : i32
      %parallel_loop3A_126 = vector.broadcast %parallel_loop3A_125 : i32 to vector<16xi32>
      %parallel_loop3A_127 = arith.addi %parallel_loop3A_126, %parallel_loop3A_120 : vector<16xi32>
      %parallel_loop3A_128 = arith.select %parallel_loop3A_124, %parallel_loop3A_123, %parallel_loop3A_127 : vector<16xi1>, vector<16xi32>
      %parallel_loop3A_129 = arith.index_cast %parallel_loop3A_114 : i32 to index
      %parallel_loop3A_130 = tpu.vector_load %arg8[%parallel_loop3A_129] {strides = array<i32>} : memref<8192xi32, #tpu.memory_space<vmem>>, vector<16xi32>,
      %parallel_loop3A_131 = vector.shape_cast %parallel_loop3A_130 : vector<16xi32> to vector<16xi32>
      %parallel_loop3A_132 = vector.shape_cast %parallel_loop3A_128 : vector<16xi32> to vector<16xi32>
      tpu.vector_store %arg8[%parallel_loop3A_129], %parallel_loop3A_132 {strides = array<i32>} : memref<8192xi32, #tpu.memory_space<vmem>>, vector<16xi32>,
    } {sc.loop_unroll_factor = 8 : i64, sc.parallel_access}
    %dma_start3A_81 = arith.constant 6144 : i32
    %dma_start3A_82 = tpu.memref_slice %arg7[%dma_start3A_81] : memref<8192xi32, #tpu.memory_space<vmem>> -> memref<2048xi32, #tpu.memory_space<vmem>>
    %dma_start3A_83 = arith.constant 6144 : i32
    %dma_start3A_84 = tpu.memref_slice %arg8[%dma_start3A_83] : memref<8192xi32, #tpu.memory_space<vmem>> -> memref<2048xi32, #tpu.memory_space<vmem>>
    %dma_start3A_85 = arith.constant 0 : i32
    %dma_start3A_86 = tpu.memref_slice %arg3[%dma_start3A_85] : memref<4456448xi32, #tpu.memory_space<hbm>> -> memref<4456448xi32, #tpu.memory_space<hbm>>
    tpu.enqueue_indirect_dma source(%dma_start3A_82 : memref<2048xi32, #tpu.memory_space<vmem>>) target(%dma_start3A_86 : memref<4456448xi32, #tpu.memory_space<hbm>>) offsets(%dma_start3A_84 : memref<2048xi32, #tpu.memory_space<vmem>>) semaphore(%arg16 : memref<!tpu.dma_semaphore, #tpu.memory_space<semaphore_mem>>)
    %dma_wait3A_87 = arith.constant 0 : i32
    %dma_wait3A_88 = tpu.memref_slice %arg7[%dma_wait3A_87] : memref<8192xi32, #tpu.memory_space<vmem>> -> memref<2048xi32, #tpu.memory_space<vmem>>
    %dma_wait3A_89 = arith.constant 0 : i32
    %dma_wait3A_90 = tpu.memref_slice %arg8[%dma_wait3A_89] : memref<8192xi32, #tpu.memory_space<vmem>> -> memref<2048xi32, #tpu.memory_space<vmem>>
    %dma_wait3A_91 = arith.constant 0 : i32
    %dma_wait3A_92 = tpu.memref_slice %arg3[%dma_wait3A_91] : memref<4456448xi32, #tpu.memory_space<hbm>> -> memref<4456448xi32, #tpu.memory_space<hbm>>
    tpu.wait_indirect_dma semaphore(%arg13 : memref<!tpu.dma_semaphore, #tpu.memory_space<semaphore_mem>>) src(%dma_wait3A_88 : memref<2048xi32, #tpu.memory_space<vmem>>) dst(%dma_wait3A_92 : memref<4456448xi32, #tpu.memory_space<hbm>>)
    %dma_wait3A_93 = arith.constant 2048 : i32
    %dma_wait3A_94 = tpu.memref_slice %arg7[%dma_wait3A_93] : memref<8192xi32, #tpu.memory_space<vmem>> -> memref<2048xi32, #tpu.memory_space<vmem>>
    %dma_wait3A_95 = arith.constant 2048 : i32
    %dma_wait3A_96 = tpu.memref_slice %arg8[%dma_wait3A_95] : memref<8192xi32, #tpu.memory_space<vmem>> -> memref<2048xi32, #tpu.memory_space<vmem>>
    %dma_wait3A_97 = arith.constant 0 : i32
    %dma_wait3A_98 = tpu.memref_slice %arg3[%dma_wait3A_97] : memref<4456448xi32, #tpu.memory_space<hbm>> -> memref<4456448xi32, #tpu.memory_space<hbm>>
    tpu.wait_indirect_dma semaphore(%arg14 : memref<!tpu.dma_semaphore, #tpu.memory_space<semaphore_mem>>) src(%dma_wait3A_94 : memref<2048xi32, #tpu.memory_space<vmem>>) dst(%dma_wait3A_98 : memref<4456448xi32, #tpu.memory_space<hbm>>)
    %dma_wait3A_99 = arith.constant 4096 : i32
    %dma_wait3A_100 = tpu.memref_slice %arg7[%dma_wait3A_99] : memref<8192xi32, #tpu.memory_space<vmem>> -> memref<2048xi32, #tpu.memory_space<vmem>>
    %dma_wait3A_101 = arith.constant 4096 : i32
    %dma_wait3A_102 = tpu.memref_slice %arg8[%dma_wait3A_101] : memref<8192xi32, #tpu.memory_space<vmem>> -> memref<2048xi32, #tpu.memory_space<vmem>>
    %dma_wait3A_103 = arith.constant 0 : i32
    %dma_wait3A_104 = tpu.memref_slice %arg3[%dma_wait3A_103] : memref<4456448xi32, #tpu.memory_space<hbm>> -> memref<4456448xi32, #tpu.memory_space<hbm>>
    tpu.wait_indirect_dma semaphore(%arg15 : memref<!tpu.dma_semaphore, #tpu.memory_space<semaphore_mem>>) src(%dma_wait3A_100 : memref<2048xi32, #tpu.memory_space<vmem>>) dst(%dma_wait3A_104 : memref<4456448xi32, #tpu.memory_space<hbm>>)
    %dma_wait3A_105 = arith.constant 6144 : i32
    %dma_wait3A_106 = tpu.memref_slice %arg7[%dma_wait3A_105] : memref<8192xi32, #tpu.memory_space<vmem>> -> memref<2048xi32, #tpu.memory_space<vmem>>
    %dma_wait3A_107 = arith.constant 6144 : i32
    %dma_wait3A_108 = tpu.memref_slice %arg8[%dma_wait3A_107] : memref<8192xi32, #tpu.memory_space<vmem>> -> memref<2048xi32, #tpu.memory_space<vmem>>
    %dma_wait3A_109 = arith.constant 0 : i32
    %dma_wait3A_110 = tpu.memref_slice %arg3[%dma_wait3A_109] : memref<4456448xi32, #tpu.memory_space<hbm>> -> memref<4456448xi32, #tpu.memory_space<hbm>>
    tpu.wait_indirect_dma semaphore(%arg16 : memref<!tpu.dma_semaphore, #tpu.memory_space<semaphore_mem>>) src(%dma_wait3A_106 : memref<2048xi32, #tpu.memory_space<vmem>>) dst(%dma_wait3A_110 : memref<4456448xi32, #tpu.memory_space<hbm>>)
    return
  }
}

#map = affine_map<(d0, d1) -> (0)>
module attributes {stable_mosaic.version = 14 : i64} {
  func.func @new_body(%arg0: i32, %arg1: i32, %arg2: memref<262144xi32, #tpu.memory_space<hbm>>, %arg3: memref<4456448xi32, #tpu.memory_space<hbm>>, %arg4: memref<4456448xi32, #tpu.memory_space<hbm>>, %arg5: memref<8192xi32, #tpu.memory_space<vmem>>, %arg6: memref<8192xi32, #tpu.memory_space<vmem>>, %arg7: memref<8192xi32, #tpu.memory_space<vmem>>, %arg8: memref<8192xi32, #tpu.memory_space<vmem>>, %arg9: memref<!tpu.dma_semaphore, #tpu.memory_space<semaphore_mem>>, %arg10: memref<!tpu.dma_semaphore, #tpu.memory_space<semaphore_mem>>, %arg11: memref<!tpu.dma_semaphore, #tpu.memory_space<semaphore_mem>>, %arg12: memref<!tpu.dma_semaphore, #tpu.memory_space<semaphore_mem>>, %arg13: memref<!tpu.dma_semaphore, #tpu.memory_space<semaphore_mem>>, %arg14: memref<!tpu.dma_semaphore, #tpu.memory_space<semaphore_mem>>, %arg15: memref<!tpu.dma_semaphore, #tpu.memory_space<semaphore_mem>>, %arg16: memref<!tpu.dma_semaphore, #tpu.memory_space<semaphore_mem>>) attributes {dimension_semantics = [#tpu.dimension_semantics<core_parallel>, #tpu.dimension_semantics<subcore_parallel>], iteration_bounds = array<i64: 2, 16>, scalar_prefetch = 0 : i64, scratch_operands = 12 : i64, tpu.core_type = #tpu.core_type<sc_vector_subcore>, window_params = [{transform_indices = #map}, {transform_indices = #map}, {transform_indices = #map}]} {
    %mul3A = arith.constant 2 : i32
    %mul3A_0 = arith.muli %arg1, %mul3A : i32
    %add3A = arith.addi %mul3A_0, %arg0 : i32
    %mul3A_1 = arith.constant 8192 : i32
    %mul3A_2 = arith.muli %add3A, %mul3A_1 : i32
    "tpu.region"() ({
      %run_scoped3A = tpu.sem_alloc : memref<!tpu.dma_semaphore, #tpu.memory_space<semaphore_mem>>
      %dma_start3A_111 = tpu.memref_slice %arg2[%mul3A_2] : memref<262144xi32, #tpu.memory_space<hbm>> -> memref<8192xi32, #tpu.memory_space<hbm>>
      %dma_start3A_112 = tpu.memref_slice %arg2[%mul3A_2] : memref<262144xi32, #tpu.memory_space<hbm>> -> memref<8192xi32, #tpu.memory_space<hbm>>
      tpu.enqueue_dma source(%dma_start3A_112 : memref<8192xi32, #tpu.memory_space<hbm>>) target(%arg5 : memref<8192xi32, #tpu.memory_space<vmem>>) target_semaphore(%run_scoped3A : memref<!tpu.dma_semaphore, #tpu.memory_space<semaphore_mem>>)
      %dma_wait3A_113 = tpu.memref_slice %arg2[%mul3A_2] : memref<262144xi32, #tpu.memory_space<hbm>> -> memref<8192xi32, #tpu.memory_space<hbm>>
      %dma_wait3A_114 = tpu.memref_slice %arg2[%mul3A_2] : memref<262144xi32, #tpu.memory_space<hbm>> -> memref<8192xi32, #tpu.memory_space<hbm>>
      tpu.wait_dma2 semaphore(%run_scoped3A : memref<!tpu.dma_semaphore, #tpu.memory_space<semaphore_mem>>) src(%dma_wait3A_114 : memref<8192xi32, #tpu.memory_space<hbm>>) dst(%arg5 : memref<8192xi32, #tpu.memory_space<vmem>>)
      tpu.yield
    }) : () -> ()
    %parallel_loop3A = arith.constant 0 : i32
    %parallel_loop3A_3 = arith.constant 512 : i32
    %parallel_loop3A_4 = arith.constant 1 : i32
    scf.for %parallel_loop3A_111 = %parallel_loop3A to %parallel_loop3A_3 step %parallel_loop3A_4  : i32 {
      %parallel_loop3A_112 = arith.constant 16 : i32
      %parallel_loop3A_113 = arith.muli %parallel_loop3A_111, %parallel_loop3A_112 : i32
      %parallel_loop3A_114 = tpu.assume_multiple %parallel_loop3A_113, 16 : i32
      %parallel_loop3A_115 = arith.constant 16 : i32
      %parallel_loop3A_116 = arith.muli %parallel_loop3A_111, %parallel_loop3A_115 : i32
      %parallel_loop3A_117 = arith.addi %mul3A_2, %parallel_loop3A_116 : i32
      %parallel_loop3A_118 = tpu.iota {dimensions = array<i32: 0>} : vector<16xi32>
      %parallel_loop3A_119 = vector.broadcast %parallel_loop3A_117 : i32 to vector<16xi32>
      %parallel_loop3A_120 = arith.addi %parallel_loop3A_119, %parallel_loop3A_118 : vector<16xi32>
      %parallel_loop3A_121 = arith.index_cast %parallel_loop3A_114 : i32 to index
      %parallel_loop3A_122 = tpu.vector_load %arg7[%parallel_loop3A_121] {strides = array<i32>} : memref<8192xi32, #tpu.memory_space<vmem>>, vector<16xi32>,
      %parallel_loop3A_123 = vector.shape_cast %parallel_loop3A_122 : vector<16xi32> to vector<16xi32>
      %parallel_loop3A_124 = vector.shape_cast %parallel_loop3A_120 : vector<16xi32> to vector<16xi32>
      tpu.vector_store %arg7[%parallel_loop3A_121], %parallel_loop3A_124 {strides = array<i32>} : memref<8192xi32, #tpu.memory_space<vmem>>, vector<16xi32>,
    } {sc.loop_unroll_factor = 8 : i64, sc.parallel_access}
    %dma_start3A = arith.constant 0 : i32
    %dma_start3A_5 = tpu.memref_slice %arg6[%dma_start3A] : memref<8192xi32, #tpu.memory_space<vmem>> -> memref<2048xi32, #tpu.memory_space<vmem>>
    %dma_start3A_6 = arith.constant 0 : i32
    %dma_start3A_7 = tpu.memref_slice %arg5[%dma_start3A_6] : memref<8192xi32, #tpu.memory_space<vmem>> -> memref<2048xi32, #tpu.memory_space<vmem>>
    %dma_start3A_8 = arith.constant 0 : i32
    %dma_start3A_9 = tpu.memref_slice %arg3[%dma_start3A_8] : memref<4456448xi32, #tpu.memory_space<hbm>> -> memref<4456448xi32, #tpu.memory_space<hbm>>
    tpu.enqueue_indirect_dma source(%dma_start3A_9 : memref<4456448xi32, #tpu.memory_space<hbm>>) target(%dma_start3A_5 : memref<2048xi32, #tpu.memory_space<vmem>>) offsets(%dma_start3A_7 : memref<2048xi32, #tpu.memory_space<vmem>>) semaphore(%arg9 : memref<!tpu.dma_semaphore, #tpu.memory_space<semaphore_mem>>)
    %dma_start3A_10 = arith.constant 2048 : i32
    %dma_start3A_11 = tpu.memref_slice %arg6[%dma_start3A_10] : memref<8192xi32, #tpu.memory_space<vmem>> -> memref<2048xi32, #tpu.memory_space<vmem>>
    %dma_start3A_12 = arith.constant 2048 : i32
    %dma_start3A_13 = tpu.memref_slice %arg5[%dma_start3A_12] : memref<8192xi32, #tpu.memory_space<vmem>> -> memref<2048xi32, #tpu.memory_space<vmem>>
    %dma_start3A_14 = arith.constant 0 : i32
    %dma_start3A_15 = tpu.memref_slice %arg3[%dma_start3A_14] : memref<4456448xi32, #tpu.memory_space<hbm>> -> memref<4456448xi32, #tpu.memory_space<hbm>>
    tpu.enqueue_indirect_dma source(%dma_start3A_15 : memref<4456448xi32, #tpu.memory_space<hbm>>) target(%dma_start3A_11 : memref<2048xi32, #tpu.memory_space<vmem>>) offsets(%dma_start3A_13 : memref<2048xi32, #tpu.memory_space<vmem>>) semaphore(%arg10 : memref<!tpu.dma_semaphore, #tpu.memory_space<semaphore_mem>>)
    %dma_start3A_16 = arith.constant 4096 : i32
    %dma_start3A_17 = tpu.memref_slice %arg6[%dma_start3A_16] : memref<8192xi32, #tpu.memory_space<vmem>> -> memref<2048xi32, #tpu.memory_space<vmem>>
    %dma_start3A_18 = arith.constant 4096 : i32
    %dma_start3A_19 = tpu.memref_slice %arg5[%dma_start3A_18] : memref<8192xi32, #tpu.memory_space<vmem>> -> memref<2048xi32, #tpu.memory_space<vmem>>
    %dma_start3A_20 = arith.constant 0 : i32
    %dma_start3A_21 = tpu.memref_slice %arg3[%dma_start3A_20] : memref<4456448xi32, #tpu.memory_space<hbm>> -> memref<4456448xi32, #tpu.memory_space<hbm>>
    tpu.enqueue_indirect_dma source(%dma_start3A_21 : memref<4456448xi32, #tpu.memory_space<hbm>>) target(%dma_start3A_17 : memref<2048xi32, #tpu.memory_space<vmem>>) offsets(%dma_start3A_19 : memref<2048xi32, #tpu.memory_space<vmem>>) semaphore(%arg11 : memref<!tpu.dma_semaphore, #tpu.memory_space<semaphore_mem>>)
    %dma_start3A_22 = arith.constant 6144 : i32
    %dma_start3A_23 = tpu.memref_slice %arg6[%dma_start3A_22] : memref<8192xi32, #tpu.memory_space<vmem>> -> memref<2048xi32, #tpu.memory_space<vmem>>
    %dma_start3A_24 = arith.constant 6144 : i32
    %dma_start3A_25 = tpu.memref_slice %arg5[%dma_start3A_24] : memref<8192xi32, #tpu.memory_space<vmem>> -> memref<2048xi32, #tpu.memory_space<vmem>>
    %dma_start3A_26 = arith.constant 0 : i32
    %dma_start3A_27 = tpu.memref_slice %arg3[%dma_start3A_26] : memref<4456448xi32, #tpu.memory_space<hbm>> -> memref<4456448xi32, #tpu.memory_space<hbm>>
    tpu.enqueue_indirect_dma source(%dma_start3A_27 : memref<4456448xi32, #tpu.memory_space<hbm>>) target(%dma_start3A_23 : memref<2048xi32, #tpu.memory_space<vmem>>) offsets(%dma_start3A_25 : memref<2048xi32, #tpu.memory_space<vmem>>) semaphore(%arg12 : memref<!tpu.dma_semaphore, #tpu.memory_space<semaphore_mem>>)
    %dma_wait3A = arith.constant 0 : i32
    %dma_wait3A_28 = tpu.memref_slice %arg6[%dma_wait3A] : memref<8192xi32, #tpu.memory_space<vmem>> -> memref<2048xi32, #tpu.memory_space<vmem>>
    %dma_wait3A_29 = arith.constant 0 : i32
    %dma_wait3A_30 = tpu.memref_slice %arg5[%dma_wait3A_29] : memref<8192xi32, #tpu.memory_space<vmem>> -> memref<2048xi32, #tpu.memory_space<vmem>>
    %dma_wait3A_31 = arith.constant 0 : i32
    %dma_wait3A_32 = tpu.memref_slice %arg3[%dma_wait3A_31] : memref<4456448xi32, #tpu.memory_space<hbm>> -> memref<4456448xi32, #tpu.memory_space<hbm>>
    tpu.wait_indirect_dma semaphore(%arg9 : memref<!tpu.dma_semaphore, #tpu.memory_space<semaphore_mem>>) src(%dma_wait3A_32 : memref<4456448xi32, #tpu.memory_space<hbm>>) dst(%dma_wait3A_28 : memref<2048xi32, #tpu.memory_space<vmem>>)
    %parallel_loop3A_33 = arith.constant 0 : i32
    %parallel_loop3A_34 = arith.constant 128 : i32
    %parallel_loop3A_35 = arith.constant 1 : i32
    scf.for %parallel_loop3A_111 = %parallel_loop3A_33 to %parallel_loop3A_34 step %parallel_loop3A_35  : i32 {
      %parallel_loop3A_112 = arith.constant 16 : i32
      %parallel_loop3A_113 = arith.muli %parallel_loop3A_111, %parallel_loop3A_112 : i32
      %parallel_loop3A_114 = tpu.assume_multiple %parallel_loop3A_113, 16 : i32
      %parallel_loop3A_115 = arith.index_cast %parallel_loop3A_114 : i32 to index
      %parallel_loop3A_116 = tpu.vector_load %arg6[%parallel_loop3A_115] {strides = array<i32>} : memref<8192xi32, #tpu.memory_space<vmem>>, vector<16xi32>,
      %parallel_loop3A_117 = vector.shape_cast %parallel_loop3A_116 : vector<16xi32> to vector<16xi32>
      %parallel_loop3A_118 = arith.index_cast %parallel_loop3A_114 : i32 to index
      %parallel_loop3A_119 = tpu.vector_load %arg7[%parallel_loop3A_118] {strides = array<i32>} : memref<8192xi32, #tpu.memory_space<vmem>>, vector<16xi32>,
      %parallel_loop3A_120 = vector.shape_cast %parallel_loop3A_119 : vector<16xi32> to vector<16xi32>
      %parallel_loop3A_121 = arith.index_cast %parallel_loop3A_114 : i32 to index
      %parallel_loop3A_122 = tpu.vector_load %arg5[%parallel_loop3A_121] {strides = array<i32>} : memref<8192xi32, #tpu.memory_space<vmem>>, vector<16xi32>,
      %parallel_loop3A_123 = vector.shape_cast %parallel_loop3A_122 : vector<16xi32> to vector<16xi32>
      %parallel_loop3A_124 = arith.cmpi slt, %parallel_loop3A_117, %parallel_loop3A_120 : vector<16xi32>
      %parallel_loop3A_125 = arith.constant 4194304 : i32
      %parallel_loop3A_126 = vector.broadcast %parallel_loop3A_125 : i32 to vector<16xi32>
      %parallel_loop3A_127 = arith.addi %parallel_loop3A_126, %parallel_loop3A_120 : vector<16xi32>
      %parallel_loop3A_128 = arith.select %parallel_loop3A_124, %parallel_loop3A_123, %parallel_loop3A_127 : vector<16xi1>, vector<16xi32>
      %parallel_loop3A_129 = arith.index_cast %parallel_loop3A_114 : i32 to index
      %parallel_loop3A_130 = tpu.vector_load %arg8[%parallel_loop3A_129] {strides = array<i32>} : memref<8192xi32, #tpu.memory_space<vmem>>, vector<16xi32>,
      %parallel_loop3A_131 = vector.shape_cast %parallel_loop3A_130 : vector<16xi32> to vector<16xi32>
      %parallel_loop3A_132 = vector.shape_cast %parallel_loop3A_128 : vector<16xi32> to vector<16xi32>
      tpu.vector_store %arg8[%parallel_loop3A_129], %parallel_loop3A_132 {strides = array<i32>} : memref<8192xi32, #tpu.memory_space<vmem>>, vector<16xi32>,
    } {sc.loop_unroll_factor = 8 : i64, sc.parallel_access}
    %dma_start3A_36 = arith.constant 0 : i32
    %dma_start3A_37 = tpu.memref_slice %arg7[%dma_start3A_36] : memref<8192xi32, #tpu.memory_space<vmem>> -> memref<2048xi32, #tpu.memory_space<vmem>>
    %dma_start3A_38 = arith.constant 0 : i32
    %dma_start3A_39 = tpu.memref_slice %arg8[%dma_start3A_38] : memref<8192xi32, #tpu.memory_space<vmem>> -> memref<2048xi32, #tpu.memory_space<vmem>>
    %dma_start3A_40 = arith.constant 0 : i32
    %dma_start3A_41 = tpu.memref_slice %arg3[%dma_start3A_40] : memref<4456448xi32, #tpu.memory_space<hbm>> -> memref<4456448xi32, #tpu.memory_space<hbm>>
    tpu.enqueue_indirect_dma source(%dma_start3A_37 : memref<2048xi32, #tpu.memory_space<vmem>>) target(%dma_start3A_41 : memref<4456448xi32, #tpu.memory_space<hbm>>) offsets(%dma_start3A_39 : memref<2048xi32, #tpu.memory_space<vmem>>) semaphore(%arg13 : memref<!tpu.dma_semaphore, #tpu.memory_space<semaphore_mem>>)
    %dma_wait3A_42 = arith.constant 2048 : i32
    %dma_wait3A_43 = tpu.memref_slice %arg6[%dma_wait3A_42] : memref<8192xi32, #tpu.memory_space<vmem>> -> memref<2048xi32, #tpu.memory_space<vmem>>
    %dma_wait3A_44 = arith.constant 2048 : i32
    %dma_wait3A_45 = tpu.memref_slice %arg5[%dma_wait3A_44] : memref<8192xi32, #tpu.memory_space<vmem>> -> memref<2048xi32, #tpu.memory_space<vmem>>
    %dma_wait3A_46 = arith.constant 0 : i32
    %dma_wait3A_47 = tpu.memref_slice %arg3[%dma_wait3A_46] : memref<4456448xi32, #tpu.memory_space<hbm>> -> memref<4456448xi32, #tpu.memory_space<hbm>>
    tpu.wait_indirect_dma semaphore(%arg10 : memref<!tpu.dma_semaphore, #tpu.memory_space<semaphore_mem>>) src(%dma_wait3A_47 : memref<4456448xi32, #tpu.memory_space<hbm>>) dst(%dma_wait3A_43 : memref<2048xi32, #tpu.memory_space<vmem>>)
    %parallel_loop3A_48 = arith.constant 128 : i32
    %parallel_loop3A_49 = arith.constant 256 : i32
    %parallel_loop3A_50 = arith.constant 1 : i32
    scf.for %parallel_loop3A_111 = %parallel_loop3A_48 to %parallel_loop3A_49 step %parallel_loop3A_50  : i32 {
      %parallel_loop3A_112 = arith.constant 16 : i32
      %parallel_loop3A_113 = arith.muli %parallel_loop3A_111, %parallel_loop3A_112 : i32
      %parallel_loop3A_114 = tpu.assume_multiple %parallel_loop3A_113, 16 : i32
      %parallel_loop3A_115 = arith.index_cast %parallel_loop3A_114 : i32 to index
      %parallel_loop3A_116 = tpu.vector_load %arg6[%parallel_loop3A_115] {strides = array<i32>} : memref<8192xi32, #tpu.memory_space<vmem>>, vector<16xi32>,
      %parallel_loop3A_117 = vector.shape_cast %parallel_loop3A_116 : vector<16xi32> to vector<16xi32>
      %parallel_loop3A_118 = arith.index_cast %parallel_loop3A_114 : i32 to index
      %parallel_loop3A_119 = tpu.vector_load %arg7[%parallel_loop3A_118] {strides = array<i32>} : memref<8192xi32, #tpu.memory_space<vmem>>, vector<16xi32>,
      %parallel_loop3A_120 = vector.shape_cast %parallel_loop3A_119 : vector<16xi32> to vector<16xi32>
      %parallel_loop3A_121 = arith.index_cast %parallel_loop3A_114 : i32 to index
      %parallel_loop3A_122 = tpu.vector_load %arg5[%parallel_loop3A_121] {strides = array<i32>} : memref<8192xi32, #tpu.memory_space<vmem>>, vector<16xi32>,
      %parallel_loop3A_123 = vector.shape_cast %parallel_loop3A_122 : vector<16xi32> to vector<16xi32>
      %parallel_loop3A_124 = arith.cmpi slt, %parallel_loop3A_117, %parallel_loop3A_120 : vector<16xi32>
      %parallel_loop3A_125 = arith.constant 4194304 : i32
      %parallel_loop3A_126 = vector.broadcast %parallel_loop3A_125 : i32 to vector<16xi32>
      %parallel_loop3A_127 = arith.addi %parallel_loop3A_126, %parallel_loop3A_120 : vector<16xi32>
      %parallel_loop3A_128 = arith.select %parallel_loop3A_124, %parallel_loop3A_123, %parallel_loop3A_127 : vector<16xi1>, vector<16xi32>
      %parallel_loop3A_129 = arith.index_cast %parallel_loop3A_114 : i32 to index
      %parallel_loop3A_130 = tpu.vector_load %arg8[%parallel_loop3A_129] {strides = array<i32>} : memref<8192xi32, #tpu.memory_space<vmem>>, vector<16xi32>,
      %parallel_loop3A_131 = vector.shape_cast %parallel_loop3A_130 : vector<16xi32> to vector<16xi32>
      %parallel_loop3A_132 = vector.shape_cast %parallel_loop3A_128 : vector<16xi32> to vector<16xi32>
      tpu.vector_store %arg8[%parallel_loop3A_129], %parallel_loop3A_132 {strides = array<i32>} : memref<8192xi32, #tpu.memory_space<vmem>>, vector<16xi32>,
    } {sc.loop_unroll_factor = 8 : i64, sc.parallel_access}
    %dma_start3A_51 = arith.constant 2048 : i32
    %dma_start3A_52 = tpu.memref_slice %arg7[%dma_start3A_51] : memref<8192xi32, #tpu.memory_space<vmem>> -> memref<2048xi32, #tpu.memory_space<vmem>>
    %dma_start3A_53 = arith.constant 2048 : i32
    %dma_start3A_54 = tpu.memref_slice %arg8[%dma_start3A_53] : memref<8192xi32, #tpu.memory_space<vmem>> -> memref<2048xi32, #tpu.memory_space<vmem>>
    %dma_start3A_55 = arith.constant 0 : i32
    %dma_start3A_56 = tpu.memref_slice %arg3[%dma_start3A_55] : memref<4456448xi32, #tpu.memory_space<hbm>> -> memref<4456448xi32, #tpu.memory_space<hbm>>
    tpu.enqueue_indirect_dma source(%dma_start3A_52 : memref<2048xi32, #tpu.memory_space<vmem>>) target(%dma_start3A_56 : memref<4456448xi32, #tpu.memory_space<hbm>>) offsets(%dma_start3A_54 : memref<2048xi32, #tpu.memory_space<vmem>>) semaphore(%arg14 : memref<!tpu.dma_semaphore, #tpu.memory_space<semaphore_mem>>)
    %dma_wait3A_57 = arith.constant 4096 : i32
    %dma_wait3A_58 = tpu.memref_slice %arg6[%dma_wait3A_57] : memref<8192xi32, #tpu.memory_space<vmem>> -> memref<2048xi32, #tpu.memory_space<vmem>>
    %dma_wait3A_59 = arith.constant 4096 : i32
    %dma_wait3A_60 = tpu.memref_slice %arg5[%dma_wait3A_59] : memref<8192xi32, #tpu.memory_space<vmem>> -> memref<2048xi32, #tpu.memory_space<vmem>>
    %dma_wait3A_61 = arith.constant 0 : i32
    %dma_wait3A_62 = tpu.memref_slice %arg3[%dma_wait3A_61] : memref<4456448xi32, #tpu.memory_space<hbm>> -> memref<4456448xi32, #tpu.memory_space<hbm>>
    tpu.wait_indirect_dma semaphore(%arg11 : memref<!tpu.dma_semaphore, #tpu.memory_space<semaphore_mem>>) src(%dma_wait3A_62 : memref<4456448xi32, #tpu.memory_space<hbm>>) dst(%dma_wait3A_58 : memref<2048xi32, #tpu.memory_space<vmem>>)
    %parallel_loop3A_63 = arith.constant 256 : i32
    %parallel_loop3A_64 = arith.constant 384 : i32
    %parallel_loop3A_65 = arith.constant 1 : i32
    scf.for %parallel_loop3A_111 = %parallel_loop3A_63 to %parallel_loop3A_64 step %parallel_loop3A_65  : i32 {
      %parallel_loop3A_112 = arith.constant 16 : i32
      %parallel_loop3A_113 = arith.muli %parallel_loop3A_111, %parallel_loop3A_112 : i32
      %parallel_loop3A_114 = tpu.assume_multiple %parallel_loop3A_113, 16 : i32
      %parallel_loop3A_115 = arith.index_cast %parallel_loop3A_114 : i32 to index
      %parallel_loop3A_116 = tpu.vector_load %arg6[%parallel_loop3A_115] {strides = array<i32>} : memref<8192xi32, #tpu.memory_space<vmem>>, vector<16xi32>,
      %parallel_loop3A_117 = vector.shape_cast %parallel_loop3A_116 : vector<16xi32> to vector<16xi32>
      %parallel_loop3A_118 = arith.index_cast %parallel_loop3A_114 : i32 to index
      %parallel_loop3A_119 = tpu.vector_load %arg7[%parallel_loop3A_118] {strides = array<i32>} : memref<8192xi32, #tpu.memory_space<vmem>>, vector<16xi32>,
      %parallel_loop3A_120 = vector.shape_cast %parallel_loop3A_119 : vector<16xi32> to vector<16xi32>
      %parallel_loop3A_121 = arith.index_cast %parallel_loop3A_114 : i32 to index
      %parallel_loop3A_122 = tpu.vector_load %arg5[%parallel_loop3A_121] {strides = array<i32>} : memref<8192xi32, #tpu.memory_space<vmem>>, vector<16xi32>,
      %parallel_loop3A_123 = vector.shape_cast %parallel_loop3A_122 : vector<16xi32> to vector<16xi32>
      %parallel_loop3A_124 = arith.cmpi slt, %parallel_loop3A_117, %parallel_loop3A_120 : vector<16xi32>
      %parallel_loop3A_125 = arith.constant 4194304 : i32
      %parallel_loop3A_126 = vector.broadcast %parallel_loop3A_125 : i32 to vector<16xi32>
      %parallel_loop3A_127 = arith.addi %parallel_loop3A_126, %parallel_loop3A_120 : vector<16xi32>
      %parallel_loop3A_128 = arith.select %parallel_loop3A_124, %parallel_loop3A_123, %parallel_loop3A_127 : vector<16xi1>, vector<16xi32>
      %parallel_loop3A_129 = arith.index_cast %parallel_loop3A_114 : i32 to index
      %parallel_loop3A_130 = tpu.vector_load %arg8[%parallel_loop3A_129] {strides = array<i32>} : memref<8192xi32, #tpu.memory_space<vmem>>, vector<16xi32>,
      %parallel_loop3A_131 = vector.shape_cast %parallel_loop3A_130 : vector<16xi32> to vector<16xi32>
      %parallel_loop3A_132 = vector.shape_cast %parallel_loop3A_128 : vector<16xi32> to vector<16xi32>
      tpu.vector_store %arg8[%parallel_loop3A_129], %parallel_loop3A_132 {strides = array<i32>} : memref<8192xi32, #tpu.memory_space<vmem>>, vector<16xi32>,
    } {sc.loop_unroll_factor = 8 : i64, sc.parallel_access}
    %dma_start3A_66 = arith.constant 4096 : i32
    %dma_start3A_67 = tpu.memref_slice %arg7[%dma_start3A_66] : memref<8192xi32, #tpu.memory_space<vmem>> -> memref<2048xi32, #tpu.memory_space<vmem>>
    %dma_start3A_68 = arith.constant 4096 : i32
    %dma_start3A_69 = tpu.memref_slice %arg8[%dma_start3A_68] : memref<8192xi32, #tpu.memory_space<vmem>> -> memref<2048xi32, #tpu.memory_space<vmem>>
    %dma_start3A_70 = arith.constant 0 : i32
    %dma_start3A_71 = tpu.memref_slice %arg3[%dma_start3A_70] : memref<4456448xi32, #tpu.memory_space<hbm>> -> memref<4456448xi32, #tpu.memory_space<hbm>>
    tpu.enqueue_indirect_dma source(%dma_start3A_67 : memref<2048xi32, #tpu.memory_space<vmem>>) target(%dma_start3A_71 : memref<4456448xi32, #tpu.memory_space<hbm>>) offsets(%dma_start3A_69 : memref<2048xi32, #tpu.memory_space<vmem>>) semaphore(%arg15 : memref<!tpu.dma_semaphore, #tpu.memory_space<semaphore_mem>>)
    %dma_wait3A_72 = arith.constant 6144 : i32
    %dma_wait3A_73 = tpu.memref_slice %arg6[%dma_wait3A_72] : memref<8192xi32, #tpu.memory_space<vmem>> -> memref<2048xi32, #tpu.memory_space<vmem>>
    %dma_wait3A_74 = arith.constant 6144 : i32
    %dma_wait3A_75 = tpu.memref_slice %arg5[%dma_wait3A_74] : memref<8192xi32, #tpu.memory_space<vmem>> -> memref<2048xi32, #tpu.memory_space<vmem>>
    %dma_wait3A_76 = arith.constant 0 : i32
    %dma_wait3A_77 = tpu.memref_slice %arg3[%dma_wait3A_76] : memref<4456448xi32, #tpu.memory_space<hbm>> -> memref<4456448xi32, #tpu.memory_space<hbm>>
    tpu.wait_indirect_dma semaphore(%arg12 : memref<!tpu.dma_semaphore, #tpu.memory_space<semaphore_mem>>) src(%dma_wait3A_77 : memref<4456448xi32, #tpu.memory_space<hbm>>) dst(%dma_wait3A_73 : memref<2048xi32, #tpu.memory_space<vmem>>)
    %parallel_loop3A_78 = arith.constant 384 : i32
    %parallel_loop3A_79 = arith.constant 512 : i32
    %parallel_loop3A_80 = arith.constant 1 : i32
    scf.for %parallel_loop3A_111 = %parallel_loop3A_78 to %parallel_loop3A_79 step %parallel_loop3A_80  : i32 {
      %parallel_loop3A_112 = arith.constant 16 : i32
      %parallel_loop3A_113 = arith.muli %parallel_loop3A_111, %parallel_loop3A_112 : i32
      %parallel_loop3A_114 = tpu.assume_multiple %parallel_loop3A_113, 16 : i32
      %parallel_loop3A_115 = arith.index_cast %parallel_loop3A_114 : i32 to index
      %parallel_loop3A_116 = tpu.vector_load %arg6[%parallel_loop3A_115] {strides = array<i32>} : memref<8192xi32, #tpu.memory_space<vmem>>, vector<16xi32>,
      %parallel_loop3A_117 = vector.shape_cast %parallel_loop3A_116 : vector<16xi32> to vector<16xi32>
      %parallel_loop3A_118 = arith.index_cast %parallel_loop3A_114 : i32 to index
      %parallel_loop3A_119 = tpu.vector_load %arg7[%parallel_loop3A_118] {strides = array<i32>} : memref<8192xi32, #tpu.memory_space<vmem>>, vector<16xi32>,
      %parallel_loop3A_120 = vector.shape_cast %parallel_loop3A_119 : vector<16xi32> to vector<16xi32>
      %parallel_loop3A_121 = arith.index_cast %parallel_loop3A_114 : i32 to index
      %parallel_loop3A_122 = tpu.vector_load %arg5[%parallel_loop3A_121] {strides = array<i32>} : memref<8192xi32, #tpu.memory_space<vmem>>, vector<16xi32>,
      %parallel_loop3A_123 = vector.shape_cast %parallel_loop3A_122 : vector<16xi32> to vector<16xi32>
      %parallel_loop3A_124 = arith.cmpi slt, %parallel_loop3A_117, %parallel_loop3A_120 : vector<16xi32>
      %parallel_loop3A_125 = arith.constant 4194304 : i32
      %parallel_loop3A_126 = vector.broadcast %parallel_loop3A_125 : i32 to vector<16xi32>
      %parallel_loop3A_127 = arith.addi %parallel_loop3A_126, %parallel_loop3A_120 : vector<16xi32>
      %parallel_loop3A_128 = arith.select %parallel_loop3A_124, %parallel_loop3A_123, %parallel_loop3A_127 : vector<16xi1>, vector<16xi32>
      %parallel_loop3A_129 = arith.index_cast %parallel_loop3A_114 : i32 to index
      %parallel_loop3A_130 = tpu.vector_load %arg8[%parallel_loop3A_129] {strides = array<i32>} : memref<8192xi32, #tpu.memory_space<vmem>>, vector<16xi32>,
      %parallel_loop3A_131 = vector.shape_cast %parallel_loop3A_130 : vector<16xi32> to vector<16xi32>
      %parallel_loop3A_132 = vector.shape_cast %parallel_loop3A_128 : vector<16xi32> to vector<16xi32>
      tpu.vector_store %arg8[%parallel_loop3A_129], %parallel_loop3A_132 {strides = array<i32>} : memref<8192xi32, #tpu.memory_space<vmem>>, vector<16xi32>,
    } {sc.loop_unroll_factor = 8 : i64, sc.parallel_access}
    %dma_start3A_81 = arith.constant 6144 : i32
    %dma_start3A_82 = tpu.memref_slice %arg7[%dma_start3A_81] : memref<8192xi32, #tpu.memory_space<vmem>> -> memref<2048xi32, #tpu.memory_space<vmem>>
    %dma_start3A_83 = arith.constant 6144 : i32
    %dma_start3A_84 = tpu.memref_slice %arg8[%dma_start3A_83] : memref<8192xi32, #tpu.memory_space<vmem>> -> memref<2048xi32, #tpu.memory_space<vmem>>
    %dma_start3A_85 = arith.constant 0 : i32
    %dma_start3A_86 = tpu.memref_slice %arg3[%dma_start3A_85] : memref<4456448xi32, #tpu.memory_space<hbm>> -> memref<4456448xi32, #tpu.memory_space<hbm>>
    tpu.enqueue_indirect_dma source(%dma_start3A_82 : memref<2048xi32, #tpu.memory_space<vmem>>) target(%dma_start3A_86 : memref<4456448xi32, #tpu.memory_space<hbm>>) offsets(%dma_start3A_84 : memref<2048xi32, #tpu.memory_space<vmem>>) semaphore(%arg16 : memref<!tpu.dma_semaphore, #tpu.memory_space<semaphore_mem>>)
    %dma_wait3A_87 = arith.constant 0 : i32
    %dma_wait3A_88 = tpu.memref_slice %arg7[%dma_wait3A_87] : memref<8192xi32, #tpu.memory_space<vmem>> -> memref<2048xi32, #tpu.memory_space<vmem>>
    %dma_wait3A_89 = arith.constant 0 : i32
    %dma_wait3A_90 = tpu.memref_slice %arg8[%dma_wait3A_89] : memref<8192xi32, #tpu.memory_space<vmem>> -> memref<2048xi32, #tpu.memory_space<vmem>>
    %dma_wait3A_91 = arith.constant 0 : i32
    %dma_wait3A_92 = tpu.memref_slice %arg3[%dma_wait3A_91] : memref<4456448xi32, #tpu.memory_space<hbm>> -> memref<4456448xi32, #tpu.memory_space<hbm>>
    tpu.wait_indirect_dma semaphore(%arg13 : memref<!tpu.dma_semaphore, #tpu.memory_space<semaphore_mem>>) src(%dma_wait3A_88 : memref<2048xi32, #tpu.memory_space<vmem>>) dst(%dma_wait3A_92 : memref<4456448xi32, #tpu.memory_space<hbm>>)
    %dma_wait3A_93 = arith.constant 2048 : i32
    %dma_wait3A_94 = tpu.memref_slice %arg7[%dma_wait3A_93] : memref<8192xi32, #tpu.memory_space<vmem>> -> memref<2048xi32, #tpu.memory_space<vmem>>
    %dma_wait3A_95 = arith.constant 2048 : i32
    %dma_wait3A_96 = tpu.memref_slice %arg8[%dma_wait3A_95] : memref<8192xi32, #tpu.memory_space<vmem>> -> memref<2048xi32, #tpu.memory_space<vmem>>
    %dma_wait3A_97 = arith.constant 0 : i32
    %dma_wait3A_98 = tpu.memref_slice %arg3[%dma_wait3A_97] : memref<4456448xi32, #tpu.memory_space<hbm>> -> memref<4456448xi32, #tpu.memory_space<hbm>>
    tpu.wait_indirect_dma semaphore(%arg14 : memref<!tpu.dma_semaphore, #tpu.memory_space<semaphore_mem>>) src(%dma_wait3A_94 : memref<2048xi32, #tpu.memory_space<vmem>>) dst(%dma_wait3A_98 : memref<4456448xi32, #tpu.memory_space<hbm>>)
    %dma_wait3A_99 = arith.constant 4096 : i32
    %dma_wait3A_100 = tpu.memref_slice %arg7[%dma_wait3A_99] : memref<8192xi32, #tpu.memory_space<vmem>> -> memref<2048xi32, #tpu.memory_space<vmem>>
    %dma_wait3A_101 = arith.constant 4096 : i32
    %dma_wait3A_102 = tpu.memref_slice %arg8[%dma_wait3A_101] : memref<8192xi32, #tpu.memory_space<vmem>> -> memref<2048xi32, #tpu.memory_space<vmem>>
    %dma_wait3A_103 = arith.constant 0 : i32
    %dma_wait3A_104 = tpu.memref_slice %arg3[%dma_wait3A_103] : memref<4456448xi32, #tpu.memory_space<hbm>> -> memref<4456448xi32, #tpu.memory_space<hbm>>
    tpu.wait_indirect_dma semaphore(%arg15 : memref<!tpu.dma_semaphore, #tpu.memory_space<semaphore_mem>>) src(%dma_wait3A_100 : memref<2048xi32, #tpu.memory_space<vmem>>) dst(%dma_wait3A_104 : memref<4456448xi32, #tpu.memory_space<hbm>>)
    %dma_wait3A_105 = arith.constant 6144 : i32
    %dma_wait3A_106 = tpu.memref_slice %arg7[%dma_wait3A_105] : memref<8192xi32, #tpu.memory_space<vmem>> -> memref<2048xi32, #tpu.memory_space<vmem>>
    %dma_wait3A_107 = arith.constant 6144 : i32
    %dma_wait3A_108 = tpu.memref_slice %arg8[%dma_wait3A_107] : memref<8192xi32, #tpu.memory_space<vmem>> -> memref<2048xi32, #tpu.memory_space<vmem>>
    %dma_wait3A_109 = arith.constant 0 : i32
    %dma_wait3A_110 = tpu.memref_slice %arg3[%dma_wait3A_109] : memref<4456448xi32, #tpu.memory_space<hbm>> -> memref<4456448xi32, #tpu.memory_space<hbm>>
    tpu.wait_indirect_dma semaphore(%arg16 : memref<!tpu.dma_semaphore, #tpu.memory_space<semaphore_mem>>) src(%dma_wait3A_106 : memref<2048xi32, #tpu.memory_space<vmem>>) dst(%dma_wait3A_110 : memref<4456448xi32, #tpu.memory_space<hbm>>)
    return
  }
}

#map = affine_map<(d0, d1) -> (0)>
#map1 = affine_map<(d0, d1) -> (0, 0)>
module attributes {stable_mosaic.version = 14 : i64} {
  func.func @new_body(%arg0: i32, %arg1: i32, %arg2: memref<262144xi32, #tpu.memory_space<hbm>>, %arg3: memref<4456448xi32, #tpu.memory_space<hbm>>, %arg4: memref<262144x8xf32, #tpu.memory_space<hbm>>, %arg5: memref<4194304x8xf32, #tpu.memory_space<hbm>>, %arg6: memref<4456448xi32, #tpu.memory_space<hbm>>, %arg7: memref<4194304x8xf32, #tpu.memory_space<hbm>>, %arg8: memref<8192xi32, #tpu.memory_space<vmem>>, %arg9: memref<8192xi32, #tpu.memory_space<vmem>>, %arg10: memref<8192x8xf32, #tpu.memory_space<vmem>>, %arg11: memref<!tpu.dma_semaphore, #tpu.memory_space<semaphore_mem>>, %arg12: memref<!tpu.dma_semaphore, #tpu.memory_space<semaphore_mem>>) attributes {dimension_semantics = [#tpu.dimension_semantics<core_parallel>, #tpu.dimension_semantics<subcore_parallel>], iteration_bounds = array<i64: 2, 16>, scalar_prefetch = 0 : i64, scratch_operands = 5 : i64, tpu.core_type = #tpu.core_type<sc_vector_subcore>, window_params = [{transform_indices = #map}, {transform_indices = #map}, {transform_indices = #map1}, {transform_indices = #map1}, {transform_indices = #map}, {transform_indices = #map1}]} {
    %mul3A = arith.constant 2 : i32
    %mul3A_0 = arith.muli %arg1, %mul3A : i32
    %add3A = arith.addi %mul3A_0, %arg0 : i32
    %mul3A_1 = arith.constant 8192 : i32
    %mul3A_2 = arith.muli %add3A, %mul3A_1 : i32
    "tpu.region"() ({
      %run_scoped3A = tpu.sem_alloc : memref<!tpu.dma_semaphore, #tpu.memory_space<semaphore_mem>>
      %dma_start3A_17 = tpu.memref_slice %arg2[%mul3A_2] : memref<262144xi32, #tpu.memory_space<hbm>> -> memref<8192xi32, #tpu.memory_space<hbm>>
      %dma_start3A_18 = tpu.memref_slice %arg2[%mul3A_2] : memref<262144xi32, #tpu.memory_space<hbm>> -> memref<8192xi32, #tpu.memory_space<hbm>>
      tpu.enqueue_dma source(%dma_start3A_18 : memref<8192xi32, #tpu.memory_space<hbm>>) target(%arg8 : memref<8192xi32, #tpu.memory_space<vmem>>) target_semaphore(%run_scoped3A : memref<!tpu.dma_semaphore, #tpu.memory_space<semaphore_mem>>)
      %dma_wait3A_19 = tpu.memref_slice %arg2[%mul3A_2] : memref<262144xi32, #tpu.memory_space<hbm>> -> memref<8192xi32, #tpu.memory_space<hbm>>
      %dma_wait3A_20 = tpu.memref_slice %arg2[%mul3A_2] : memref<262144xi32, #tpu.memory_space<hbm>> -> memref<8192xi32, #tpu.memory_space<hbm>>
      tpu.wait_dma2 semaphore(%run_scoped3A : memref<!tpu.dma_semaphore, #tpu.memory_space<semaphore_mem>>) src(%dma_wait3A_20 : memref<8192xi32, #tpu.memory_space<hbm>>) dst(%arg8 : memref<8192xi32, #tpu.memory_space<vmem>>)
      tpu.yield
    }) : () -> ()
    %dma_start3A = arith.constant 0 : i32
    %dma_start3A_3 = tpu.memref_slice %arg3[%dma_start3A] : memref<4456448xi32, #tpu.memory_space<hbm>> -> memref<4456448xi32, #tpu.memory_space<hbm>>
    tpu.enqueue_indirect_dma source(%dma_start3A_3 : memref<4456448xi32, #tpu.memory_space<hbm>>) target(%arg9 : memref<8192xi32, #tpu.memory_space<vmem>>) offsets(%arg8 : memref<8192xi32, #tpu.memory_space<vmem>>) semaphore(%arg11 : memref<!tpu.dma_semaphore, #tpu.memory_space<semaphore_mem>>)
    %dma_wait3A = arith.constant 0 : i32
    %dma_wait3A_4 = tpu.memref_slice %arg3[%dma_wait3A] : memref<4456448xi32, #tpu.memory_space<hbm>> -> memref<4456448xi32, #tpu.memory_space<hbm>>
    tpu.wait_indirect_dma semaphore(%arg11 : memref<!tpu.dma_semaphore, #tpu.memory_space<semaphore_mem>>) src(%dma_wait3A_4 : memref<4456448xi32, #tpu.memory_space<hbm>>) dst(%arg9 : memref<8192xi32, #tpu.memory_space<vmem>>)
    %dma_start3A_5 = arith.constant 0 : i32
    %dma_start3A_6 = arith.constant 0 : i32
    %dma_start3A_7 = tpu.memref_slice %arg4[%dma_start3A_5, %dma_start3A_6] : memref<262144x8xf32, #tpu.memory_space<hbm>> -> memref<262144x8xf32, #tpu.memory_space<hbm>>
    tpu.enqueue_indirect_dma source(%dma_start3A_7 : memref<262144x8xf32, #tpu.memory_space<hbm>>) target(%arg10 : memref<8192x8xf32, #tpu.memory_space<vmem>>) offsets(%arg9 : memref<8192xi32, #tpu.memory_space<vmem>>) semaphore(%arg11 : memref<!tpu.dma_semaphore, #tpu.memory_space<semaphore_mem>>)
    %dma_wait3A_8 = arith.constant 0 : i32
    %dma_wait3A_9 = arith.constant 0 : i32
    %dma_wait3A_10 = tpu.memref_slice %arg4[%dma_wait3A_8, %dma_wait3A_9] : memref<262144x8xf32, #tpu.memory_space<hbm>> -> memref<262144x8xf32, #tpu.memory_space<hbm>>
    tpu.wait_indirect_dma semaphore(%arg11 : memref<!tpu.dma_semaphore, #tpu.memory_space<semaphore_mem>>) src(%dma_wait3A_10 : memref<262144x8xf32, #tpu.memory_space<hbm>>) dst(%arg10 : memref<8192x8xf32, #tpu.memory_space<vmem>>)
    %dma_start3A_11 = arith.constant 0 : i32
    %dma_start3A_12 = arith.constant 0 : i32
    %dma_start3A_13 = tpu.memref_slice %arg5[%dma_start3A_11, %dma_start3A_12] : memref<4194304x8xf32, #tpu.memory_space<hbm>> -> memref<4194304x8xf32, #tpu.memory_space<hbm>>
    tpu.enqueue_indirect_dma source(%arg10 : memref<8192x8xf32, #tpu.memory_space<vmem>>) target(%dma_start3A_13 : memref<4194304x8xf32, #tpu.memory_space<hbm>>) offsets(%arg8 : memref<8192xi32, #tpu.memory_space<vmem>>) semaphore(%arg12 : memref<!tpu.dma_semaphore, #tpu.memory_space<semaphore_mem>>)
    %dma_wait3A_14 = arith.constant 0 : i32
    %dma_wait3A_15 = arith.constant 0 : i32
    %dma_wait3A_16 = tpu.memref_slice %arg5[%dma_wait3A_14, %dma_wait3A_15] : memref<4194304x8xf32, #tpu.memory_space<hbm>> -> memref<4194304x8xf32, #tpu.memory_space<hbm>>
    tpu.wait_indirect_dma semaphore(%arg12 : memref<!tpu.dma_semaphore, #tpu.memory_space<semaphore_mem>>) src(%arg10 : memref<8192x8xf32, #tpu.memory_space<vmem>>) dst(%dma_wait3A_16 : memref<4194304x8xf32, #tpu.memory_space<hbm>>)
    return
  }
}

module attributes {stable_mosaic.version = 14 : i64} {
  func.func @_fusion_body(%arg0: i32, %arg1: memref<2048x128xf32, #tpu.memory_space<vmem>>, %arg2: memref<2048x128xf32, #tpu.memory_space<vmem>>, %arg3: memref<128x128xf32, #tpu.memory_space<vmem>>, %arg4: memref<128x128xf32, #tpu.memory_space<vmem>>, %arg5: memref<1x128xf32, #tpu.memory_space<vmem>>, %arg6: memref<2048x128xf32, #tpu.memory_space<vmem>>) attributes {dimension_semantics = [#tpu.dimension_semantics<arbitrary>], iteration_bounds = array<i64: 8>, scalar_prefetch = 0 : i64, scratch_operands = 0 : i64, tpu.core_type = #tpu.core_type<tc>, window_params = [{transform_indices = @transform_0, window_bounds = array<i64: 2048, 128>}, {transform_indices = @transform_1, window_bounds = array<i64: 2048, 128>}, {pipeline_mode = #tpu.pipeline_mode<synchronous>, transform_indices = @transform_2, window_bounds = array<i64: 128, 128>}, {pipeline_mode = #tpu.pipeline_mode<synchronous>, transform_indices = @transform_3, window_bounds = array<i64: 128, 128>}, {pipeline_mode = #tpu.pipeline_mode<synchronous>, transform_indices = @transform_4, window_bounds = array<i64: 1, 128>}, {transform_indices = @transform_5, window_bounds = array<i64: 2048, 128>}]} {
    %get3A = arith.constant 0 : index
    %get3A_0 = arith.constant 0 : index
    %get3A_1 = vector.load %arg1[%get3A, %get3A_0] : memref<2048x128xf32, #tpu.memory_space<vmem>>, vector<2048x128xf32>
    %get3A_2 = arith.constant 0 : index
    %get3A_3 = arith.constant 0 : index
    %get3A_4 = vector.load %arg3[%get3A_2, %get3A_3] : memref<128x128xf32, #tpu.memory_space<vmem>>, vector<128x128xf32>
    %dot_general3A = arith.constant dense<0.000000e+00> : vector<2048x128xf32>
    %dot_general3A_5 = tpu.matmul %get3A_1, %get3A_4, %dot_general3A {dimension_numbers = #tpu.dot_dimension_numbers<[1], [0], [0], [1], [0, 0, 1, 1], [], []>, transpose_lhs_hint = false} : vector<2048x128xf32>, vector<128x128xf32>, vector<2048x128xf32> -> vector<2048x128xf32>
    %get3A_6 = arith.constant 0 : index
    %get3A_7 = arith.constant 0 : index
    %get3A_8 = vector.load %arg2[%get3A_6, %get3A_7] : memref<2048x128xf32, #tpu.memory_space<vmem>>, vector<2048x128xf32>
    %get3A_9 = arith.constant 0 : index
    %get3A_10 = arith.constant 0 : index
    %get3A_11 = vector.load %arg4[%get3A_9, %get3A_10] : memref<128x128xf32, #tpu.memory_space<vmem>>, vector<128x128xf32>
    %dot_general3A_12 = arith.constant dense<0.000000e+00> : vector<2048x128xf32>
    %dot_general3A_13 = tpu.matmul %get3A_8, %get3A_11, %dot_general3A_12 {dimension_numbers = #tpu.dot_dimension_numbers<[1], [0], [0], [1], [0, 0, 1, 1], [], []>, transpose_lhs_hint = false} : vector<2048x128xf32>, vector<128x128xf32>, vector<2048x128xf32> -> vector<2048x128xf32>
    %add3A = arith.addf %dot_general3A_5, %dot_general3A_13 : vector<2048x128xf32>
    %get3A_14 = arith.constant 0 : index
    %get3A_15 = arith.constant 0 : index
    %get3A_16 = vector.load %arg5[%get3A_14, %get3A_15] : memref<1x128xf32, #tpu.memory_space<vmem>>, vector<1x128xf32>
    %add3A_17 = vector.broadcast %get3A_16 : vector<1x128xf32> to vector<2048x128xf32>
    %add3A_18 = arith.addf %add3A, %add3A_17 : vector<2048x128xf32>
    %tanh3A = math.tanh %add3A_18 : vector<2048x128xf32>
    %swap3A = arith.constant 0 : index
    %swap3A_19 = arith.constant 0 : index
    %swap3A_20 = vector.load %arg6[%swap3A, %swap3A_19] : memref<2048x128xf32, #tpu.memory_space<vmem>>, vector<2048x128xf32>
    tpu.vector_store %arg6[%swap3A, %swap3A_19], %tanh3A {strides = array<i32>} : memref<2048x128xf32, #tpu.memory_space<vmem>>, vector<2048x128xf32>,
    return
  }
  func.func @transform_0(%arg0: i32) -> (i32, i32) {
    %c0_i32 = arith.constant 0 : i32
    %c0_i32_0 = arith.constant 0 : i32
    return %arg0, %c0_i32 : i32, i32
  }
  func.func @transform_1(%arg0: i32) -> (i32, i32) {
    %c0_i32 = arith.constant 0 : i32
    %c0_i32_0 = arith.constant 0 : i32
    return %arg0, %c0_i32 : i32, i32
  }
  func.func @transform_2(%arg0: i32) -> (i32, i32) {
    %c0_i32 = arith.constant 0 : i32
    %c0_i32_0 = arith.constant 0 : i32
    %c0_i32_1 = arith.constant 0 : i32
    return %c0_i32, %c0_i32_0 : i32, i32
  }
  func.func @transform_3(%arg0: i32) -> (i32, i32) {
    %c0_i32 = arith.constant 0 : i32
    %c0_i32_0 = arith.constant 0 : i32
    %c0_i32_1 = arith.constant 0 : i32
    return %c0_i32, %c0_i32_0 : i32, i32
  }
  func.func @transform_4(%arg0: i32) -> (i32, i32) {
    %c0_i32 = arith.constant 0 : i32
    %c0_i32_0 = arith.constant 0 : i32
    %c0_i32_1 = arith.constant 0 : i32
    return %c0_i32, %c0_i32_0 : i32, i32
  }
  func.func @transform_5(%arg0: i32) -> (i32, i32) {
    %c0_i32 = arith.constant 0 : i32
    %c0_i32_0 = arith.constant 0 : i32
    return %arg0, %c0_i32 : i32, i32
  }
}

</mosaic_0001>

<sc_bundles>
// kernel: kernel.11.cloned.1.call-start
scs
__scs_entry_jumppad:
0x0: {  	(pc) =	sbr.rel $0x88, $3  }
0x1: {  	(tag) =	ssettag $0x0;
	lr =	simm.s32 $0x1  }
0x2: {  	[smem:$0x3F9C] =	sst lr;
	_ =	strace $0xD0000000  }
0x3: {  	_ = 	snop  }
0x4: {  	_ = 	snop  }
0x5: {  	_ = 	snop  }
0x6: {  	_ = 	snop  }
0x7: {  	_ = 	snop  }
__scs_overlays_trampoline_lowered:
0x8: {  	[smem:$0x3FAB] =	sst s0  }
0x9: {  	[smem:$0x3FAC] =	sst s1  }
0xa: {  	[smem:$0x3FAD] =	sst s2  }
0xb: {  	[smem:$0x3FAE] =	sst s3  }
0xc: {  	[smem:$0x3FAF] =	sst s4  }
0xd: {  	[smem:$0x3FB0] =	sst s5  }
0xe: {  	[smem:$0x3FB1] =	sst s6  }
0xf: {  	[smem:$0x3FB2] =	sst s7  }
0x10: {  	[smem:$0x3FB3] =	sst s8  }
0x11: {  	[smem:$0x3FB4] =	sst s9;
	s0 =	simm.s32 @!p0 $0x0  }
0x12: {  	s1 =	sld [smem:$0x3F9A];
	s0 =	simm.s32 @p0 $0x1  }
0x13: {  	[smem:$0x3FB5] =	sst s0;
	s0 =	simm.s32 @!p1 $0x0  }
0x14: {  	s2 =	sld [smem:$0x3F99];
	s0 =	simm.s32 @p1 $0x1  }
0x15: {  	[smem:$0x3FB6] =	sst s0;
	s0 =	simm.s32 @!p2 $0x0  }
0x16: {  	s3 =	sld [smem:$0x3FDB];
	s0 =	simm.s32 @p2 $0x1  }
0x17: {  	s4 =	simm.s32 $0x1BF5;
	[smem:$0x3FB8] =	sst s0  }
0x18: {  	s0 =	sld [smem:$0x3F9B];
	_ =	swait.ge [sflag:s4], $0x0  }
0x19: {  	s7 =	sld [smem:$0x3F9C]  }
0x1a: {  	s8 =	sadd.s32 $0xFFFFE003, lr  }
0x1b: {  	s9 =	sadd.s32 $0xFFFFFEF7, lr;
	s5 =	simm.s32 $0xFFFFFFFF;
	p2 =	slt.u32 s8, $0xFFFFF086  }
0x1c: {  	p1 =	slt.u32 s9, $0xF7A;
	s5 =	simm.s32 @!p2 $0x0  }
0x1d: {  	s5 =	simm.s32 @p1 $0x1;
	p0 =	seq.s32 s7, s2  }
0x1e: {  	s7 =	smul.u32 @!p0 $0xF7A, s2;
	p2 =	seq.s32 @!p0 s5, $0x0  }
0x1f: {  	s9 =	smul.u32 $0xF7A, s1;
	s8 =	simm.s32 @!p0 $0x1BF5;
	p2 =	por !p2, p0  }
0x20: {  	[sflag:s8] =	ssyncset.s32 @!p0 $0xFFFFF086;
	s6 =	sadd.s32 @!p0 s3, s7;
	s7 =	simm.s32 @!p0 $0x108  }
0x21: {  	s3 =	sadd.s32 s3, s9;
	s6 =	sadd.s32 @!p0 $0x88, s6;
	s7 =	simm.s32 @p2 $0x1082  }
0x22: {  	[simem:s7], [sflag:s8] =	dma.local @!p0 [hbm:s6], $0xF7A  }
0x23: {  	s9 =	sor.u32 $0xD0000000, s2;
	s6 =	simm.s32 $0x108;
	_ =	swait.ge @!p0 [sflag:s8], $0x0  }
0x24: {  	s3 =	sadd.s32 $0x88, s3;
	s6 =	simm.s32 @!p1 $0x1082;
	[sflag:s4] =	ssyncset.s32 $0xFFFFF086  }
0x25: {  	[simem:s6], [sflag:s4] =	dma.local [hbm:s3], $0xF7A  }
0x26: {  	[smem:$0x3F9C] =	sst s1;
	(tag) =	ssettag s2;
	_ =	strace s9  }
0x27: {  	s1 =	sld [smem:$0x3FAC]  }
0x28: {  	s2 =	sld [smem:$0x3FAD]  }
0x29: {  	s4 =	sld [smem:$0x3FAF]  }
0x2a: {  	p0 =	seq.s32 s5, $0x0;
	s5 =	sld [smem:$0x3FB0]  }
0x2b: {  	s6 =	sld [smem:$0x3FB1]  }
0x2c: {  	s7 =	sld [smem:$0x3FB2]  }
0x2d: {  	s3 =	simm.s32 $0x108;
	s8 =	sld [smem:$0x3FB3]  }
0x2e: {  	s3 =	simm.s32 @!p0 $0x1082;
	s9 =	sld [smem:$0x3FB4]  }
0x2f: {  	lr =	sadd.s32 s0, s3;
	s0 =	sld [smem:$0x3FAB]  }
0x30: {  	s3 =	sld [smem:$0x3FAE]  }
0x31: {  	[smem:$0x3FB7] =	sst s10  }
0x32: {  	s10 =	sld [smem:$0x3FB5];
	_ =	sdelay $0x3  }
0x33: {  	p0 =	seq.s32 s10, $0x1;
	s10 =	sld [smem:$0x3FB7];
	_ =	sdelay $0x3  }
0x34: {  	[smem:$0x3FB7] =	sst s10  }
0x35: {  	s10 =	sld [smem:$0x3FB6];
	_ =	sdelay $0x3  }
0x36: {  	p1 =	seq.s32 s10, $0x1;
	s10 =	sld [smem:$0x3FB7];
	_ =	sdelay $0x3  }
0x37: {  	[smem:$0x3FB7] =	sst s10  }
0x38: {  	s10 =	sld [smem:$0x3FB8]  }
0x39: {  	_ = 	snop;
	(pc) =	sbr.ind lr, $3  }
0x3a: {  	_ = 	snop  }
0x3b: {  	_ = 	snop  }
0x3c: {  	p2 =	seq.s32 s10, $0x1;
	s10 =	sld [smem:$0x3FB7]  }
0x3d: {  	_ =	shalt  }
0x3e: {  	_ =	shalt  }
0x3f: {  	_ =	shalt  }
0x40: {  	_ =	shalt  }
0x41: {  	_ =	shalt  }
0x42: {  	_ =	shalt  }
0x43: {  	_ =	shalt  }
0x44: {  	_ =	shalt  }
0x45: {  	_ =	shalt  }
0x46: {  	_ =	shalt  }
0x47: {  	_ =	shalt  }
0x48: {  	_ =	shalt  }
0x49: {  	_ =	shalt  }
0x4a: {  	_ =	shalt  }
0x4b: {  	_ =	shalt  }
0x4c: {  	_ =	shalt  }
0x4d: {  	_ =	shalt  }
0x4e: {  	_ =	shalt  }
0x4f: {  	_ =	shalt  }
0x50: {  	_ =	shalt  }
0x51: {  	_ =	shalt  }
0x52: {  	_ =	shalt  }
0x53: {  	_ =	shalt  }
0x54: {  	_ =	shalt  }
0x55: {  	_ =	shalt  }
0x56: {  	_ =	shalt  }
0x57: {  	_ =	shalt  }
0x58: {  	_ =	shalt  }
0x59: {  	_ =	shalt  }
0x5a: {  	_ =	shalt  }
0x5b: {  	_ =	shalt  }
0x5c: {  	_ =	shalt  }
0x5d: {  	_ =	shalt  }
0x5e: {  	_ =	shalt  }
0x5f: {  	_ =	shalt  }
0x60: {  	_ =	shalt  }
0x61: {  	_ =	shalt  }
0x62: {  	_ =	shalt  }
0x63: {  	_ =	shalt  }
0x64: {  	_ =	shalt  }
0x65: {  	_ =	shalt  }
0x66: {  	_ =	shalt  }
0x67: {  	_ =	shalt  }
0x68: {  	_ =	shalt  }
0x69: {  	_ =	shalt  }
0x6a: {  	_ =	shalt  }
0x6b: {  	_ =	shalt  }
0x6c: {  	_ =	shalt  }
0x6d: {  	_ =	shalt  }
0x6e: {  	_ =	shalt  }
0x6f: {  	_ =	shalt  }
0x70: {  	_ =	shalt  }
0x71: {  	_ =	shalt  }
0x72: {  	_ =	shalt  }
0x73: {  	_ =	shalt  }
0x74: {  	_ =	shalt  }
0x75: {  	_ =	shalt  }
0x76: {  	_ =	shalt  }
0x77: {  	_ =	shalt  }
0x78: {  	_ =	shalt  }
0x79: {  	_ =	shalt  }
0x7a: {  	_ =	shalt  }
0x7b: {  	_ =	shalt  }
0x7c: {  	_ =	shalt  }
0x7d: {  	_ =	shalt  }
0x7e: {  	_ =	shalt  }
0x7f: {  	_ =	shalt  }
0x80: {  	_ =	shalt  }
0x81: {  	_ =	shalt  }
0x82: {  	_ =	shalt  }
0x83: {  	_ =	shalt  }
0x84: {  	_ =	shalt  }
0x85: {  	_ =	shalt  }
0x86: {  	_ =	shalt  }
0x87: {  	_ =	shalt  }
.Lfunc_end0:
.L_simem_size_0:
called_computation.1_lowered:
.L_overlay_start_0:
0x88: {  	s2 =	sld [smem:$0x3FD9]  }
0x89: {  	s3 =	sld [smem:$0x3FFE];
	_ =	sdelay $0x1  }
0x8a: {  	s1 =	srdreg.scid  }
0x8b: {  	s0 =	sand.u32 $0x1, s1  }
0x8c: {  	s17 =	sshll.u32 s0, $0xA;
	s2 =	sadd.s32 s3, s2  }
0x8d: {  	s2 =	sadd.s32 s2, s17  }
0x8e: {  	[smem:$0x3FC3] =	sst s2  }
0x8f: {  	_ = 	snop  }
0x90: {  	s2 =	sld [smem:$0x3FC5]  }
0x91: {  	s18 =	sld [smem:$0x3FD0];
	(tm) =	ssettm $0x1  }
0x92: {  	s4 =	sld [smem:$0x3FFB];
	_ =	sdelay $0x3  }
0x93: {  	_ =	strace s4  }
0x94: {  	s4 =	sld [smem:$0x3FFC];
	_ =	sdelay $0x3  }
0x95: {  	_ =	strace s4  }
0x96: {  	s4 =	sld [smem:$0x3FFD];
	_ =	sdelay $0x3  }
0x97: {  	_ =	strace s4  }
0x98: {  	_ =	strace $0x8FFFFFFF  }
0x99: {  	s19 =	sld [smem:$0x3FDB];
	_ =	sdelay $0x1  }
0x9a: {  	s5 =	simm.s32 $_scs_section_size  }
0x9b: {  	s6 =	simm.s32 $_size__tile_overlayer_lowered;
	s7 =	simm.s32 $_tile_overlayer_lowered  }
0x9c: {  	s22 =	simm.s32 $0x1BFF;
	s21 =	sshll.u32 s7, $0x1;
	s4 =	sadd.s32 s5, s19  }
0x9d: {  	s8 =	simm.s32 $0x0;
	s20 =	sshll.u32 s6, $0x1;
	s6 =	sadd.s32 s21, s4  }
0x9e: {  	[timem:s8], [sflag:s22] =	dma.local [hbm:s6], s20  }
0x9f: {  	_ =	swait.ge [sflag:s22], s20  }
0xa0: {  	s5 =	ssub.s32 $0x0, s20;
	[sflag:s22] =	ssyncset.done $0x0  }
0xa1: {  	[sflag:s22] =	ssyncadd.s32 s5;
	_ =	sdelay $0x1  }
0xa2: {  	s23 =	simm.s32 $0x1B8B  }
0xa3: {  	_ =	swait.ge [sflag:s23], $0x1  }
0xa4: {  	[sflag:s23] =	ssyncset.done $0x0  }
0xa5: {  	s25 =	simm.s32 $0x1B8E;
	s24 =	sld [smem:$0x3FFE];
	[sflag:s23] =	ssyncadd.s32 $0xFFFFFFFF  }
0xa6: {  	s26 =	simm.s32 $execute0_lowered;
	[smem:$0x3FD2] =	sst s25  }
0xa7: {  	s6 =	sshll.u32 s26, $0x1;
	_ =	strace $0x80000046;
	[dreg:$0x1] =	wrdreg $0xFFFFFFFF  }
0xa8: {  	s28 =	simm.s32 $_size_execute0_lowered;
	s4 =	sadd.s32 s4, s6;
	[dreg:$0x0] =	wrdreg $0x0  }
0xa9: {  	s6 =	sshll.u32 s28, $0x1;
	[dreg:$0x2] =	wrdreg s4  }
0xaa: {  	[dreg:$0x3] =	wrdreg s6  }
0xab: {  	[dreg:$0x4] =	wrdreg $0xC0  }
0xac: {  	_ =	task [dreg:s8], $0x5FFFF  }
0xad: {  	[dreg:$0x1] =	wrdreg $0xFFFFFFFF  }
0xae: {  	[dreg:$0x0] =	wrdreg $0x60  }
0xaf: {  	[dreg:$0x2] =	wrdreg s18  }
0xb0: {  	[dreg:$0x3] =	wrdreg s2  }
0xb1: {  	[dreg:$0x4] =	wrdreg s24  }
0xb2: {  	[dreg:$0x5] =	wrdreg $0x9  }
0xb3: {  	_ =	task.clear_ibuf [dreg:s8], $0x6FFFF;
	_ =	strace $0x90000046  }
0xb4: {  	s29 =	simm.s32 $0x9;
	_ =	strace $0x80000048  }
0xb5: {  	_ =	swait.ge [sflag:s29], $0x1  }
0xb6: {  	[sflag:s29] =	ssyncadd.s32 $0xFFFFFFFF  }
0xb7: {  	_ =	strace $0x90000048  }
0xb8: {  	_ =	sfence  }
0xb9: {  	s30 =	sld [smem:$0x0];
	_ =	sdelay $0x2  }
0xba: {  	s31 =	sshll.u32 s1, $0xD;
	s1 =	sshrl.u32 s1, $0x2  }
0xbb: {  	s3 =	sand.u32 $0x4000, s31;
	s1 =	sadd.s32 s1, s30  }
0xbc: {  	s0 =	sor.u32 s3, s0;
	s1 =	sshll.u32 s1, $0x11  }
0xbd: {  	s0 =	sor.u32 s1, s0  }
0xbe: {  	s0 =	sadd.s32 $0x8F2B, s0  }
0xbf: {  	[sflag:s0] =	ssyncadd.remote.s32 $0x1  }
0xc0: {  	_ =	sfence.sel $0xFFFF  }
0xc1: {  	[dreg:$0x0] =	wrdreg $0xFFFFFFFF;
	(pc) =	sbr.abs _section_cstart, $3  }
0xc2: {  	[dreg:$0x1] =	wrdreg $0xFFFFFFFF  }
0xc3: {  	_ =	task.clear_ibuf [dreg:s8], $0x2FFFF;
	_ =	strace $0x9FFFFFFF  }
0xc4: {  	(tm) =	ssettm $0x7FFFFFFF  }
0xc5: {  	_ =	shalt  }
tec
execute0_lowered:
.L_overlay_start_1:
0x0: {  	(tag) =	ssettag $0x1  }
0x1: {  	s1 =	rddreg [dreg:$0x0]  }
0x2: {  	s5 =	rddreg [dreg:$0x1]  }
0x3: {  	s6 =	rddreg [dreg:$0x2]  }
0x4: {  	s0 =	rddreg [dreg:$0x3];
	s4 =	srdreg.scid  }
0x5: {  	s3 =	simm.s32 $0x0;
	s2 =	stileid.u32;
	s11 =	simm.s32 $0x12000  }
0x6: {  	s12 =	simm.s32 $0x1;
	s13 =	simm.s32 $0x2;
	s14 =	simm.s32 $0x0  }
0x7: {  	s4 =	sand.u32 $0x1, s4;
	[smem:$0x7FF] =	sst s3;
	s7 =	sshll.u32 s2, $0xE  }
0x8: {  	s8 =	sshll.u32 s4, $0xD;
	_ =	strace $0x80000047;
	s31 =	ssub.s32 $0x2, s4  }
0x9: {  	s4 =	sadd.s32 $0x3E00, s6;
	s8 =	sor.u32 s8, s7;
	s9 =	sshrl.u32 s31, $0x1  }
0xa: {  	s10 =	sshrl.u32 s8, $0x3;
	s6 =	sadd.s32 s8, s6;
	s7 =	ssub.s32 s31, s9  }
0xb: {  	s8 =	sor.u32 $0x70, s8;
	s9 =	simm.s32 $0x3;
	s5 =	sadd.s32 s5, s10  }
0xc: {  	v0 =	vlaneseq.u32;
	s6 =	sadd.s32 $0x8BE00, s6;
	s7 =	smax.u32 s7, $0x1;
	s10 =	simm.s32 $0x2000  }
.LBB2_1:
0xd: {  	[tilespmem:s3], [sflag:$0x3] =	stream.linear.gather [hbm4b:s5+s3], $0x2000, $0x38;
	[tilespmem:$0x14000] =	vst v63  }
0xe: {  	_ =	swait.ge [sflag:s9], $0x2000  }
0xf: {  	s16 =	sadd.s32 $0xFFFFFFF0, s8;
	[sflag:s9] =	ssyncset.done $0x0  }
0x10: {  	s15 =	simm.s32 $0x12040;
	s17 =	sadd.s32 $0xFFFFFFA0, s8;
	v1 =	vor.u32 s16, v0;
	[sflag:s9] =	ssyncadd.s32 $0xFFFFE000  }
0x11: {  	s30 =	sadd.s32 $0xFFFFFFD0, s8;
	v2 =	vor.u32 s17, v0;
	[tilespmem:s15+$0x20] =	vst v1  }
0x12: {  	s26 =	sadd.s32 $0xFFFFFFB0, s8;
	v3 =	vor.u32 s30, v0;
	[tilespmem:s15+$0xFFFFFFD0] =	vst v2  }
0x13: {  	s28 =	sadd.s32 $0xFFFFFF90, s8;
	v1 =	vor.u32 s26, v0;
	[tilespmem:s15+$0x0] =	vst v3  }
0x14: {  	s29 =	sadd.s32 $0xFFFFFFC0, s8;
	v2 =	vor.u32 s28, v0;
	[tilespmem:s15+$0xFFFFFFE0] =	vst v1  }
0x15: {  	s31 =	sadd.s32 $0xFFFFFFE0, s8;
	v1 =	vor.u32 s29, v0;
	[tilespmem:s15+$0xFFFFFFC0] =	vst v2  }
0x16: {  	s16 =	simm.s32 $0x0;
	s17 =	sadd.s32 $0x80, s8;
	v2 =	vor.u32 s31, v0;
	[tilespmem:s15+$0xFFFFFFF0] =	vst v1;
	v1 =	vor.u32 s8, v0  }
.LBB2_2:
0x17: {  	s18 =	sadd.s32 $0xFFFFFFA0, s17;
	s19 =	sadd.s32 $0xFFFFFFF0, s17;
	v3 =	vor.u32 s17, v0;
	s16 =	sadd.s32 $0x8, s16;
	[tilespmem:s15+$0x10] =	vst v2  }
0x18: {  	v2 =	vor.u32 s18, v0;
	s18 =	sadd.s32 $0xFFFFFFB0, s17;
	v4 =	vor.u32 s19, v0;
	p0 =	slt.u32 s16, $0x1F8;
	[tilespmem:s15+$0x30] =	vst v1;
	s15 =	sadd.s32 $0x80, s15;
	v1 =	vmov v3  }
0x19: {  	s20 =	sadd.s32 $0xFFFFFFE0, s17;
	s19 =	sadd.s32 $0xFFFFFFD0, s17;
	v3 =	vor.u32 s18, v0;
	s18 =	sadd.s32 $0xFFFFFFC0, s17;
	[tilespmem:s15+$0x20] =	vst v4  }
.Ltmp0:
0x1a: {  	s21 =	sadd.s32 $0xFFFFFF90, s17;
	v5 =	vor.u32 s19, v0;
	[tilespmem:s15+$0xFFFFFFD0] =	vst v2;
	v4 =	vor.u32 s18, v0;
	v2 =	vor.u32 s20, v0;
	(pc) =	sbr.rel @p0 .LBB2_2-.Ltmp0, $4  }
0x1b: {  	v6 =	vor.u32 s21, v0;
	[tilespmem:s15+$0xFFFFFFE0] =	vst v3  }
0x1c: {  	[tilespmem:s15+$0xFFFFFFC0] =	vst v6  }
0x1d: {  	[tilespmem:s15+$0xFFFFFFF0] =	vst v4  }
0x1e: {  	s17 =	sadd.s32 $0x80, s17;
	[tilespmem:s15+$0x0] =	vst v5  }
0x1f: {  	[tilespmem:s15+$0x10] =	vst v2  }
0x20: {  	[tilespmem:s15+$0x30] =	vst v1  }
0x21: {  	[tilespmem:s10], [sflag:$0x1] =	stream.indirect.gather [hbm4b:s1+s10], $0x8, s3, s10, $0xb8;
	[tilespmem:$0x14000] =	vst v63  }
0x22: {  	_ = 	snop  }
0x23: {  	[hbm4b:s4+s10] =	stream.indirect.scatter [tilespmem:s11], [sflag:$0x2], $0x1, s3, s10, $0xb8;
	[tilespmem:$0x14000] =	vst v63  }
0x24: {  	_ =	swait.ge [sflag:s12], $0x10000  }
0x25: {  	[sflag:s12] =	ssyncset.done $0x0  }
0x26: {  	s14 =	sadd.s32 $0x1, s14;
	[sflag:s12] =	ssyncadd.s32 $0xFFFF0000  }
0x27: {  	[hbm4b:s6+s3] =	stream.linear.scatter [tilespmem:s10], [sflag:$0x3], $0x10000, $0x38;
	[tilespmem:$0x14000] =	vst v63  }
0x28: {  	p0 =	sne.s32 s14, s7;
	_ =	swait.ge [sflag:s9], $0x10000  }
.Ltmp1:
0x29: {  	[sflag:s9] =	ssyncset.done $0x0;
	(pc) =	sbr.rel @p0 .LBB2_1-.Ltmp1, $4  }
0x2a: {  	[sflag:s9] =	ssyncadd.s32 $0xFFFF0000  }
0x2b: {  	_ =	swait.ge [sflag:s13], $0x2000  }
0x2c: {  	[sflag:s13] =	ssyncset.done $0x0  }
0x2d: {  	[sflag:s13] =	ssyncadd.s32 $0xFFFFE000  }
0x2e: {  	_ =	sfence.sel $0x180000  }
0x2f: {  	[bflag:$0x0] =	sbarrier.arrive $0xFFFF  }
0x30: {  	p0 =	sne.s32 s2, $0x0;
	_ =	strace $0x90000047  }
0x31: {  	s0 =	sadd.s32 @!p0 $0x100000, s0;
	[bflag:$0x2] =	sbarrier.arrive $0xFFFF  }
0x32: {  	[sflag:s0] =	ssyncadd.tile.s32 @!p0 $0x1;
	_ =	shalt  }
.Lfunc_end2:
_tile_overlayer_lowered:
.L_overlay_start_2:
0x33: {  	(tag) =	ssettag $0x2  }
0x34: {  	s0 =	rddreg [dreg:$0x0];
	s2 =	stileid.u32  }
0x35: {  	s1 =	rddreg [dreg:$0x1];
	p0 =	sne.s32 s2, $0x0  }
0x36: {  	s3 =	rddreg [dreg:$0x2];
	[bflag:$0x3] =	sbarrier.arrive $0xFFFF;
	s2 =	simm.s32 @!p0 $0x1C03  }
0x37: {  	[timem:s3], [sflag:s2] =	dma.local @!p0 [hbm:s0], s1  }
0x38: {  	s0 =	simm.s32 @!p0 $0x3  }
0x39: {  	_ =	swait.ge @!p0 [sflag:s0], s1  }
0x3a: {  	s1 =	ssub.s32 @!p0 $0x0, s1;
	[sflag:s0] =	ssyncset.done @!p0 $0x0  }
0x3b: {  	[sflag:s0] =	ssyncadd.s32 @!p0 s1  }
0x3c: {  	[bflag:$0x3] =	sbarrier.arrive $0xFFFF  }
0x3d: {  	_ =	shalt  }

// kernel: kernel.14.cloned.1.call-start
scs
__scs_entry_jumppad:
0x0: {  	(pc) =	sbr.rel $0x88, $3  }
0x1: {  	(tag) =	ssettag $0x0;
	lr =	simm.s32 $0x1  }
0x2: {  	[smem:$0x3F9C] =	sst lr;
	_ =	strace $0xD0000000  }
0x3: {  	_ = 	snop  }
0x4: {  	_ = 	snop  }
0x5: {  	_ = 	snop  }
0x6: {  	_ = 	snop  }
0x7: {  	_ = 	snop  }
__scs_overlays_trampoline_lowered:
0x8: {  	[smem:$0x3FAB] =	sst s0  }
0x9: {  	[smem:$0x3FAC] =	sst s1  }
0xa: {  	[smem:$0x3FAD] =	sst s2  }
0xb: {  	[smem:$0x3FAE] =	sst s3  }
0xc: {  	[smem:$0x3FAF] =	sst s4  }
0xd: {  	[smem:$0x3FB0] =	sst s5  }
0xe: {  	[smem:$0x3FB1] =	sst s6  }
0xf: {  	[smem:$0x3FB2] =	sst s7  }
0x10: {  	[smem:$0x3FB3] =	sst s8  }
0x11: {  	[smem:$0x3FB4] =	sst s9;
	s0 =	simm.s32 @!p0 $0x0  }
0x12: {  	s1 =	sld [smem:$0x3F9A];
	s0 =	simm.s32 @p0 $0x1  }
0x13: {  	[smem:$0x3FB5] =	sst s0;
	s0 =	simm.s32 @!p1 $0x0  }
0x14: {  	s2 =	sld [smem:$0x3F99];
	s0 =	simm.s32 @p1 $0x1  }
0x15: {  	[smem:$0x3FB6] =	sst s0;
	s0 =	simm.s32 @!p2 $0x0  }
0x16: {  	s3 =	sld [smem:$0x3FDB];
	s0 =	simm.s32 @p2 $0x1  }
0x17: {  	s4 =	simm.s32 $0x1BF5;
	[smem:$0x3FB8] =	sst s0  }
0x18: {  	s0 =	sld [smem:$0x3F9B];
	_ =	swait.ge [sflag:s4], $0x0  }
0x19: {  	s7 =	sld [smem:$0x3F9C]  }
0x1a: {  	s8 =	sadd.s32 $0xFFFFE003, lr  }
0x1b: {  	s9 =	sadd.s32 $0xFFFFFEF7, lr;
	s5 =	simm.s32 $0xFFFFFFFF;
	p2 =	slt.u32 s8, $0xFFFFF086  }
0x1c: {  	p1 =	slt.u32 s9, $0xF7A;
	s5 =	simm.s32 @!p2 $0x0  }
0x1d: {  	s5 =	simm.s32 @p1 $0x1;
	p0 =	seq.s32 s7, s2  }
0x1e: {  	s7 =	smul.u32 @!p0 $0xF7A, s2;
	p2 =	seq.s32 @!p0 s5, $0x0  }
0x1f: {  	s9 =	smul.u32 $0xF7A, s1;
	s8 =	simm.s32 @!p0 $0x1BF5;
	p2 =	por !p2, p0  }
0x20: {  	[sflag:s8] =	ssyncset.s32 @!p0 $0xFFFFF086;
	s6 =	sadd.s32 @!p0 s3, s7;
	s7 =	simm.s32 @!p0 $0x108  }
0x21: {  	s3 =	sadd.s32 s3, s9;
	s6 =	sadd.s32 @!p0 $0x88, s6;
	s7 =	simm.s32 @p2 $0x1082  }
0x22: {  	[simem:s7], [sflag:s8] =	dma.local @!p0 [hbm:s6], $0xF7A  }
0x23: {  	s9 =	sor.u32 $0xD0000000, s2;
	s6 =	simm.s32 $0x108;
	_ =	swait.ge @!p0 [sflag:s8], $0x0  }
0x24: {  	s3 =	sadd.s32 $0x88, s3;
	s6 =	simm.s32 @!p1 $0x1082;
	[sflag:s4] =	ssyncset.s32 $0xFFFFF086  }
0x25: {  	[simem:s6], [sflag:s4] =	dma.local [hbm:s3], $0xF7A  }
0x26: {  	[smem:$0x3F9C] =	sst s1;
	(tag) =	ssettag s2;
	_ =	strace s9  }
0x27: {  	s1 =	sld [smem:$0x3FAC]  }
0x28: {  	s2 =	sld [smem:$0x3FAD]  }
0x29: {  	s4 =	sld [smem:$0x3FAF]  }
0x2a: {  	p0 =	seq.s32 s5, $0x0;
	s5 =	sld [smem:$0x3FB0]  }
0x2b: {  	s6 =	sld [smem:$0x3FB1]  }
0x2c: {  	s7 =	sld [smem:$0x3FB2]  }
0x2d: {  	s3 =	simm.s32 $0x108;
	s8 =	sld [smem:$0x3FB3]  }
0x2e: {  	s3 =	simm.s32 @!p0 $0x1082;
	s9 =	sld [smem:$0x3FB4]  }
0x2f: {  	lr =	sadd.s32 s0, s3;
	s0 =	sld [smem:$0x3FAB]  }
0x30: {  	s3 =	sld [smem:$0x3FAE]  }
0x31: {  	[smem:$0x3FB7] =	sst s10  }
0x32: {  	s10 =	sld [smem:$0x3FB5];
	_ =	sdelay $0x3  }
0x33: {  	p0 =	seq.s32 s10, $0x1;
	s10 =	sld [smem:$0x3FB7];
	_ =	sdelay $0x3  }
0x34: {  	[smem:$0x3FB7] =	sst s10  }
0x35: {  	s10 =	sld [smem:$0x3FB6];
	_ =	sdelay $0x3  }
0x36: {  	p1 =	seq.s32 s10, $0x1;
	s10 =	sld [smem:$0x3FB7];
	_ =	sdelay $0x3  }
0x37: {  	[smem:$0x3FB7] =	sst s10  }
0x38: {  	s10 =	sld [smem:$0x3FB8]  }
0x39: {  	_ = 	snop;
	(pc) =	sbr.ind lr, $3  }
0x3a: {  	_ = 	snop  }
0x3b: {  	_ = 	snop  }
0x3c: {  	p2 =	seq.s32 s10, $0x1;
	s10 =	sld [smem:$0x3FB7]  }
0x3d: {  	_ =	shalt  }
0x3e: {  	_ =	shalt  }
0x3f: {  	_ =	shalt  }
0x40: {  	_ =	shalt  }
0x41: {  	_ =	shalt  }
0x42: {  	_ =	shalt  }
0x43: {  	_ =	shalt  }
0x44: {  	_ =	shalt  }
0x45: {  	_ =	shalt  }
0x46: {  	_ =	shalt  }
0x47: {  	_ =	shalt  }
0x48: {  	_ =	shalt  }
0x49: {  	_ =	shalt  }
0x4a: {  	_ =	shalt  }
0x4b: {  	_ =	shalt  }
0x4c: {  	_ =	shalt  }
0x4d: {  	_ =	shalt  }
0x4e: {  	_ =	shalt  }
0x4f: {  	_ =	shalt  }
0x50: {  	_ =	shalt  }
0x51: {  	_ =	shalt  }
0x52: {  	_ =	shalt  }
0x53: {  	_ =	shalt  }
0x54: {  	_ =	shalt  }
0x55: {  	_ =	shalt  }
0x56: {  	_ =	shalt  }
0x57: {  	_ =	shalt  }
0x58: {  	_ =	shalt  }
0x59: {  	_ =	shalt  }
0x5a: {  	_ =	shalt  }
0x5b: {  	_ =	shalt  }
0x5c: {  	_ =	shalt  }
0x5d: {  	_ =	shalt  }
0x5e: {  	_ =	shalt  }
0x5f: {  	_ =	shalt  }
0x60: {  	_ =	shalt  }
0x61: {  	_ =	shalt  }
0x62: {  	_ =	shalt  }
0x63: {  	_ =	shalt  }
0x64: {  	_ =	shalt  }
0x65: {  	_ =	shalt  }
0x66: {  	_ =	shalt  }
0x67: {  	_ =	shalt  }
0x68: {  	_ =	shalt  }
0x69: {  	_ =	shalt  }
0x6a: {  	_ =	shalt  }
0x6b: {  	_ =	shalt  }
0x6c: {  	_ =	shalt  }
0x6d: {  	_ =	shalt  }
0x6e: {  	_ =	shalt  }
0x6f: {  	_ =	shalt  }
0x70: {  	_ =	shalt  }
0x71: {  	_ =	shalt  }
0x72: {  	_ =	shalt  }
0x73: {  	_ =	shalt  }
0x74: {  	_ =	shalt  }
0x75: {  	_ =	shalt  }
0x76: {  	_ =	shalt  }
0x77: {  	_ =	shalt  }
0x78: {  	_ =	shalt  }
0x79: {  	_ =	shalt  }
0x7a: {  	_ =	shalt  }
0x7b: {  	_ =	shalt  }
0x7c: {  	_ =	shalt  }
0x7d: {  	_ =	shalt  }
0x7e: {  	_ =	shalt  }
0x7f: {  	_ =	shalt  }
0x80: {  	_ =	shalt  }
0x81: {  	_ =	shalt  }
0x82: {  	_ =	shalt  }
0x83: {  	_ =	shalt  }
0x84: {  	_ =	shalt  }
0x85: {  	_ =	shalt  }
0x86: {  	_ =	shalt  }
0x87: {  	_ =	shalt  }
.Lfunc_end0:
.L_simem_size_0:
called_computation.2_lowered:
.L_overlay_start_0:
0x88: {  	s2 =	sld [smem:$0x3FD9]  }
0x89: {  	s3 =	sld [smem:$0x3FFE];
	_ =	sdelay $0x1  }
0x8a: {  	s1 =	srdreg.scid  }
0x8b: {  	s0 =	sand.u32 $0x1, s1  }
0x8c: {  	s17 =	sshll.u32 s0, $0xA;
	s2 =	sadd.s32 s3, s2  }
0x8d: {  	s2 =	sadd.s32 s2, s17  }
0x8e: {  	[smem:$0x3FC3] =	sst s2  }
0x8f: {  	_ = 	snop  }
0x90: {  	s2 =	sld [smem:$0x3FC5];
	(tm) =	ssettm $0x1  }
0x91: {  	s18 =	sld [smem:$0x3FFB];
	_ =	sdelay $0x3  }
0x92: {  	_ =	strace s18  }
0x93: {  	s3 =	sld [smem:$0x3FFC];
	_ =	sdelay $0x3  }
0x94: {  	_ =	strace s3  }
0x95: {  	s3 =	sld [smem:$0x3FFD];
	_ =	sdelay $0x3  }
0x96: {  	_ =	strace s3  }
0x97: {  	_ =	strace $0x8FFFFFFF  }
0x98: {  	s19 =	sld [smem:$0x3FDB];
	_ =	sdelay $0x1  }
0x99: {  	s4 =	simm.s32 $_scs_section_size  }
0x9a: {  	s5 =	simm.s32 $_size__tile_overlayer_lowered;
	s6 =	simm.s32 $_tile_overlayer_lowered  }
0x9b: {  	s22 =	simm.s32 $0x1BFF;
	s21 =	sshll.u32 s6, $0x1;
	s3 =	sadd.s32 s4, s19  }
0x9c: {  	s7 =	simm.s32 $0x0;
	s20 =	sshll.u32 s5, $0x1;
	s5 =	sadd.s32 s21, s3  }
0x9d: {  	[timem:s7], [sflag:s22] =	dma.local [hbm:s5], s20  }
0x9e: {  	_ =	swait.ge [sflag:s22], s20  }
0x9f: {  	s4 =	ssub.s32 $0x0, s20;
	[sflag:s22] =	ssyncset.done $0x0  }
0xa0: {  	[sflag:s22] =	ssyncadd.s32 s4;
	_ =	sdelay $0x1  }
0xa1: {  	s23 =	simm.s32 $0x1B8B  }
0xa2: {  	_ =	swait.ge [sflag:s23], $0x1  }
0xa3: {  	[sflag:s23] =	ssyncset.done $0x0  }
0xa4: {  	s25 =	simm.s32 $0x1B8E;
	s24 =	sld [smem:$0x3FFE];
	[sflag:s23] =	ssyncadd.s32 $0xFFFFFFFF  }
0xa5: {  	s26 =	simm.s32 $execute0_lowered;
	[smem:$0x3FD2] =	sst s25  }
0xa6: {  	s5 =	sshll.u32 s26, $0x1;
	_ =	strace $0x80000049;
	[dreg:$0x1] =	wrdreg $0xFFFFFFFF  }
0xa7: {  	s28 =	simm.s32 $_size_execute0_lowered;
	s3 =	sadd.s32 s3, s5;
	[dreg:$0x0] =	wrdreg $0x0  }
0xa8: {  	s5 =	sshll.u32 s28, $0x1;
	[dreg:$0x2] =	wrdreg s3  }
0xa9: {  	[dreg:$0x3] =	wrdreg s5  }
0xaa: {  	[dreg:$0x4] =	wrdreg $0xC0  }
0xab: {  	_ =	task [dreg:s7], $0x5FFFF  }
0xac: {  	[dreg:$0x1] =	wrdreg $0xFFFFFFFF  }
0xad: {  	[dreg:$0x0] =	wrdreg $0x60  }
0xae: {  	[dreg:$0x2] =	wrdreg s2  }
0xaf: {  	[dreg:$0x3] =	wrdreg s24  }
0xb0: {  	[dreg:$0x4] =	wrdreg $0x9  }
0xb1: {  	_ =	task.clear_ibuf [dreg:s7], $0x5FFFF;
	_ =	strace $0x90000049  }
0xb2: {  	s29 =	simm.s32 $0x9;
	_ =	strace $0x8000004B  }
0xb3: {  	_ =	swait.ge [sflag:s29], $0x1  }
0xb4: {  	[sflag:s29] =	ssyncadd.s32 $0xFFFFFFFF  }
0xb5: {  	_ =	strace $0x9000004B  }
0xb6: {  	_ =	sfence  }
0xb7: {  	s30 =	sld [smem:$0x0];
	_ =	sdelay $0x2  }
0xb8: {  	s31 =	sshll.u32 s1, $0xD;
	s1 =	sshrl.u32 s1, $0x2  }
0xb9: {  	s3 =	sand.u32 $0x4000, s31;
	s1 =	sadd.s32 s1, s30  }
0xba: {  	s0 =	sor.u32 s3, s0;
	s1 =	sshll.u32 s1, $0x11  }
0xbb: {  	s0 =	sor.u32 s1, s0  }
0xbc: {  	s0 =	sadd.s32 $0x8F2B, s0  }
0xbd: {  	[sflag:s0] =	ssyncadd.remote.s32 $0x1  }
0xbe: {  	_ =	sfence.sel $0xFFFF  }
0xbf: {  	[dreg:$0x0] =	wrdreg $0xFFFFFFFF;
	(pc) =	sbr.abs _section_cstart, $3  }
0xc0: {  	[dreg:$0x1] =	wrdreg $0xFFFFFFFF  }
0xc1: {  	_ =	task.clear_ibuf [dreg:s7], $0x2FFFF;
	_ =	strace $0x9FFFFFFF  }
0xc2: {  	(tm) =	ssettm $0x7FFFFFFF  }
0xc3: {  	_ =	shalt  }
tec
execute0_lowered:
.L_overlay_start_1:
0x0: {  	(tag) =	ssettag $0x1  }
0x1: {  	s0 =	rddreg [dreg:$0x0]  }
0x2: {  	s1 =	rddreg [dreg:$0x1]  }
0x3: {  	s2 =	srdreg.scid;
	s4 =	stileid.u32;
	s8 =	simm.s32 $0x800  }
0x4: {  	s15 =	simm.s32 $0x1;
	s16 =	simm.s32 $0x6000;
	s17 =	simm.s32 $0x4000  }
0x5: {  	s18 =	simm.s32 $0x2;
	s19 =	simm.s32 $0x6800;
	s20 =	simm.s32 $0x4800  }
0x6: {  	s21 =	simm.s32 $0x3;
	s22 =	simm.s32 $0x7000;
	s23 =	simm.s32 $0x5000  }
0x7: {  	s24 =	simm.s32 $0x4;
	s28 =	simm.s32 $0x5;
	s29 =	simm.s32 $0x6  }
0x8: {  	s30 =	simm.s32 $0x7;
	s31 =	simm.s32 $0x8;
	s3 =	sand.u32 $0x1, s2  }
0x9: {  	s2 =	simm.s32 $0x0;
	s4 =	sshll.u32 s4, $0xE;
	s5 =	sshll.u32 s3, $0xD  }
0xa: {  	[smem:$0x7FF] =	sst s2;
	s6 =	ssub.s32 $0x2, s3;
	s3 =	sadd.s32 $0x3E00, s1  }
0xb: {  	s7 =	sor.u32 s5, s4;
	_ =	strace $0x8000004A;
	s25 =	sshrl.u32 s6, $0x1  }
0xc: {  	s5 =	sshrl.u32 s7, $0x3;
	s26 =	ssub.s32 s6, s25;
	s6 =	sor.u32 $0x70, s7  }
0xd: {  	s7 =	simm.s32 $0x9;
	s25 =	simm.s32 $0x7800;
	s4 =	sadd.s32 s0, s5  }
0xe: {  	v0 =	vlaneseq.u32;
	s5 =	smax.u32 s26, $0x1;
	s26 =	simm.s32 $0x5800;
	s0 =	simm.s32 $0x0  }
.LBB2_1:
0xf: {  	[tilespmem:s2], [sflag:$0x9] =	stream.linear.gather [hbm4b:s4+s2], $0x2000, $0x38;
	[tilespmem:$0x8000] =	vst v63  }
0x10: {  	_ =	swait.ge [sflag:s7], $0x2000  }
0x11: {  	s9 =	sadd.s32 $0xFFFFFFF0, s6;
	[sflag:s7] =	ssyncset.done $0x0  }
0x12: {  	s1 =	simm.s32 $0x4040;
	s10 =	sadd.s32 $0xFFFFFFA0, s6;
	v1 =	vor.u32 s9, v0;
	[sflag:s7] =	ssyncadd.s32 $0xFFFFE000  }
0x13: {  	s13 =	sadd.s32 $0xFFFFFFD0, s6;
	v2 =	vor.u32 s10, v0;
	[tilespmem:s1+$0x20] =	vst v1  }
0x14: {  	s10 =	sadd.s32 $0xFFFFFFB0, s6;
	v3 =	vor.u32 s13, v0;
	[tilespmem:s1+$0xFFFFFFD0] =	vst v2  }
0x15: {  	s11 =	sadd.s32 $0xFFFFFF90, s6;
	v1 =	vor.u32 s10, v0;
	[tilespmem:s1+$0x0] =	vst v3  }
0x16: {  	s12 =	sadd.s32 $0xFFFFFFC0, s6;
	v2 =	vor.u32 s11, v0;
	[tilespmem:s1+$0xFFFFFFE0] =	vst v1  }
0x17: {  	s14 =	sadd.s32 $0xFFFFFFE0, s6;
	v1 =	vor.u32 s12, v0;
	[tilespmem:s1+$0xFFFFFFC0] =	vst v2  }
0x18: {  	s9 =	simm.s32 $0x0;
	s10 =	sadd.s32 $0x80, s6;
	v2 =	vor.u32 s14, v0;
	[tilespmem:s1+$0xFFFFFFF0] =	vst v1;
	v1 =	vor.u32 s6, v0  }
.LBB2_2:
0x19: {  	s11 =	sadd.s32 $0xFFFFFFA0, s10;
	s12 =	sadd.s32 $0xFFFFFFF0, s10;
	v3 =	vor.u32 s10, v0;
	s9 =	sadd.s32 $0x8, s9;
	[tilespmem:s1+$0x10] =	vst v2  }
0x1a: {  	v2 =	vor.u32 s11, v0;
	s11 =	sadd.s32 $0xFFFFFFB0, s10;
	v4 =	vor.u32 s12, v0;
	p0 =	slt.u32 s9, $0x1F8;
	[tilespmem:s1+$0x30] =	vst v1;
	s1 =	sadd.s32 $0x80, s1;
	v1 =	vmov v3  }
0x1b: {  	s13 =	sadd.s32 $0xFFFFFFE0, s10;
	s12 =	sadd.s32 $0xFFFFFFD0, s10;
	v3 =	vor.u32 s11, v0;
	s11 =	sadd.s32 $0xFFFFFFC0, s10;
	[tilespmem:s1+$0x20] =	vst v4  }
.Ltmp0:
0x1c: {  	s14 =	sadd.s32 $0xFFFFFF90, s10;
	v5 =	vor.u32 s12, v0;
	[tilespmem:s1+$0xFFFFFFD0] =	vst v2;
	v4 =	vor.u32 s11, v0;
	v2 =	vor.u32 s13, v0;
	(pc) =	sbr.rel @p0 .LBB2_2-.Ltmp0, $4  }
0x1d: {  	v6 =	vor.u32 s14, v0;
	[tilespmem:s1+$0xFFFFFFE0] =	vst v3  }
0x1e: {  	[tilespmem:s1+$0xFFFFFFC0] =	vst v6  }
0x1f: {  	[tilespmem:s1+$0xFFFFFFF0] =	vst v4  }
0x20: {  	s10 =	sadd.s32 $0x80, s10;
	[tilespmem:s1+$0x0] =	vst v5  }
0x21: {  	[tilespmem:s1+$0x10] =	vst v2  }
0x22: {  	[tilespmem:s1+$0x30] =	vst v1;
	s10 =	simm.s32 $0x2000  }
0x23: {  	[tilespmem:s10], [sflag:$0x1] =	stream.indirect.gather [hbm4b:s3+s8], $0x1, s2, s8, $0xb8;
	[tilespmem:$0x8000] =	vst v63  }
0x24: {  	s11 =	simm.s32 $0x2800  }
0x25: {  	[tilespmem:s11], [sflag:$0x2] =	stream.indirect.gather [hbm4b:s3+s8], $0x1, s8, s8, $0xb8;
	[tilespmem:$0x8000] =	vst v63  }
0x26: {  	s12 =	simm.s32 $0x1000;
	s9 =	simm.s32 $0x3000  }
0x27: {  	[tilespmem:s9], [sflag:$0x3] =	stream.indirect.gather [hbm4b:s3+s8], $0x1, s12, s8, $0xb8;
	[tilespmem:$0x8000] =	vst v63  }
0x28: {  	s13 =	simm.s32 $0x1800;
	s14 =	simm.s32 $0x3800  }
0x29: {  	[tilespmem:s14], [sflag:$0x4] =	stream.indirect.gather [hbm4b:s3+s8], $0x1, s13, s8, $0xb8;
	[tilespmem:$0x8000] =	vst v63  }
0x2a: {  	_ =	swait.ge [sflag:s15], $0x800  }
0x2b: {  	[sflag:s15] =	ssyncset.done $0x0  }
0x2c: {  	s10 =	simm.s32 $0x2040;
	[sflag:s15] =	ssyncadd.s32 $0xFFFFF800  }
0x2d: {  	s1 =	simm.s32 $0x4040;
	v1 =	vld [tilespmem:s10+$0x30]  }
0x2e: {  	s9 =	simm.s32 $0x40;
	v2 =	vld [tilespmem:s1+$0x30]  }
0x2f: {  	v3 =	vld [tilespmem:s9+$0x30]  }
0x30: {  	v4 =	vld [tilespmem:s1+$0xFFFFFFC0]  }
0x31: {  	v5 =	vld [tilespmem:s10+$0xFFFFFFD0]  }
0x32: {  	v6 =	vld [tilespmem:s1+$0xFFFFFFD0]  }
0x33: {  	v7 =	vld [tilespmem:s10+$0xFFFFFFE0]  }
0x34: {  	v8 =	vld [tilespmem:s1+$0xFFFFFFE0]  }
0x35: {  	v9 =	vld [tilespmem:s10+$0xFFFFFFF0]  }
0x36: {  	v10 =	vld [tilespmem:s1+$0xFFFFFFF0]  }
0x37: {  	v11 =	vld [tilespmem:s10+$0x0]  }
0x38: {  	v12 =	vld [tilespmem:s1+$0x0]  }
0x39: {  	v13 =	vld [tilespmem:s10+$0x10]  }
0x3a: {  	v15 =	vld [tilespmem:s10+$0xFFFFFFC0]  }
0x3b: {  	v14 =	vld [tilespmem:s1+$0x10]  }
0x3c: {  	v16 =	vld [tilespmem:s10+$0x20]  }
0x3d: {  	v17 =	vld [tilespmem:s1+$0x20]  }
0x3e: {  	v18 =	vld [tilespmem:s9+$0xFFFFFFC0];
	vm0 =	vlt.s32 v1, v2  }
0x3f: {  	v20 =	vld [tilespmem:s9+$0xFFFFFFD0];
	v1 =	vadd.s32 $0x400000, v2;
	vm5 =	vlt.s32 v5, v6;
	vm4 =	vlt.s32 v15, v4  }
0x40: {  	v5 =	vadd.s32 $0x400000, v4;
	v19 =	vsel vm0, v3, v1;
	vm0 =	vlt.s32 v7, v8;
	v7 =	vld [tilespmem:s9+$0xFFFFFFE0]  }
0x41: {  	v63 =	vadd.s32 $0x400000, v6;
	vm1 =	vlt.s32 v9, v10;
	v6 =	vld [tilespmem:s9+$0xFFFFFFF0];
	v2 =	vadd.s32 $0x400000, v10  }
0x42: {  	s10 =	simm.s32 $0x6040;
	vm2 =	vlt.s32 v11, v12;
	vm3 =	vlt.s32 v13, v14;
	v1 =	vadd.s32 $0x400000, v8;
	v8 =	vld [tilespmem:s9+$0x0]  }
0x43: {  	v4 =	vadd.s32 $0x400000, v14;
	v9 =	vld [tilespmem:s9+$0x10];
	v3 =	vadd.s32 $0x400000, v12;
	v10 =	vsel vm4, v18, v5;
	[tilespmem:s10+$0x30] =	vst v19  }
0x44: {  	s11 =	simm.s32 $0x0;
	s12 =	simm.s32 $0x20C0;
	vm4 =	vlt.s32 v16, v17;
	v5 =	vadd.s32 $0x400000, v17;
	v11 =	vsel vm5, v20, v63;
	[tilespmem:s10+$0xFFFFFFC0] =	vst v10;
	v10 =	vld [tilespmem:s9+$0x20]  }
.LBB2_4:
0x45: {  	v12 =	vld [tilespmem:s12+$0x30];
	[tilespmem:s10+$0xFFFFFFD0] =	vst v11;
	v1 =	vsel vm0, v7, v1;
	s1 =	sadd.s32 $0x80, s1  }
0x46: {  	s11 =	sadd.s32 $0x8, s11;
	s9 =	sadd.s32 $0x80, s9;
	v7 =	vld [tilespmem:s1+$0x30];
	[tilespmem:s10+$0xFFFFFFE0] =	vst v1;
	v1 =	vsel vm1, v6, v2  }
0x47: {  	p0 =	slt.u32 s11, $0x78;
	v2 =	vld [tilespmem:s9+$0x30];
	[tilespmem:s10+$0xFFFFFFF0] =	vst v1;
	v1 =	vsel vm2, v8, v3  }
0x48: {  	v8 =	vld [tilespmem:s1+$0xFFFFFFC0];
	[tilespmem:s10+$0x0] =	vst v1;
	v1 =	vsel vm3, v9, v4  }
0x49: {  	v3 =	vld [tilespmem:s12+$0xFFFFFFD0];
	[tilespmem:s10+$0x10] =	vst v1;
	v1 =	vsel vm4, v10, v5  }
0x4a: {  	v4 =	vld [tilespmem:s1+$0xFFFFFFD0];
	[tilespmem:s10+$0x20] =	vst v1  }
0x4b: {  	v1 =	vld [tilespmem:s12+$0xFFFFFFE0];
	vm0 =	vlt.s32 v12, v7;
	v5 =	vadd.s32 $0x400000, v7  }
0x4c: {  	s10 =	sadd.s32 $0x80, s10;
	v6 =	vld [tilespmem:s1+$0xFFFFFFE0];
	v2 =	vsel vm0, v2, v5  }
0x4d: {  	v9 =	vadd.s32 $0x400000, v8;
	v5 =	vld [tilespmem:s12+$0xFFFFFFF0];
	[tilespmem:s10+$0x30] =	vst v2  }
0x4e: {  	v2 =	vld [tilespmem:s1+$0xFFFFFFF0]  }
0x4f: {  	vm5 =	vlt.s32 v3, v4;
	v10 =	vadd.s32 $0x400000, v4;
	v3 =	vld [tilespmem:s12+$0x0]  }
0x50: {  	v4 =	vld [tilespmem:s1+$0x0]  }
0x51: {  	vm0 =	vlt.s32 v1, v6;
	v1 =	vadd.s32 $0x400000, v6;
	v6 =	vld [tilespmem:s12+$0x10]  }
0x52: {  	v7 =	vld [tilespmem:s1+$0x10]  }
0x53: {  	vm1 =	vlt.s32 v5, v2;
	v2 =	vadd.s32 $0x400000, v2;
	v5 =	vld [tilespmem:s12+$0x20]  }
0x54: {  	v11 =	vld [tilespmem:s1+$0x20]  }
0x55: {  	v12 =	vld [tilespmem:s12+$0xFFFFFFC0];
	vm2 =	vlt.s32 v3, v4;
	v3 =	vadd.s32 $0x400000, v4  }
0x56: {  	v13 =	vld [tilespmem:s9+$0xFFFFFFC0]  }
0x57: {  	v14 =	vld [tilespmem:s9+$0xFFFFFFD0];
	vm3 =	vlt.s32 v6, v7;
	v4 =	vadd.s32 $0x400000, v7  }
.Ltmp1:
0x58: {  	v7 =	vld [tilespmem:s9+$0xFFFFFFE0];
	(pc) =	sbr.rel @p0 .LBB2_4-.Ltmp1, $4  }
0x59: {  	v6 =	vld [tilespmem:s9+$0xFFFFFFF0];
	vm4 =	vlt.s32 v5, v11;
	v5 =	vadd.s32 $0x400000, v11  }
0x5a: {  	vm6 =	vlt.s32 v12, v8;
	v8 =	vld [tilespmem:s9+$0x0]  }
0x5b: {  	v11 =	vsel vm6, v13, v9;
	v9 =	vld [tilespmem:s9+$0x10]  }
0x5c: {  	s12 =	sadd.s32 $0x80, s12;
	[tilespmem:s10+$0xFFFFFFC0] =	vst v11;
	v11 =	vsel vm5, v14, v10;
	v10 =	vld [tilespmem:s9+$0x20]  }
0x5d: {  	[tilespmem:s10+$0xFFFFFFD0] =	vst v11;
	v1 =	vsel vm0, v7, v1  }
0x5e: {  	[tilespmem:s10+$0xFFFFFFE0] =	vst v1;
	v1 =	vsel vm1, v6, v2  }
0x5f: {  	[tilespmem:s10+$0xFFFFFFF0] =	vst v1;
	v1 =	vsel vm2, v8, v3  }
0x60: {  	[tilespmem:s10+$0x0] =	vst v1;
	v1 =	vsel vm3, v9, v4  }
0x61: {  	[tilespmem:s10+$0x10] =	vst v1;
	v1 =	vsel vm4, v10, v5  }
0x62: {  	[tilespmem:s10+$0x20] =	vst v1  }
0x63: {  	[hbm4b:s3+s8] =	stream.indirect.scatter [tilespmem:s17], [sflag:$0x5], $0x1, s16, s8, $0xb8;
	[tilespmem:$0x8000] =	vst v63  }
0x64: {  	_ =	swait.ge [sflag:s18], $0x800  }
0x65: {  	[sflag:s18] =	ssyncset.done $0x0  }
0x66: {  	s14 =	simm.s32 $0x2870;
	[sflag:s18] =	ssyncadd.s32 $0xFFFFF800  }
0x67: {  	s1 =	simm.s32 $0x4870;
	v1 =	vld [tilespmem:s14+$0x0]  }
0x68: {  	s9 =	simm.s32 $0x870;
	v2 =	vld [tilespmem:s1+$0x0]  }
0x69: {  	v3 =	vld [tilespmem:s9+$0x0]  }
0x6a: {  	v4 =	vld [tilespmem:s1+$0xFFFFFF90]  }
0x6b: {  	v5 =	vld [tilespmem:s14+$0xFFFFFFA0]  }
0x6c: {  	v6 =	vld [tilespmem:s1+$0xFFFFFFA0]  }
0x6d: {  	v7 =	vld [tilespmem:s14+$0xFFFFFFB0]  }
0x6e: {  	v8 =	vld [tilespmem:s1+$0xFFFFFFB0]  }
0x6f: {  	v9 =	vld [tilespmem:s14+$0xFFFFFFC0]  }
0x70: {  	v10 =	vld [tilespmem:s1+$0xFFFFFFC0]  }
0x71: {  	v11 =	vld [tilespmem:s14+$0xFFFFFFD0]  }
0x72: {  	v12 =	vld [tilespmem:s1+$0xFFFFFFD0]  }
0x73: {  	v13 =	vld [tilespmem:s14+$0xFFFFFFE0]  }
0x74: {  	v15 =	vld [tilespmem:s14+$0xFFFFFF90]  }
0x75: {  	v14 =	vld [tilespmem:s1+$0xFFFFFFE0]  }
0x76: {  	v16 =	vld [tilespmem:s14+$0xFFFFFFF0]  }
0x77: {  	v17 =	vld [tilespmem:s1+$0xFFFFFFF0]  }
0x78: {  	v18 =	vld [tilespmem:s9+$0xFFFFFF90];
	vm0 =	vlt.s32 v1, v2  }
0x79: {  	v20 =	vld [tilespmem:s9+$0xFFFFFFA0];
	v1 =	vadd.s32 $0x400000, v2;
	vm5 =	vlt.s32 v5, v6;
	vm4 =	vlt.s32 v15, v4  }
0x7a: {  	v5 =	vadd.s32 $0x400000, v4;
	v19 =	vsel vm0, v3, v1;
	vm0 =	vlt.s32 v7, v8;
	v7 =	vld [tilespmem:s9+$0xFFFFFFB0]  }
0x7b: {  	v63 =	vadd.s32 $0x400000, v6;
	vm1 =	vlt.s32 v9, v10;
	v6 =	vld [tilespmem:s9+$0xFFFFFFC0];
	v2 =	vadd.s32 $0x400000, v10  }
0x7c: {  	s10 =	simm.s32 $0x6870;
	vm2 =	vlt.s32 v11, v12;
	vm3 =	vlt.s32 v13, v14;
	v1 =	vadd.s32 $0x400000, v8;
	v8 =	vld [tilespmem:s9+$0xFFFFFFD0]  }
0x7d: {  	v4 =	vadd.s32 $0x400000, v14;
	v9 =	vld [tilespmem:s9+$0xFFFFFFE0];
	v3 =	vadd.s32 $0x400000, v12;
	v10 =	vsel vm4, v18, v5;
	[tilespmem:s10+$0x0] =	vst v19  }
0x7e: {  	s11 =	simm.s32 $0x80;
	s12 =	simm.s32 $0x28F0;
	vm4 =	vlt.s32 v16, v17;
	v5 =	vadd.s32 $0x400000, v17;
	v11 =	vsel vm5, v20, v63;
	[tilespmem:s10+$0xFFFFFF90] =	vst v10;
	v10 =	vld [tilespmem:s9+$0xFFFFFFF0]  }
.LBB2_6:
0x7f: {  	v12 =	vld [tilespmem:s12+$0x0];
	[tilespmem:s10+$0xFFFFFFA0] =	vst v11;
	v1 =	vsel vm0, v7, v1;
	s1 =	sadd.s32 $0x80, s1  }
0x80: {  	s11 =	sadd.s32 $0x8, s11;
	s9 =	sadd.s32 $0x80, s9;
	v7 =	vld [tilespmem:s1+$0x0];
	[tilespmem:s10+$0xFFFFFFB0] =	vst v1;
	v1 =	vsel vm1, v6, v2  }
0x81: {  	p0 =	slt.u32 s11, $0xF8;
	v2 =	vld [tilespmem:s9+$0x0];
	[tilespmem:s10+$0xFFFFFFC0] =	vst v1;
	v1 =	vsel vm2, v8, v3  }
0x82: {  	v8 =	vld [tilespmem:s1+$0xFFFFFF90];
	[tilespmem:s10+$0xFFFFFFD0] =	vst v1;
	v1 =	vsel vm3, v9, v4  }
0x83: {  	v3 =	vld [tilespmem:s12+$0xFFFFFFA0];
	[tilespmem:s10+$0xFFFFFFE0] =	vst v1;
	v1 =	vsel vm4, v10, v5  }
0x84: {  	v4 =	vld [tilespmem:s1+$0xFFFFFFA0];
	[tilespmem:s10+$0xFFFFFFF0] =	vst v1  }
0x85: {  	v1 =	vld [tilespmem:s12+$0xFFFFFFB0];
	vm0 =	vlt.s32 v12, v7;
	v5 =	vadd.s32 $0x400000, v7  }
0x86: {  	s10 =	sadd.s32 $0x80, s10;
	v6 =	vld [tilespmem:s1+$0xFFFFFFB0];
	v2 =	vsel vm0, v2, v5  }
0x87: {  	v9 =	vadd.s32 $0x400000, v8;
	v5 =	vld [tilespmem:s12+$0xFFFFFFC0];
	[tilespmem:s10+$0x0] =	vst v2  }
0x88: {  	v2 =	vld [tilespmem:s1+$0xFFFFFFC0]  }
0x89: {  	vm5 =	vlt.s32 v3, v4;
	v10 =	vadd.s32 $0x400000, v4;
	v3 =	vld [tilespmem:s12+$0xFFFFFFD0]  }
0x8a: {  	v4 =	vld [tilespmem:s1+$0xFFFFFFD0]  }
0x8b: {  	vm0 =	vlt.s32 v1, v6;
	v1 =	vadd.s32 $0x400000, v6;
	v6 =	vld [tilespmem:s12+$0xFFFFFFE0]  }
0x8c: {  	v7 =	vld [tilespmem:s1+$0xFFFFFFE0]  }
0x8d: {  	vm1 =	vlt.s32 v5, v2;
	v2 =	vadd.s32 $0x400000, v2;
	v5 =	vld [tilespmem:s12+$0xFFFFFFF0]  }
0x8e: {  	v11 =	vld [tilespmem:s1+$0xFFFFFFF0]  }
0x8f: {  	v12 =	vld [tilespmem:s12+$0xFFFFFF90];
	vm2 =	vlt.s32 v3, v4;
	v3 =	vadd.s32 $0x400000, v4  }
0x90: {  	v13 =	vld [tilespmem:s9+$0xFFFFFF90]  }
0x91: {  	v14 =	vld [tilespmem:s9+$0xFFFFFFA0];
	vm3 =	vlt.s32 v6, v7;
	v4 =	vadd.s32 $0x400000, v7  }
.Ltmp2:
0x92: {  	v7 =	vld [tilespmem:s9+$0xFFFFFFB0];
	(pc) =	sbr.rel @p0 .LBB2_6-.Ltmp2, $4  }
0x93: {  	v6 =	vld [tilespmem:s9+$0xFFFFFFC0];
	vm4 =	vlt.s32 v5, v11;
	v5 =	vadd.s32 $0x400000, v11  }
0x94: {  	vm6 =	vlt.s32 v12, v8;
	v8 =	vld [tilespmem:s9+$0xFFFFFFD0]  }
0x95: {  	v11 =	vsel vm6, v13, v9;
	v9 =	vld [tilespmem:s9+$0xFFFFFFE0]  }
0x96: {  	s12 =	sadd.s32 $0x80, s12;
	[tilespmem:s10+$0xFFFFFF90] =	vst v11;
	v11 =	vsel vm5, v14, v10;
	v10 =	vld [tilespmem:s9+$0xFFFFFFF0]  }
0x97: {  	[tilespmem:s10+$0xFFFFFFA0] =	vst v11;
	v1 =	vsel vm0, v7, v1  }
0x98: {  	[tilespmem:s10+$0xFFFFFFB0] =	vst v1;
	v1 =	vsel vm1, v6, v2  }
0x99: {  	[tilespmem:s10+$0xFFFFFFC0] =	vst v1;
	v1 =	vsel vm2, v8, v3  }
0x9a: {  	[tilespmem:s10+$0xFFFFFFD0] =	vst v1;
	v1 =	vsel vm3, v9, v4  }
0x9b: {  	[tilespmem:s10+$0xFFFFFFE0] =	vst v1;
	v1 =	vsel vm4, v10, v5  }
0x9c: {  	[tilespmem:s10+$0xFFFFFFF0] =	vst v1  }
0x9d: {  	[hbm4b:s3+s8] =	stream.indirect.scatter [tilespmem:s20], [sflag:$0x6], $0x1, s19, s8, $0xb8;
	[tilespmem:$0x8000] =	vst v63  }
0x9e: {  	_ =	swait.ge [sflag:s21], $0x800  }
0x9f: {  	[sflag:s21] =	ssyncset.done $0x0  }
0xa0: {  	s14 =	simm.s32 $0x3070;
	[sflag:s21] =	ssyncadd.s32 $0xFFFFF800  }
0xa1: {  	s1 =	simm.s32 $0x5070;
	v1 =	vld [tilespmem:s14+$0x0]  }
0xa2: {  	s9 =	simm.s32 $0x1070;
	v2 =	vld [tilespmem:s1+$0x0]  }
0xa3: {  	v3 =	vld [tilespmem:s9+$0x0]  }
0xa4: {  	v4 =	vld [tilespmem:s1+$0xFFFFFF90]  }
0xa5: {  	v5 =	vld [tilespmem:s14+$0xFFFFFFA0]  }
0xa6: {  	v6 =	vld [tilespmem:s1+$0xFFFFFFA0]  }
0xa7: {  	v7 =	vld [tilespmem:s14+$0xFFFFFFB0]  }
0xa8: {  	v8 =	vld [tilespmem:s1+$0xFFFFFFB0]  }
0xa9: {  	v9 =	vld [tilespmem:s14+$0xFFFFFFC0]  }
0xaa: {  	v10 =	vld [tilespmem:s1+$0xFFFFFFC0]  }
0xab: {  	v11 =	vld [tilespmem:s14+$0xFFFFFFD0]  }
0xac: {  	v12 =	vld [tilespmem:s1+$0xFFFFFFD0]  }
0xad: {  	v13 =	vld [tilespmem:s14+$0xFFFFFFE0]  }
0xae: {  	v15 =	vld [tilespmem:s14+$0xFFFFFF90]  }
0xaf: {  	v14 =	vld [tilespmem:s1+$0xFFFFFFE0]  }
0xb0: {  	v16 =	vld [tilespmem:s14+$0xFFFFFFF0]  }
0xb1: {  	v17 =	vld [tilespmem:s1+$0xFFFFFFF0]  }
0xb2: {  	v18 =	vld [tilespmem:s9+$0xFFFFFF90];
	vm0 =	vlt.s32 v1, v2  }
0xb3: {  	v20 =	vld [tilespmem:s9+$0xFFFFFFA0];
	v1 =	vadd.s32 $0x400000, v2;
	vm5 =	vlt.s32 v5, v6;
	vm4 =	vlt.s32 v15, v4  }
0xb4: {  	v5 =	vadd.s32 $0x400000, v4;
	v19 =	vsel vm0, v3, v1;
	vm0 =	vlt.s32 v7, v8;
	v7 =	vld [tilespmem:s9+$0xFFFFFFB0]  }
0xb5: {  	v63 =	vadd.s32 $0x400000, v6;
	vm1 =	vlt.s32 v9, v10;
	v6 =	vld [tilespmem:s9+$0xFFFFFFC0];
	v2 =	vadd.s32 $0x400000, v10  }
0xb6: {  	s10 =	simm.s32 $0x7070;
	vm2 =	vlt.s32 v11, v12;
	vm3 =	vlt.s32 v13, v14;
	v1 =	vadd.s32 $0x400000, v8;
	v8 =	vld [tilespmem:s9+$0xFFFFFFD0]  }
0xb7: {  	v4 =	vadd.s32 $0x400000, v14;
	v9 =	vld [tilespmem:s9+$0xFFFFFFE0];
	v3 =	vadd.s32 $0x400000, v12;
	v10 =	vsel vm4, v18, v5;
	[tilespmem:s10+$0x0] =	vst v19  }
0xb8: {  	s11 =	simm.s32 $0x100;
	s12 =	simm.s32 $0x30F0;
	vm4 =	vlt.s32 v16, v17;
	v5 =	vadd.s32 $0x400000, v17;
	v11 =	vsel vm5, v20, v63;
	[tilespmem:s10+$0xFFFFFF90] =	vst v10;
	v10 =	vld [tilespmem:s9+$0xFFFFFFF0]  }
.LBB2_8:
0xb9: {  	v12 =	vld [tilespmem:s12+$0x0];
	[tilespmem:s10+$0xFFFFFFA0] =	vst v11;
	v1 =	vsel vm0, v7, v1;
	s1 =	sadd.s32 $0x80, s1  }
0xba: {  	s11 =	sadd.s32 $0x8, s11;
	s9 =	sadd.s32 $0x80, s9;
	v7 =	vld [tilespmem:s1+$0x0];
	[tilespmem:s10+$0xFFFFFFB0] =	vst v1;
	v1 =	vsel vm1, v6, v2  }
0xbb: {  	p0 =	slt.u32 s11, $0x178;
	v2 =	vld [tilespmem:s9+$0x0];
	[tilespmem:s10+$0xFFFFFFC0] =	vst v1;
	v1 =	vsel vm2, v8, v3  }
0xbc: {  	v8 =	vld [tilespmem:s1+$0xFFFFFF90];
	[tilespmem:s10+$0xFFFFFFD0] =	vst v1;
	v1 =	vsel vm3, v9, v4  }
0xbd: {  	v3 =	vld [tilespmem:s12+$0xFFFFFFA0];
	[tilespmem:s10+$0xFFFFFFE0] =	vst v1;
	v1 =	vsel vm4, v10, v5  }
0xbe: {  	v4 =	vld [tilespmem:s1+$0xFFFFFFA0];
	[tilespmem:s10+$0xFFFFFFF0] =	vst v1  }
0xbf: {  	v1 =	vld [tilespmem:s12+$0xFFFFFFB0];
	vm0 =	vlt.s32 v12, v7;
	v5 =	vadd.s32 $0x400000, v7  }
0xc0: {  	s10 =	sadd.s32 $0x80, s10;
	v6 =	vld [tilespmem:s1+$0xFFFFFFB0];
	v2 =	vsel vm0, v2, v5  }
0xc1: {  	v9 =	vadd.s32 $0x400000, v8;
	v5 =	vld [tilespmem:s12+$0xFFFFFFC0];
	[tilespmem:s10+$0x0] =	vst v2  }
0xc2: {  	v2 =	vld [tilespmem:s1+$0xFFFFFFC0]  }
0xc3: {  	vm5 =	vlt.s32 v3, v4;
	v10 =	vadd.s32 $0x400000, v4;
	v3 =	vld [tilespmem:s12+$0xFFFFFFD0]  }
0xc4: {  	v4 =	vld [tilespmem:s1+$0xFFFFFFD0]  }
0xc5: {  	vm0 =	vlt.s32 v1, v6;
	v1 =	vadd.s32 $0x400000, v6;
	v6 =	vld [tilespmem:s12+$0xFFFFFFE0]  }
0xc6: {  	v7 =	vld [tilespmem:s1+$0xFFFFFFE0]  }
0xc7: {  	vm1 =	vlt.s32 v5, v2;
	v2 =	vadd.s32 $0x400000, v2;
	v5 =	vld [tilespmem:s12+$0xFFFFFFF0]  }
0xc8: {  	v11 =	vld [tilespmem:s1+$0xFFFFFFF0]  }
0xc9: {  	v12 =	vld [tilespmem:s12+$0xFFFFFF90];
	vm2 =	vlt.s32 v3, v4;
	v3 =	vadd.s32 $0x400000, v4  }
0xca: {  	v13 =	vld [tilespmem:s9+$0xFFFFFF90]  }
0xcb: {  	v14 =	vld [tilespmem:s9+$0xFFFFFFA0];
	vm3 =	vlt.s32 v6, v7;
	v4 =	vadd.s32 $0x400000, v7  }
.Ltmp3:
0xcc: {  	v7 =	vld [tilespmem:s9+$0xFFFFFFB0];
	(pc) =	sbr.rel @p0 .LBB2_8-.Ltmp3, $4  }
0xcd: {  	v6 =	vld [tilespmem:s9+$0xFFFFFFC0];
	vm4 =	vlt.s32 v5, v11;
	v5 =	vadd.s32 $0x400000, v11  }
0xce: {  	vm6 =	vlt.s32 v12, v8;
	v8 =	vld [tilespmem:s9+$0xFFFFFFD0]  }
0xcf: {  	v11 =	vsel vm6, v13, v9;
	v9 =	vld [tilespmem:s9+$0xFFFFFFE0]  }
0xd0: {  	s12 =	sadd.s32 $0x80, s12;
	[tilespmem:s10+$0xFFFFFF90] =	vst v11;
	v11 =	vsel vm5, v14, v10;
	v10 =	vld [tilespmem:s9+$0xFFFFFFF0]  }
0xd1: {  	[tilespmem:s10+$0xFFFFFFA0] =	vst v11;
	v1 =	vsel vm0, v7, v1  }
0xd2: {  	[tilespmem:s10+$0xFFFFFFB0] =	vst v1;
	v1 =	vsel vm1, v6, v2  }
0xd3: {  	[tilespmem:s10+$0xFFFFFFC0] =	vst v1;
	v1 =	vsel vm2, v8, v3  }
0xd4: {  	[tilespmem:s10+$0xFFFFFFD0] =	vst v1;
	v1 =	vsel vm3, v9, v4  }
0xd5: {  	[tilespmem:s10+$0xFFFFFFE0] =	vst v1;
	v1 =	vsel vm4, v10, v5  }
0xd6: {  	[tilespmem:s10+$0xFFFFFFF0] =	vst v1  }
0xd7: {  	[hbm4b:s3+s8] =	stream.indirect.scatter [tilespmem:s23], [sflag:$0x7], $0x1, s22, s8, $0xb8;
	[tilespmem:$0x8000] =	vst v63  }
0xd8: {  	_ =	swait.ge [sflag:s24], $0x800  }
0xd9: {  	[sflag:s24] =	ssyncset.done $0x0  }
0xda: {  	s14 =	simm.s32 $0x3870;
	[sflag:s24] =	ssyncadd.s32 $0xFFFFF800  }
0xdb: {  	s1 =	simm.s32 $0x5870;
	v1 =	vld [tilespmem:s14+$0x0]  }
0xdc: {  	s9 =	simm.s32 $0x1870;
	v2 =	vld [tilespmem:s1+$0x0]  }
0xdd: {  	v3 =	vld [tilespmem:s9+$0x0]  }
0xde: {  	v4 =	vld [tilespmem:s1+$0xFFFFFF90]  }
0xdf: {  	v5 =	vld [tilespmem:s14+$0xFFFFFFA0]  }
0xe0: {  	v6 =	vld [tilespmem:s1+$0xFFFFFFA0]  }
0xe1: {  	v7 =	vld [tilespmem:s14+$0xFFFFFFB0]  }
0xe2: {  	v8 =	vld [tilespmem:s1+$0xFFFFFFB0]  }
0xe3: {  	v9 =	vld [tilespmem:s14+$0xFFFFFFC0]  }
0xe4: {  	v10 =	vld [tilespmem:s1+$0xFFFFFFC0]  }
0xe5: {  	v11 =	vld [tilespmem:s14+$0xFFFFFFD0]  }
0xe6: {  	v12 =	vld [tilespmem:s1+$0xFFFFFFD0]  }
0xe7: {  	v13 =	vld [tilespmem:s14+$0xFFFFFFE0]  }
0xe8: {  	v15 =	vld [tilespmem:s14+$0xFFFFFF90]  }
0xe9: {  	v14 =	vld [tilespmem:s1+$0xFFFFFFE0]  }
0xea: {  	v16 =	vld [tilespmem:s14+$0xFFFFFFF0]  }
0xeb: {  	v17 =	vld [tilespmem:s1+$0xFFFFFFF0]  }
0xec: {  	v18 =	vld [tilespmem:s9+$0xFFFFFF90];
	vm0 =	vlt.s32 v1, v2  }
0xed: {  	v20 =	vld [tilespmem:s9+$0xFFFFFFA0];
	v1 =	vadd.s32 $0x400000, v2;
	vm5 =	vlt.s32 v5, v6;
	vm4 =	vlt.s32 v15, v4  }
0xee: {  	v5 =	vadd.s32 $0x400000, v4;
	v19 =	vsel vm0, v3, v1;
	vm0 =	vlt.s32 v7, v8;
	v7 =	vld [tilespmem:s9+$0xFFFFFFB0]  }
0xef: {  	v63 =	vadd.s32 $0x400000, v6;
	vm1 =	vlt.s32 v9, v10;
	v6 =	vld [tilespmem:s9+$0xFFFFFFC0];
	v2 =	vadd.s32 $0x400000, v10  }
0xf0: {  	s10 =	simm.s32 $0x7870;
	vm2 =	vlt.s32 v11, v12;
	vm3 =	vlt.s32 v13, v14;
	v1 =	vadd.s32 $0x400000, v8;
	v8 =	vld [tilespmem:s9+$0xFFFFFFD0]  }
0xf1: {  	v4 =	vadd.s32 $0x400000, v14;
	v9 =	vld [tilespmem:s9+$0xFFFFFFE0];
	v3 =	vadd.s32 $0x400000, v12;
	v10 =	vsel vm4, v18, v5;
	[tilespmem:s10+$0x0] =	vst v19  }
0xf2: {  	s11 =	simm.s32 $0x180;
	s12 =	simm.s32 $0x38F0;
	vm4 =	vlt.s32 v16, v17;
	v5 =	vadd.s32 $0x400000, v17;
	v11 =	vsel vm5, v20, v63;
	[tilespmem:s10+$0xFFFFFF90] =	vst v10;
	v10 =	vld [tilespmem:s9+$0xFFFFFFF0]  }
.LBB2_10:
0xf3: {  	v12 =	vld [tilespmem:s12+$0x0];
	[tilespmem:s10+$0xFFFFFFA0] =	vst v11;
	v1 =	vsel vm0, v7, v1;
	s1 =	sadd.s32 $0x80, s1  }
0xf4: {  	s11 =	sadd.s32 $0x8, s11;
	s9 =	sadd.s32 $0x80, s9;
	v7 =	vld [tilespmem:s1+$0x0];
	[tilespmem:s10+$0xFFFFFFB0] =	vst v1;
	v1 =	vsel vm1, v6, v2  }
0xf5: {  	p0 =	slt.u32 s11, $0x1F8;
	v2 =	vld [tilespmem:s9+$0x0];
	[tilespmem:s10+$0xFFFFFFC0] =	vst v1;
	v1 =	vsel vm2, v8, v3  }
0xf6: {  	v8 =	vld [tilespmem:s1+$0xFFFFFF90];
	[tilespmem:s10+$0xFFFFFFD0] =	vst v1;
	v1 =	vsel vm3, v9, v4  }
0xf7: {  	v3 =	vld [tilespmem:s12+$0xFFFFFFA0];
	[tilespmem:s10+$0xFFFFFFE0] =	vst v1;
	v1 =	vsel vm4, v10, v5  }
0xf8: {  	v4 =	vld [tilespmem:s1+$0xFFFFFFA0];
	[tilespmem:s10+$0xFFFFFFF0] =	vst v1  }
0xf9: {  	v1 =	vld [tilespmem:s12+$0xFFFFFFB0];
	vm0 =	vlt.s32 v12, v7;
	v5 =	vadd.s32 $0x400000, v7  }
0xfa: {  	s10 =	sadd.s32 $0x80, s10;
	v6 =	vld [tilespmem:s1+$0xFFFFFFB0];
	v2 =	vsel vm0, v2, v5  }
0xfb: {  	v9 =	vadd.s32 $0x400000, v8;
	v5 =	vld [tilespmem:s12+$0xFFFFFFC0];
	[tilespmem:s10+$0x0] =	vst v2  }
0xfc: {  	v2 =	vld [tilespmem:s1+$0xFFFFFFC0]  }
0xfd: {  	vm5 =	vlt.s32 v3, v4;
	v10 =	vadd.s32 $0x400000, v4;
	v3 =	vld [tilespmem:s12+$0xFFFFFFD0]  }
0xfe: {  	v4 =	vld [tilespmem:s1+$0xFFFFFFD0]  }
0xff: {  	vm0 =	vlt.s32 v1, v6;
	v1 =	vadd.s32 $0x400000, v6;
	v6 =	vld [tilespmem:s12+$0xFFFFFFE0]  }
0x100: {  	v7 =	vld [tilespmem:s1+$0xFFFFFFE0]  }
0x101: {  	vm1 =	vlt.s32 v5, v2;
	v2 =	vadd.s32 $0x400000, v2;
	v5 =	vld [tilespmem:s12+$0xFFFFFFF0]  }
0x102: {  	v11 =	vld [tilespmem:s1+$0xFFFFFFF0]  }
0x103: {  	v12 =	vld [tilespmem:s12+$0xFFFFFF90];
	vm2 =	vlt.s32 v3, v4;
	v3 =	vadd.s32 $0x400000, v4  }
0x104: {  	v13 =	vld [tilespmem:s9+$0xFFFFFF90]  }
0x105: {  	v14 =	vld [tilespmem:s9+$0xFFFFFFA0];
	vm3 =	vlt.s32 v6, v7;
	v4 =	vadd.s32 $0x400000, v7  }
.Ltmp4:
0x106: {  	v7 =	vld [tilespmem:s9+$0xFFFFFFB0];
	(pc) =	sbr.rel @p0 .LBB2_10-.Ltmp4, $4  }
0x107: {  	v6 =	vld [tilespmem:s9+$0xFFFFFFC0];
	vm4 =	vlt.s32 v5, v11;
	v5 =	vadd.s32 $0x400000, v11  }
0x108: {  	vm6 =	vlt.s32 v12, v8;
	v8 =	vld [tilespmem:s9+$0xFFFFFFD0]  }
0x109: {  	v11 =	vsel vm6, v13, v9;
	v9 =	vld [tilespmem:s9+$0xFFFFFFE0]  }
0x10a: {  	s12 =	sadd.s32 $0x80, s12;
	[tilespmem:s10+$0xFFFFFF90] =	vst v11;
	v11 =	vsel vm5, v14, v10;
	v10 =	vld [tilespmem:s9+$0xFFFFFFF0]  }
0x10b: {  	[tilespmem:s10+$0xFFFFFFA0] =	vst v11;
	v1 =	vsel vm0, v7, v1  }
0x10c: {  	[tilespmem:s10+$0xFFFFFFB0] =	vst v1;
	v1 =	vsel vm1, v6, v2  }
0x10d: {  	[tilespmem:s10+$0xFFFFFFC0] =	vst v1;
	v1 =	vsel vm2, v8, v3  }
0x10e: {  	[tilespmem:s10+$0xFFFFFFD0] =	vst v1;
	v1 =	vsel vm3, v9, v4  }
0x10f: {  	[tilespmem:s10+$0xFFFFFFE0] =	vst v1;
	v1 =	vsel vm4, v10, v5  }
0x110: {  	[tilespmem:s10+$0xFFFFFFF0] =	vst v1  }
0x111: {  	[hbm4b:s3+s8] =	stream.indirect.scatter [tilespmem:s26], [sflag:$0x8], $0x1, s25, s8, $0xb8;
	[tilespmem:$0x8000] =	vst v63  }
0x112: {  	_ =	swait.ge [sflag:s28], $0x800  }
0x113: {  	[sflag:s28] =	ssyncset.done $0x0  }
0x114: {  	[sflag:s28] =	ssyncadd.s32 $0xFFFFF800  }
0x115: {  	_ =	swait.ge [sflag:s29], $0x800  }
0x116: {  	[sflag:s29] =	ssyncset.done $0x0  }
0x117: {  	s0 =	sadd.s32 $0x1, s0;
	[sflag:s29] =	ssyncadd.s32 $0xFFFFF800  }
0x118: {  	p0 =	sne.s32 s0, s5;
	_ =	swait.ge [sflag:s30], $0x800  }
.Ltmp5:
0x119: {  	[sflag:s30] =	ssyncset.done $0x0;
	(pc) =	sbr.rel @p0 .LBB2_1-.Ltmp5, $4  }
0x11a: {  	[sflag:s30] =	ssyncadd.s32 $0xFFFFF800  }
0x11b: {  	_ =	swait.ge [sflag:s31], $0x800  }
0x11c: {  	[sflag:s31] =	ssyncset.done $0x0  }
0x11d: {  	[sflag:s31] =	ssyncadd.s32 $0xFFFFF800  }
0x11e: {  	_ =	sfence.sel $0x180000  }
0x11f: {  	[bflag:$0x0] =	sbarrier.arrive $0xFFFF  }
0x120: {  	_ =	strace $0x9000004A  }
0x121: {  	s0 =	stileid.u32;
	[bflag:$0x2] =	sbarrier.arrive $0xFFFF  }
0x122: {  	p0 =	sne.s32 s0, $0x0;
	s0 =	rddreg [dreg:$0x2]  }
0x123: {  	s0 =	sadd.s32 @!p0 $0x100000, s0  }
0x124: {  	[sflag:s0] =	ssyncadd.tile.s32 @!p0 $0x1;
	_ =	shalt  }
.Lfunc_end2:
_tile_overlayer_lowered:
.L_overlay_start_2:
0x125: {  	(tag) =	ssettag $0x2  }
0x126: {  	s0 =	rddreg [dreg:$0x0];
	s2 =	stileid.u32  }
0x127: {  	s1 =	rddreg [dreg:$0x1];
	p0 =	sne.s32 s2, $0x0  }
0x128: {  	s3 =	rddreg [dreg:$0x2];
	[bflag:$0x3] =	sbarrier.arrive $0xFFFF;
	s2 =	simm.s32 @!p0 $0x1C09  }
0x129: {  	[timem:s3], [sflag:s2] =	dma.local @!p0 [hbm:s0], s1  }
0x12a: {  	s0 =	simm.s32 @!p0 $0x9  }
0x12b: {  	_ =	swait.ge @!p0 [sflag:s0], s1  }
0x12c: {  	s1 =	ssub.s32 @!p0 $0x0, s1;
	[sflag:s0] =	ssyncset.done @!p0 $0x0  }
0x12d: {  	[sflag:s0] =	ssyncadd.s32 @!p0 s1  }
0x12e: {  	[bflag:$0x3] =	sbarrier.arrive $0xFFFF  }
0x12f: {  	_ =	shalt  }

// kernel: kernel.17.cloned.1.call-start
scs
__scs_entry_jumppad:
0x0: {  	(pc) =	sbr.rel $0x88, $3  }
0x1: {  	(tag) =	ssettag $0x0;
	lr =	simm.s32 $0x1  }
0x2: {  	[smem:$0x3F9C] =	sst lr;
	_ =	strace $0xD0000000  }
0x3: {  	_ = 	snop  }
0x4: {  	_ = 	snop  }
0x5: {  	_ = 	snop  }
0x6: {  	_ = 	snop  }
0x7: {  	_ = 	snop  }
__scs_overlays_trampoline_lowered:
0x8: {  	[smem:$0x3FAB] =	sst s0  }
0x9: {  	[smem:$0x3FAC] =	sst s1  }
0xa: {  	[smem:$0x3FAD] =	sst s2  }
0xb: {  	[smem:$0x3FAE] =	sst s3  }
0xc: {  	[smem:$0x3FAF] =	sst s4  }
0xd: {  	[smem:$0x3FB0] =	sst s5  }
0xe: {  	[smem:$0x3FB1] =	sst s6  }
0xf: {  	[smem:$0x3FB2] =	sst s7  }
0x10: {  	[smem:$0x3FB3] =	sst s8  }
0x11: {  	[smem:$0x3FB4] =	sst s9;
	s0 =	simm.s32 @!p0 $0x0  }
0x12: {  	s1 =	sld [smem:$0x3F9A];
	s0 =	simm.s32 @p0 $0x1  }
0x13: {  	[smem:$0x3FB5] =	sst s0;
	s0 =	simm.s32 @!p1 $0x0  }
0x14: {  	s2 =	sld [smem:$0x3F99];
	s0 =	simm.s32 @p1 $0x1  }
0x15: {  	[smem:$0x3FB6] =	sst s0;
	s0 =	simm.s32 @!p2 $0x0  }
0x16: {  	s3 =	sld [smem:$0x3FDB];
	s0 =	simm.s32 @p2 $0x1  }
0x17: {  	s4 =	simm.s32 $0x1BF5;
	[smem:$0x3FB8] =	sst s0  }
0x18: {  	s0 =	sld [smem:$0x3F9B];
	_ =	swait.ge [sflag:s4], $0x0  }
0x19: {  	s7 =	sld [smem:$0x3F9C]  }
0x1a: {  	s8 =	sadd.s32 $0xFFFFE003, lr  }
0x1b: {  	s9 =	sadd.s32 $0xFFFFFEF7, lr;
	s5 =	simm.s32 $0xFFFFFFFF;
	p2 =	slt.u32 s8, $0xFFFFF086  }
0x1c: {  	p1 =	slt.u32 s9, $0xF7A;
	s5 =	simm.s32 @!p2 $0x0  }
0x1d: {  	s5 =	simm.s32 @p1 $0x1;
	p0 =	seq.s32 s7, s2  }
0x1e: {  	s7 =	smul.u32 @!p0 $0xF7A, s2;
	p2 =	seq.s32 @!p0 s5, $0x0  }
0x1f: {  	s9 =	smul.u32 $0xF7A, s1;
	s8 =	simm.s32 @!p0 $0x1BF5;
	p2 =	por !p2, p0  }
0x20: {  	[sflag:s8] =	ssyncset.s32 @!p0 $0xFFFFF086;
	s6 =	sadd.s32 @!p0 s3, s7;
	s7 =	simm.s32 @!p0 $0x108  }
0x21: {  	s3 =	sadd.s32 s3, s9;
	s6 =	sadd.s32 @!p0 $0x88, s6;
	s7 =	simm.s32 @p2 $0x1082  }
0x22: {  	[simem:s7], [sflag:s8] =	dma.local @!p0 [hbm:s6], $0xF7A  }
0x23: {  	s9 =	sor.u32 $0xD0000000, s2;
	s6 =	simm.s32 $0x108;
	_ =	swait.ge @!p0 [sflag:s8], $0x0  }
0x24: {  	s3 =	sadd.s32 $0x88, s3;
	s6 =	simm.s32 @!p1 $0x1082;
	[sflag:s4] =	ssyncset.s32 $0xFFFFF086  }
0x25: {  	[simem:s6], [sflag:s4] =	dma.local [hbm:s3], $0xF7A  }
0x26: {  	[smem:$0x3F9C] =	sst s1;
	(tag) =	ssettag s2;
	_ =	strace s9  }
0x27: {  	s1 =	sld [smem:$0x3FAC]  }
0x28: {  	s2 =	sld [smem:$0x3FAD]  }
0x29: {  	s4 =	sld [smem:$0x3FAF]  }
0x2a: {  	p0 =	seq.s32 s5, $0x0;
	s5 =	sld [smem:$0x3FB0]  }
0x2b: {  	s6 =	sld [smem:$0x3FB1]  }
0x2c: {  	s7 =	sld [smem:$0x3FB2]  }
0x2d: {  	s3 =	simm.s32 $0x108;
	s8 =	sld [smem:$0x3FB3]  }
0x2e: {  	s3 =	simm.s32 @!p0 $0x1082;
	s9 =	sld [smem:$0x3FB4]  }
0x2f: {  	lr =	sadd.s32 s0, s3;
	s0 =	sld [smem:$0x3FAB]  }
0x30: {  	s3 =	sld [smem:$0x3FAE]  }
0x31: {  	[smem:$0x3FB7] =	sst s10  }
0x32: {  	s10 =	sld [smem:$0x3FB5];
	_ =	sdelay $0x3  }
0x33: {  	p0 =	seq.s32 s10, $0x1;
	s10 =	sld [smem:$0x3FB7];
	_ =	sdelay $0x3  }
0x34: {  	[smem:$0x3FB7] =	sst s10  }
0x35: {  	s10 =	sld [smem:$0x3FB6];
	_ =	sdelay $0x3  }
0x36: {  	p1 =	seq.s32 s10, $0x1;
	s10 =	sld [smem:$0x3FB7];
	_ =	sdelay $0x3  }
0x37: {  	[smem:$0x3FB7] =	sst s10  }
0x38: {  	s10 =	sld [smem:$0x3FB8]  }
0x39: {  	_ = 	snop;
	(pc) =	sbr.ind lr, $3  }
0x3a: {  	_ = 	snop  }
0x3b: {  	_ = 	snop  }
0x3c: {  	p2 =	seq.s32 s10, $0x1;
	s10 =	sld [smem:$0x3FB7]  }
0x3d: {  	_ =	shalt  }
0x3e: {  	_ =	shalt  }
0x3f: {  	_ =	shalt  }
0x40: {  	_ =	shalt  }
0x41: {  	_ =	shalt  }
0x42: {  	_ =	shalt  }
0x43: {  	_ =	shalt  }
0x44: {  	_ =	shalt  }
0x45: {  	_ =	shalt  }
0x46: {  	_ =	shalt  }
0x47: {  	_ =	shalt  }
0x48: {  	_ =	shalt  }
0x49: {  	_ =	shalt  }
0x4a: {  	_ =	shalt  }
0x4b: {  	_ =	shalt  }
0x4c: {  	_ =	shalt  }
0x4d: {  	_ =	shalt  }
0x4e: {  	_ =	shalt  }
0x4f: {  	_ =	shalt  }
0x50: {  	_ =	shalt  }
0x51: {  	_ =	shalt  }
0x52: {  	_ =	shalt  }
0x53: {  	_ =	shalt  }
0x54: {  	_ =	shalt  }
0x55: {  	_ =	shalt  }
0x56: {  	_ =	shalt  }
0x57: {  	_ =	shalt  }
0x58: {  	_ =	shalt  }
0x59: {  	_ =	shalt  }
0x5a: {  	_ =	shalt  }
0x5b: {  	_ =	shalt  }
0x5c: {  	_ =	shalt  }
0x5d: {  	_ =	shalt  }
0x5e: {  	_ =	shalt  }
0x5f: {  	_ =	shalt  }
0x60: {  	_ =	shalt  }
0x61: {  	_ =	shalt  }
0x62: {  	_ =	shalt  }
0x63: {  	_ =	shalt  }
0x64: {  	_ =	shalt  }
0x65: {  	_ =	shalt  }
0x66: {  	_ =	shalt  }
0x67: {  	_ =	shalt  }
0x68: {  	_ =	shalt  }
0x69: {  	_ =	shalt  }
0x6a: {  	_ =	shalt  }
0x6b: {  	_ =	shalt  }
0x6c: {  	_ =	shalt  }
0x6d: {  	_ =	shalt  }
0x6e: {  	_ =	shalt  }
0x6f: {  	_ =	shalt  }
0x70: {  	_ =	shalt  }
0x71: {  	_ =	shalt  }
0x72: {  	_ =	shalt  }
0x73: {  	_ =	shalt  }
0x74: {  	_ =	shalt  }
0x75: {  	_ =	shalt  }
0x76: {  	_ =	shalt  }
0x77: {  	_ =	shalt  }
0x78: {  	_ =	shalt  }
0x79: {  	_ =	shalt  }
0x7a: {  	_ =	shalt  }
0x7b: {  	_ =	shalt  }
0x7c: {  	_ =	shalt  }
0x7d: {  	_ =	shalt  }
0x7e: {  	_ =	shalt  }
0x7f: {  	_ =	shalt  }
0x80: {  	_ =	shalt  }
0x81: {  	_ =	shalt  }
0x82: {  	_ =	shalt  }
0x83: {  	_ =	shalt  }
0x84: {  	_ =	shalt  }
0x85: {  	_ =	shalt  }
0x86: {  	_ =	shalt  }
0x87: {  	_ =	shalt  }
.Lfunc_end0:
.L_simem_size_0:
called_computation.3_lowered:
.L_overlay_start_0:
0x88: {  	s2 =	sld [smem:$0x3FD9]  }
0x89: {  	s3 =	sld [smem:$0x3FFE];
	_ =	sdelay $0x1  }
0x8a: {  	s1 =	srdreg.scid  }
0x8b: {  	s0 =	sand.u32 $0x1, s1  }
0x8c: {  	s17 =	sshll.u32 s0, $0xA;
	s2 =	sadd.s32 s3, s2  }
0x8d: {  	s2 =	sadd.s32 s2, s17  }
0x8e: {  	[smem:$0x3FC3] =	sst s2  }
0x8f: {  	_ = 	snop  }
0x90: {  	s2 =	sld [smem:$0x3FC5];
	(tm) =	ssettm $0x1  }
0x91: {  	s18 =	sld [smem:$0x3FFB];
	_ =	sdelay $0x3  }
0x92: {  	_ =	strace s18  }
0x93: {  	s3 =	sld [smem:$0x3FFC];
	_ =	sdelay $0x3  }
0x94: {  	_ =	strace s3  }
0x95: {  	s3 =	sld [smem:$0x3FFD];
	_ =	sdelay $0x3  }
0x96: {  	_ =	strace s3  }
0x97: {  	_ =	strace $0x8FFFFFFF  }
0x98: {  	s19 =	sld [smem:$0x3FDB];
	_ =	sdelay $0x1  }
0x99: {  	s4 =	simm.s32 $_scs_section_size  }
0x9a: {  	s5 =	simm.s32 $_size__tile_overlayer_lowered;
	s6 =	simm.s32 $_tile_overlayer_lowered  }
0x9b: {  	s22 =	simm.s32 $0x1BFF;
	s21 =	sshll.u32 s6, $0x1;
	s3 =	sadd.s32 s4, s19  }
0x9c: {  	s7 =	simm.s32 $0x0;
	s20 =	sshll.u32 s5, $0x1;
	s5 =	sadd.s32 s21, s3  }
0x9d: {  	[timem:s7], [sflag:s22] =	dma.local [hbm:s5], s20  }
0x9e: {  	_ =	swait.ge [sflag:s22], s20  }
0x9f: {  	s4 =	ssub.s32 $0x0, s20;
	[sflag:s22] =	ssyncset.done $0x0  }
0xa0: {  	[sflag:s22] =	ssyncadd.s32 s4;
	_ =	sdelay $0x1  }
0xa1: {  	s23 =	simm.s32 $0x1B8B  }
0xa2: {  	_ =	swait.ge [sflag:s23], $0x1  }
0xa3: {  	[sflag:s23] =	ssyncset.done $0x0  }
0xa4: {  	s25 =	simm.s32 $0x1B8E;
	s24 =	sld [smem:$0x3FFE];
	[sflag:s23] =	ssyncadd.s32 $0xFFFFFFFF  }
0xa5: {  	s26 =	simm.s32 $execute0_lowered;
	[smem:$0x3FD2] =	sst s25  }
0xa6: {  	s5 =	sshll.u32 s26, $0x1;
	_ =	strace $0x8000004C;
	[dreg:$0x1] =	wrdreg $0xFFFFFFFF  }
0xa7: {  	s28 =	simm.s32 $_size_execute0_lowered;
	s3 =	sadd.s32 s3, s5;
	[dreg:$0x0] =	wrdreg $0x0  }
0xa8: {  	s5 =	sshll.u32 s28, $0x1;
	[dreg:$0x2] =	wrdreg s3  }
0xa9: {  	[dreg:$0x3] =	wrdreg s5  }
0xaa: {  	[dreg:$0x4] =	wrdreg $0xC0  }
0xab: {  	_ =	task [dreg:s7], $0x5FFFF  }
0xac: {  	[dreg:$0x1] =	wrdreg $0xFFFFFFFF  }
0xad: {  	[dreg:$0x0] =	wrdreg $0x60  }
0xae: {  	[dreg:$0x2] =	wrdreg s2  }
0xaf: {  	[dreg:$0x3] =	wrdreg s24  }
0xb0: {  	[dreg:$0x4] =	wrdreg $0x9  }
0xb1: {  	_ =	task.clear_ibuf [dreg:s7], $0x5FFFF;
	_ =	strace $0x9000004C  }
0xb2: {  	s29 =	simm.s32 $0x9;
	_ =	strace $0x8000004E  }
0xb3: {  	_ =	swait.ge [sflag:s29], $0x1  }
0xb4: {  	[sflag:s29] =	ssyncadd.s32 $0xFFFFFFFF  }
0xb5: {  	_ =	strace $0x9000004E  }
0xb6: {  	_ =	sfence  }
0xb7: {  	s30 =	sld [smem:$0x0];
	_ =	sdelay $0x2  }
0xb8: {  	s31 =	sshll.u32 s1, $0xD;
	s1 =	sshrl.u32 s1, $0x2  }
0xb9: {  	s3 =	sand.u32 $0x4000, s31;
	s1 =	sadd.s32 s1, s30  }
0xba: {  	s0 =	sor.u32 s3, s0;
	s1 =	sshll.u32 s1, $0x11  }
0xbb: {  	s0 =	sor.u32 s1, s0  }
0xbc: {  	s0 =	sadd.s32 $0x8F2B, s0  }
0xbd: {  	[sflag:s0] =	ssyncadd.remote.s32 $0x1  }
0xbe: {  	_ =	sfence.sel $0xFFFF  }
0xbf: {  	[dreg:$0x0] =	wrdreg $0xFFFFFFFF;
	(pc) =	sbr.abs _section_cstart, $3  }
0xc0: {  	[dreg:$0x1] =	wrdreg $0xFFFFFFFF  }
0xc1: {  	_ =	task.clear_ibuf [dreg:s7], $0x2FFFF;
	_ =	strace $0x9FFFFFFF  }
0xc2: {  	(tm) =	ssettm $0x7FFFFFFF  }
0xc3: {  	_ =	shalt  }
tec
execute0_lowered:
.L_overlay_start_1:
0x0: {  	(tag) =	ssettag $0x1  }
0x1: {  	s0 =	rddreg [dreg:$0x0]  }
0x2: {  	s1 =	rddreg [dreg:$0x1]  }
0x3: {  	s2 =	srdreg.scid;
	s4 =	stileid.u32;
	s8 =	simm.s32 $0x800  }
0x4: {  	s15 =	simm.s32 $0x1;
	s16 =	simm.s32 $0x6000;
	s17 =	simm.s32 $0x4000  }
0x5: {  	s18 =	simm.s32 $0x2;
	s19 =	simm.s32 $0x6800;
	s20 =	simm.s32 $0x4800  }
0x6: {  	s21 =	simm.s32 $0x3;
	s22 =	simm.s32 $0x7000;
	s23 =	simm.s32 $0x5000  }
0x7: {  	s24 =	simm.s32 $0x4;
	s28 =	simm.s32 $0x5;
	s29 =	simm.s32 $0x6  }
0x8: {  	s30 =	simm.s32 $0x7;
	s31 =	simm.s32 $0x8;
	s3 =	sand.u32 $0x1, s2  }
0x9: {  	s2 =	simm.s32 $0x0;
	s4 =	sshll.u32 s4, $0xE;
	s5 =	sshll.u32 s3, $0xD  }
0xa: {  	[smem:$0x7FF] =	sst s2;
	s6 =	ssub.s32 $0x2, s3;
	s3 =	sadd.s32 $0x3E00, s1  }
0xb: {  	s7 =	sor.u32 s5, s4;
	_ =	strace $0x8000004D;
	s25 =	sshrl.u32 s6, $0x1  }
0xc: {  	s5 =	sshrl.u32 s7, $0x3;
	s26 =	ssub.s32 s6, s25;
	s6 =	sor.u32 $0x70, s7  }
0xd: {  	s7 =	simm.s32 $0x9;
	s25 =	simm.s32 $0x7800;
	s4 =	sadd.s32 s0, s5  }
0xe: {  	v0 =	vlaneseq.u32;
	s5 =	smax.u32 s26, $0x1;
	s26 =	simm.s32 $0x5800;
	s0 =	simm.s32 $0x0  }
.LBB2_1:
0xf: {  	[tilespmem:s2], [sflag:$0x9] =	stream.linear.gather [hbm4b:s4+s2], $0x2000, $0x38;
	[tilespmem:$0x8000] =	vst v63  }
0x10: {  	_ =	swait.ge [sflag:s7], $0x2000  }
0x11: {  	s9 =	sadd.s32 $0xFFFFFFF0, s6;
	[sflag:s7] =	ssyncset.done $0x0  }
0x12: {  	s1 =	simm.s32 $0x4040;
	s10 =	sadd.s32 $0xFFFFFFA0, s6;
	v1 =	vor.u32 s9, v0;
	[sflag:s7] =	ssyncadd.s32 $0xFFFFE000  }
0x13: {  	s13 =	sadd.s32 $0xFFFFFFD0, s6;
	v2 =	vor.u32 s10, v0;
	[tilespmem:s1+$0x20] =	vst v1  }
0x14: {  	s10 =	sadd.s32 $0xFFFFFFB0, s6;
	v3 =	vor.u32 s13, v0;
	[tilespmem:s1+$0xFFFFFFD0] =	vst v2  }
0x15: {  	s11 =	sadd.s32 $0xFFFFFF90, s6;
	v1 =	vor.u32 s10, v0;
	[tilespmem:s1+$0x0] =	vst v3  }
0x16: {  	s12 =	sadd.s32 $0xFFFFFFC0, s6;
	v2 =	vor.u32 s11, v0;
	[tilespmem:s1+$0xFFFFFFE0] =	vst v1  }
0x17: {  	s14 =	sadd.s32 $0xFFFFFFE0, s6;
	v1 =	vor.u32 s12, v0;
	[tilespmem:s1+$0xFFFFFFC0] =	vst v2  }
0x18: {  	s9 =	simm.s32 $0x0;
	s10 =	sadd.s32 $0x80, s6;
	v2 =	vor.u32 s14, v0;
	[tilespmem:s1+$0xFFFFFFF0] =	vst v1;
	v1 =	vor.u32 s6, v0  }
.LBB2_2:
0x19: {  	s11 =	sadd.s32 $0xFFFFFFA0, s10;
	s12 =	sadd.s32 $0xFFFFFFF0, s10;
	v3 =	vor.u32 s10, v0;
	s9 =	sadd.s32 $0x8, s9;
	[tilespmem:s1+$0x10] =	vst v2  }
0x1a: {  	v2 =	vor.u32 s11, v0;
	s11 =	sadd.s32 $0xFFFFFFB0, s10;
	v4 =	vor.u32 s12, v0;
	p0 =	slt.u32 s9, $0x1F8;
	[tilespmem:s1+$0x30] =	vst v1;
	s1 =	sadd.s32 $0x80, s1;
	v1 =	vmov v3  }
0x1b: {  	s13 =	sadd.s32 $0xFFFFFFE0, s10;
	s12 =	sadd.s32 $0xFFFFFFD0, s10;
	v3 =	vor.u32 s11, v0;
	s11 =	sadd.s32 $0xFFFFFFC0, s10;
	[tilespmem:s1+$0x20] =	vst v4  }
.Ltmp0:
0x1c: {  	s14 =	sadd.s32 $0xFFFFFF90, s10;
	v5 =	vor.u32 s12, v0;
	[tilespmem:s1+$0xFFFFFFD0] =	vst v2;
	v4 =	vor.u32 s11, v0;
	v2 =	vor.u32 s13, v0;
	(pc) =	sbr.rel @p0 .LBB2_2-.Ltmp0, $4  }
0x1d: {  	v6 =	vor.u32 s14, v0;
	[tilespmem:s1+$0xFFFFFFE0] =	vst v3  }
0x1e: {  	[tilespmem:s1+$0xFFFFFFC0] =	vst v6  }
0x1f: {  	[tilespmem:s1+$0xFFFFFFF0] =	vst v4  }
0x20: {  	s10 =	sadd.s32 $0x80, s10;
	[tilespmem:s1+$0x0] =	vst v5  }
0x21: {  	[tilespmem:s1+$0x10] =	vst v2  }
0x22: {  	[tilespmem:s1+$0x30] =	vst v1;
	s10 =	simm.s32 $0x2000  }
0x23: {  	[tilespmem:s10], [sflag:$0x1] =	stream.indirect.gather [hbm4b:s3+s8], $0x1, s2, s8, $0xb8;
	[tilespmem:$0x8000] =	vst v63  }
0x24: {  	s11 =	simm.s32 $0x2800  }
0x25: {  	[tilespmem:s11], [sflag:$0x2] =	stream.indirect.gather [hbm4b:s3+s8], $0x1, s8, s8, $0xb8;
	[tilespmem:$0x8000] =	vst v63  }
0x26: {  	s12 =	simm.s32 $0x1000;
	s9 =	simm.s32 $0x3000  }
0x27: {  	[tilespmem:s9], [sflag:$0x3] =	stream.indirect.gather [hbm4b:s3+s8], $0x1, s12, s8, $0xb8;
	[tilespmem:$0x8000] =	vst v63  }
0x28: {  	s13 =	simm.s32 $0x1800;
	s14 =	simm.s32 $0x3800  }
0x29: {  	[tilespmem:s14], [sflag:$0x4] =	stream.indirect.gather [hbm4b:s3+s8], $0x1, s13, s8, $0xb8;
	[tilespmem:$0x8000] =	vst v63  }
0x2a: {  	_ =	swait.ge [sflag:s15], $0x800  }
0x2b: {  	[sflag:s15] =	ssyncset.done $0x0  }
0x2c: {  	s10 =	simm.s32 $0x2040;
	[sflag:s15] =	ssyncadd.s32 $0xFFFFF800  }
0x2d: {  	s1 =	simm.s32 $0x4040;
	v1 =	vld [tilespmem:s10+$0x30]  }
0x2e: {  	s9 =	simm.s32 $0x40;
	v2 =	vld [tilespmem:s1+$0x30]  }
0x2f: {  	v3 =	vld [tilespmem:s9+$0x30]  }
0x30: {  	v4 =	vld [tilespmem:s1+$0xFFFFFFC0]  }
0x31: {  	v5 =	vld [tilespmem:s10+$0xFFFFFFD0]  }
0x32: {  	v6 =	vld [tilespmem:s1+$0xFFFFFFD0]  }
0x33: {  	v7 =	vld [tilespmem:s10+$0xFFFFFFE0]  }
0x34: {  	v8 =	vld [tilespmem:s1+$0xFFFFFFE0]  }
0x35: {  	v9 =	vld [tilespmem:s10+$0xFFFFFFF0]  }
0x36: {  	v10 =	vld [tilespmem:s1+$0xFFFFFFF0]  }
0x37: {  	v11 =	vld [tilespmem:s10+$0x0]  }
0x38: {  	v12 =	vld [tilespmem:s1+$0x0]  }
0x39: {  	v13 =	vld [tilespmem:s10+$0x10]  }
0x3a: {  	v15 =	vld [tilespmem:s10+$0xFFFFFFC0]  }
0x3b: {  	v14 =	vld [tilespmem:s1+$0x10]  }
0x3c: {  	v16 =	vld [tilespmem:s10+$0x20]  }
0x3d: {  	v17 =	vld [tilespmem:s1+$0x20]  }
0x3e: {  	v18 =	vld [tilespmem:s9+$0xFFFFFFC0];
	vm0 =	vlt.s32 v1, v2  }
0x3f: {  	v20 =	vld [tilespmem:s9+$0xFFFFFFD0];
	v1 =	vadd.s32 $0x400000, v2;
	vm5 =	vlt.s32 v5, v6;
	vm4 =	vlt.s32 v15, v4  }
0x40: {  	v5 =	vadd.s32 $0x400000, v4;
	v19 =	vsel vm0, v3, v1;
	vm0 =	vlt.s32 v7, v8;
	v7 =	vld [tilespmem:s9+$0xFFFFFFE0]  }
0x41: {  	v63 =	vadd.s32 $0x400000, v6;
	vm1 =	vlt.s32 v9, v10;
	v6 =	vld [tilespmem:s9+$0xFFFFFFF0];
	v2 =	vadd.s32 $0x400000, v10  }
0x42: {  	s10 =	simm.s32 $0x6040;
	vm2 =	vlt.s32 v11, v12;
	vm3 =	vlt.s32 v13, v14;
	v1 =	vadd.s32 $0x400000, v8;
	v8 =	vld [tilespmem:s9+$0x0]  }
0x43: {  	v4 =	vadd.s32 $0x400000, v14;
	v9 =	vld [tilespmem:s9+$0x10];
	v3 =	vadd.s32 $0x400000, v12;
	v10 =	vsel vm4, v18, v5;
	[tilespmem:s10+$0x30] =	vst v19  }
0x44: {  	s11 =	simm.s32 $0x0;
	s12 =	simm.s32 $0x20C0;
	vm4 =	vlt.s32 v16, v17;
	v5 =	vadd.s32 $0x400000, v17;
	v11 =	vsel vm5, v20, v63;
	[tilespmem:s10+$0xFFFFFFC0] =	vst v10;
	v10 =	vld [tilespmem:s9+$0x20]  }
.LBB2_4:
0x45: {  	v12 =	vld [tilespmem:s12+$0x30];
	[tilespmem:s10+$0xFFFFFFD0] =	vst v11;
	v1 =	vsel vm0, v7, v1;
	s1 =	sadd.s32 $0x80, s1  }
0x46: {  	s11 =	sadd.s32 $0x8, s11;
	s9 =	sadd.s32 $0x80, s9;
	v7 =	vld [tilespmem:s1+$0x30];
	[tilespmem:s10+$0xFFFFFFE0] =	vst v1;
	v1 =	vsel vm1, v6, v2  }
0x47: {  	p0 =	slt.u32 s11, $0x78;
	v2 =	vld [tilespmem:s9+$0x30];
	[tilespmem:s10+$0xFFFFFFF0] =	vst v1;
	v1 =	vsel vm2, v8, v3  }
0x48: {  	v8 =	vld [tilespmem:s1+$0xFFFFFFC0];
	[tilespmem:s10+$0x0] =	vst v1;
	v1 =	vsel vm3, v9, v4  }
0x49: {  	v3 =	vld [tilespmem:s12+$0xFFFFFFD0];
	[tilespmem:s10+$0x10] =	vst v1;
	v1 =	vsel vm4, v10, v5  }
0x4a: {  	v4 =	vld [tilespmem:s1+$0xFFFFFFD0];
	[tilespmem:s10+$0x20] =	vst v1  }
0x4b: {  	v1 =	vld [tilespmem:s12+$0xFFFFFFE0];
	vm0 =	vlt.s32 v12, v7;
	v5 =	vadd.s32 $0x400000, v7  }
0x4c: {  	s10 =	sadd.s32 $0x80, s10;
	v6 =	vld [tilespmem:s1+$0xFFFFFFE0];
	v2 =	vsel vm0, v2, v5  }
0x4d: {  	v9 =	vadd.s32 $0x400000, v8;
	v5 =	vld [tilespmem:s12+$0xFFFFFFF0];
	[tilespmem:s10+$0x30] =	vst v2  }
0x4e: {  	v2 =	vld [tilespmem:s1+$0xFFFFFFF0]  }
0x4f: {  	vm5 =	vlt.s32 v3, v4;
	v10 =	vadd.s32 $0x400000, v4;
	v3 =	vld [tilespmem:s12+$0x0]  }
0x50: {  	v4 =	vld [tilespmem:s1+$0x0]  }
0x51: {  	vm0 =	vlt.s32 v1, v6;
	v1 =	vadd.s32 $0x400000, v6;
	v6 =	vld [tilespmem:s12+$0x10]  }
0x52: {  	v7 =	vld [tilespmem:s1+$0x10]  }
0x53: {  	vm1 =	vlt.s32 v5, v2;
	v2 =	vadd.s32 $0x400000, v2;
	v5 =	vld [tilespmem:s12+$0x20]  }
0x54: {  	v11 =	vld [tilespmem:s1+$0x20]  }
0x55: {  	v12 =	vld [tilespmem:s12+$0xFFFFFFC0];
	vm2 =	vlt.s32 v3, v4;
	v3 =	vadd.s32 $0x400000, v4  }
0x56: {  	v13 =	vld [tilespmem:s9+$0xFFFFFFC0]  }
0x57: {  	v14 =	vld [tilespmem:s9+$0xFFFFFFD0];
	vm3 =	vlt.s32 v6, v7;
	v4 =	vadd.s32 $0x400000, v7  }
.Ltmp1:
0x58: {  	v7 =	vld [tilespmem:s9+$0xFFFFFFE0];
	(pc) =	sbr.rel @p0 .LBB2_4-.Ltmp1, $4  }
0x59: {  	v6 =	vld [tilespmem:s9+$0xFFFFFFF0];
	vm4 =	vlt.s32 v5, v11;
	v5 =	vadd.s32 $0x400000, v11  }
0x5a: {  	vm6 =	vlt.s32 v12, v8;
	v8 =	vld [tilespmem:s9+$0x0]  }
0x5b: {  	v11 =	vsel vm6, v13, v9;
	v9 =	vld [tilespmem:s9+$0x10]  }
0x5c: {  	s12 =	sadd.s32 $0x80, s12;
	[tilespmem:s10+$0xFFFFFFC0] =	vst v11;
	v11 =	vsel vm5, v14, v10;
	v10 =	vld [tilespmem:s9+$0x20]  }
0x5d: {  	[tilespmem:s10+$0xFFFFFFD0] =	vst v11;
	v1 =	vsel vm0, v7, v1  }
0x5e: {  	[tilespmem:s10+$0xFFFFFFE0] =	vst v1;
	v1 =	vsel vm1, v6, v2  }
0x5f: {  	[tilespmem:s10+$0xFFFFFFF0] =	vst v1;
	v1 =	vsel vm2, v8, v3  }
0x60: {  	[tilespmem:s10+$0x0] =	vst v1;
	v1 =	vsel vm3, v9, v4  }
0x61: {  	[tilespmem:s10+$0x10] =	vst v1;
	v1 =	vsel vm4, v10, v5  }
0x62: {  	[tilespmem:s10+$0x20] =	vst v1  }
0x63: {  	[hbm4b:s3+s8] =	stream.indirect.scatter [tilespmem:s17], [sflag:$0x5], $0x1, s16, s8, $0xb8;
	[tilespmem:$0x8000] =	vst v63  }
0x64: {  	_ =	swait.ge [sflag:s18], $0x800  }
0x65: {  	[sflag:s18] =	ssyncset.done $0x0  }
0x66: {  	s14 =	simm.s32 $0x2870;
	[sflag:s18] =	ssyncadd.s32 $0xFFFFF800  }
0x67: {  	s1 =	simm.s32 $0x4870;
	v1 =	vld [tilespmem:s14+$0x0]  }
0x68: {  	s9 =	simm.s32 $0x870;
	v2 =	vld [tilespmem:s1+$0x0]  }
0x69: {  	v3 =	vld [tilespmem:s9+$0x0]  }
0x6a: {  	v4 =	vld [tilespmem:s1+$0xFFFFFF90]  }
0x6b: {  	v5 =	vld [tilespmem:s14+$0xFFFFFFA0]  }
0x6c: {  	v6 =	vld [tilespmem:s1+$0xFFFFFFA0]  }
0x6d: {  	v7 =	vld [tilespmem:s14+$0xFFFFFFB0]  }
0x6e: {  	v8 =	vld [tilespmem:s1+$0xFFFFFFB0]  }
0x6f: {  	v9 =	vld [tilespmem:s14+$0xFFFFFFC0]  }
0x70: {  	v10 =	vld [tilespmem:s1+$0xFFFFFFC0]  }
0x71: {  	v11 =	vld [tilespmem:s14+$0xFFFFFFD0]  }
0x72: {  	v12 =	vld [tilespmem:s1+$0xFFFFFFD0]  }
0x73: {  	v13 =	vld [tilespmem:s14+$0xFFFFFFE0]  }
0x74: {  	v15 =	vld [tilespmem:s14+$0xFFFFFF90]  }
0x75: {  	v14 =	vld [tilespmem:s1+$0xFFFFFFE0]  }
0x76: {  	v16 =	vld [tilespmem:s14+$0xFFFFFFF0]  }
0x77: {  	v17 =	vld [tilespmem:s1+$0xFFFFFFF0]  }
0x78: {  	v18 =	vld [tilespmem:s9+$0xFFFFFF90];
	vm0 =	vlt.s32 v1, v2  }
0x79: {  	v20 =	vld [tilespmem:s9+$0xFFFFFFA0];
	v1 =	vadd.s32 $0x400000, v2;
	vm5 =	vlt.s32 v5, v6;
	vm4 =	vlt.s32 v15, v4  }
0x7a: {  	v5 =	vadd.s32 $0x400000, v4;
	v19 =	vsel vm0, v3, v1;
	vm0 =	vlt.s32 v7, v8;
	v7 =	vld [tilespmem:s9+$0xFFFFFFB0]  }
0x7b: {  	v63 =	vadd.s32 $0x400000, v6;
	vm1 =	vlt.s32 v9, v10;
	v6 =	vld [tilespmem:s9+$0xFFFFFFC0];
	v2 =	vadd.s32 $0x400000, v10  }
0x7c: {  	s10 =	simm.s32 $0x6870;
	vm2 =	vlt.s32 v11, v12;
	vm3 =	vlt.s32 v13, v14;
	v1 =	vadd.s32 $0x400000, v8;
	v8 =	vld [tilespmem:s9+$0xFFFFFFD0]  }
0x7d: {  	v4 =	vadd.s32 $0x400000, v14;
	v9 =	vld [tilespmem:s9+$0xFFFFFFE0];
	v3 =	vadd.s32 $0x400000, v12;
	v10 =	vsel vm4, v18, v5;
	[tilespmem:s10+$0x0] =	vst v19  }
0x7e: {  	s11 =	simm.s32 $0x80;
	s12 =	simm.s32 $0x28F0;
	vm4 =	vlt.s32 v16, v17;
	v5 =	vadd.s32 $0x400000, v17;
	v11 =	vsel vm5, v20, v63;
	[tilespmem:s10+$0xFFFFFF90] =	vst v10;
	v10 =	vld [tilespmem:s9+$0xFFFFFFF0]  }
.LBB2_6:
0x7f: {  	v12 =	vld [tilespmem:s12+$0x0];
	[tilespmem:s10+$0xFFFFFFA0] =	vst v11;
	v1 =	vsel vm0, v7, v1;
	s1 =	sadd.s32 $0x80, s1  }
0x80: {  	s11 =	sadd.s32 $0x8, s11;
	s9 =	sadd.s32 $0x80, s9;
	v7 =	vld [tilespmem:s1+$0x0];
	[tilespmem:s10+$0xFFFFFFB0] =	vst v1;
	v1 =	vsel vm1, v6, v2  }
0x81: {  	p0 =	slt.u32 s11, $0xF8;
	v2 =	vld [tilespmem:s9+$0x0];
	[tilespmem:s10+$0xFFFFFFC0] =	vst v1;
	v1 =	vsel vm2, v8, v3  }
0x82: {  	v8 =	vld [tilespmem:s1+$0xFFFFFF90];
	[tilespmem:s10+$0xFFFFFFD0] =	vst v1;
	v1 =	vsel vm3, v9, v4  }
0x83: {  	v3 =	vld [tilespmem:s12+$0xFFFFFFA0];
	[tilespmem:s10+$0xFFFFFFE0] =	vst v1;
	v1 =	vsel vm4, v10, v5  }
0x84: {  	v4 =	vld [tilespmem:s1+$0xFFFFFFA0];
	[tilespmem:s10+$0xFFFFFFF0] =	vst v1  }
0x85: {  	v1 =	vld [tilespmem:s12+$0xFFFFFFB0];
	vm0 =	vlt.s32 v12, v7;
	v5 =	vadd.s32 $0x400000, v7  }
0x86: {  	s10 =	sadd.s32 $0x80, s10;
	v6 =	vld [tilespmem:s1+$0xFFFFFFB0];
	v2 =	vsel vm0, v2, v5  }
0x87: {  	v9 =	vadd.s32 $0x400000, v8;
	v5 =	vld [tilespmem:s12+$0xFFFFFFC0];
	[tilespmem:s10+$0x0] =	vst v2  }
0x88: {  	v2 =	vld [tilespmem:s1+$0xFFFFFFC0]  }
0x89: {  	vm5 =	vlt.s32 v3, v4;
	v10 =	vadd.s32 $0x400000, v4;
	v3 =	vld [tilespmem:s12+$0xFFFFFFD0]  }
0x8a: {  	v4 =	vld [tilespmem:s1+$0xFFFFFFD0]  }
0x8b: {  	vm0 =	vlt.s32 v1, v6;
	v1 =	vadd.s32 $0x400000, v6;
	v6 =	vld [tilespmem:s12+$0xFFFFFFE0]  }
0x8c: {  	v7 =	vld [tilespmem:s1+$0xFFFFFFE0]  }
0x8d: {  	vm1 =	vlt.s32 v5, v2;
	v2 =	vadd.s32 $0x400000, v2;
	v5 =	vld [tilespmem:s12+$0xFFFFFFF0]  }
0x8e: {  	v11 =	vld [tilespmem:s1+$0xFFFFFFF0]  }
0x8f: {  	v12 =	vld [tilespmem:s12+$0xFFFFFF90];
	vm2 =	vlt.s32 v3, v4;
	v3 =	vadd.s32 $0x400000, v4  }
0x90: {  	v13 =	vld [tilespmem:s9+$0xFFFFFF90]  }
0x91: {  	v14 =	vld [tilespmem:s9+$0xFFFFFFA0];
	vm3 =	vlt.s32 v6, v7;
	v4 =	vadd.s32 $0x400000, v7  }
.Ltmp2:
0x92: {  	v7 =	vld [tilespmem:s9+$0xFFFFFFB0];
	(pc) =	sbr.rel @p0 .LBB2_6-.Ltmp2, $4  }
0x93: {  	v6 =	vld [tilespmem:s9+$0xFFFFFFC0];
	vm4 =	vlt.s32 v5, v11;
	v5 =	vadd.s32 $0x400000, v11  }
0x94: {  	vm6 =	vlt.s32 v12, v8;
	v8 =	vld [tilespmem:s9+$0xFFFFFFD0]  }
0x95: {  	v11 =	vsel vm6, v13, v9;
	v9 =	vld [tilespmem:s9+$0xFFFFFFE0]  }
0x96: {  	s12 =	sadd.s32 $0x80, s12;
	[tilespmem:s10+$0xFFFFFF90] =	vst v11;
	v11 =	vsel vm5, v14, v10;
	v10 =	vld [tilespmem:s9+$0xFFFFFFF0]  }
0x97: {  	[tilespmem:s10+$0xFFFFFFA0] =	vst v11;
	v1 =	vsel vm0, v7, v1  }
0x98: {  	[tilespmem:s10+$0xFFFFFFB0] =	vst v1;
	v1 =	vsel vm1, v6, v2  }
0x99: {  	[tilespmem:s10+$0xFFFFFFC0] =	vst v1;
	v1 =	vsel vm2, v8, v3  }
0x9a: {  	[tilespmem:s10+$0xFFFFFFD0] =	vst v1;
	v1 =	vsel vm3, v9, v4  }
0x9b: {  	[tilespmem:s10+$0xFFFFFFE0] =	vst v1;
	v1 =	vsel vm4, v10, v5  }
0x9c: {  	[tilespmem:s10+$0xFFFFFFF0] =	vst v1  }
0x9d: {  	[hbm4b:s3+s8] =	stream.indirect.scatter [tilespmem:s20], [sflag:$0x6], $0x1, s19, s8, $0xb8;
	[tilespmem:$0x8000] =	vst v63  }
0x9e: {  	_ =	swait.ge [sflag:s21], $0x800  }
0x9f: {  	[sflag:s21] =	ssyncset.done $0x0  }
0xa0: {  	s14 =	simm.s32 $0x3070;
	[sflag:s21] =	ssyncadd.s32 $0xFFFFF800  }
0xa1: {  	s1 =	simm.s32 $0x5070;
	v1 =	vld [tilespmem:s14+$0x0]  }
0xa2: {  	s9 =	simm.s32 $0x1070;
	v2 =	vld [tilespmem:s1+$0x0]  }
0xa3: {  	v3 =	vld [tilespmem:s9+$0x0]  }
0xa4: {  	v4 =	vld [tilespmem:s1+$0xFFFFFF90]  }
0xa5: {  	v5 =	vld [tilespmem:s14+$0xFFFFFFA0]  }
0xa6: {  	v6 =	vld [tilespmem:s1+$0xFFFFFFA0]  }
0xa7: {  	v7 =	vld [tilespmem:s14+$0xFFFFFFB0]  }
0xa8: {  	v8 =	vld [tilespmem:s1+$0xFFFFFFB0]  }
0xa9: {  	v9 =	vld [tilespmem:s14+$0xFFFFFFC0]  }
0xaa: {  	v10 =	vld [tilespmem:s1+$0xFFFFFFC0]  }
0xab: {  	v11 =	vld [tilespmem:s14+$0xFFFFFFD0]  }
0xac: {  	v12 =	vld [tilespmem:s1+$0xFFFFFFD0]  }
0xad: {  	v13 =	vld [tilespmem:s14+$0xFFFFFFE0]  }
0xae: {  	v15 =	vld [tilespmem:s14+$0xFFFFFF90]  }
0xaf: {  	v14 =	vld [tilespmem:s1+$0xFFFFFFE0]  }
0xb0: {  	v16 =	vld [tilespmem:s14+$0xFFFFFFF0]  }
0xb1: {  	v17 =	vld [tilespmem:s1+$0xFFFFFFF0]  }
0xb2: {  	v18 =	vld [tilespmem:s9+$0xFFFFFF90];
	vm0 =	vlt.s32 v1, v2  }
0xb3: {  	v20 =	vld [tilespmem:s9+$0xFFFFFFA0];
	v1 =	vadd.s32 $0x400000, v2;
	vm5 =	vlt.s32 v5, v6;
	vm4 =	vlt.s32 v15, v4  }
0xb4: {  	v5 =	vadd.s32 $0x400000, v4;
	v19 =	vsel vm0, v3, v1;
	vm0 =	vlt.s32 v7, v8;
	v7 =	vld [tilespmem:s9+$0xFFFFFFB0]  }
0xb5: {  	v63 =	vadd.s32 $0x400000, v6;
	vm1 =	vlt.s32 v9, v10;
	v6 =	vld [tilespmem:s9+$0xFFFFFFC0];
	v2 =	vadd.s32 $0x400000, v10  }
0xb6: {  	s10 =	simm.s32 $0x7070;
	vm2 =	vlt.s32 v11, v12;
	vm3 =	vlt.s32 v13, v14;
	v1 =	vadd.s32 $0x400000, v8;
	v8 =	vld [tilespmem:s9+$0xFFFFFFD0]  }
0xb7: {  	v4 =	vadd.s32 $0x400000, v14;
	v9 =	vld [tilespmem:s9+$0xFFFFFFE0];
	v3 =	vadd.s32 $0x400000, v12;
	v10 =	vsel vm4, v18, v5;
	[tilespmem:s10+$0x0] =	vst v19  }
0xb8: {  	s11 =	simm.s32 $0x100;
	s12 =	simm.s32 $0x30F0;
	vm4 =	vlt.s32 v16, v17;
	v5 =	vadd.s32 $0x400000, v17;
	v11 =	vsel vm5, v20, v63;
	[tilespmem:s10+$0xFFFFFF90] =	vst v10;
	v10 =	vld [tilespmem:s9+$0xFFFFFFF0]  }
.LBB2_8:
0xb9: {  	v12 =	vld [tilespmem:s12+$0x0];
	[tilespmem:s10+$0xFFFFFFA0] =	vst v11;
	v1 =	vsel vm0, v7, v1;
	s1 =	sadd.s32 $0x80, s1  }
0xba: {  	s11 =	sadd.s32 $0x8, s11;
	s9 =	sadd.s32 $0x80, s9;
	v7 =	vld [tilespmem:s1+$0x0];
	[tilespmem:s10+$0xFFFFFFB0] =	vst v1;
	v1 =	vsel vm1, v6, v2  }
0xbb: {  	p0 =	slt.u32 s11, $0x178;
	v2 =	vld [tilespmem:s9+$0x0];
	[tilespmem:s10+$0xFFFFFFC0] =	vst v1;
	v1 =	vsel vm2, v8, v3  }
0xbc: {  	v8 =	vld [tilespmem:s1+$0xFFFFFF90];
	[tilespmem:s10+$0xFFFFFFD0] =	vst v1;
	v1 =	vsel vm3, v9, v4  }
0xbd: {  	v3 =	vld [tilespmem:s12+$0xFFFFFFA0];
	[tilespmem:s10+$0xFFFFFFE0] =	vst v1;
	v1 =	vsel vm4, v10, v5  }
0xbe: {  	v4 =	vld [tilespmem:s1+$0xFFFFFFA0];
	[tilespmem:s10+$0xFFFFFFF0] =	vst v1  }
0xbf: {  	v1 =	vld [tilespmem:s12+$0xFFFFFFB0];
	vm0 =	vlt.s32 v12, v7;
	v5 =	vadd.s32 $0x400000, v7  }
0xc0: {  	s10 =	sadd.s32 $0x80, s10;
	v6 =	vld [tilespmem:s1+$0xFFFFFFB0];
	v2 =	vsel vm0, v2, v5  }
0xc1: {  	v9 =	vadd.s32 $0x400000, v8;
	v5 =	vld [tilespmem:s12+$0xFFFFFFC0];
	[tilespmem:s10+$0x0] =	vst v2  }
0xc2: {  	v2 =	vld [tilespmem:s1+$0xFFFFFFC0]  }
0xc3: {  	vm5 =	vlt.s32 v3, v4;
	v10 =	vadd.s32 $0x400000, v4;
	v3 =	vld [tilespmem:s12+$0xFFFFFFD0]  }
0xc4: {  	v4 =	vld [tilespmem:s1+$0xFFFFFFD0]  }
0xc5: {  	vm0 =	vlt.s32 v1, v6;
	v1 =	vadd.s32 $0x400000, v6;
	v6 =	vld [tilespmem:s12+$0xFFFFFFE0]  }
0xc6: {  	v7 =	vld [tilespmem:s1+$0xFFFFFFE0]  }
0xc7: {  	vm1 =	vlt.s32 v5, v2;
	v2 =	vadd.s32 $0x400000, v2;
	v5 =	vld [tilespmem:s12+$0xFFFFFFF0]  }
0xc8: {  	v11 =	vld [tilespmem:s1+$0xFFFFFFF0]  }
0xc9: {  	v12 =	vld [tilespmem:s12+$0xFFFFFF90];
	vm2 =	vlt.s32 v3, v4;
	v3 =	vadd.s32 $0x400000, v4  }
0xca: {  	v13 =	vld [tilespmem:s9+$0xFFFFFF90]  }
0xcb: {  	v14 =	vld [tilespmem:s9+$0xFFFFFFA0];
	vm3 =	vlt.s32 v6, v7;
	v4 =	vadd.s32 $0x400000, v7  }
.Ltmp3:
0xcc: {  	v7 =	vld [tilespmem:s9+$0xFFFFFFB0];
	(pc) =	sbr.rel @p0 .LBB2_8-.Ltmp3, $4  }
0xcd: {  	v6 =	vld [tilespmem:s9+$0xFFFFFFC0];
	vm4 =	vlt.s32 v5, v11;
	v5 =	vadd.s32 $0x400000, v11  }
0xce: {  	vm6 =	vlt.s32 v12, v8;
	v8 =	vld [tilespmem:s9+$0xFFFFFFD0]  }
0xcf: {  	v11 =	vsel vm6, v13, v9;
	v9 =	vld [tilespmem:s9+$0xFFFFFFE0]  }
0xd0: {  	s12 =	sadd.s32 $0x80, s12;
	[tilespmem:s10+$0xFFFFFF90] =	vst v11;
	v11 =	vsel vm5, v14, v10;
	v10 =	vld [tilespmem:s9+$0xFFFFFFF0]  }
0xd1: {  	[tilespmem:s10+$0xFFFFFFA0] =	vst v11;
	v1 =	vsel vm0, v7, v1  }
0xd2: {  	[tilespmem:s10+$0xFFFFFFB0] =	vst v1;
	v1 =	vsel vm1, v6, v2  }
0xd3: {  	[tilespmem:s10+$0xFFFFFFC0] =	vst v1;
	v1 =	vsel vm2, v8, v3  }
0xd4: {  	[tilespmem:s10+$0xFFFFFFD0] =	vst v1;
	v1 =	vsel vm3, v9, v4  }
0xd5: {  	[tilespmem:s10+$0xFFFFFFE0] =	vst v1;
	v1 =	vsel vm4, v10, v5  }
0xd6: {  	[tilespmem:s10+$0xFFFFFFF0] =	vst v1  }
0xd7: {  	[hbm4b:s3+s8] =	stream.indirect.scatter [tilespmem:s23], [sflag:$0x7], $0x1, s22, s8, $0xb8;
	[tilespmem:$0x8000] =	vst v63  }
0xd8: {  	_ =	swait.ge [sflag:s24], $0x800  }
0xd9: {  	[sflag:s24] =	ssyncset.done $0x0  }
0xda: {  	s14 =	simm.s32 $0x3870;
	[sflag:s24] =	ssyncadd.s32 $0xFFFFF800  }
0xdb: {  	s1 =	simm.s32 $0x5870;
	v1 =	vld [tilespmem:s14+$0x0]  }
0xdc: {  	s9 =	simm.s32 $0x1870;
	v2 =	vld [tilespmem:s1+$0x0]  }
0xdd: {  	v3 =	vld [tilespmem:s9+$0x0]  }
0xde: {  	v4 =	vld [tilespmem:s1+$0xFFFFFF90]  }
0xdf: {  	v5 =	vld [tilespmem:s14+$0xFFFFFFA0]  }
0xe0: {  	v6 =	vld [tilespmem:s1+$0xFFFFFFA0]  }
0xe1: {  	v7 =	vld [tilespmem:s14+$0xFFFFFFB0]  }
0xe2: {  	v8 =	vld [tilespmem:s1+$0xFFFFFFB0]  }
0xe3: {  	v9 =	vld [tilespmem:s14+$0xFFFFFFC0]  }
0xe4: {  	v10 =	vld [tilespmem:s1+$0xFFFFFFC0]  }
0xe5: {  	v11 =	vld [tilespmem:s14+$0xFFFFFFD0]  }
0xe6: {  	v12 =	vld [tilespmem:s1+$0xFFFFFFD0]  }
0xe7: {  	v13 =	vld [tilespmem:s14+$0xFFFFFFE0]  }
0xe8: {  	v15 =	vld [tilespmem:s14+$0xFFFFFF90]  }
0xe9: {  	v14 =	vld [tilespmem:s1+$0xFFFFFFE0]  }
0xea: {  	v16 =	vld [tilespmem:s14+$0xFFFFFFF0]  }
0xeb: {  	v17 =	vld [tilespmem:s1+$0xFFFFFFF0]  }
0xec: {  	v18 =	vld [tilespmem:s9+$0xFFFFFF90];
	vm0 =	vlt.s32 v1, v2  }
0xed: {  	v20 =	vld [tilespmem:s9+$0xFFFFFFA0];
	v1 =	vadd.s32 $0x400000, v2;
	vm5 =	vlt.s32 v5, v6;
	vm4 =	vlt.s32 v15, v4  }
0xee: {  	v5 =	vadd.s32 $0x400000, v4;
	v19 =	vsel vm0, v3, v1;
	vm0 =	vlt.s32 v7, v8;
	v7 =	vld [tilespmem:s9+$0xFFFFFFB0]  }
0xef: {  	v63 =	vadd.s32 $0x400000, v6;
	vm1 =	vlt.s32 v9, v10;
	v6 =	vld [tilespmem:s9+$0xFFFFFFC0];
	v2 =	vadd.s32 $0x400000, v10  }
0xf0: {  	s10 =	simm.s32 $0x7870;
	vm2 =	vlt.s32 v11, v12;
	vm3 =	vlt.s32 v13, v14;
	v1 =	vadd.s32 $0x400000, v8;
	v8 =	vld [tilespmem:s9+$0xFFFFFFD0]  }
0xf1: {  	v4 =	vadd.s32 $0x400000, v14;
	v9 =	vld [tilespmem:s9+$0xFFFFFFE0];
	v3 =	vadd.s32 $0x400000, v12;
	v10 =	vsel vm4, v18, v5;
	[tilespmem:s10+$0x0] =	vst v19  }
0xf2: {  	s11 =	simm.s32 $0x180;
	s12 =	simm.s32 $0x38F0;
	vm4 =	vlt.s32 v16, v17;
	v5 =	vadd.s32 $0x400000, v17;
	v11 =	vsel vm5, v20, v63;
	[tilespmem:s10+$0xFFFFFF90] =	vst v10;
	v10 =	vld [tilespmem:s9+$0xFFFFFFF0]  }
.LBB2_10:
0xf3: {  	v12 =	vld [tilespmem:s12+$0x0];
	[tilespmem:s10+$0xFFFFFFA0] =	vst v11;
	v1 =	vsel vm0, v7, v1;
	s1 =	sadd.s32 $0x80, s1  }
0xf4: {  	s11 =	sadd.s32 $0x8, s11;
	s9 =	sadd.s32 $0x80, s9;
	v7 =	vld [tilespmem:s1+$0x0];
	[tilespmem:s10+$0xFFFFFFB0] =	vst v1;
	v1 =	vsel vm1, v6, v2  }
0xf5: {  	p0 =	slt.u32 s11, $0x1F8;
	v2 =	vld [tilespmem:s9+$0x0];
	[tilespmem:s10+$0xFFFFFFC0] =	vst v1;
	v1 =	vsel vm2, v8, v3  }
0xf6: {  	v8 =	vld [tilespmem:s1+$0xFFFFFF90];
	[tilespmem:s10+$0xFFFFFFD0] =	vst v1;
	v1 =	vsel vm3, v9, v4  }
0xf7: {  	v3 =	vld [tilespmem:s12+$0xFFFFFFA0];
	[tilespmem:s10+$0xFFFFFFE0] =	vst v1;
	v1 =	vsel vm4, v10, v5  }
0xf8: {  	v4 =	vld [tilespmem:s1+$0xFFFFFFA0];
	[tilespmem:s10+$0xFFFFFFF0] =	vst v1  }
0xf9: {  	v1 =	vld [tilespmem:s12+$0xFFFFFFB0];
	vm0 =	vlt.s32 v12, v7;
	v5 =	vadd.s32 $0x400000, v7  }
0xfa: {  	s10 =	sadd.s32 $0x80, s10;
	v6 =	vld [tilespmem:s1+$0xFFFFFFB0];
	v2 =	vsel vm0, v2, v5  }
0xfb: {  	v9 =	vadd.s32 $0x400000, v8;
	v5 =	vld [tilespmem:s12+$0xFFFFFFC0];
	[tilespmem:s10+$0x0] =	vst v2  }
0xfc: {  	v2 =	vld [tilespmem:s1+$0xFFFFFFC0]  }
0xfd: {  	vm5 =	vlt.s32 v3, v4;
	v10 =	vadd.s32 $0x400000, v4;
	v3 =	vld [tilespmem:s12+$0xFFFFFFD0]  }
0xfe: {  	v4 =	vld [tilespmem:s1+$0xFFFFFFD0]  }
0xff: {  	vm0 =	vlt.s32 v1, v6;
	v1 =	vadd.s32 $0x400000, v6;
	v6 =	vld [tilespmem:s12+$0xFFFFFFE0]  }
0x100: {  	v7 =	vld [tilespmem:s1+$0xFFFFFFE0]  }
0x101: {  	vm1 =	vlt.s32 v5, v2;
	v2 =	vadd.s32 $0x400000, v2;
	v5 =	vld [tilespmem:s12+$0xFFFFFFF0]  }
0x102: {  	v11 =	vld [tilespmem:s1+$0xFFFFFFF0]  }
0x103: {  	v12 =	vld [tilespmem:s12+$0xFFFFFF90];
	vm2 =	vlt.s32 v3, v4;
	v3 =	vadd.s32 $0x400000, v4  }
0x104: {  	v13 =	vld [tilespmem:s9+$0xFFFFFF90]  }
0x105: {  	v14 =	vld [tilespmem:s9+$0xFFFFFFA0];
	vm3 =	vlt.s32 v6, v7;
	v4 =	vadd.s32 $0x400000, v7  }
.Ltmp4:
0x106: {  	v7 =	vld [tilespmem:s9+$0xFFFFFFB0];
	(pc) =	sbr.rel @p0 .LBB2_10-.Ltmp4, $4  }
0x107: {  	v6 =	vld [tilespmem:s9+$0xFFFFFFC0];
	vm4 =	vlt.s32 v5, v11;
	v5 =	vadd.s32 $0x400000, v11  }
0x108: {  	vm6 =	vlt.s32 v12, v8;
	v8 =	vld [tilespmem:s9+$0xFFFFFFD0]  }
0x109: {  	v11 =	vsel vm6, v13, v9;
	v9 =	vld [tilespmem:s9+$0xFFFFFFE0]  }
0x10a: {  	s12 =	sadd.s32 $0x80, s12;
	[tilespmem:s10+$0xFFFFFF90] =	vst v11;
	v11 =	vsel vm5, v14, v10;
	v10 =	vld [tilespmem:s9+$0xFFFFFFF0]  }
0x10b: {  	[tilespmem:s10+$0xFFFFFFA0] =	vst v11;
	v1 =	vsel vm0, v7, v1  }
0x10c: {  	[tilespmem:s10+$0xFFFFFFB0] =	vst v1;
	v1 =	vsel vm1, v6, v2  }
0x10d: {  	[tilespmem:s10+$0xFFFFFFC0] =	vst v1;
	v1 =	vsel vm2, v8, v3  }
0x10e: {  	[tilespmem:s10+$0xFFFFFFD0] =	vst v1;
	v1 =	vsel vm3, v9, v4  }
0x10f: {  	[tilespmem:s10+$0xFFFFFFE0] =	vst v1;
	v1 =	vsel vm4, v10, v5  }
0x110: {  	[tilespmem:s10+$0xFFFFFFF0] =	vst v1  }
0x111: {  	[hbm4b:s3+s8] =	stream.indirect.scatter [tilespmem:s26], [sflag:$0x8], $0x1, s25, s8, $0xb8;
	[tilespmem:$0x8000] =	vst v63  }
0x112: {  	_ =	swait.ge [sflag:s28], $0x800  }
0x113: {  	[sflag:s28] =	ssyncset.done $0x0  }
0x114: {  	[sflag:s28] =	ssyncadd.s32 $0xFFFFF800  }
0x115: {  	_ =	swait.ge [sflag:s29], $0x800  }
0x116: {  	[sflag:s29] =	ssyncset.done $0x0  }
0x117: {  	s0 =	sadd.s32 $0x1, s0;
	[sflag:s29] =	ssyncadd.s32 $0xFFFFF800  }
0x118: {  	p0 =	sne.s32 s0, s5;
	_ =	swait.ge [sflag:s30], $0x800  }
.Ltmp5:
0x119: {  	[sflag:s30] =	ssyncset.done $0x0;
	(pc) =	sbr.rel @p0 .LBB2_1-.Ltmp5, $4  }
0x11a: {  	[sflag:s30] =	ssyncadd.s32 $0xFFFFF800  }
0x11b: {  	_ =	swait.ge [sflag:s31], $0x800  }
0x11c: {  	[sflag:s31] =	ssyncset.done $0x0  }
0x11d: {  	[sflag:s31] =	ssyncadd.s32 $0xFFFFF800  }
0x11e: {  	_ =	sfence.sel $0x180000  }
0x11f: {  	[bflag:$0x0] =	sbarrier.arrive $0xFFFF  }
0x120: {  	_ =	strace $0x9000004D  }
0x121: {  	s0 =	stileid.u32;
	[bflag:$0x2] =	sbarrier.arrive $0xFFFF  }
0x122: {  	p0 =	sne.s32 s0, $0x0;
	s0 =	rddreg [dreg:$0x2]  }
0x123: {  	s0 =	sadd.s32 @!p0 $0x100000, s0  }
0x124: {  	[sflag:s0] =	ssyncadd.tile.s32 @!p0 $0x1;
	_ =	shalt  }
.Lfunc_end2:
_tile_overlayer_lowered:
.L_overlay_start_2:
0x125: {  	(tag) =	ssettag $0x2  }
0x126: {  	s0 =	rddreg [dreg:$0x0];
	s2 =	stileid.u32  }
0x127: {  	s1 =	rddreg [dreg:$0x1];
	p0 =	sne.s32 s2, $0x0  }
0x128: {  	s3 =	rddreg [dreg:$0x2];
	[bflag:$0x3] =	sbarrier.arrive $0xFFFF;
	s2 =	simm.s32 @!p0 $0x1C09  }
0x129: {  	[timem:s3], [sflag:s2] =	dma.local @!p0 [hbm:s0], s1  }
0x12a: {  	s0 =	simm.s32 @!p0 $0x9  }
0x12b: {  	_ =	swait.ge @!p0 [sflag:s0], s1  }
0x12c: {  	s1 =	ssub.s32 @!p0 $0x0, s1;
	[sflag:s0] =	ssyncset.done @!p0 $0x0  }
0x12d: {  	[sflag:s0] =	ssyncadd.s32 @!p0 s1  }
0x12e: {  	[bflag:$0x3] =	sbarrier.arrive $0xFFFF  }
0x12f: {  	_ =	shalt  }

// kernel: kernel.20.cloned.1.call-start
scs
__scs_entry_jumppad:
0x0: {  	(pc) =	sbr.rel $0x88, $3  }
0x1: {  	(tag) =	ssettag $0x0;
	lr =	simm.s32 $0x1  }
0x2: {  	[smem:$0x3F9C] =	sst lr;
	_ =	strace $0xD0000000  }
0x3: {  	_ = 	snop  }
0x4: {  	_ = 	snop  }
0x5: {  	_ = 	snop  }
0x6: {  	_ = 	snop  }
0x7: {  	_ = 	snop  }
__scs_overlays_trampoline_lowered:
0x8: {  	[smem:$0x3FAB] =	sst s0  }
0x9: {  	[smem:$0x3FAC] =	sst s1  }
0xa: {  	[smem:$0x3FAD] =	sst s2  }
0xb: {  	[smem:$0x3FAE] =	sst s3  }
0xc: {  	[smem:$0x3FAF] =	sst s4  }
0xd: {  	[smem:$0x3FB0] =	sst s5  }
0xe: {  	[smem:$0x3FB1] =	sst s6  }
0xf: {  	[smem:$0x3FB2] =	sst s7  }
0x10: {  	[smem:$0x3FB3] =	sst s8  }
0x11: {  	[smem:$0x3FB4] =	sst s9;
	s0 =	simm.s32 @!p0 $0x0  }
0x12: {  	s1 =	sld [smem:$0x3F9A];
	s0 =	simm.s32 @p0 $0x1  }
0x13: {  	[smem:$0x3FB5] =	sst s0;
	s0 =	simm.s32 @!p1 $0x0  }
0x14: {  	s2 =	sld [smem:$0x3F99];
	s0 =	simm.s32 @p1 $0x1  }
0x15: {  	[smem:$0x3FB6] =	sst s0;
	s0 =	simm.s32 @!p2 $0x0  }
0x16: {  	s3 =	sld [smem:$0x3FDB];
	s0 =	simm.s32 @p2 $0x1  }
0x17: {  	s4 =	simm.s32 $0x1BF5;
	[smem:$0x3FB8] =	sst s0  }
0x18: {  	s0 =	sld [smem:$0x3F9B];
	_ =	swait.ge [sflag:s4], $0x0  }
0x19: {  	s7 =	sld [smem:$0x3F9C]  }
0x1a: {  	s8 =	sadd.s32 $0xFFFFE003, lr  }
0x1b: {  	s9 =	sadd.s32 $0xFFFFFEF7, lr;
	s5 =	simm.s32 $0xFFFFFFFF;
	p2 =	slt.u32 s8, $0xFFFFF086  }
0x1c: {  	p1 =	slt.u32 s9, $0xF7A;
	s5 =	simm.s32 @!p2 $0x0  }
0x1d: {  	s5 =	simm.s32 @p1 $0x1;
	p0 =	seq.s32 s7, s2  }
0x1e: {  	s7 =	smul.u32 @!p0 $0xF7A, s2;
	p2 =	seq.s32 @!p0 s5, $0x0  }
0x1f: {  	s9 =	smul.u32 $0xF7A, s1;
	s8 =	simm.s32 @!p0 $0x1BF5;
	p2 =	por !p2, p0  }
0x20: {  	[sflag:s8] =	ssyncset.s32 @!p0 $0xFFFFF086;
	s6 =	sadd.s32 @!p0 s3, s7;
	s7 =	simm.s32 @!p0 $0x108  }
0x21: {  	s3 =	sadd.s32 s3, s9;
	s6 =	sadd.s32 @!p0 $0x88, s6;
	s7 =	simm.s32 @p2 $0x1082  }
0x22: {  	[simem:s7], [sflag:s8] =	dma.local @!p0 [hbm:s6], $0xF7A  }
0x23: {  	s9 =	sor.u32 $0xD0000000, s2;
	s6 =	simm.s32 $0x108;
	_ =	swait.ge @!p0 [sflag:s8], $0x0  }
0x24: {  	s3 =	sadd.s32 $0x88, s3;
	s6 =	simm.s32 @!p1 $0x1082;
	[sflag:s4] =	ssyncset.s32 $0xFFFFF086  }
0x25: {  	[simem:s6], [sflag:s4] =	dma.local [hbm:s3], $0xF7A  }
0x26: {  	[smem:$0x3F9C] =	sst s1;
	(tag) =	ssettag s2;
	_ =	strace s9  }
0x27: {  	s1 =	sld [smem:$0x3FAC]  }
0x28: {  	s2 =	sld [smem:$0x3FAD]  }
0x29: {  	s4 =	sld [smem:$0x3FAF]  }
0x2a: {  	p0 =	seq.s32 s5, $0x0;
	s5 =	sld [smem:$0x3FB0]  }
0x2b: {  	s6 =	sld [smem:$0x3FB1]  }
0x2c: {  	s7 =	sld [smem:$0x3FB2]  }
0x2d: {  	s3 =	simm.s32 $0x108;
	s8 =	sld [smem:$0x3FB3]  }
0x2e: {  	s3 =	simm.s32 @!p0 $0x1082;
	s9 =	sld [smem:$0x3FB4]  }
0x2f: {  	lr =	sadd.s32 s0, s3;
	s0 =	sld [smem:$0x3FAB]  }
0x30: {  	s3 =	sld [smem:$0x3FAE]  }
0x31: {  	[smem:$0x3FB7] =	sst s10  }
0x32: {  	s10 =	sld [smem:$0x3FB5];
	_ =	sdelay $0x3  }
0x33: {  	p0 =	seq.s32 s10, $0x1;
	s10 =	sld [smem:$0x3FB7];
	_ =	sdelay $0x3  }
0x34: {  	[smem:$0x3FB7] =	sst s10  }
0x35: {  	s10 =	sld [smem:$0x3FB6];
	_ =	sdelay $0x3  }
0x36: {  	p1 =	seq.s32 s10, $0x1;
	s10 =	sld [smem:$0x3FB7];
	_ =	sdelay $0x3  }
0x37: {  	[smem:$0x3FB7] =	sst s10  }
0x38: {  	s10 =	sld [smem:$0x3FB8]  }
0x39: {  	_ = 	snop;
	(pc) =	sbr.ind lr, $3  }
0x3a: {  	_ = 	snop  }
0x3b: {  	_ = 	snop  }
0x3c: {  	p2 =	seq.s32 s10, $0x1;
	s10 =	sld [smem:$0x3FB7]  }
0x3d: {  	_ =	shalt  }
0x3e: {  	_ =	shalt  }
0x3f: {  	_ =	shalt  }
0x40: {  	_ =	shalt  }
0x41: {  	_ =	shalt  }
0x42: {  	_ =	shalt  }
0x43: {  	_ =	shalt  }
0x44: {  	_ =	shalt  }
0x45: {  	_ =	shalt  }
0x46: {  	_ =	shalt  }
0x47: {  	_ =	shalt  }
0x48: {  	_ =	shalt  }
0x49: {  	_ =	shalt  }
0x4a: {  	_ =	shalt  }
0x4b: {  	_ =	shalt  }
0x4c: {  	_ =	shalt  }
0x4d: {  	_ =	shalt  }
0x4e: {  	_ =	shalt  }
0x4f: {  	_ =	shalt  }
0x50: {  	_ =	shalt  }
0x51: {  	_ =	shalt  }
0x52: {  	_ =	shalt  }
0x53: {  	_ =	shalt  }
0x54: {  	_ =	shalt  }
0x55: {  	_ =	shalt  }
0x56: {  	_ =	shalt  }
0x57: {  	_ =	shalt  }
0x58: {  	_ =	shalt  }
0x59: {  	_ =	shalt  }
0x5a: {  	_ =	shalt  }
0x5b: {  	_ =	shalt  }
0x5c: {  	_ =	shalt  }
0x5d: {  	_ =	shalt  }
0x5e: {  	_ =	shalt  }
0x5f: {  	_ =	shalt  }
0x60: {  	_ =	shalt  }
0x61: {  	_ =	shalt  }
0x62: {  	_ =	shalt  }
0x63: {  	_ =	shalt  }
0x64: {  	_ =	shalt  }
0x65: {  	_ =	shalt  }
0x66: {  	_ =	shalt  }
0x67: {  	_ =	shalt  }
0x68: {  	_ =	shalt  }
0x69: {  	_ =	shalt  }
0x6a: {  	_ =	shalt  }
0x6b: {  	_ =	shalt  }
0x6c: {  	_ =	shalt  }
0x6d: {  	_ =	shalt  }
0x6e: {  	_ =	shalt  }
0x6f: {  	_ =	shalt  }
0x70: {  	_ =	shalt  }
0x71: {  	_ =	shalt  }
0x72: {  	_ =	shalt  }
0x73: {  	_ =	shalt  }
0x74: {  	_ =	shalt  }
0x75: {  	_ =	shalt  }
0x76: {  	_ =	shalt  }
0x77: {  	_ =	shalt  }
0x78: {  	_ =	shalt  }
0x79: {  	_ =	shalt  }
0x7a: {  	_ =	shalt  }
0x7b: {  	_ =	shalt  }
0x7c: {  	_ =	shalt  }
0x7d: {  	_ =	shalt  }
0x7e: {  	_ =	shalt  }
0x7f: {  	_ =	shalt  }
0x80: {  	_ =	shalt  }
0x81: {  	_ =	shalt  }
0x82: {  	_ =	shalt  }
0x83: {  	_ =	shalt  }
0x84: {  	_ =	shalt  }
0x85: {  	_ =	shalt  }
0x86: {  	_ =	shalt  }
0x87: {  	_ =	shalt  }
.Lfunc_end0:
.L_simem_size_0:
called_computation.4_lowered:
.L_overlay_start_0:
0x88: {  	s2 =	sld [smem:$0x3FD9]  }
0x89: {  	s3 =	sld [smem:$0x3FFE];
	_ =	sdelay $0x1  }
0x8a: {  	s1 =	srdreg.scid  }
0x8b: {  	s0 =	sand.u32 $0x1, s1  }
0x8c: {  	s17 =	sshll.u32 s0, $0xA;
	s2 =	sadd.s32 s3, s2  }
0x8d: {  	s2 =	sadd.s32 s2, s17  }
0x8e: {  	[smem:$0x3FC3] =	sst s2  }
0x8f: {  	_ = 	snop  }
0x90: {  	s2 =	sld [smem:$0x3FC5];
	(tm) =	ssettm $0x1  }
0x91: {  	s18 =	sld [smem:$0x3FFB];
	_ =	sdelay $0x3  }
0x92: {  	_ =	strace s18  }
0x93: {  	s3 =	sld [smem:$0x3FFC];
	_ =	sdelay $0x3  }
0x94: {  	_ =	strace s3  }
0x95: {  	s3 =	sld [smem:$0x3FFD];
	_ =	sdelay $0x3  }
0x96: {  	_ =	strace s3  }
0x97: {  	_ =	strace $0x8FFFFFFF  }
0x98: {  	s19 =	sld [smem:$0x3FDB];
	_ =	sdelay $0x1  }
0x99: {  	s4 =	simm.s32 $_scs_section_size  }
0x9a: {  	s5 =	simm.s32 $_size__tile_overlayer_lowered;
	s6 =	simm.s32 $_tile_overlayer_lowered  }
0x9b: {  	s22 =	simm.s32 $0x1BFF;
	s21 =	sshll.u32 s6, $0x1;
	s3 =	sadd.s32 s4, s19  }
0x9c: {  	s7 =	simm.s32 $0x0;
	s20 =	sshll.u32 s5, $0x1;
	s5 =	sadd.s32 s21, s3  }
0x9d: {  	[timem:s7], [sflag:s22] =	dma.local [hbm:s5], s20  }
0x9e: {  	_ =	swait.ge [sflag:s22], s20  }
0x9f: {  	s4 =	ssub.s32 $0x0, s20;
	[sflag:s22] =	ssyncset.done $0x0  }
0xa0: {  	[sflag:s22] =	ssyncadd.s32 s4;
	_ =	sdelay $0x1  }
0xa1: {  	s23 =	simm.s32 $0x1B8B  }
0xa2: {  	_ =	swait.ge [sflag:s23], $0x1  }
0xa3: {  	[sflag:s23] =	ssyncset.done $0x0  }
0xa4: {  	s25 =	simm.s32 $0x1B8E;
	s24 =	sld [smem:$0x3FFE];
	[sflag:s23] =	ssyncadd.s32 $0xFFFFFFFF  }
0xa5: {  	s26 =	simm.s32 $execute0_lowered;
	[smem:$0x3FD2] =	sst s25  }
0xa6: {  	s5 =	sshll.u32 s26, $0x1;
	_ =	strace $0x8000004F;
	[dreg:$0x1] =	wrdreg $0xFFFFFFFF  }
0xa7: {  	s28 =	simm.s32 $_size_execute0_lowered;
	s3 =	sadd.s32 s3, s5;
	[dreg:$0x0] =	wrdreg $0x0  }
0xa8: {  	s5 =	sshll.u32 s28, $0x1;
	[dreg:$0x2] =	wrdreg s3  }
0xa9: {  	[dreg:$0x3] =	wrdreg s5  }
0xaa: {  	[dreg:$0x4] =	wrdreg $0xC0  }
0xab: {  	_ =	task [dreg:s7], $0x5FFFF  }
0xac: {  	[dreg:$0x1] =	wrdreg $0xFFFFFFFF  }
0xad: {  	[dreg:$0x0] =	wrdreg $0x60  }
0xae: {  	[dreg:$0x2] =	wrdreg s2  }
0xaf: {  	[dreg:$0x3] =	wrdreg s24  }
0xb0: {  	[dreg:$0x4] =	wrdreg $0x9  }
0xb1: {  	_ =	task.clear_ibuf [dreg:s7], $0x5FFFF;
	_ =	strace $0x9000004F  }
0xb2: {  	s29 =	simm.s32 $0x9;
	_ =	strace $0x80000051  }
0xb3: {  	_ =	swait.ge [sflag:s29], $0x1  }
0xb4: {  	[sflag:s29] =	ssyncadd.s32 $0xFFFFFFFF  }
0xb5: {  	_ =	strace $0x90000051  }
0xb6: {  	_ =	sfence  }
0xb7: {  	s30 =	sld [smem:$0x0];
	_ =	sdelay $0x2  }
0xb8: {  	s31 =	sshll.u32 s1, $0xD;
	s1 =	sshrl.u32 s1, $0x2  }
0xb9: {  	s3 =	sand.u32 $0x4000, s31;
	s1 =	sadd.s32 s1, s30  }
0xba: {  	s0 =	sor.u32 s3, s0;
	s1 =	sshll.u32 s1, $0x11  }
0xbb: {  	s0 =	sor.u32 s1, s0  }
0xbc: {  	s0 =	sadd.s32 $0x8F2B, s0  }
0xbd: {  	[sflag:s0] =	ssyncadd.remote.s32 $0x1  }
0xbe: {  	_ =	sfence.sel $0xFFFF  }
0xbf: {  	[dreg:$0x0] =	wrdreg $0xFFFFFFFF;
	(pc) =	sbr.abs _section_cstart, $3  }
0xc0: {  	[dreg:$0x1] =	wrdreg $0xFFFFFFFF  }
0xc1: {  	_ =	task.clear_ibuf [dreg:s7], $0x2FFFF;
	_ =	strace $0x9FFFFFFF  }
0xc2: {  	(tm) =	ssettm $0x7FFFFFFF  }
0xc3: {  	_ =	shalt  }
tec
execute0_lowered:
.L_overlay_start_1:
0x0: {  	(tag) =	ssettag $0x1  }
0x1: {  	s0 =	rddreg [dreg:$0x0]  }
0x2: {  	s1 =	rddreg [dreg:$0x1]  }
0x3: {  	s2 =	srdreg.scid;
	s4 =	stileid.u32;
	s8 =	simm.s32 $0x800  }
0x4: {  	s15 =	simm.s32 $0x1;
	s16 =	simm.s32 $0x6000;
	s17 =	simm.s32 $0x4000  }
0x5: {  	s18 =	simm.s32 $0x2;
	s19 =	simm.s32 $0x6800;
	s20 =	simm.s32 $0x4800  }
0x6: {  	s21 =	simm.s32 $0x3;
	s22 =	simm.s32 $0x7000;
	s23 =	simm.s32 $0x5000  }
0x7: {  	s24 =	simm.s32 $0x4;
	s28 =	simm.s32 $0x5;
	s29 =	simm.s32 $0x6  }
0x8: {  	s30 =	simm.s32 $0x7;
	s31 =	simm.s32 $0x8;
	s3 =	sand.u32 $0x1, s2  }
0x9: {  	s2 =	simm.s32 $0x0;
	s4 =	sshll.u32 s4, $0xE;
	s5 =	sshll.u32 s3, $0xD  }
0xa: {  	[smem:$0x7FF] =	sst s2;
	s6 =	ssub.s32 $0x2, s3;
	s3 =	sadd.s32 $0x3E00, s1  }
0xb: {  	s7 =	sor.u32 s5, s4;
	_ =	strace $0x80000050;
	s25 =	sshrl.u32 s6, $0x1  }
0xc: {  	s5 =	sshrl.u32 s7, $0x3;
	s26 =	ssub.s32 s6, s25;
	s6 =	sor.u32 $0x70, s7  }
0xd: {  	s7 =	simm.s32 $0x9;
	s25 =	simm.s32 $0x7800;
	s4 =	sadd.s32 s0, s5  }
0xe: {  	v0 =	vlaneseq.u32;
	s5 =	smax.u32 s26, $0x1;
	s26 =	simm.s32 $0x5800;
	s0 =	simm.s32 $0x0  }
.LBB2_1:
0xf: {  	[tilespmem:s2], [sflag:$0x9] =	stream.linear.gather [hbm4b:s4+s2], $0x2000, $0x38;
	[tilespmem:$0x8000] =	vst v63  }
0x10: {  	_ =	swait.ge [sflag:s7], $0x2000  }
0x11: {  	s9 =	sadd.s32 $0xFFFFFFF0, s6;
	[sflag:s7] =	ssyncset.done $0x0  }
0x12: {  	s1 =	simm.s32 $0x4040;
	s10 =	sadd.s32 $0xFFFFFFA0, s6;
	v1 =	vor.u32 s9, v0;
	[sflag:s7] =	ssyncadd.s32 $0xFFFFE000  }
0x13: {  	s13 =	sadd.s32 $0xFFFFFFD0, s6;
	v2 =	vor.u32 s10, v0;
	[tilespmem:s1+$0x20] =	vst v1  }
0x14: {  	s10 =	sadd.s32 $0xFFFFFFB0, s6;
	v3 =	vor.u32 s13, v0;
	[tilespmem:s1+$0xFFFFFFD0] =	vst v2  }
0x15: {  	s11 =	sadd.s32 $0xFFFFFF90, s6;
	v1 =	vor.u32 s10, v0;
	[tilespmem:s1+$0x0] =	vst v3  }
0x16: {  	s12 =	sadd.s32 $0xFFFFFFC0, s6;
	v2 =	vor.u32 s11, v0;
	[tilespmem:s1+$0xFFFFFFE0] =	vst v1  }
0x17: {  	s14 =	sadd.s32 $0xFFFFFFE0, s6;
	v1 =	vor.u32 s12, v0;
	[tilespmem:s1+$0xFFFFFFC0] =	vst v2  }
0x18: {  	s9 =	simm.s32 $0x0;
	s10 =	sadd.s32 $0x80, s6;
	v2 =	vor.u32 s14, v0;
	[tilespmem:s1+$0xFFFFFFF0] =	vst v1;
	v1 =	vor.u32 s6, v0  }
.LBB2_2:
0x19: {  	s11 =	sadd.s32 $0xFFFFFFA0, s10;
	s12 =	sadd.s32 $0xFFFFFFF0, s10;
	v3 =	vor.u32 s10, v0;
	s9 =	sadd.s32 $0x8, s9;
	[tilespmem:s1+$0x10] =	vst v2  }
0x1a: {  	v2 =	vor.u32 s11, v0;
	s11 =	sadd.s32 $0xFFFFFFB0, s10;
	v4 =	vor.u32 s12, v0;
	p0 =	slt.u32 s9, $0x1F8;
	[tilespmem:s1+$0x30] =	vst v1;
	s1 =	sadd.s32 $0x80, s1;
	v1 =	vmov v3  }
0x1b: {  	s13 =	sadd.s32 $0xFFFFFFE0, s10;
	s12 =	sadd.s32 $0xFFFFFFD0, s10;
	v3 =	vor.u32 s11, v0;
	s11 =	sadd.s32 $0xFFFFFFC0, s10;
	[tilespmem:s1+$0x20] =	vst v4  }
.Ltmp0:
0x1c: {  	s14 =	sadd.s32 $0xFFFFFF90, s10;
	v5 =	vor.u32 s12, v0;
	[tilespmem:s1+$0xFFFFFFD0] =	vst v2;
	v4 =	vor.u32 s11, v0;
	v2 =	vor.u32 s13, v0;
	(pc) =	sbr.rel @p0 .LBB2_2-.Ltmp0, $4  }
0x1d: {  	v6 =	vor.u32 s14, v0;
	[tilespmem:s1+$0xFFFFFFE0] =	vst v3  }
0x1e: {  	[tilespmem:s1+$0xFFFFFFC0] =	vst v6  }
0x1f: {  	[tilespmem:s1+$0xFFFFFFF0] =	vst v4  }
0x20: {  	s10 =	sadd.s32 $0x80, s10;
	[tilespmem:s1+$0x0] =	vst v5  }
0x21: {  	[tilespmem:s1+$0x10] =	vst v2  }
0x22: {  	[tilespmem:s1+$0x30] =	vst v1;
	s10 =	simm.s32 $0x2000  }
0x23: {  	[tilespmem:s10], [sflag:$0x1] =	stream.indirect.gather [hbm4b:s3+s8], $0x1, s2, s8, $0xb8;
	[tilespmem:$0x8000] =	vst v63  }
0x24: {  	s11 =	simm.s32 $0x2800  }
0x25: {  	[tilespmem:s11], [sflag:$0x2] =	stream.indirect.gather [hbm4b:s3+s8], $0x1, s8, s8, $0xb8;
	[tilespmem:$0x8000] =	vst v63  }
0x26: {  	s12 =	simm.s32 $0x1000;
	s9 =	simm.s32 $0x3000  }
0x27: {  	[tilespmem:s9], [sflag:$0x3] =	stream.indirect.gather [hbm4b:s3+s8], $0x1, s12, s8, $0xb8;
	[tilespmem:$0x8000] =	vst v63  }
0x28: {  	s13 =	simm.s32 $0x1800;
	s14 =	simm.s32 $0x3800  }
0x29: {  	[tilespmem:s14], [sflag:$0x4] =	stream.indirect.gather [hbm4b:s3+s8], $0x1, s13, s8, $0xb8;
	[tilespmem:$0x8000] =	vst v63  }
0x2a: {  	_ =	swait.ge [sflag:s15], $0x800  }
0x2b: {  	[sflag:s15] =	ssyncset.done $0x0  }
0x2c: {  	s10 =	simm.s32 $0x2040;
	[sflag:s15] =	ssyncadd.s32 $0xFFFFF800  }
0x2d: {  	s1 =	simm.s32 $0x4040;
	v1 =	vld [tilespmem:s10+$0x30]  }
0x2e: {  	s9 =	simm.s32 $0x40;
	v2 =	vld [tilespmem:s1+$0x30]  }
0x2f: {  	v3 =	vld [tilespmem:s9+$0x30]  }
0x30: {  	v4 =	vld [tilespmem:s1+$0xFFFFFFC0]  }
0x31: {  	v5 =	vld [tilespmem:s10+$0xFFFFFFD0]  }
0x32: {  	v6 =	vld [tilespmem:s1+$0xFFFFFFD0]  }
0x33: {  	v7 =	vld [tilespmem:s10+$0xFFFFFFE0]  }
0x34: {  	v8 =	vld [tilespmem:s1+$0xFFFFFFE0]  }
0x35: {  	v9 =	vld [tilespmem:s10+$0xFFFFFFF0]  }
0x36: {  	v10 =	vld [tilespmem:s1+$0xFFFFFFF0]  }
0x37: {  	v11 =	vld [tilespmem:s10+$0x0]  }
0x38: {  	v12 =	vld [tilespmem:s1+$0x0]  }
0x39: {  	v13 =	vld [tilespmem:s10+$0x10]  }
0x3a: {  	v15 =	vld [tilespmem:s10+$0xFFFFFFC0]  }
0x3b: {  	v14 =	vld [tilespmem:s1+$0x10]  }
0x3c: {  	v16 =	vld [tilespmem:s10+$0x20]  }
0x3d: {  	v17 =	vld [tilespmem:s1+$0x20]  }
0x3e: {  	v18 =	vld [tilespmem:s9+$0xFFFFFFC0];
	vm0 =	vlt.s32 v1, v2  }
0x3f: {  	v20 =	vld [tilespmem:s9+$0xFFFFFFD0];
	v1 =	vadd.s32 $0x400000, v2;
	vm5 =	vlt.s32 v5, v6;
	vm4 =	vlt.s32 v15, v4  }
0x40: {  	v5 =	vadd.s32 $0x400000, v4;
	v19 =	vsel vm0, v3, v1;
	vm0 =	vlt.s32 v7, v8;
	v7 =	vld [tilespmem:s9+$0xFFFFFFE0]  }
0x41: {  	v63 =	vadd.s32 $0x400000, v6;
	vm1 =	vlt.s32 v9, v10;
	v6 =	vld [tilespmem:s9+$0xFFFFFFF0];
	v2 =	vadd.s32 $0x400000, v10  }
0x42: {  	s10 =	simm.s32 $0x6040;
	vm2 =	vlt.s32 v11, v12;
	vm3 =	vlt.s32 v13, v14;
	v1 =	vadd.s32 $0x400000, v8;
	v8 =	vld [tilespmem:s9+$0x0]  }
0x43: {  	v4 =	vadd.s32 $0x400000, v14;
	v9 =	vld [tilespmem:s9+$0x10];
	v3 =	vadd.s32 $0x400000, v12;
	v10 =	vsel vm4, v18, v5;
	[tilespmem:s10+$0x30] =	vst v19  }
0x44: {  	s11 =	simm.s32 $0x0;
	s12 =	simm.s32 $0x20C0;
	vm4 =	vlt.s32 v16, v17;
	v5 =	vadd.s32 $0x400000, v17;
	v11 =	vsel vm5, v20, v63;
	[tilespmem:s10+$0xFFFFFFC0] =	vst v10;
	v10 =	vld [tilespmem:s9+$0x20]  }
.LBB2_4:
0x45: {  	v12 =	vld [tilespmem:s12+$0x30];
	[tilespmem:s10+$0xFFFFFFD0] =	vst v11;
	v1 =	vsel vm0, v7, v1;
	s1 =	sadd.s32 $0x80, s1  }
0x46: {  	s11 =	sadd.s32 $0x8, s11;
	s9 =	sadd.s32 $0x80, s9;
	v7 =	vld [tilespmem:s1+$0x30];
	[tilespmem:s10+$0xFFFFFFE0] =	vst v1;
	v1 =	vsel vm1, v6, v2  }
0x47: {  	p0 =	slt.u32 s11, $0x78;
	v2 =	vld [tilespmem:s9+$0x30];
	[tilespmem:s10+$0xFFFFFFF0] =	vst v1;
	v1 =	vsel vm2, v8, v3  }
0x48: {  	v8 =	vld [tilespmem:s1+$0xFFFFFFC0];
	[tilespmem:s10+$0x0] =	vst v1;
	v1 =	vsel vm3, v9, v4  }
0x49: {  	v3 =	vld [tilespmem:s12+$0xFFFFFFD0];
	[tilespmem:s10+$0x10] =	vst v1;
	v1 =	vsel vm4, v10, v5  }
0x4a: {  	v4 =	vld [tilespmem:s1+$0xFFFFFFD0];
	[tilespmem:s10+$0x20] =	vst v1  }
0x4b: {  	v1 =	vld [tilespmem:s12+$0xFFFFFFE0];
	vm0 =	vlt.s32 v12, v7;
	v5 =	vadd.s32 $0x400000, v7  }
0x4c: {  	s10 =	sadd.s32 $0x80, s10;
	v6 =	vld [tilespmem:s1+$0xFFFFFFE0];
	v2 =	vsel vm0, v2, v5  }
0x4d: {  	v9 =	vadd.s32 $0x400000, v8;
	v5 =	vld [tilespmem:s12+$0xFFFFFFF0];
	[tilespmem:s10+$0x30] =	vst v2  }
0x4e: {  	v2 =	vld [tilespmem:s1+$0xFFFFFFF0]  }
0x4f: {  	vm5 =	vlt.s32 v3, v4;
	v10 =	vadd.s32 $0x400000, v4;
	v3 =	vld [tilespmem:s12+$0x0]  }
0x50: {  	v4 =	vld [tilespmem:s1+$0x0]  }
0x51: {  	vm0 =	vlt.s32 v1, v6;
	v1 =	vadd.s32 $0x400000, v6;
	v6 =	vld [tilespmem:s12+$0x10]  }
0x52: {  	v7 =	vld [tilespmem:s1+$0x10]  }
0x53: {  	vm1 =	vlt.s32 v5, v2;
	v2 =	vadd.s32 $0x400000, v2;
	v5 =	vld [tilespmem:s12+$0x20]  }
0x54: {  	v11 =	vld [tilespmem:s1+$0x20]  }
0x55: {  	v12 =	vld [tilespmem:s12+$0xFFFFFFC0];
	vm2 =	vlt.s32 v3, v4;
	v3 =	vadd.s32 $0x400000, v4  }
0x56: {  	v13 =	vld [tilespmem:s9+$0xFFFFFFC0]  }
0x57: {  	v14 =	vld [tilespmem:s9+$0xFFFFFFD0];
	vm3 =	vlt.s32 v6, v7;
	v4 =	vadd.s32 $0x400000, v7  }
.Ltmp1:
0x58: {  	v7 =	vld [tilespmem:s9+$0xFFFFFFE0];
	(pc) =	sbr.rel @p0 .LBB2_4-.Ltmp1, $4  }
0x59: {  	v6 =	vld [tilespmem:s9+$0xFFFFFFF0];
	vm4 =	vlt.s32 v5, v11;
	v5 =	vadd.s32 $0x400000, v11  }
0x5a: {  	vm6 =	vlt.s32 v12, v8;
	v8 =	vld [tilespmem:s9+$0x0]  }
0x5b: {  	v11 =	vsel vm6, v13, v9;
	v9 =	vld [tilespmem:s9+$0x10]  }
0x5c: {  	s12 =	sadd.s32 $0x80, s12;
	[tilespmem:s10+$0xFFFFFFC0] =	vst v11;
	v11 =	vsel vm5, v14, v10;
	v10 =	vld [tilespmem:s9+$0x20]  }
0x5d: {  	[tilespmem:s10+$0xFFFFFFD0] =	vst v11;
	v1 =	vsel vm0, v7, v1  }
0x5e: {  	[tilespmem:s10+$0xFFFFFFE0] =	vst v1;
	v1 =	vsel vm1, v6, v2  }
0x5f: {  	[tilespmem:s10+$0xFFFFFFF0] =	vst v1;
	v1 =	vsel vm2, v8, v3  }
0x60: {  	[tilespmem:s10+$0x0] =	vst v1;
	v1 =	vsel vm3, v9, v4  }
0x61: {  	[tilespmem:s10+$0x10] =	vst v1;
	v1 =	vsel vm4, v10, v5  }
0x62: {  	[tilespmem:s10+$0x20] =	vst v1  }
0x63: {  	[hbm4b:s3+s8] =	stream.indirect.scatter [tilespmem:s17], [sflag:$0x5], $0x1, s16, s8, $0xb8;
	[tilespmem:$0x8000] =	vst v63  }
0x64: {  	_ =	swait.ge [sflag:s18], $0x800  }
0x65: {  	[sflag:s18] =	ssyncset.done $0x0  }
0x66: {  	s14 =	simm.s32 $0x2870;
	[sflag:s18] =	ssyncadd.s32 $0xFFFFF800  }
0x67: {  	s1 =	simm.s32 $0x4870;
	v1 =	vld [tilespmem:s14+$0x0]  }
0x68: {  	s9 =	simm.s32 $0x870;
	v2 =	vld [tilespmem:s1+$0x0]  }
0x69: {  	v3 =	vld [tilespmem:s9+$0x0]  }
0x6a: {  	v4 =	vld [tilespmem:s1+$0xFFFFFF90]  }
0x6b: {  	v5 =	vld [tilespmem:s14+$0xFFFFFFA0]  }
0x6c: {  	v6 =	vld [tilespmem:s1+$0xFFFFFFA0]  }
0x6d: {  	v7 =	vld [tilespmem:s14+$0xFFFFFFB0]  }
0x6e: {  	v8 =	vld [tilespmem:s1+$0xFFFFFFB0]  }
0x6f: {  	v9 =	vld [tilespmem:s14+$0xFFFFFFC0]  }
0x70: {  	v10 =	vld [tilespmem:s1+$0xFFFFFFC0]  }
0x71: {  	v11 =	vld [tilespmem:s14+$0xFFFFFFD0]  }
0x72: {  	v12 =	vld [tilespmem:s1+$0xFFFFFFD0]  }
0x73: {  	v13 =	vld [tilespmem:s14+$0xFFFFFFE0]  }
0x74: {  	v15 =	vld [tilespmem:s14+$0xFFFFFF90]  }
0x75: {  	v14 =	vld [tilespmem:s1+$0xFFFFFFE0]  }
0x76: {  	v16 =	vld [tilespmem:s14+$0xFFFFFFF0]  }
0x77: {  	v17 =	vld [tilespmem:s1+$0xFFFFFFF0]  }
0x78: {  	v18 =	vld [tilespmem:s9+$0xFFFFFF90];
	vm0 =	vlt.s32 v1, v2  }
0x79: {  	v20 =	vld [tilespmem:s9+$0xFFFFFFA0];
	v1 =	vadd.s32 $0x400000, v2;
	vm5 =	vlt.s32 v5, v6;
	vm4 =	vlt.s32 v15, v4  }
0x7a: {  	v5 =	vadd.s32 $0x400000, v4;
	v19 =	vsel vm0, v3, v1;
	vm0 =	vlt.s32 v7, v8;
	v7 =	vld [tilespmem:s9+$0xFFFFFFB0]  }
0x7b: {  	v63 =	vadd.s32 $0x400000, v6;
	vm1 =	vlt.s32 v9, v10;
	v6 =	vld [tilespmem:s9+$0xFFFFFFC0];
	v2 =	vadd.s32 $0x400000, v10  }
0x7c: {  	s10 =	simm.s32 $0x6870;
	vm2 =	vlt.s32 v11, v12;
	vm3 =	vlt.s32 v13, v14;
	v1 =	vadd.s32 $0x400000, v8;
	v8 =	vld [tilespmem:s9+$0xFFFFFFD0]  }
0x7d: {  	v4 =	vadd.s32 $0x400000, v14;
	v9 =	vld [tilespmem:s9+$0xFFFFFFE0];
	v3 =	vadd.s32 $0x400000, v12;
	v10 =	vsel vm4, v18, v5;
	[tilespmem:s10+$0x0] =	vst v19  }
0x7e: {  	s11 =	simm.s32 $0x80;
	s12 =	simm.s32 $0x28F0;
	vm4 =	vlt.s32 v16, v17;
	v5 =	vadd.s32 $0x400000, v17;
	v11 =	vsel vm5, v20, v63;
	[tilespmem:s10+$0xFFFFFF90] =	vst v10;
	v10 =	vld [tilespmem:s9+$0xFFFFFFF0]  }
.LBB2_6:
0x7f: {  	v12 =	vld [tilespmem:s12+$0x0];
	[tilespmem:s10+$0xFFFFFFA0] =	vst v11;
	v1 =	vsel vm0, v7, v1;
	s1 =	sadd.s32 $0x80, s1  }
0x80: {  	s11 =	sadd.s32 $0x8, s11;
	s9 =	sadd.s32 $0x80, s9;
	v7 =	vld [tilespmem:s1+$0x0];
	[tilespmem:s10+$0xFFFFFFB0] =	vst v1;
	v1 =	vsel vm1, v6, v2  }
0x81: {  	p0 =	slt.u32 s11, $0xF8;
	v2 =	vld [tilespmem:s9+$0x0];
	[tilespmem:s10+$0xFFFFFFC0] =	vst v1;
	v1 =	vsel vm2, v8, v3  }
0x82: {  	v8 =	vld [tilespmem:s1+$0xFFFFFF90];
	[tilespmem:s10+$0xFFFFFFD0] =	vst v1;
	v1 =	vsel vm3, v9, v4  }
0x83: {  	v3 =	vld [tilespmem:s12+$0xFFFFFFA0];
	[tilespmem:s10+$0xFFFFFFE0] =	vst v1;
	v1 =	vsel vm4, v10, v5  }
0x84: {  	v4 =	vld [tilespmem:s1+$0xFFFFFFA0];
	[tilespmem:s10+$0xFFFFFFF0] =	vst v1  }
0x85: {  	v1 =	vld [tilespmem:s12+$0xFFFFFFB0];
	vm0 =	vlt.s32 v12, v7;
	v5 =	vadd.s32 $0x400000, v7  }
0x86: {  	s10 =	sadd.s32 $0x80, s10;
	v6 =	vld [tilespmem:s1+$0xFFFFFFB0];
	v2 =	vsel vm0, v2, v5  }
0x87: {  	v9 =	vadd.s32 $0x400000, v8;
	v5 =	vld [tilespmem:s12+$0xFFFFFFC0];
	[tilespmem:s10+$0x0] =	vst v2  }
0x88: {  	v2 =	vld [tilespmem:s1+$0xFFFFFFC0]  }
0x89: {  	vm5 =	vlt.s32 v3, v4;
	v10 =	vadd.s32 $0x400000, v4;
	v3 =	vld [tilespmem:s12+$0xFFFFFFD0]  }
0x8a: {  	v4 =	vld [tilespmem:s1+$0xFFFFFFD0]  }
0x8b: {  	vm0 =	vlt.s32 v1, v6;
	v1 =	vadd.s32 $0x400000, v6;
	v6 =	vld [tilespmem:s12+$0xFFFFFFE0]  }
0x8c: {  	v7 =	vld [tilespmem:s1+$0xFFFFFFE0]  }
0x8d: {  	vm1 =	vlt.s32 v5, v2;
	v2 =	vadd.s32 $0x400000, v2;
	v5 =	vld [tilespmem:s12+$0xFFFFFFF0]  }
0x8e: {  	v11 =	vld [tilespmem:s1+$0xFFFFFFF0]  }
0x8f: {  	v12 =	vld [tilespmem:s12+$0xFFFFFF90];
	vm2 =	vlt.s32 v3, v4;
	v3 =	vadd.s32 $0x400000, v4  }
0x90: {  	v13 =	vld [tilespmem:s9+$0xFFFFFF90]  }
0x91: {  	v14 =	vld [tilespmem:s9+$0xFFFFFFA0];
	vm3 =	vlt.s32 v6, v7;
	v4 =	vadd.s32 $0x400000, v7  }
.Ltmp2:
0x92: {  	v7 =	vld [tilespmem:s9+$0xFFFFFFB0];
	(pc) =	sbr.rel @p0 .LBB2_6-.Ltmp2, $4  }
0x93: {  	v6 =	vld [tilespmem:s9+$0xFFFFFFC0];
	vm4 =	vlt.s32 v5, v11;
	v5 =	vadd.s32 $0x400000, v11  }
0x94: {  	vm6 =	vlt.s32 v12, v8;
	v8 =	vld [tilespmem:s9+$0xFFFFFFD0]  }
0x95: {  	v11 =	vsel vm6, v13, v9;
	v9 =	vld [tilespmem:s9+$0xFFFFFFE0]  }
0x96: {  	s12 =	sadd.s32 $0x80, s12;
	[tilespmem:s10+$0xFFFFFF90] =	vst v11;
	v11 =	vsel vm5, v14, v10;
	v10 =	vld [tilespmem:s9+$0xFFFFFFF0]  }
0x97: {  	[tilespmem:s10+$0xFFFFFFA0] =	vst v11;
	v1 =	vsel vm0, v7, v1  }
0x98: {  	[tilespmem:s10+$0xFFFFFFB0] =	vst v1;
	v1 =	vsel vm1, v6, v2  }
0x99: {  	[tilespmem:s10+$0xFFFFFFC0] =	vst v1;
	v1 =	vsel vm2, v8, v3  }
0x9a: {  	[tilespmem:s10+$0xFFFFFFD0] =	vst v1;
	v1 =	vsel vm3, v9, v4  }
0x9b: {  	[tilespmem:s10+$0xFFFFFFE0] =	vst v1;
	v1 =	vsel vm4, v10, v5  }
0x9c: {  	[tilespmem:s10+$0xFFFFFFF0] =	vst v1  }
0x9d: {  	[hbm4b:s3+s8] =	stream.indirect.scatter [tilespmem:s20], [sflag:$0x6], $0x1, s19, s8, $0xb8;
	[tilespmem:$0x8000] =	vst v63  }
0x9e: {  	_ =	swait.ge [sflag:s21], $0x800  }
0x9f: {  	[sflag:s21] =	ssyncset.done $0x0  }
0xa0: {  	s14 =	simm.s32 $0x3070;
	[sflag:s21] =	ssyncadd.s32 $0xFFFFF800  }
0xa1: {  	s1 =	simm.s32 $0x5070;
	v1 =	vld [tilespmem:s14+$0x0]  }
0xa2: {  	s9 =	simm.s32 $0x1070;
	v2 =	vld [tilespmem:s1+$0x0]  }
0xa3: {  	v3 =	vld [tilespmem:s9+$0x0]  }
0xa4: {  	v4 =	vld [tilespmem:s1+$0xFFFFFF90]  }
0xa5: {  	v5 =	vld [tilespmem:s14+$0xFFFFFFA0]  }
0xa6: {  	v6 =	vld [tilespmem:s1+$0xFFFFFFA0]  }
0xa7: {  	v7 =	vld [tilespmem:s14+$0xFFFFFFB0]  }
0xa8: {  	v8 =	vld [tilespmem:s1+$0xFFFFFFB0]  }
0xa9: {  	v9 =	vld [tilespmem:s14+$0xFFFFFFC0]  }
0xaa: {  	v10 =	vld [tilespmem:s1+$0xFFFFFFC0]  }
0xab: {  	v11 =	vld [tilespmem:s14+$0xFFFFFFD0]  }
0xac: {  	v12 =	vld [tilespmem:s1+$0xFFFFFFD0]  }
0xad: {  	v13 =	vld [tilespmem:s14+$0xFFFFFFE0]  }
0xae: {  	v15 =	vld [tilespmem:s14+$0xFFFFFF90]  }
0xaf: {  	v14 =	vld [tilespmem:s1+$0xFFFFFFE0]  }
0xb0: {  	v16 =	vld [tilespmem:s14+$0xFFFFFFF0]  }
0xb1: {  	v17 =	vld [tilespmem:s1+$0xFFFFFFF0]  }
0xb2: {  	v18 =	vld [tilespmem:s9+$0xFFFFFF90];
	vm0 =	vlt.s32 v1, v2  }
0xb3: {  	v20 =	vld [tilespmem:s9+$0xFFFFFFA0];
	v1 =	vadd.s32 $0x400000, v2;
	vm5 =	vlt.s32 v5, v6;
	vm4 =	vlt.s32 v15, v4  }
0xb4: {  	v5 =	vadd.s32 $0x400000, v4;
	v19 =	vsel vm0, v3, v1;
	vm0 =	vlt.s32 v7, v8;
	v7 =	vld [tilespmem:s9+$0xFFFFFFB0]  }
0xb5: {  	v63 =	vadd.s32 $0x400000, v6;
	vm1 =	vlt.s32 v9, v10;
	v6 =	vld [tilespmem:s9+$0xFFFFFFC0];
	v2 =	vadd.s32 $0x400000, v10  }
0xb6: {  	s10 =	simm.s32 $0x7070;
	vm2 =	vlt.s32 v11, v12;
	vm3 =	vlt.s32 v13, v14;
	v1 =	vadd.s32 $0x400000, v8;
	v8 =	vld [tilespmem:s9+$0xFFFFFFD0]  }
0xb7: {  	v4 =	vadd.s32 $0x400000, v14;
	v9 =	vld [tilespmem:s9+$0xFFFFFFE0];
	v3 =	vadd.s32 $0x400000, v12;
	v10 =	vsel vm4, v18, v5;
	[tilespmem:s10+$0x0] =	vst v19  }
0xb8: {  	s11 =	simm.s32 $0x100;
	s12 =	simm.s32 $0x30F0;
	vm4 =	vlt.s32 v16, v17;
	v5 =	vadd.s32 $0x400000, v17;
	v11 =	vsel vm5, v20, v63;
	[tilespmem:s10+$0xFFFFFF90] =	vst v10;
	v10 =	vld [tilespmem:s9+$0xFFFFFFF0]  }
.LBB2_8:
0xb9: {  	v12 =	vld [tilespmem:s12+$0x0];
	[tilespmem:s10+$0xFFFFFFA0] =	vst v11;
	v1 =	vsel vm0, v7, v1;
	s1 =	sadd.s32 $0x80, s1  }
0xba: {  	s11 =	sadd.s32 $0x8, s11;
	s9 =	sadd.s32 $0x80, s9;
	v7 =	vld [tilespmem:s1+$0x0];
	[tilespmem:s10+$0xFFFFFFB0] =	vst v1;
	v1 =	vsel vm1, v6, v2  }
0xbb: {  	p0 =	slt.u32 s11, $0x178;
	v2 =	vld [tilespmem:s9+$0x0];
	[tilespmem:s10+$0xFFFFFFC0] =	vst v1;
	v1 =	vsel vm2, v8, v3  }
0xbc: {  	v8 =	vld [tilespmem:s1+$0xFFFFFF90];
	[tilespmem:s10+$0xFFFFFFD0] =	vst v1;
	v1 =	vsel vm3, v9, v4  }
0xbd: {  	v3 =	vld [tilespmem:s12+$0xFFFFFFA0];
	[tilespmem:s10+$0xFFFFFFE0] =	vst v1;
	v1 =	vsel vm4, v10, v5  }
0xbe: {  	v4 =	vld [tilespmem:s1+$0xFFFFFFA0];
	[tilespmem:s10+$0xFFFFFFF0] =	vst v1  }
0xbf: {  	v1 =	vld [tilespmem:s12+$0xFFFFFFB0];
	vm0 =	vlt.s32 v12, v7;
	v5 =	vadd.s32 $0x400000, v7  }
0xc0: {  	s10 =	sadd.s32 $0x80, s10;
	v6 =	vld [tilespmem:s1+$0xFFFFFFB0];
	v2 =	vsel vm0, v2, v5  }
0xc1: {  	v9 =	vadd.s32 $0x400000, v8;
	v5 =	vld [tilespmem:s12+$0xFFFFFFC0];
	[tilespmem:s10+$0x0] =	vst v2  }
0xc2: {  	v2 =	vld [tilespmem:s1+$0xFFFFFFC0]  }
0xc3: {  	vm5 =	vlt.s32 v3, v4;
	v10 =	vadd.s32 $0x400000, v4;
	v3 =	vld [tilespmem:s12+$0xFFFFFFD0]  }
0xc4: {  	v4 =	vld [tilespmem:s1+$0xFFFFFFD0]  }
0xc5: {  	vm0 =	vlt.s32 v1, v6;
	v1 =	vadd.s32 $0x400000, v6;
	v6 =	vld [tilespmem:s12+$0xFFFFFFE0]  }
0xc6: {  	v7 =	vld [tilespmem:s1+$0xFFFFFFE0]  }
0xc7: {  	vm1 =	vlt.s32 v5, v2;
	v2 =	vadd.s32 $0x400000, v2;
	v5 =	vld [tilespmem:s12+$0xFFFFFFF0]  }
0xc8: {  	v11 =	vld [tilespmem:s1+$0xFFFFFFF0]  }
0xc9: {  	v12 =	vld [tilespmem:s12+$0xFFFFFF90];
	vm2 =	vlt.s32 v3, v4;
	v3 =	vadd.s32 $0x400000, v4  }
0xca: {  	v13 =	vld [tilespmem:s9+$0xFFFFFF90]  }
0xcb: {  	v14 =	vld [tilespmem:s9+$0xFFFFFFA0];
	vm3 =	vlt.s32 v6, v7;
	v4 =	vadd.s32 $0x400000, v7  }
.Ltmp3:
0xcc: {  	v7 =	vld [tilespmem:s9+$0xFFFFFFB0];
	(pc) =	sbr.rel @p0 .LBB2_8-.Ltmp3, $4  }
0xcd: {  	v6 =	vld [tilespmem:s9+$0xFFFFFFC0];
	vm4 =	vlt.s32 v5, v11;
	v5 =	vadd.s32 $0x400000, v11  }
0xce: {  	vm6 =	vlt.s32 v12, v8;
	v8 =	vld [tilespmem:s9+$0xFFFFFFD0]  }
0xcf: {  	v11 =	vsel vm6, v13, v9;
	v9 =	vld [tilespmem:s9+$0xFFFFFFE0]  }
0xd0: {  	s12 =	sadd.s32 $0x80, s12;
	[tilespmem:s10+$0xFFFFFF90] =	vst v11;
	v11 =	vsel vm5, v14, v10;
	v10 =	vld [tilespmem:s9+$0xFFFFFFF0]  }
0xd1: {  	[tilespmem:s10+$0xFFFFFFA0] =	vst v11;
	v1 =	vsel vm0, v7, v1  }
0xd2: {  	[tilespmem:s10+$0xFFFFFFB0] =	vst v1;
	v1 =	vsel vm1, v6, v2  }
0xd3: {  	[tilespmem:s10+$0xFFFFFFC0] =	vst v1;
	v1 =	vsel vm2, v8, v3  }
0xd4: {  	[tilespmem:s10+$0xFFFFFFD0] =	vst v1;
	v1 =	vsel vm3, v9, v4  }
0xd5: {  	[tilespmem:s10+$0xFFFFFFE0] =	vst v1;
	v1 =	vsel vm4, v10, v5  }
0xd6: {  	[tilespmem:s10+$0xFFFFFFF0] =	vst v1  }
0xd7: {  	[hbm4b:s3+s8] =	stream.indirect.scatter [tilespmem:s23], [sflag:$0x7], $0x1, s22, s8, $0xb8;
	[tilespmem:$0x8000] =	vst v63  }
0xd8: {  	_ =	swait.ge [sflag:s24], $0x800  }
0xd9: {  	[sflag:s24] =	ssyncset.done $0x0  }
0xda: {  	s14 =	simm.s32 $0x3870;
	[sflag:s24] =	ssyncadd.s32 $0xFFFFF800  }
0xdb: {  	s1 =	simm.s32 $0x5870;
	v1 =	vld [tilespmem:s14+$0x0]  }
0xdc: {  	s9 =	simm.s32 $0x1870;
	v2 =	vld [tilespmem:s1+$0x0]  }
0xdd: {  	v3 =	vld [tilespmem:s9+$0x0]  }
0xde: {  	v4 =	vld [tilespmem:s1+$0xFFFFFF90]  }
0xdf: {  	v5 =	vld [tilespmem:s14+$0xFFFFFFA0]  }
0xe0: {  	v6 =	vld [tilespmem:s1+$0xFFFFFFA0]  }
0xe1: {  	v7 =	vld [tilespmem:s14+$0xFFFFFFB0]  }
0xe2: {  	v8 =	vld [tilespmem:s1+$0xFFFFFFB0]  }
0xe3: {  	v9 =	vld [tilespmem:s14+$0xFFFFFFC0]  }
0xe4: {  	v10 =	vld [tilespmem:s1+$0xFFFFFFC0]  }
0xe5: {  	v11 =	vld [tilespmem:s14+$0xFFFFFFD0]  }
0xe6: {  	v12 =	vld [tilespmem:s1+$0xFFFFFFD0]  }
0xe7: {  	v13 =	vld [tilespmem:s14+$0xFFFFFFE0]  }
0xe8: {  	v15 =	vld [tilespmem:s14+$0xFFFFFF90]  }
0xe9: {  	v14 =	vld [tilespmem:s1+$0xFFFFFFE0]  }
0xea: {  	v16 =	vld [tilespmem:s14+$0xFFFFFFF0]  }
0xeb: {  	v17 =	vld [tilespmem:s1+$0xFFFFFFF0]  }
0xec: {  	v18 =	vld [tilespmem:s9+$0xFFFFFF90];
	vm0 =	vlt.s32 v1, v2  }
0xed: {  	v20 =	vld [tilespmem:s9+$0xFFFFFFA0];
	v1 =	vadd.s32 $0x400000, v2;
	vm5 =	vlt.s32 v5, v6;
	vm4 =	vlt.s32 v15, v4  }
0xee: {  	v5 =	vadd.s32 $0x400000, v4;
	v19 =	vsel vm0, v3, v1;
	vm0 =	vlt.s32 v7, v8;
	v7 =	vld [tilespmem:s9+$0xFFFFFFB0]  }
0xef: {  	v63 =	vadd.s32 $0x400000, v6;
	vm1 =	vlt.s32 v9, v10;
	v6 =	vld [tilespmem:s9+$0xFFFFFFC0];
	v2 =	vadd.s32 $0x400000, v10  }
0xf0: {  	s10 =	simm.s32 $0x7870;
	vm2 =	vlt.s32 v11, v12;
	vm3 =	vlt.s32 v13, v14;
	v1 =	vadd.s32 $0x400000, v8;
	v8 =	vld [tilespmem:s9+$0xFFFFFFD0]  }
0xf1: {  	v4 =	vadd.s32 $0x400000, v14;
	v9 =	vld [tilespmem:s9+$0xFFFFFFE0];
	v3 =	vadd.s32 $0x400000, v12;
	v10 =	vsel vm4, v18, v5;
	[tilespmem:s10+$0x0] =	vst v19  }
0xf2: {  	s11 =	simm.s32 $0x180;
	s12 =	simm.s32 $0x38F0;
	vm4 =	vlt.s32 v16, v17;
	v5 =	vadd.s32 $0x400000, v17;
	v11 =	vsel vm5, v20, v63;
	[tilespmem:s10+$0xFFFFFF90] =	vst v10;
	v10 =	vld [tilespmem:s9+$0xFFFFFFF0]  }
.LBB2_10:
0xf3: {  	v12 =	vld [tilespmem:s12+$0x0];
	[tilespmem:s10+$0xFFFFFFA0] =	vst v11;
	v1 =	vsel vm0, v7, v1;
	s1 =	sadd.s32 $0x80, s1  }
0xf4: {  	s11 =	sadd.s32 $0x8, s11;
	s9 =	sadd.s32 $0x80, s9;
	v7 =	vld [tilespmem:s1+$0x0];
	[tilespmem:s10+$0xFFFFFFB0] =	vst v1;
	v1 =	vsel vm1, v6, v2  }
0xf5: {  	p0 =	slt.u32 s11, $0x1F8;
	v2 =	vld [tilespmem:s9+$0x0];
	[tilespmem:s10+$0xFFFFFFC0] =	vst v1;
	v1 =	vsel vm2, v8, v3  }
0xf6: {  	v8 =	vld [tilespmem:s1+$0xFFFFFF90];
	[tilespmem:s10+$0xFFFFFFD0] =	vst v1;
	v1 =	vsel vm3, v9, v4  }
0xf7: {  	v3 =	vld [tilespmem:s12+$0xFFFFFFA0];
	[tilespmem:s10+$0xFFFFFFE0] =	vst v1;
	v1 =	vsel vm4, v10, v5  }
0xf8: {  	v4 =	vld [tilespmem:s1+$0xFFFFFFA0];
	[tilespmem:s10+$0xFFFFFFF0] =	vst v1  }
0xf9: {  	v1 =	vld [tilespmem:s12+$0xFFFFFFB0];
	vm0 =	vlt.s32 v12, v7;
	v5 =	vadd.s32 $0x400000, v7  }
0xfa: {  	s10 =	sadd.s32 $0x80, s10;
	v6 =	vld [tilespmem:s1+$0xFFFFFFB0];
	v2 =	vsel vm0, v2, v5  }
0xfb: {  	v9 =	vadd.s32 $0x400000, v8;
	v5 =	vld [tilespmem:s12+$0xFFFFFFC0];
	[tilespmem:s10+$0x0] =	vst v2  }
0xfc: {  	v2 =	vld [tilespmem:s1+$0xFFFFFFC0]  }
0xfd: {  	vm5 =	vlt.s32 v3, v4;
	v10 =	vadd.s32 $0x400000, v4;
	v3 =	vld [tilespmem:s12+$0xFFFFFFD0]  }
0xfe: {  	v4 =	vld [tilespmem:s1+$0xFFFFFFD0]  }
0xff: {  	vm0 =	vlt.s32 v1, v6;
	v1 =	vadd.s32 $0x400000, v6;
	v6 =	vld [tilespmem:s12+$0xFFFFFFE0]  }
0x100: {  	v7 =	vld [tilespmem:s1+$0xFFFFFFE0]  }
0x101: {  	vm1 =	vlt.s32 v5, v2;
	v2 =	vadd.s32 $0x400000, v2;
	v5 =	vld [tilespmem:s12+$0xFFFFFFF0]  }
0x102: {  	v11 =	vld [tilespmem:s1+$0xFFFFFFF0]  }
0x103: {  	v12 =	vld [tilespmem:s12+$0xFFFFFF90];
	vm2 =	vlt.s32 v3, v4;
	v3 =	vadd.s32 $0x400000, v4  }
0x104: {  	v13 =	vld [tilespmem:s9+$0xFFFFFF90]  }
0x105: {  	v14 =	vld [tilespmem:s9+$0xFFFFFFA0];
	vm3 =	vlt.s32 v6, v7;
	v4 =	vadd.s32 $0x400000, v7  }
.Ltmp4:
0x106: {  	v7 =	vld [tilespmem:s9+$0xFFFFFFB0];
	(pc) =	sbr.rel @p0 .LBB2_10-.Ltmp4, $4  }
0x107: {  	v6 =	vld [tilespmem:s9+$0xFFFFFFC0];
	vm4 =	vlt.s32 v5, v11;
	v5 =	vadd.s32 $0x400000, v11  }
0x108: {  	vm6 =	vlt.s32 v12, v8;
	v8 =	vld [tilespmem:s9+$0xFFFFFFD0]  }
0x109: {  	v11 =	vsel vm6, v13, v9;
	v9 =	vld [tilespmem:s9+$0xFFFFFFE0]  }
0x10a: {  	s12 =	sadd.s32 $0x80, s12;
	[tilespmem:s10+$0xFFFFFF90] =	vst v11;
	v11 =	vsel vm5, v14, v10;
	v10 =	vld [tilespmem:s9+$0xFFFFFFF0]  }
0x10b: {  	[tilespmem:s10+$0xFFFFFFA0] =	vst v11;
	v1 =	vsel vm0, v7, v1  }
0x10c: {  	[tilespmem:s10+$0xFFFFFFB0] =	vst v1;
	v1 =	vsel vm1, v6, v2  }
0x10d: {  	[tilespmem:s10+$0xFFFFFFC0] =	vst v1;
	v1 =	vsel vm2, v8, v3  }
0x10e: {  	[tilespmem:s10+$0xFFFFFFD0] =	vst v1;
	v1 =	vsel vm3, v9, v4  }
0x10f: {  	[tilespmem:s10+$0xFFFFFFE0] =	vst v1;
	v1 =	vsel vm4, v10, v5  }
0x110: {  	[tilespmem:s10+$0xFFFFFFF0] =	vst v1  }
0x111: {  	[hbm4b:s3+s8] =	stream.indirect.scatter [tilespmem:s26], [sflag:$0x8], $0x1, s25, s8, $0xb8;
	[tilespmem:$0x8000] =	vst v63  }
0x112: {  	_ =	swait.ge [sflag:s28], $0x800  }
0x113: {  	[sflag:s28] =	ssyncset.done $0x0  }
0x114: {  	[sflag:s28] =	ssyncadd.s32 $0xFFFFF800  }
0x115: {  	_ =	swait.ge [sflag:s29], $0x800  }
0x116: {  	[sflag:s29] =	ssyncset.done $0x0  }
0x117: {  	s0 =	sadd.s32 $0x1, s0;
	[sflag:s29] =	ssyncadd.s32 $0xFFFFF800  }
0x118: {  	p0 =	sne.s32 s0, s5;
	_ =	swait.ge [sflag:s30], $0x800  }
.Ltmp5:
0x119: {  	[sflag:s30] =	ssyncset.done $0x0;
	(pc) =	sbr.rel @p0 .LBB2_1-.Ltmp5, $4  }
0x11a: {  	[sflag:s30] =	ssyncadd.s32 $0xFFFFF800  }
0x11b: {  	_ =	swait.ge [sflag:s31], $0x800  }
0x11c: {  	[sflag:s31] =	ssyncset.done $0x0  }
0x11d: {  	[sflag:s31] =	ssyncadd.s32 $0xFFFFF800  }
0x11e: {  	_ =	sfence.sel $0x180000  }
0x11f: {  	[bflag:$0x0] =	sbarrier.arrive $0xFFFF  }
0x120: {  	_ =	strace $0x90000050  }
0x121: {  	s0 =	stileid.u32;
	[bflag:$0x2] =	sbarrier.arrive $0xFFFF  }
0x122: {  	p0 =	sne.s32 s0, $0x0;
	s0 =	rddreg [dreg:$0x2]  }
0x123: {  	s0 =	sadd.s32 @!p0 $0x100000, s0  }
0x124: {  	[sflag:s0] =	ssyncadd.tile.s32 @!p0 $0x1;
	_ =	shalt  }
.Lfunc_end2:
_tile_overlayer_lowered:
.L_overlay_start_2:
0x125: {  	(tag) =	ssettag $0x2  }
0x126: {  	s0 =	rddreg [dreg:$0x0];
	s2 =	stileid.u32  }
0x127: {  	s1 =	rddreg [dreg:$0x1];
	p0 =	sne.s32 s2, $0x0  }
0x128: {  	s3 =	rddreg [dreg:$0x2];
	[bflag:$0x3] =	sbarrier.arrive $0xFFFF;
	s2 =	simm.s32 @!p0 $0x1C09  }
0x129: {  	[timem:s3], [sflag:s2] =	dma.local @!p0 [hbm:s0], s1  }
0x12a: {  	s0 =	simm.s32 @!p0 $0x9  }
0x12b: {  	_ =	swait.ge @!p0 [sflag:s0], s1  }
0x12c: {  	s1 =	ssub.s32 @!p0 $0x0, s1;
	[sflag:s0] =	ssyncset.done @!p0 $0x0  }
0x12d: {  	[sflag:s0] =	ssyncadd.s32 @!p0 s1  }
0x12e: {  	[bflag:$0x3] =	sbarrier.arrive $0xFFFF  }
0x12f: {  	_ =	shalt  }

// kernel: kernel.23.cloned.1.call-start
scs
__scs_entry_jumppad:
0x0: {  	(pc) =	sbr.rel $0x88, $3  }
0x1: {  	(tag) =	ssettag $0x0;
	lr =	simm.s32 $0x1  }
0x2: {  	[smem:$0x3F9C] =	sst lr;
	_ =	strace $0xD0000000  }
0x3: {  	_ = 	snop  }
0x4: {  	_ = 	snop  }
0x5: {  	_ = 	snop  }
0x6: {  	_ = 	snop  }
0x7: {  	_ = 	snop  }
__scs_overlays_trampoline_lowered:
0x8: {  	[smem:$0x3FAB] =	sst s0  }
0x9: {  	[smem:$0x3FAC] =	sst s1  }
0xa: {  	[smem:$0x3FAD] =	sst s2  }
0xb: {  	[smem:$0x3FAE] =	sst s3  }
0xc: {  	[smem:$0x3FAF] =	sst s4  }
0xd: {  	[smem:$0x3FB0] =	sst s5  }
0xe: {  	[smem:$0x3FB1] =	sst s6  }
0xf: {  	[smem:$0x3FB2] =	sst s7  }
0x10: {  	[smem:$0x3FB3] =	sst s8  }
0x11: {  	[smem:$0x3FB4] =	sst s9;
	s0 =	simm.s32 @!p0 $0x0  }
0x12: {  	s1 =	sld [smem:$0x3F9A];
	s0 =	simm.s32 @p0 $0x1  }
0x13: {  	[smem:$0x3FB5] =	sst s0;
	s0 =	simm.s32 @!p1 $0x0  }
0x14: {  	s2 =	sld [smem:$0x3F99];
	s0 =	simm.s32 @p1 $0x1  }
0x15: {  	[smem:$0x3FB6] =	sst s0;
	s0 =	simm.s32 @!p2 $0x0  }
0x16: {  	s3 =	sld [smem:$0x3FDB];
	s0 =	simm.s32 @p2 $0x1  }
0x17: {  	s4 =	simm.s32 $0x1BF5;
	[smem:$0x3FB8] =	sst s0  }
0x18: {  	s0 =	sld [smem:$0x3F9B];
	_ =	swait.ge [sflag:s4], $0x0  }
0x19: {  	s7 =	sld [smem:$0x3F9C]  }
0x1a: {  	s8 =	sadd.s32 $0xFFFFE003, lr  }
0x1b: {  	s9 =	sadd.s32 $0xFFFFFEF7, lr;
	s5 =	simm.s32 $0xFFFFFFFF;
	p2 =	slt.u32 s8, $0xFFFFF086  }
0x1c: {  	p1 =	slt.u32 s9, $0xF7A;
	s5 =	simm.s32 @!p2 $0x0  }
0x1d: {  	s5 =	simm.s32 @p1 $0x1;
	p0 =	seq.s32 s7, s2  }
0x1e: {  	s7 =	smul.u32 @!p0 $0xF7A, s2;
	p2 =	seq.s32 @!p0 s5, $0x0  }
0x1f: {  	s9 =	smul.u32 $0xF7A, s1;
	s8 =	simm.s32 @!p0 $0x1BF5;
	p2 =	por !p2, p0  }
0x20: {  	[sflag:s8] =	ssyncset.s32 @!p0 $0xFFFFF086;
	s6 =	sadd.s32 @!p0 s3, s7;
	s7 =	simm.s32 @!p0 $0x108  }
0x21: {  	s3 =	sadd.s32 s3, s9;
	s6 =	sadd.s32 @!p0 $0x88, s6;
	s7 =	simm.s32 @p2 $0x1082  }
0x22: {  	[simem:s7], [sflag:s8] =	dma.local @!p0 [hbm:s6], $0xF7A  }
0x23: {  	s9 =	sor.u32 $0xD0000000, s2;
	s6 =	simm.s32 $0x108;
	_ =	swait.ge @!p0 [sflag:s8], $0x0  }
0x24: {  	s3 =	sadd.s32 $0x88, s3;
	s6 =	simm.s32 @!p1 $0x1082;
	[sflag:s4] =	ssyncset.s32 $0xFFFFF086  }
0x25: {  	[simem:s6], [sflag:s4] =	dma.local [hbm:s3], $0xF7A  }
0x26: {  	[smem:$0x3F9C] =	sst s1;
	(tag) =	ssettag s2;
	_ =	strace s9  }
0x27: {  	s1 =	sld [smem:$0x3FAC]  }
0x28: {  	s2 =	sld [smem:$0x3FAD]  }
0x29: {  	s4 =	sld [smem:$0x3FAF]  }
0x2a: {  	p0 =	seq.s32 s5, $0x0;
	s5 =	sld [smem:$0x3FB0]  }
0x2b: {  	s6 =	sld [smem:$0x3FB1]  }
0x2c: {  	s7 =	sld [smem:$0x3FB2]  }
0x2d: {  	s3 =	simm.s32 $0x108;
	s8 =	sld [smem:$0x3FB3]  }
0x2e: {  	s3 =	simm.s32 @!p0 $0x1082;
	s9 =	sld [smem:$0x3FB4]  }
0x2f: {  	lr =	sadd.s32 s0, s3;
	s0 =	sld [smem:$0x3FAB]  }
0x30: {  	s3 =	sld [smem:$0x3FAE]  }
0x31: {  	[smem:$0x3FB7] =	sst s10  }
0x32: {  	s10 =	sld [smem:$0x3FB5];
	_ =	sdelay $0x3  }
0x33: {  	p0 =	seq.s32 s10, $0x1;
	s10 =	sld [smem:$0x3FB7];
	_ =	sdelay $0x3  }
0x34: {  	[smem:$0x3FB7] =	sst s10  }
0x35: {  	s10 =	sld [smem:$0x3FB6];
	_ =	sdelay $0x3  }
0x36: {  	p1 =	seq.s32 s10, $0x1;
	s10 =	sld [smem:$0x3FB7];
	_ =	sdelay $0x3  }
0x37: {  	[smem:$0x3FB7] =	sst s10  }
0x38: {  	s10 =	sld [smem:$0x3FB8]  }
0x39: {  	_ = 	snop;
	(pc) =	sbr.ind lr, $3  }
0x3a: {  	_ = 	snop  }
0x3b: {  	_ = 	snop  }
0x3c: {  	p2 =	seq.s32 s10, $0x1;
	s10 =	sld [smem:$0x3FB7]  }
0x3d: {  	_ =	shalt  }
0x3e: {  	_ =	shalt  }
0x3f: {  	_ =	shalt  }
0x40: {  	_ =	shalt  }
0x41: {  	_ =	shalt  }
0x42: {  	_ =	shalt  }
0x43: {  	_ =	shalt  }
0x44: {  	_ =	shalt  }
0x45: {  	_ =	shalt  }
0x46: {  	_ =	shalt  }
0x47: {  	_ =	shalt  }
0x48: {  	_ =	shalt  }
0x49: {  	_ =	shalt  }
0x4a: {  	_ =	shalt  }
0x4b: {  	_ =	shalt  }
0x4c: {  	_ =	shalt  }
0x4d: {  	_ =	shalt  }
0x4e: {  	_ =	shalt  }
0x4f: {  	_ =	shalt  }
0x50: {  	_ =	shalt  }
0x51: {  	_ =	shalt  }
0x52: {  	_ =	shalt  }
0x53: {  	_ =	shalt  }
0x54: {  	_ =	shalt  }
0x55: {  	_ =	shalt  }
0x56: {  	_ =	shalt  }
0x57: {  	_ =	shalt  }
0x58: {  	_ =	shalt  }
0x59: {  	_ =	shalt  }
0x5a: {  	_ =	shalt  }
0x5b: {  	_ =	shalt  }
0x5c: {  	_ =	shalt  }
0x5d: {  	_ =	shalt  }
0x5e: {  	_ =	shalt  }
0x5f: {  	_ =	shalt  }
0x60: {  	_ =	shalt  }
0x61: {  	_ =	shalt  }
0x62: {  	_ =	shalt  }
0x63: {  	_ =	shalt  }
0x64: {  	_ =	shalt  }
0x65: {  	_ =	shalt  }
0x66: {  	_ =	shalt  }
0x67: {  	_ =	shalt  }
0x68: {  	_ =	shalt  }
0x69: {  	_ =	shalt  }
0x6a: {  	_ =	shalt  }
0x6b: {  	_ =	shalt  }
0x6c: {  	_ =	shalt  }
0x6d: {  	_ =	shalt  }
0x6e: {  	_ =	shalt  }
0x6f: {  	_ =	shalt  }
0x70: {  	_ =	shalt  }
0x71: {  	_ =	shalt  }
0x72: {  	_ =	shalt  }
0x73: {  	_ =	shalt  }
0x74: {  	_ =	shalt  }
0x75: {  	_ =	shalt  }
0x76: {  	_ =	shalt  }
0x77: {  	_ =	shalt  }
0x78: {  	_ =	shalt  }
0x79: {  	_ =	shalt  }
0x7a: {  	_ =	shalt  }
0x7b: {  	_ =	shalt  }
0x7c: {  	_ =	shalt  }
0x7d: {  	_ =	shalt  }
0x7e: {  	_ =	shalt  }
0x7f: {  	_ =	shalt  }
0x80: {  	_ =	shalt  }
0x81: {  	_ =	shalt  }
0x82: {  	_ =	shalt  }
0x83: {  	_ =	shalt  }
0x84: {  	_ =	shalt  }
0x85: {  	_ =	shalt  }
0x86: {  	_ =	shalt  }
0x87: {  	_ =	shalt  }
.Lfunc_end0:
.L_simem_size_0:
called_computation.5_lowered:
.L_overlay_start_0:
0x88: {  	s2 =	sld [smem:$0x3FD9]  }
0x89: {  	s3 =	sld [smem:$0x3FFE];
	_ =	sdelay $0x1  }
0x8a: {  	s1 =	srdreg.scid  }
0x8b: {  	s0 =	sand.u32 $0x1, s1  }
0x8c: {  	s17 =	sshll.u32 s0, $0xA;
	s2 =	sadd.s32 s3, s2  }
0x8d: {  	s2 =	sadd.s32 s2, s17  }
0x8e: {  	[smem:$0x3FC3] =	sst s2  }
0x8f: {  	_ = 	snop  }
0x90: {  	s2 =	sld [smem:$0x3FC5];
	(tm) =	ssettm $0x1  }
0x91: {  	s18 =	sld [smem:$0x3FFB];
	_ =	sdelay $0x3  }
0x92: {  	_ =	strace s18  }
0x93: {  	s3 =	sld [smem:$0x3FFC];
	_ =	sdelay $0x3  }
0x94: {  	_ =	strace s3  }
0x95: {  	s3 =	sld [smem:$0x3FFD];
	_ =	sdelay $0x3  }
0x96: {  	_ =	strace s3  }
0x97: {  	_ =	strace $0x8FFFFFFF  }
0x98: {  	s19 =	sld [smem:$0x3FDB];
	_ =	sdelay $0x1  }
0x99: {  	s4 =	simm.s32 $_scs_section_size  }
0x9a: {  	s5 =	simm.s32 $_size__tile_overlayer_lowered;
	s6 =	simm.s32 $_tile_overlayer_lowered  }
0x9b: {  	s22 =	simm.s32 $0x1BFF;
	s21 =	sshll.u32 s6, $0x1;
	s3 =	sadd.s32 s4, s19  }
0x9c: {  	s7 =	simm.s32 $0x0;
	s20 =	sshll.u32 s5, $0x1;
	s5 =	sadd.s32 s21, s3  }
0x9d: {  	[timem:s7], [sflag:s22] =	dma.local [hbm:s5], s20  }
0x9e: {  	_ =	swait.ge [sflag:s22], s20  }
0x9f: {  	s4 =	ssub.s32 $0x0, s20;
	[sflag:s22] =	ssyncset.done $0x0  }
0xa0: {  	[sflag:s22] =	ssyncadd.s32 s4;
	_ =	sdelay $0x1  }
0xa1: {  	s23 =	simm.s32 $0x1B8B  }
0xa2: {  	_ =	swait.ge [sflag:s23], $0x1  }
0xa3: {  	[sflag:s23] =	ssyncset.done $0x0  }
0xa4: {  	s25 =	simm.s32 $0x1B8E;
	s24 =	sld [smem:$0x3FFE];
	[sflag:s23] =	ssyncadd.s32 $0xFFFFFFFF  }
0xa5: {  	s26 =	simm.s32 $execute0_lowered;
	[smem:$0x3FD2] =	sst s25  }
0xa6: {  	s5 =	sshll.u32 s26, $0x1;
	_ =	strace $0x80000052;
	[dreg:$0x1] =	wrdreg $0xFFFFFFFF  }
0xa7: {  	s28 =	simm.s32 $_size_execute0_lowered;
	s3 =	sadd.s32 s3, s5;
	[dreg:$0x0] =	wrdreg $0x0  }
0xa8: {  	s5 =	sshll.u32 s28, $0x1;
	[dreg:$0x2] =	wrdreg s3  }
0xa9: {  	[dreg:$0x3] =	wrdreg s5  }
0xaa: {  	[dreg:$0x4] =	wrdreg $0xC0  }
0xab: {  	_ =	task [dreg:s7], $0x5FFFF  }
0xac: {  	[dreg:$0x1] =	wrdreg $0xFFFFFFFF  }
0xad: {  	[dreg:$0x0] =	wrdreg $0x60  }
0xae: {  	[dreg:$0x2] =	wrdreg s2  }
0xaf: {  	[dreg:$0x3] =	wrdreg s24  }
0xb0: {  	[dreg:$0x4] =	wrdreg $0x9  }
0xb1: {  	_ =	task.clear_ibuf [dreg:s7], $0x5FFFF;
	_ =	strace $0x90000052  }
0xb2: {  	s29 =	simm.s32 $0x9;
	_ =	strace $0x80000054  }
0xb3: {  	_ =	swait.ge [sflag:s29], $0x1  }
0xb4: {  	[sflag:s29] =	ssyncadd.s32 $0xFFFFFFFF  }
0xb5: {  	_ =	strace $0x90000054  }
0xb6: {  	_ =	sfence  }
0xb7: {  	s30 =	sld [smem:$0x0];
	_ =	sdelay $0x2  }
0xb8: {  	s31 =	sshll.u32 s1, $0xD;
	s1 =	sshrl.u32 s1, $0x2  }
0xb9: {  	s3 =	sand.u32 $0x4000, s31;
	s1 =	sadd.s32 s1, s30  }
0xba: {  	s0 =	sor.u32 s3, s0;
	s1 =	sshll.u32 s1, $0x11  }
0xbb: {  	s0 =	sor.u32 s1, s0  }
0xbc: {  	s0 =	sadd.s32 $0x8F2B, s0  }
0xbd: {  	[sflag:s0] =	ssyncadd.remote.s32 $0x1  }
0xbe: {  	_ =	sfence.sel $0xFFFF  }
0xbf: {  	[dreg:$0x0] =	wrdreg $0xFFFFFFFF;
	(pc) =	sbr.abs _section_cstart, $3  }
0xc0: {  	[dreg:$0x1] =	wrdreg $0xFFFFFFFF  }
0xc1: {  	_ =	task.clear_ibuf [dreg:s7], $0x2FFFF;
	_ =	strace $0x9FFFFFFF  }
0xc2: {  	(tm) =	ssettm $0x7FFFFFFF  }
0xc3: {  	_ =	shalt  }
tec
execute0_lowered:
.L_overlay_start_1:
0x0: {  	(tag) =	ssettag $0x1  }
0x1: {  	s0 =	rddreg [dreg:$0x0]  }
0x2: {  	s1 =	rddreg [dreg:$0x1]  }
0x3: {  	s2 =	srdreg.scid;
	s4 =	stileid.u32;
	s8 =	simm.s32 $0x800  }
0x4: {  	s15 =	simm.s32 $0x1;
	s16 =	simm.s32 $0x6000;
	s17 =	simm.s32 $0x4000  }
0x5: {  	s18 =	simm.s32 $0x2;
	s19 =	simm.s32 $0x6800;
	s20 =	simm.s32 $0x4800  }
0x6: {  	s21 =	simm.s32 $0x3;
	s22 =	simm.s32 $0x7000;
	s23 =	simm.s32 $0x5000  }
0x7: {  	s24 =	simm.s32 $0x4;
	s28 =	simm.s32 $0x5;
	s29 =	simm.s32 $0x6  }
0x8: {  	s30 =	simm.s32 $0x7;
	s31 =	simm.s32 $0x8;
	s3 =	sand.u32 $0x1, s2  }
0x9: {  	s2 =	simm.s32 $0x0;
	s4 =	sshll.u32 s4, $0xE;
	s5 =	sshll.u32 s3, $0xD  }
0xa: {  	[smem:$0x7FF] =	sst s2;
	s6 =	ssub.s32 $0x2, s3;
	s3 =	sadd.s32 $0x3E00, s1  }
0xb: {  	s7 =	sor.u32 s5, s4;
	_ =	strace $0x80000053;
	s25 =	sshrl.u32 s6, $0x1  }
0xc: {  	s5 =	sshrl.u32 s7, $0x3;
	s26 =	ssub.s32 s6, s25;
	s6 =	sor.u32 $0x70, s7  }
0xd: {  	s7 =	simm.s32 $0x9;
	s25 =	simm.s32 $0x7800;
	s4 =	sadd.s32 s0, s5  }
0xe: {  	v0 =	vlaneseq.u32;
	s5 =	smax.u32 s26, $0x1;
	s26 =	simm.s32 $0x5800;
	s0 =	simm.s32 $0x0  }
.LBB2_1:
0xf: {  	[tilespmem:s2], [sflag:$0x9] =	stream.linear.gather [hbm4b:s4+s2], $0x2000, $0x38;
	[tilespmem:$0x8000] =	vst v63  }
0x10: {  	_ =	swait.ge [sflag:s7], $0x2000  }
0x11: {  	s9 =	sadd.s32 $0xFFFFFFF0, s6;
	[sflag:s7] =	ssyncset.done $0x0  }
0x12: {  	s1 =	simm.s32 $0x4040;
	s10 =	sadd.s32 $0xFFFFFFA0, s6;
	v1 =	vor.u32 s9, v0;
	[sflag:s7] =	ssyncadd.s32 $0xFFFFE000  }
0x13: {  	s13 =	sadd.s32 $0xFFFFFFD0, s6;
	v2 =	vor.u32 s10, v0;
	[tilespmem:s1+$0x20] =	vst v1  }
0x14: {  	s10 =	sadd.s32 $0xFFFFFFB0, s6;
	v3 =	vor.u32 s13, v0;
	[tilespmem:s1+$0xFFFFFFD0] =	vst v2  }
0x15: {  	s11 =	sadd.s32 $0xFFFFFF90, s6;
	v1 =	vor.u32 s10, v0;
	[tilespmem:s1+$0x0] =	vst v3  }
0x16: {  	s12 =	sadd.s32 $0xFFFFFFC0, s6;
	v2 =	vor.u32 s11, v0;
	[tilespmem:s1+$0xFFFFFFE0] =	vst v1  }
0x17: {  	s14 =	sadd.s32 $0xFFFFFFE0, s6;
	v1 =	vor.u32 s12, v0;
	[tilespmem:s1+$0xFFFFFFC0] =	vst v2  }
0x18: {  	s9 =	simm.s32 $0x0;
	s10 =	sadd.s32 $0x80, s6;
	v2 =	vor.u32 s14, v0;
	[tilespmem:s1+$0xFFFFFFF0] =	vst v1;
	v1 =	vor.u32 s6, v0  }
.LBB2_2:
0x19: {  	s11 =	sadd.s32 $0xFFFFFFA0, s10;
	s12 =	sadd.s32 $0xFFFFFFF0, s10;
	v3 =	vor.u32 s10, v0;
	s9 =	sadd.s32 $0x8, s9;
	[tilespmem:s1+$0x10] =	vst v2  }
0x1a: {  	v2 =	vor.u32 s11, v0;
	s11 =	sadd.s32 $0xFFFFFFB0, s10;
	v4 =	vor.u32 s12, v0;
	p0 =	slt.u32 s9, $0x1F8;
	[tilespmem:s1+$0x30] =	vst v1;
	s1 =	sadd.s32 $0x80, s1;
	v1 =	vmov v3  }
0x1b: {  	s13 =	sadd.s32 $0xFFFFFFE0, s10;
	s12 =	sadd.s32 $0xFFFFFFD0, s10;
	v3 =	vor.u32 s11, v0;
	s11 =	sadd.s32 $0xFFFFFFC0, s10;
	[tilespmem:s1+$0x20] =	vst v4  }
.Ltmp0:
0x1c: {  	s14 =	sadd.s32 $0xFFFFFF90, s10;
	v5 =	vor.u32 s12, v0;
	[tilespmem:s1+$0xFFFFFFD0] =	vst v2;
	v4 =	vor.u32 s11, v0;
	v2 =	vor.u32 s13, v0;
	(pc) =	sbr.rel @p0 .LBB2_2-.Ltmp0, $4  }
0x1d: {  	v6 =	vor.u32 s14, v0;
	[tilespmem:s1+$0xFFFFFFE0] =	vst v3  }
0x1e: {  	[tilespmem:s1+$0xFFFFFFC0] =	vst v6  }
0x1f: {  	[tilespmem:s1+$0xFFFFFFF0] =	vst v4  }
0x20: {  	s10 =	sadd.s32 $0x80, s10;
	[tilespmem:s1+$0x0] =	vst v5  }
0x21: {  	[tilespmem:s1+$0x10] =	vst v2  }
0x22: {  	[tilespmem:s1+$0x30] =	vst v1;
	s10 =	simm.s32 $0x2000  }
0x23: {  	[tilespmem:s10], [sflag:$0x1] =	stream.indirect.gather [hbm4b:s3+s8], $0x1, s2, s8, $0xb8;
	[tilespmem:$0x8000] =	vst v63  }
0x24: {  	s11 =	simm.s32 $0x2800  }
0x25: {  	[tilespmem:s11], [sflag:$0x2] =	stream.indirect.gather [hbm4b:s3+s8], $0x1, s8, s8, $0xb8;
	[tilespmem:$0x8000] =	vst v63  }
0x26: {  	s12 =	simm.s32 $0x1000;
	s9 =	simm.s32 $0x3000  }
0x27: {  	[tilespmem:s9], [sflag:$0x3] =	stream.indirect.gather [hbm4b:s3+s8], $0x1, s12, s8, $0xb8;
	[tilespmem:$0x8000] =	vst v63  }
0x28: {  	s13 =	simm.s32 $0x1800;
	s14 =	simm.s32 $0x3800  }
0x29: {  	[tilespmem:s14], [sflag:$0x4] =	stream.indirect.gather [hbm4b:s3+s8], $0x1, s13, s8, $0xb8;
	[tilespmem:$0x8000] =	vst v63  }
0x2a: {  	_ =	swait.ge [sflag:s15], $0x800  }
0x2b: {  	[sflag:s15] =	ssyncset.done $0x0  }
0x2c: {  	s10 =	simm.s32 $0x2040;
	[sflag:s15] =	ssyncadd.s32 $0xFFFFF800  }
0x2d: {  	s1 =	simm.s32 $0x4040;
	v1 =	vld [tilespmem:s10+$0x30]  }
0x2e: {  	s9 =	simm.s32 $0x40;
	v2 =	vld [tilespmem:s1+$0x30]  }
0x2f: {  	v3 =	vld [tilespmem:s9+$0x30]  }
0x30: {  	v4 =	vld [tilespmem:s1+$0xFFFFFFC0]  }
0x31: {  	v5 =	vld [tilespmem:s10+$0xFFFFFFD0]  }
0x32: {  	v6 =	vld [tilespmem:s1+$0xFFFFFFD0]  }
0x33: {  	v7 =	vld [tilespmem:s10+$0xFFFFFFE0]  }
0x34: {  	v8 =	vld [tilespmem:s1+$0xFFFFFFE0]  }
0x35: {  	v9 =	vld [tilespmem:s10+$0xFFFFFFF0]  }
0x36: {  	v10 =	vld [tilespmem:s1+$0xFFFFFFF0]  }
0x37: {  	v11 =	vld [tilespmem:s10+$0x0]  }
0x38: {  	v12 =	vld [tilespmem:s1+$0x0]  }
0x39: {  	v13 =	vld [tilespmem:s10+$0x10]  }
0x3a: {  	v15 =	vld [tilespmem:s10+$0xFFFFFFC0]  }
0x3b: {  	v14 =	vld [tilespmem:s1+$0x10]  }
0x3c: {  	v16 =	vld [tilespmem:s10+$0x20]  }
0x3d: {  	v17 =	vld [tilespmem:s1+$0x20]  }
0x3e: {  	v18 =	vld [tilespmem:s9+$0xFFFFFFC0];
	vm0 =	vlt.s32 v1, v2  }
0x3f: {  	v20 =	vld [tilespmem:s9+$0xFFFFFFD0];
	v1 =	vadd.s32 $0x400000, v2;
	vm5 =	vlt.s32 v5, v6;
	vm4 =	vlt.s32 v15, v4  }
0x40: {  	v5 =	vadd.s32 $0x400000, v4;
	v19 =	vsel vm0, v3, v1;
	vm0 =	vlt.s32 v7, v8;
	v7 =	vld [tilespmem:s9+$0xFFFFFFE0]  }
0x41: {  	v63 =	vadd.s32 $0x400000, v6;
	vm1 =	vlt.s32 v9, v10;
	v6 =	vld [tilespmem:s9+$0xFFFFFFF0];
	v2 =	vadd.s32 $0x400000, v10  }
0x42: {  	s10 =	simm.s32 $0x6040;
	vm2 =	vlt.s32 v11, v12;
	vm3 =	vlt.s32 v13, v14;
	v1 =	vadd.s32 $0x400000, v8;
	v8 =	vld [tilespmem:s9+$0x0]  }
0x43: {  	v4 =	vadd.s32 $0x400000, v14;
	v9 =	vld [tilespmem:s9+$0x10];
	v3 =	vadd.s32 $0x400000, v12;
	v10 =	vsel vm4, v18, v5;
	[tilespmem:s10+$0x30] =	vst v19  }
0x44: {  	s11 =	simm.s32 $0x0;
	s12 =	simm.s32 $0x20C0;
	vm4 =	vlt.s32 v16, v17;
	v5 =	vadd.s32 $0x400000, v17;
	v11 =	vsel vm5, v20, v63;
	[tilespmem:s10+$0xFFFFFFC0] =	vst v10;
	v10 =	vld [tilespmem:s9+$0x20]  }
.LBB2_4:
0x45: {  	v12 =	vld [tilespmem:s12+$0x30];
	[tilespmem:s10+$0xFFFFFFD0] =	vst v11;
	v1 =	vsel vm0, v7, v1;
	s1 =	sadd.s32 $0x80, s1  }
0x46: {  	s11 =	sadd.s32 $0x8, s11;
	s9 =	sadd.s32 $0x80, s9;
	v7 =	vld [tilespmem:s1+$0x30];
	[tilespmem:s10+$0xFFFFFFE0] =	vst v1;
	v1 =	vsel vm1, v6, v2  }
0x47: {  	p0 =	slt.u32 s11, $0x78;
	v2 =	vld [tilespmem:s9+$0x30];
	[tilespmem:s10+$0xFFFFFFF0] =	vst v1;
	v1 =	vsel vm2, v8, v3  }
0x48: {  	v8 =	vld [tilespmem:s1+$0xFFFFFFC0];
	[tilespmem:s10+$0x0] =	vst v1;
	v1 =	vsel vm3, v9, v4  }
0x49: {  	v3 =	vld [tilespmem:s12+$0xFFFFFFD0];
	[tilespmem:s10+$0x10] =	vst v1;
	v1 =	vsel vm4, v10, v5  }
0x4a: {  	v4 =	vld [tilespmem:s1+$0xFFFFFFD0];
	[tilespmem:s10+$0x20] =	vst v1  }
0x4b: {  	v1 =	vld [tilespmem:s12+$0xFFFFFFE0];
	vm0 =	vlt.s32 v12, v7;
	v5 =	vadd.s32 $0x400000, v7  }
0x4c: {  	s10 =	sadd.s32 $0x80, s10;
	v6 =	vld [tilespmem:s1+$0xFFFFFFE0];
	v2 =	vsel vm0, v2, v5  }
0x4d: {  	v9 =	vadd.s32 $0x400000, v8;
	v5 =	vld [tilespmem:s12+$0xFFFFFFF0];
	[tilespmem:s10+$0x30] =	vst v2  }
0x4e: {  	v2 =	vld [tilespmem:s1+$0xFFFFFFF0]  }
0x4f: {  	vm5 =	vlt.s32 v3, v4;
	v10 =	vadd.s32 $0x400000, v4;
	v3 =	vld [tilespmem:s12+$0x0]  }
0x50: {  	v4 =	vld [tilespmem:s1+$0x0]  }
0x51: {  	vm0 =	vlt.s32 v1, v6;
	v1 =	vadd.s32 $0x400000, v6;
	v6 =	vld [tilespmem:s12+$0x10]  }
0x52: {  	v7 =	vld [tilespmem:s1+$0x10]  }
0x53: {  	vm1 =	vlt.s32 v5, v2;
	v2 =	vadd.s32 $0x400000, v2;
	v5 =	vld [tilespmem:s12+$0x20]  }
0x54: {  	v11 =	vld [tilespmem:s1+$0x20]  }
0x55: {  	v12 =	vld [tilespmem:s12+$0xFFFFFFC0];
	vm2 =	vlt.s32 v3, v4;
	v3 =	vadd.s32 $0x400000, v4  }
0x56: {  	v13 =	vld [tilespmem:s9+$0xFFFFFFC0]  }
0x57: {  	v14 =	vld [tilespmem:s9+$0xFFFFFFD0];
	vm3 =	vlt.s32 v6, v7;
	v4 =	vadd.s32 $0x400000, v7  }
.Ltmp1:
0x58: {  	v7 =	vld [tilespmem:s9+$0xFFFFFFE0];
	(pc) =	sbr.rel @p0 .LBB2_4-.Ltmp1, $4  }
0x59: {  	v6 =	vld [tilespmem:s9+$0xFFFFFFF0];
	vm4 =	vlt.s32 v5, v11;
	v5 =	vadd.s32 $0x400000, v11  }
0x5a: {  	vm6 =	vlt.s32 v12, v8;
	v8 =	vld [tilespmem:s9+$0x0]  }
0x5b: {  	v11 =	vsel vm6, v13, v9;
	v9 =	vld [tilespmem:s9+$0x10]  }
0x5c: {  	s12 =	sadd.s32 $0x80, s12;
	[tilespmem:s10+$0xFFFFFFC0] =	vst v11;
	v11 =	vsel vm5, v14, v10;
	v10 =	vld [tilespmem:s9+$0x20]  }
0x5d: {  	[tilespmem:s10+$0xFFFFFFD0] =	vst v11;
	v1 =	vsel vm0, v7, v1  }
0x5e: {  	[tilespmem:s10+$0xFFFFFFE0] =	vst v1;
	v1 =	vsel vm1, v6, v2  }
0x5f: {  	[tilespmem:s10+$0xFFFFFFF0] =	vst v1;
	v1 =	vsel vm2, v8, v3  }
0x60: {  	[tilespmem:s10+$0x0] =	vst v1;
	v1 =	vsel vm3, v9, v4  }
0x61: {  	[tilespmem:s10+$0x10] =	vst v1;
	v1 =	vsel vm4, v10, v5  }
0x62: {  	[tilespmem:s10+$0x20] =	vst v1  }
0x63: {  	[hbm4b:s3+s8] =	stream.indirect.scatter [tilespmem:s17], [sflag:$0x5], $0x1, s16, s8, $0xb8;
	[tilespmem:$0x8000] =	vst v63  }
0x64: {  	_ =	swait.ge [sflag:s18], $0x800  }
0x65: {  	[sflag:s18] =	ssyncset.done $0x0  }
0x66: {  	s14 =	simm.s32 $0x2870;
	[sflag:s18] =	ssyncadd.s32 $0xFFFFF800  }
0x67: {  	s1 =	simm.s32 $0x4870;
	v1 =	vld [tilespmem:s14+$0x0]  }
0x68: {  	s9 =	simm.s32 $0x870;
	v2 =	vld [tilespmem:s1+$0x0]  }
0x69: {  	v3 =	vld [tilespmem:s9+$0x0]  }
0x6a: {  	v4 =	vld [tilespmem:s1+$0xFFFFFF90]  }
0x6b: {  	v5 =	vld [tilespmem:s14+$0xFFFFFFA0]  }
0x6c: {  	v6 =	vld [tilespmem:s1+$0xFFFFFFA0]  }
0x6d: {  	v7 =	vld [tilespmem:s14+$0xFFFFFFB0]  }
0x6e: {  	v8 =	vld [tilespmem:s1+$0xFFFFFFB0]  }
0x6f: {  	v9 =	vld [tilespmem:s14+$0xFFFFFFC0]  }
0x70: {  	v10 =	vld [tilespmem:s1+$0xFFFFFFC0]  }
0x71: {  	v11 =	vld [tilespmem:s14+$0xFFFFFFD0]  }
0x72: {  	v12 =	vld [tilespmem:s1+$0xFFFFFFD0]  }
0x73: {  	v13 =	vld [tilespmem:s14+$0xFFFFFFE0]  }
0x74: {  	v15 =	vld [tilespmem:s14+$0xFFFFFF90]  }
0x75: {  	v14 =	vld [tilespmem:s1+$0xFFFFFFE0]  }
0x76: {  	v16 =	vld [tilespmem:s14+$0xFFFFFFF0]  }
0x77: {  	v17 =	vld [tilespmem:s1+$0xFFFFFFF0]  }
0x78: {  	v18 =	vld [tilespmem:s9+$0xFFFFFF90];
	vm0 =	vlt.s32 v1, v2  }
0x79: {  	v20 =	vld [tilespmem:s9+$0xFFFFFFA0];
	v1 =	vadd.s32 $0x400000, v2;
	vm5 =	vlt.s32 v5, v6;
	vm4 =	vlt.s32 v15, v4  }
0x7a: {  	v5 =	vadd.s32 $0x400000, v4;
	v19 =	vsel vm0, v3, v1;
	vm0 =	vlt.s32 v7, v8;
	v7 =	vld [tilespmem:s9+$0xFFFFFFB0]  }
0x7b: {  	v63 =	vadd.s32 $0x400000, v6;
	vm1 =	vlt.s32 v9, v10;
	v6 =	vld [tilespmem:s9+$0xFFFFFFC0];
	v2 =	vadd.s32 $0x400000, v10  }
0x7c: {  	s10 =	simm.s32 $0x6870;
	vm2 =	vlt.s32 v11, v12;
	vm3 =	vlt.s32 v13, v14;
	v1 =	vadd.s32 $0x400000, v8;
	v8 =	vld [tilespmem:s9+$0xFFFFFFD0]  }
0x7d: {  	v4 =	vadd.s32 $0x400000, v14;
	v9 =	vld [tilespmem:s9+$0xFFFFFFE0];
	v3 =	vadd.s32 $0x400000, v12;
	v10 =	vsel vm4, v18, v5;
	[tilespmem:s10+$0x0] =	vst v19  }
0x7e: {  	s11 =	simm.s32 $0x80;
	s12 =	simm.s32 $0x28F0;
	vm4 =	vlt.s32 v16, v17;
	v5 =	vadd.s32 $0x400000, v17;
	v11 =	vsel vm5, v20, v63;
	[tilespmem:s10+$0xFFFFFF90] =	vst v10;
	v10 =	vld [tilespmem:s9+$0xFFFFFFF0]  }
.LBB2_6:
0x7f: {  	v12 =	vld [tilespmem:s12+$0x0];
	[tilespmem:s10+$0xFFFFFFA0] =	vst v11;
	v1 =	vsel vm0, v7, v1;
	s1 =	sadd.s32 $0x80, s1  }
0x80: {  	s11 =	sadd.s32 $0x8, s11;
	s9 =	sadd.s32 $0x80, s9;
	v7 =	vld [tilespmem:s1+$0x0];
	[tilespmem:s10+$0xFFFFFFB0] =	vst v1;
	v1 =	vsel vm1, v6, v2  }
0x81: {  	p0 =	slt.u32 s11, $0xF8;
	v2 =	vld [tilespmem:s9+$0x0];
	[tilespmem:s10+$0xFFFFFFC0] =	vst v1;
	v1 =	vsel vm2, v8, v3  }
0x82: {  	v8 =	vld [tilespmem:s1+$0xFFFFFF90];
	[tilespmem:s10+$0xFFFFFFD0] =	vst v1;
	v1 =	vsel vm3, v9, v4  }
0x83: {  	v3 =	vld [tilespmem:s12+$0xFFFFFFA0];
	[tilespmem:s10+$0xFFFFFFE0] =	vst v1;
	v1 =	vsel vm4, v10, v5  }
0x84: {  	v4 =	vld [tilespmem:s1+$0xFFFFFFA0];
	[tilespmem:s10+$0xFFFFFFF0] =	vst v1  }
0x85: {  	v1 =	vld [tilespmem:s12+$0xFFFFFFB0];
	vm0 =	vlt.s32 v12, v7;
	v5 =	vadd.s32 $0x400000, v7  }
0x86: {  	s10 =	sadd.s32 $0x80, s10;
	v6 =	vld [tilespmem:s1+$0xFFFFFFB0];
	v2 =	vsel vm0, v2, v5  }
0x87: {  	v9 =	vadd.s32 $0x400000, v8;
	v5 =	vld [tilespmem:s12+$0xFFFFFFC0];
	[tilespmem:s10+$0x0] =	vst v2  }
0x88: {  	v2 =	vld [tilespmem:s1+$0xFFFFFFC0]  }
0x89: {  	vm5 =	vlt.s32 v3, v4;
	v10 =	vadd.s32 $0x400000, v4;
	v3 =	vld [tilespmem:s12+$0xFFFFFFD0]  }
0x8a: {  	v4 =	vld [tilespmem:s1+$0xFFFFFFD0]  }
0x8b: {  	vm0 =	vlt.s32 v1, v6;
	v1 =	vadd.s32 $0x400000, v6;
	v6 =	vld [tilespmem:s12+$0xFFFFFFE0]  }
0x8c: {  	v7 =	vld [tilespmem:s1+$0xFFFFFFE0]  }
0x8d: {  	vm1 =	vlt.s32 v5, v2;
	v2 =	vadd.s32 $0x400000, v2;
	v5 =	vld [tilespmem:s12+$0xFFFFFFF0]  }
0x8e: {  	v11 =	vld [tilespmem:s1+$0xFFFFFFF0]  }
0x8f: {  	v12 =	vld [tilespmem:s12+$0xFFFFFF90];
	vm2 =	vlt.s32 v3, v4;
	v3 =	vadd.s32 $0x400000, v4  }
0x90: {  	v13 =	vld [tilespmem:s9+$0xFFFFFF90]  }
0x91: {  	v14 =	vld [tilespmem:s9+$0xFFFFFFA0];
	vm3 =	vlt.s32 v6, v7;
	v4 =	vadd.s32 $0x400000, v7  }
.Ltmp2:
0x92: {  	v7 =	vld [tilespmem:s9+$0xFFFFFFB0];
	(pc) =	sbr.rel @p0 .LBB2_6-.Ltmp2, $4  }
0x93: {  	v6 =	vld [tilespmem:s9+$0xFFFFFFC0];
	vm4 =	vlt.s32 v5, v11;
	v5 =	vadd.s32 $0x400000, v11  }
0x94: {  	vm6 =	vlt.s32 v12, v8;
	v8 =	vld [tilespmem:s9+$0xFFFFFFD0]  }
0x95: {  	v11 =	vsel vm6, v13, v9;
	v9 =	vld [tilespmem:s9+$0xFFFFFFE0]  }
0x96: {  	s12 =	sadd.s32 $0x80, s12;
	[tilespmem:s10+$0xFFFFFF90] =	vst v11;
	v11 =	vsel vm5, v14, v10;
	v10 =	vld [tilespmem:s9+$0xFFFFFFF0]  }
0x97: {  	[tilespmem:s10+$0xFFFFFFA0] =	vst v11;
	v1 =	vsel vm0, v7, v1  }
0x98: {  	[tilespmem:s10+$0xFFFFFFB0] =	vst v1;
	v1 =	vsel vm1, v6, v2  }
0x99: {  	[tilespmem:s10+$0xFFFFFFC0] =	vst v1;
	v1 =	vsel vm2, v8, v3  }
0x9a: {  	[tilespmem:s10+$0xFFFFFFD0] =	vst v1;
	v1 =	vsel vm3, v9, v4  }
0x9b: {  	[tilespmem:s10+$0xFFFFFFE0] =	vst v1;
	v1 =	vsel vm4, v10, v5  }
0x9c: {  	[tilespmem:s10+$0xFFFFFFF0] =	vst v1  }
0x9d: {  	[hbm4b:s3+s8] =	stream.indirect.scatter [tilespmem:s20], [sflag:$0x6], $0x1, s19, s8, $0xb8;
	[tilespmem:$0x8000] =	vst v63  }
0x9e: {  	_ =	swait.ge [sflag:s21], $0x800  }
0x9f: {  	[sflag:s21] =	ssyncset.done $0x0  }
0xa0: {  	s14 =	simm.s32 $0x3070;
	[sflag:s21] =	ssyncadd.s32 $0xFFFFF800  }
0xa1: {  	s1 =	simm.s32 $0x5070;
	v1 =	vld [tilespmem:s14+$0x0]  }
0xa2: {  	s9 =	simm.s32 $0x1070;
	v2 =	vld [tilespmem:s1+$0x0]  }
0xa3: {  	v3 =	vld [tilespmem:s9+$0x0]  }
0xa4: {  	v4 =	vld [tilespmem:s1+$0xFFFFFF90]  }
0xa5: {  	v5 =	vld [tilespmem:s14+$0xFFFFFFA0]  }
0xa6: {  	v6 =	vld [tilespmem:s1+$0xFFFFFFA0]  }
0xa7: {  	v7 =	vld [tilespmem:s14+$0xFFFFFFB0]  }
0xa8: {  	v8 =	vld [tilespmem:s1+$0xFFFFFFB0]  }
0xa9: {  	v9 =	vld [tilespmem:s14+$0xFFFFFFC0]  }
0xaa: {  	v10 =	vld [tilespmem:s1+$0xFFFFFFC0]  }
0xab: {  	v11 =	vld [tilespmem:s14+$0xFFFFFFD0]  }
0xac: {  	v12 =	vld [tilespmem:s1+$0xFFFFFFD0]  }
0xad: {  	v13 =	vld [tilespmem:s14+$0xFFFFFFE0]  }
0xae: {  	v15 =	vld [tilespmem:s14+$0xFFFFFF90]  }
0xaf: {  	v14 =	vld [tilespmem:s1+$0xFFFFFFE0]  }
0xb0: {  	v16 =	vld [tilespmem:s14+$0xFFFFFFF0]  }
0xb1: {  	v17 =	vld [tilespmem:s1+$0xFFFFFFF0]  }
0xb2: {  	v18 =	vld [tilespmem:s9+$0xFFFFFF90];
	vm0 =	vlt.s32 v1, v2  }
0xb3: {  	v20 =	vld [tilespmem:s9+$0xFFFFFFA0];
	v1 =	vadd.s32 $0x400000, v2;
	vm5 =	vlt.s32 v5, v6;
	vm4 =	vlt.s32 v15, v4  }
0xb4: {  	v5 =	vadd.s32 $0x400000, v4;
	v19 =	vsel vm0, v3, v1;
	vm0 =	vlt.s32 v7, v8;
	v7 =	vld [tilespmem:s9+$0xFFFFFFB0]  }
0xb5: {  	v63 =	vadd.s32 $0x400000, v6;
	vm1 =	vlt.s32 v9, v10;
	v6 =	vld [tilespmem:s9+$0xFFFFFFC0];
	v2 =	vadd.s32 $0x400000, v10  }
0xb6: {  	s10 =	simm.s32 $0x7070;
	vm2 =	vlt.s32 v11, v12;
	vm3 =	vlt.s32 v13, v14;
	v1 =	vadd.s32 $0x400000, v8;
	v8 =	vld [tilespmem:s9+$0xFFFFFFD0]  }
0xb7: {  	v4 =	vadd.s32 $0x400000, v14;
	v9 =	vld [tilespmem:s9+$0xFFFFFFE0];
	v3 =	vadd.s32 $0x400000, v12;
	v10 =	vsel vm4, v18, v5;
	[tilespmem:s10+$0x0] =	vst v19  }
0xb8: {  	s11 =	simm.s32 $0x100;
	s12 =	simm.s32 $0x30F0;
	vm4 =	vlt.s32 v16, v17;
	v5 =	vadd.s32 $0x400000, v17;
	v11 =	vsel vm5, v20, v63;
	[tilespmem:s10+$0xFFFFFF90] =	vst v10;
	v10 =	vld [tilespmem:s9+$0xFFFFFFF0]  }
.LBB2_8:
0xb9: {  	v12 =	vld [tilespmem:s12+$0x0];
	[tilespmem:s10+$0xFFFFFFA0] =	vst v11;
	v1 =	vsel vm0, v7, v1;
	s1 =	sadd.s32 $0x80, s1  }
0xba: {  	s11 =	sadd.s32 $0x8, s11;
	s9 =	sadd.s32 $0x80, s9;
	v7 =	vld [tilespmem:s1+$0x0];
	[tilespmem:s10+$0xFFFFFFB0] =	vst v1;
	v1 =	vsel vm1, v6, v2  }
0xbb: {  	p0 =	slt.u32 s11, $0x178;
	v2 =	vld [tilespmem:s9+$0x0];
	[tilespmem:s10+$0xFFFFFFC0] =	vst v1;
	v1 =	vsel vm2, v8, v3  }
0xbc: {  	v8 =	vld [tilespmem:s1+$0xFFFFFF90];
	[tilespmem:s10+$0xFFFFFFD0] =	vst v1;
	v1 =	vsel vm3, v9, v4  }
0xbd: {  	v3 =	vld [tilespmem:s12+$0xFFFFFFA0];
	[tilespmem:s10+$0xFFFFFFE0] =	vst v1;
	v1 =	vsel vm4, v10, v5  }
0xbe: {  	v4 =	vld [tilespmem:s1+$0xFFFFFFA0];
	[tilespmem:s10+$0xFFFFFFF0] =	vst v1  }
0xbf: {  	v1 =	vld [tilespmem:s12+$0xFFFFFFB0];
	vm0 =	vlt.s32 v12, v7;
	v5 =	vadd.s32 $0x400000, v7  }
0xc0: {  	s10 =	sadd.s32 $0x80, s10;
	v6 =	vld [tilespmem:s1+$0xFFFFFFB0];
	v2 =	vsel vm0, v2, v5  }
0xc1: {  	v9 =	vadd.s32 $0x400000, v8;
	v5 =	vld [tilespmem:s12+$0xFFFFFFC0];
	[tilespmem:s10+$0x0] =	vst v2  }
0xc2: {  	v2 =	vld [tilespmem:s1+$0xFFFFFFC0]  }
0xc3: {  	vm5 =	vlt.s32 v3, v4;
	v10 =	vadd.s32 $0x400000, v4;
	v3 =	vld [tilespmem:s12+$0xFFFFFFD0]  }
0xc4: {  	v4 =	vld [tilespmem:s1+$0xFFFFFFD0]  }
0xc5: {  	vm0 =	vlt.s32 v1, v6;
	v1 =	vadd.s32 $0x400000, v6;
	v6 =	vld [tilespmem:s12+$0xFFFFFFE0]  }
0xc6: {  	v7 =	vld [tilespmem:s1+$0xFFFFFFE0]  }
0xc7: {  	vm1 =	vlt.s32 v5, v2;
	v2 =	vadd.s32 $0x400000, v2;
	v5 =	vld [tilespmem:s12+$0xFFFFFFF0]  }
0xc8: {  	v11 =	vld [tilespmem:s1+$0xFFFFFFF0]  }
0xc9: {  	v12 =	vld [tilespmem:s12+$0xFFFFFF90];
	vm2 =	vlt.s32 v3, v4;
	v3 =	vadd.s32 $0x400000, v4  }
0xca: {  	v13 =	vld [tilespmem:s9+$0xFFFFFF90]  }
0xcb: {  	v14 =	vld [tilespmem:s9+$0xFFFFFFA0];
	vm3 =	vlt.s32 v6, v7;
	v4 =	vadd.s32 $0x400000, v7  }
.Ltmp3:
0xcc: {  	v7 =	vld [tilespmem:s9+$0xFFFFFFB0];
	(pc) =	sbr.rel @p0 .LBB2_8-.Ltmp3, $4  }
0xcd: {  	v6 =	vld [tilespmem:s9+$0xFFFFFFC0];
	vm4 =	vlt.s32 v5, v11;
	v5 =	vadd.s32 $0x400000, v11  }
0xce: {  	vm6 =	vlt.s32 v12, v8;
	v8 =	vld [tilespmem:s9+$0xFFFFFFD0]  }
0xcf: {  	v11 =	vsel vm6, v13, v9;
	v9 =	vld [tilespmem:s9+$0xFFFFFFE0]  }
0xd0: {  	s12 =	sadd.s32 $0x80, s12;
	[tilespmem:s10+$0xFFFFFF90] =	vst v11;
	v11 =	vsel vm5, v14, v10;
	v10 =	vld [tilespmem:s9+$0xFFFFFFF0]  }
0xd1: {  	[tilespmem:s10+$0xFFFFFFA0] =	vst v11;
	v1 =	vsel vm0, v7, v1  }
0xd2: {  	[tilespmem:s10+$0xFFFFFFB0] =	vst v1;
	v1 =	vsel vm1, v6, v2  }
0xd3: {  	[tilespmem:s10+$0xFFFFFFC0] =	vst v1;
	v1 =	vsel vm2, v8, v3  }
0xd4: {  	[tilespmem:s10+$0xFFFFFFD0] =	vst v1;
	v1 =	vsel vm3, v9, v4  }
0xd5: {  	[tilespmem:s10+$0xFFFFFFE0] =	vst v1;
	v1 =	vsel vm4, v10, v5  }
0xd6: {  	[tilespmem:s10+$0xFFFFFFF0] =	vst v1  }
0xd7: {  	[hbm4b:s3+s8] =	stream.indirect.scatter [tilespmem:s23], [sflag:$0x7], $0x1, s22, s8, $0xb8;
	[tilespmem:$0x8000] =	vst v63  }
0xd8: {  	_ =	swait.ge [sflag:s24], $0x800  }
0xd9: {  	[sflag:s24] =	ssyncset.done $0x0  }
0xda: {  	s14 =	simm.s32 $0x3870;
	[sflag:s24] =	ssyncadd.s32 $0xFFFFF800  }
0xdb: {  	s1 =	simm.s32 $0x5870;
	v1 =	vld [tilespmem:s14+$0x0]  }
0xdc: {  	s9 =	simm.s32 $0x1870;
	v2 =	vld [tilespmem:s1+$0x0]  }
0xdd: {  	v3 =	vld [tilespmem:s9+$0x0]  }
0xde: {  	v4 =	vld [tilespmem:s1+$0xFFFFFF90]  }
0xdf: {  	v5 =	vld [tilespmem:s14+$0xFFFFFFA0]  }
0xe0: {  	v6 =	vld [tilespmem:s1+$0xFFFFFFA0]  }
0xe1: {  	v7 =	vld [tilespmem:s14+$0xFFFFFFB0]  }
0xe2: {  	v8 =	vld [tilespmem:s1+$0xFFFFFFB0]  }
0xe3: {  	v9 =	vld [tilespmem:s14+$0xFFFFFFC0]  }
0xe4: {  	v10 =	vld [tilespmem:s1+$0xFFFFFFC0]  }
0xe5: {  	v11 =	vld [tilespmem:s14+$0xFFFFFFD0]  }
0xe6: {  	v12 =	vld [tilespmem:s1+$0xFFFFFFD0]  }
0xe7: {  	v13 =	vld [tilespmem:s14+$0xFFFFFFE0]  }
0xe8: {  	v15 =	vld [tilespmem:s14+$0xFFFFFF90]  }
0xe9: {  	v14 =	vld [tilespmem:s1+$0xFFFFFFE0]  }
0xea: {  	v16 =	vld [tilespmem:s14+$0xFFFFFFF0]  }
0xeb: {  	v17 =	vld [tilespmem:s1+$0xFFFFFFF0]  }
0xec: {  	v18 =	vld [tilespmem:s9+$0xFFFFFF90];
	vm0 =	vlt.s32 v1, v2  }
0xed: {  	v20 =	vld [tilespmem:s9+$0xFFFFFFA0];
	v1 =	vadd.s32 $0x400000, v2;
	vm5 =	vlt.s32 v5, v6;
	vm4 =	vlt.s32 v15, v4  }
0xee: {  	v5 =	vadd.s32 $0x400000, v4;
	v19 =	vsel vm0, v3, v1;
	vm0 =	vlt.s32 v7, v8;
	v7 =	vld [tilespmem:s9+$0xFFFFFFB0]  }
0xef: {  	v63 =	vadd.s32 $0x400000, v6;
	vm1 =	vlt.s32 v9, v10;
	v6 =	vld [tilespmem:s9+$0xFFFFFFC0];
	v2 =	vadd.s32 $0x400000, v10  }
0xf0: {  	s10 =	simm.s32 $0x7870;
	vm2 =	vlt.s32 v11, v12;
	vm3 =	vlt.s32 v13, v14;
	v1 =	vadd.s32 $0x400000, v8;
	v8 =	vld [tilespmem:s9+$0xFFFFFFD0]  }
0xf1: {  	v4 =	vadd.s32 $0x400000, v14;
	v9 =	vld [tilespmem:s9+$0xFFFFFFE0];
	v3 =	vadd.s32 $0x400000, v12;
	v10 =	vsel vm4, v18, v5;
	[tilespmem:s10+$0x0] =	vst v19  }
0xf2: {  	s11 =	simm.s32 $0x180;
	s12 =	simm.s32 $0x38F0;
	vm4 =	vlt.s32 v16, v17;
	v5 =	vadd.s32 $0x400000, v17;
	v11 =	vsel vm5, v20, v63;
	[tilespmem:s10+$0xFFFFFF90] =	vst v10;
	v10 =	vld [tilespmem:s9+$0xFFFFFFF0]  }
.LBB2_10:
0xf3: {  	v12 =	vld [tilespmem:s12+$0x0];
	[tilespmem:s10+$0xFFFFFFA0] =	vst v11;
	v1 =	vsel vm0, v7, v1;
	s1 =	sadd.s32 $0x80, s1  }
0xf4: {  	s11 =	sadd.s32 $0x8, s11;
	s9 =	sadd.s32 $0x80, s9;
	v7 =	vld [tilespmem:s1+$0x0];
	[tilespmem:s10+$0xFFFFFFB0] =	vst v1;
	v1 =	vsel vm1, v6, v2  }
0xf5: {  	p0 =	slt.u32 s11, $0x1F8;
	v2 =	vld [tilespmem:s9+$0x0];
	[tilespmem:s10+$0xFFFFFFC0] =	vst v1;
	v1 =	vsel vm2, v8, v3  }
0xf6: {  	v8 =	vld [tilespmem:s1+$0xFFFFFF90];
	[tilespmem:s10+$0xFFFFFFD0] =	vst v1;
	v1 =	vsel vm3, v9, v4  }
0xf7: {  	v3 =	vld [tilespmem:s12+$0xFFFFFFA0];
	[tilespmem:s10+$0xFFFFFFE0] =	vst v1;
	v1 =	vsel vm4, v10, v5  }
0xf8: {  	v4 =	vld [tilespmem:s1+$0xFFFFFFA0];
	[tilespmem:s10+$0xFFFFFFF0] =	vst v1  }
0xf9: {  	v1 =	vld [tilespmem:s12+$0xFFFFFFB0];
	vm0 =	vlt.s32 v12, v7;
	v5 =	vadd.s32 $0x400000, v7  }
0xfa: {  	s10 =	sadd.s32 $0x80, s10;
	v6 =	vld [tilespmem:s1+$0xFFFFFFB0];
	v2 =	vsel vm0, v2, v5  }
0xfb: {  	v9 =	vadd.s32 $0x400000, v8;
	v5 =	vld [tilespmem:s12+$0xFFFFFFC0];
	[tilespmem:s10+$0x0] =	vst v2  }
0xfc: {  	v2 =	vld [tilespmem:s1+$0xFFFFFFC0]  }
0xfd: {  	vm5 =	vlt.s32 v3, v4;
	v10 =	vadd.s32 $0x400000, v4;
	v3 =	vld [tilespmem:s12+$0xFFFFFFD0]  }
0xfe: {  	v4 =	vld [tilespmem:s1+$0xFFFFFFD0]  }
0xff: {  	vm0 =	vlt.s32 v1, v6;
	v1 =	vadd.s32 $0x400000, v6;
	v6 =	vld [tilespmem:s12+$0xFFFFFFE0]  }
0x100: {  	v7 =	vld [tilespmem:s1+$0xFFFFFFE0]  }
0x101: {  	vm1 =	vlt.s32 v5, v2;
	v2 =	vadd.s32 $0x400000, v2;
	v5 =	vld [tilespmem:s12+$0xFFFFFFF0]  }
0x102: {  	v11 =	vld [tilespmem:s1+$0xFFFFFFF0]  }
0x103: {  	v12 =	vld [tilespmem:s12+$0xFFFFFF90];
	vm2 =	vlt.s32 v3, v4;
	v3 =	vadd.s32 $0x400000, v4  }
0x104: {  	v13 =	vld [tilespmem:s9+$0xFFFFFF90]  }
0x105: {  	v14 =	vld [tilespmem:s9+$0xFFFFFFA0];
	vm3 =	vlt.s32 v6, v7;
	v4 =	vadd.s32 $0x400000, v7  }
.Ltmp4:
0x106: {  	v7 =	vld [tilespmem:s9+$0xFFFFFFB0];
	(pc) =	sbr.rel @p0 .LBB2_10-.Ltmp4, $4  }
0x107: {  	v6 =	vld [tilespmem:s9+$0xFFFFFFC0];
	vm4 =	vlt.s32 v5, v11;
	v5 =	vadd.s32 $0x400000, v11  }
0x108: {  	vm6 =	vlt.s32 v12, v8;
	v8 =	vld [tilespmem:s9+$0xFFFFFFD0]  }
0x109: {  	v11 =	vsel vm6, v13, v9;
	v9 =	vld [tilespmem:s9+$0xFFFFFFE0]  }
0x10a: {  	s12 =	sadd.s32 $0x80, s12;
	[tilespmem:s10+$0xFFFFFF90] =	vst v11;
	v11 =	vsel vm5, v14, v10;
	v10 =	vld [tilespmem:s9+$0xFFFFFFF0]  }
0x10b: {  	[tilespmem:s10+$0xFFFFFFA0] =	vst v11;
	v1 =	vsel vm0, v7, v1  }
0x10c: {  	[tilespmem:s10+$0xFFFFFFB0] =	vst v1;
	v1 =	vsel vm1, v6, v2  }
0x10d: {  	[tilespmem:s10+$0xFFFFFFC0] =	vst v1;
	v1 =	vsel vm2, v8, v3  }
0x10e: {  	[tilespmem:s10+$0xFFFFFFD0] =	vst v1;
	v1 =	vsel vm3, v9, v4  }
0x10f: {  	[tilespmem:s10+$0xFFFFFFE0] =	vst v1;
	v1 =	vsel vm4, v10, v5  }
0x110: {  	[tilespmem:s10+$0xFFFFFFF0] =	vst v1  }
0x111: {  	[hbm4b:s3+s8] =	stream.indirect.scatter [tilespmem:s26], [sflag:$0x8], $0x1, s25, s8, $0xb8;
	[tilespmem:$0x8000] =	vst v63  }
0x112: {  	_ =	swait.ge [sflag:s28], $0x800  }
0x113: {  	[sflag:s28] =	ssyncset.done $0x0  }
0x114: {  	[sflag:s28] =	ssyncadd.s32 $0xFFFFF800  }
0x115: {  	_ =	swait.ge [sflag:s29], $0x800  }
0x116: {  	[sflag:s29] =	ssyncset.done $0x0  }
0x117: {  	s0 =	sadd.s32 $0x1, s0;
	[sflag:s29] =	ssyncadd.s32 $0xFFFFF800  }
0x118: {  	p0 =	sne.s32 s0, s5;
	_ =	swait.ge [sflag:s30], $0x800  }
.Ltmp5:
0x119: {  	[sflag:s30] =	ssyncset.done $0x0;
	(pc) =	sbr.rel @p0 .LBB2_1-.Ltmp5, $4  }
0x11a: {  	[sflag:s30] =	ssyncadd.s32 $0xFFFFF800  }
0x11b: {  	_ =	swait.ge [sflag:s31], $0x800  }
0x11c: {  	[sflag:s31] =	ssyncset.done $0x0  }
0x11d: {  	[sflag:s31] =	ssyncadd.s32 $0xFFFFF800  }
0x11e: {  	_ =	sfence.sel $0x180000  }
0x11f: {  	[bflag:$0x0] =	sbarrier.arrive $0xFFFF  }
0x120: {  	_ =	strace $0x90000053  }
0x121: {  	s0 =	stileid.u32;
	[bflag:$0x2] =	sbarrier.arrive $0xFFFF  }
0x122: {  	p0 =	sne.s32 s0, $0x0;
	s0 =	rddreg [dreg:$0x2]  }
0x123: {  	s0 =	sadd.s32 @!p0 $0x100000, s0  }
0x124: {  	[sflag:s0] =	ssyncadd.tile.s32 @!p0 $0x1;
	_ =	shalt  }
.Lfunc_end2:
_tile_overlayer_lowered:
.L_overlay_start_2:
0x125: {  	(tag) =	ssettag $0x2  }
0x126: {  	s0 =	rddreg [dreg:$0x0];
	s2 =	stileid.u32  }
0x127: {  	s1 =	rddreg [dreg:$0x1];
	p0 =	sne.s32 s2, $0x0  }
0x128: {  	s3 =	rddreg [dreg:$0x2];
	[bflag:$0x3] =	sbarrier.arrive $0xFFFF;
	s2 =	simm.s32 @!p0 $0x1C09  }
0x129: {  	[timem:s3], [sflag:s2] =	dma.local @!p0 [hbm:s0], s1  }
0x12a: {  	s0 =	simm.s32 @!p0 $0x9  }
0x12b: {  	_ =	swait.ge @!p0 [sflag:s0], s1  }
0x12c: {  	s1 =	ssub.s32 @!p0 $0x0, s1;
	[sflag:s0] =	ssyncset.done @!p0 $0x0  }
0x12d: {  	[sflag:s0] =	ssyncadd.s32 @!p0 s1  }
0x12e: {  	[bflag:$0x3] =	sbarrier.arrive $0xFFFF  }
0x12f: {  	_ =	shalt  }

// kernel: kernel.26.cloned.1.call-start
scs
__scs_entry_jumppad:
0x0: {  	(pc) =	sbr.rel $0x88, $3  }
0x1: {  	(tag) =	ssettag $0x0;
	lr =	simm.s32 $0x1  }
0x2: {  	[smem:$0x3F9C] =	sst lr;
	_ =	strace $0xD0000000  }
0x3: {  	_ = 	snop  }
0x4: {  	_ = 	snop  }
0x5: {  	_ = 	snop  }
0x6: {  	_ = 	snop  }
0x7: {  	_ = 	snop  }
__scs_overlays_trampoline_lowered:
0x8: {  	[smem:$0x3FAB] =	sst s0  }
0x9: {  	[smem:$0x3FAC] =	sst s1  }
0xa: {  	[smem:$0x3FAD] =	sst s2  }
0xb: {  	[smem:$0x3FAE] =	sst s3  }
0xc: {  	[smem:$0x3FAF] =	sst s4  }
0xd: {  	[smem:$0x3FB0] =	sst s5  }
0xe: {  	[smem:$0x3FB1] =	sst s6  }
0xf: {  	[smem:$0x3FB2] =	sst s7  }
0x10: {  	[smem:$0x3FB3] =	sst s8  }
0x11: {  	[smem:$0x3FB4] =	sst s9;
	s0 =	simm.s32 @!p0 $0x0  }
0x12: {  	s1 =	sld [smem:$0x3F9A];
	s0 =	simm.s32 @p0 $0x1  }
0x13: {  	[smem:$0x3FB5] =	sst s0;
	s0 =	simm.s32 @!p1 $0x0  }
0x14: {  	s2 =	sld [smem:$0x3F99];
	s0 =	simm.s32 @p1 $0x1  }
0x15: {  	[smem:$0x3FB6] =	sst s0;
	s0 =	simm.s32 @!p2 $0x0  }
0x16: {  	s3 =	sld [smem:$0x3FDB];
	s0 =	simm.s32 @p2 $0x1  }
0x17: {  	s4 =	simm.s32 $0x1BF5;
	[smem:$0x3FB8] =	sst s0  }
0x18: {  	s0 =	sld [smem:$0x3F9B];
	_ =	swait.ge [sflag:s4], $0x0  }
0x19: {  	s7 =	sld [smem:$0x3F9C]  }
0x1a: {  	s8 =	sadd.s32 $0xFFFFE003, lr  }
0x1b: {  	s9 =	sadd.s32 $0xFFFFFEF7, lr;
	s5 =	simm.s32 $0xFFFFFFFF;
	p2 =	slt.u32 s8, $0xFFFFF086  }
0x1c: {  	p1 =	slt.u32 s9, $0xF7A;
	s5 =	simm.s32 @!p2 $0x0  }
0x1d: {  	s5 =	simm.s32 @p1 $0x1;
	p0 =	seq.s32 s7, s2  }
0x1e: {  	s7 =	smul.u32 @!p0 $0xF7A, s2;
	p2 =	seq.s32 @!p0 s5, $0x0  }
0x1f: {  	s9 =	smul.u32 $0xF7A, s1;
	s8 =	simm.s32 @!p0 $0x1BF5;
	p2 =	por !p2, p0  }
0x20: {  	[sflag:s8] =	ssyncset.s32 @!p0 $0xFFFFF086;
	s6 =	sadd.s32 @!p0 s3, s7;
	s7 =	simm.s32 @!p0 $0x108  }
0x21: {  	s3 =	sadd.s32 s3, s9;
	s6 =	sadd.s32 @!p0 $0x88, s6;
	s7 =	simm.s32 @p2 $0x1082  }
0x22: {  	[simem:s7], [sflag:s8] =	dma.local @!p0 [hbm:s6], $0xF7A  }
0x23: {  	s9 =	sor.u32 $0xD0000000, s2;
	s6 =	simm.s32 $0x108;
	_ =	swait.ge @!p0 [sflag:s8], $0x0  }
0x24: {  	s3 =	sadd.s32 $0x88, s3;
	s6 =	simm.s32 @!p1 $0x1082;
	[sflag:s4] =	ssyncset.s32 $0xFFFFF086  }
0x25: {  	[simem:s6], [sflag:s4] =	dma.local [hbm:s3], $0xF7A  }
0x26: {  	[smem:$0x3F9C] =	sst s1;
	(tag) =	ssettag s2;
	_ =	strace s9  }
0x27: {  	s1 =	sld [smem:$0x3FAC]  }
0x28: {  	s2 =	sld [smem:$0x3FAD]  }
0x29: {  	s4 =	sld [smem:$0x3FAF]  }
0x2a: {  	p0 =	seq.s32 s5, $0x0;
	s5 =	sld [smem:$0x3FB0]  }
0x2b: {  	s6 =	sld [smem:$0x3FB1]  }
0x2c: {  	s7 =	sld [smem:$0x3FB2]  }
0x2d: {  	s3 =	simm.s32 $0x108;
	s8 =	sld [smem:$0x3FB3]  }
0x2e: {  	s3 =	simm.s32 @!p0 $0x1082;
	s9 =	sld [smem:$0x3FB4]  }
0x2f: {  	lr =	sadd.s32 s0, s3;
	s0 =	sld [smem:$0x3FAB]  }
0x30: {  	s3 =	sld [smem:$0x3FAE]  }
0x31: {  	[smem:$0x3FB7] =	sst s10  }
0x32: {  	s10 =	sld [smem:$0x3FB5];
	_ =	sdelay $0x3  }
0x33: {  	p0 =	seq.s32 s10, $0x1;
	s10 =	sld [smem:$0x3FB7];
	_ =	sdelay $0x3  }
0x34: {  	[smem:$0x3FB7] =	sst s10  }
0x35: {  	s10 =	sld [smem:$0x3FB6];
	_ =	sdelay $0x3  }
0x36: {  	p1 =	seq.s32 s10, $0x1;
	s10 =	sld [smem:$0x3FB7];
	_ =	sdelay $0x3  }
0x37: {  	[smem:$0x3FB7] =	sst s10  }
0x38: {  	s10 =	sld [smem:$0x3FB8]  }
0x39: {  	_ = 	snop;
	(pc) =	sbr.ind lr, $3  }
0x3a: {  	_ = 	snop  }
0x3b: {  	_ = 	snop  }
0x3c: {  	p2 =	seq.s32 s10, $0x1;
	s10 =	sld [smem:$0x3FB7]  }
0x3d: {  	_ =	shalt  }
0x3e: {  	_ =	shalt  }
0x3f: {  	_ =	shalt  }
0x40: {  	_ =	shalt  }
0x41: {  	_ =	shalt  }
0x42: {  	_ =	shalt  }
0x43: {  	_ =	shalt  }
0x44: {  	_ =	shalt  }
0x45: {  	_ =	shalt  }
0x46: {  	_ =	shalt  }
0x47: {  	_ =	shalt  }
0x48: {  	_ =	shalt  }
0x49: {  	_ =	shalt  }
0x4a: {  	_ =	shalt  }
0x4b: {  	_ =	shalt  }
0x4c: {  	_ =	shalt  }
0x4d: {  	_ =	shalt  }
0x4e: {  	_ =	shalt  }
0x4f: {  	_ =	shalt  }
0x50: {  	_ =	shalt  }
0x51: {  	_ =	shalt  }
0x52: {  	_ =	shalt  }
0x53: {  	_ =	shalt  }
0x54: {  	_ =	shalt  }
0x55: {  	_ =	shalt  }
0x56: {  	_ =	shalt  }
0x57: {  	_ =	shalt  }
0x58: {  	_ =	shalt  }
0x59: {  	_ =	shalt  }
0x5a: {  	_ =	shalt  }
0x5b: {  	_ =	shalt  }
0x5c: {  	_ =	shalt  }
0x5d: {  	_ =	shalt  }
0x5e: {  	_ =	shalt  }
0x5f: {  	_ =	shalt  }
0x60: {  	_ =	shalt  }
0x61: {  	_ =	shalt  }
0x62: {  	_ =	shalt  }
0x63: {  	_ =	shalt  }
0x64: {  	_ =	shalt  }
0x65: {  	_ =	shalt  }
0x66: {  	_ =	shalt  }
0x67: {  	_ =	shalt  }
0x68: {  	_ =	shalt  }
0x69: {  	_ =	shalt  }
0x6a: {  	_ =	shalt  }
0x6b: {  	_ =	shalt  }
0x6c: {  	_ =	shalt  }
0x6d: {  	_ =	shalt  }
0x6e: {  	_ =	shalt  }
0x6f: {  	_ =	shalt  }
0x70: {  	_ =	shalt  }
0x71: {  	_ =	shalt  }
0x72: {  	_ =	shalt  }
0x73: {  	_ =	shalt  }
0x74: {  	_ =	shalt  }
0x75: {  	_ =	shalt  }
0x76: {  	_ =	shalt  }
0x77: {  	_ =	shalt  }
0x78: {  	_ =	shalt  }
0x79: {  	_ =	shalt  }
0x7a: {  	_ =	shalt  }
0x7b: {  	_ =	shalt  }
0x7c: {  	_ =	shalt  }
0x7d: {  	_ =	shalt  }
0x7e: {  	_ =	shalt  }
0x7f: {  	_ =	shalt  }
0x80: {  	_ =	shalt  }
0x81: {  	_ =	shalt  }
0x82: {  	_ =	shalt  }
0x83: {  	_ =	shalt  }
0x84: {  	_ =	shalt  }
0x85: {  	_ =	shalt  }
0x86: {  	_ =	shalt  }
0x87: {  	_ =	shalt  }
.Lfunc_end0:
.L_simem_size_0:
called_computation.6_lowered:
.L_overlay_start_0:
0x88: {  	s2 =	sld [smem:$0x3FD9]  }
0x89: {  	s3 =	sld [smem:$0x3FFE];
	_ =	sdelay $0x1  }
0x8a: {  	s1 =	srdreg.scid  }
0x8b: {  	s0 =	sand.u32 $0x1, s1  }
0x8c: {  	s17 =	sshll.u32 s0, $0xA;
	s2 =	sadd.s32 s3, s2  }
0x8d: {  	s2 =	sadd.s32 s2, s17  }
0x8e: {  	[smem:$0x3FC3] =	sst s2  }
0x8f: {  	_ = 	snop  }
0x90: {  	s2 =	sld [smem:$0x3FC5];
	(tm) =	ssettm $0x1  }
0x91: {  	s18 =	sld [smem:$0x3FFB];
	_ =	sdelay $0x3  }
0x92: {  	_ =	strace s18  }
0x93: {  	s3 =	sld [smem:$0x3FFC];
	_ =	sdelay $0x3  }
0x94: {  	_ =	strace s3  }
0x95: {  	s3 =	sld [smem:$0x3FFD];
	_ =	sdelay $0x3  }
0x96: {  	_ =	strace s3  }
0x97: {  	_ =	strace $0x8FFFFFFF  }
0x98: {  	s19 =	sld [smem:$0x3FDB];
	_ =	sdelay $0x1  }
0x99: {  	s4 =	simm.s32 $_scs_section_size  }
0x9a: {  	s5 =	simm.s32 $_size__tile_overlayer_lowered;
	s6 =	simm.s32 $_tile_overlayer_lowered  }
0x9b: {  	s22 =	simm.s32 $0x1BFF;
	s21 =	sshll.u32 s6, $0x1;
	s3 =	sadd.s32 s4, s19  }
0x9c: {  	s7 =	simm.s32 $0x0;
	s20 =	sshll.u32 s5, $0x1;
	s5 =	sadd.s32 s21, s3  }
0x9d: {  	[timem:s7], [sflag:s22] =	dma.local [hbm:s5], s20  }
0x9e: {  	_ =	swait.ge [sflag:s22], s20  }
0x9f: {  	s4 =	ssub.s32 $0x0, s20;
	[sflag:s22] =	ssyncset.done $0x0  }
0xa0: {  	[sflag:s22] =	ssyncadd.s32 s4;
	_ =	sdelay $0x1  }
0xa1: {  	s23 =	simm.s32 $0x1B8B  }
0xa2: {  	_ =	swait.ge [sflag:s23], $0x1  }
0xa3: {  	[sflag:s23] =	ssyncset.done $0x0  }
0xa4: {  	s25 =	simm.s32 $0x1B8E;
	s24 =	sld [smem:$0x3FFE];
	[sflag:s23] =	ssyncadd.s32 $0xFFFFFFFF  }
0xa5: {  	s26 =	simm.s32 $execute0_lowered;
	[smem:$0x3FD2] =	sst s25  }
0xa6: {  	s5 =	sshll.u32 s26, $0x1;
	_ =	strace $0x80000055;
	[dreg:$0x1] =	wrdreg $0xFFFFFFFF  }
0xa7: {  	s28 =	simm.s32 $_size_execute0_lowered;
	s3 =	sadd.s32 s3, s5;
	[dreg:$0x0] =	wrdreg $0x0  }
0xa8: {  	s5 =	sshll.u32 s28, $0x1;
	[dreg:$0x2] =	wrdreg s3  }
0xa9: {  	[dreg:$0x3] =	wrdreg s5  }
0xaa: {  	[dreg:$0x4] =	wrdreg $0xC0  }
0xab: {  	_ =	task [dreg:s7], $0x5FFFF  }
0xac: {  	[dreg:$0x1] =	wrdreg $0xFFFFFFFF  }
0xad: {  	[dreg:$0x0] =	wrdreg $0x60  }
0xae: {  	[dreg:$0x2] =	wrdreg s2  }
0xaf: {  	[dreg:$0x3] =	wrdreg s24  }
0xb0: {  	[dreg:$0x4] =	wrdreg $0x9  }
0xb1: {  	_ =	task.clear_ibuf [dreg:s7], $0x5FFFF;
	_ =	strace $0x90000055  }
0xb2: {  	s29 =	simm.s32 $0x9;
	_ =	strace $0x80000057  }
0xb3: {  	_ =	swait.ge [sflag:s29], $0x1  }
0xb4: {  	[sflag:s29] =	ssyncadd.s32 $0xFFFFFFFF  }
0xb5: {  	_ =	strace $0x90000057  }
0xb6: {  	_ =	sfence  }
0xb7: {  	s30 =	sld [smem:$0x0];
	_ =	sdelay $0x2  }
0xb8: {  	s31 =	sshll.u32 s1, $0xD;
	s1 =	sshrl.u32 s1, $0x2  }
0xb9: {  	s3 =	sand.u32 $0x4000, s31;
	s1 =	sadd.s32 s1, s30  }
0xba: {  	s0 =	sor.u32 s3, s0;
	s1 =	sshll.u32 s1, $0x11  }
0xbb: {  	s0 =	sor.u32 s1, s0  }
0xbc: {  	s0 =	sadd.s32 $0x8F2B, s0  }
0xbd: {  	[sflag:s0] =	ssyncadd.remote.s32 $0x1  }
0xbe: {  	_ =	sfence.sel $0xFFFF  }
0xbf: {  	[dreg:$0x0] =	wrdreg $0xFFFFFFFF;
	(pc) =	sbr.abs _section_cstart, $3  }
0xc0: {  	[dreg:$0x1] =	wrdreg $0xFFFFFFFF  }
0xc1: {  	_ =	task.clear_ibuf [dreg:s7], $0x2FFFF;
	_ =	strace $0x9FFFFFFF  }
0xc2: {  	(tm) =	ssettm $0x7FFFFFFF  }
0xc3: {  	_ =	shalt  }
tec
execute0_lowered:
.L_overlay_start_1:
0x0: {  	(tag) =	ssettag $0x1  }
0x1: {  	s0 =	rddreg [dreg:$0x0]  }
0x2: {  	s1 =	rddreg [dreg:$0x1]  }
0x3: {  	s2 =	srdreg.scid;
	s4 =	stileid.u32;
	s8 =	simm.s32 $0x800  }
0x4: {  	s15 =	simm.s32 $0x1;
	s16 =	simm.s32 $0x6000;
	s17 =	simm.s32 $0x4000  }
0x5: {  	s18 =	simm.s32 $0x2;
	s19 =	simm.s32 $0x6800;
	s20 =	simm.s32 $0x4800  }
0x6: {  	s21 =	simm.s32 $0x3;
	s22 =	simm.s32 $0x7000;
	s23 =	simm.s32 $0x5000  }
0x7: {  	s24 =	simm.s32 $0x4;
	s28 =	simm.s32 $0x5;
	s29 =	simm.s32 $0x6  }
0x8: {  	s30 =	simm.s32 $0x7;
	s31 =	simm.s32 $0x8;
	s3 =	sand.u32 $0x1, s2  }
0x9: {  	s2 =	simm.s32 $0x0;
	s4 =	sshll.u32 s4, $0xE;
	s5 =	sshll.u32 s3, $0xD  }
0xa: {  	[smem:$0x7FF] =	sst s2;
	s6 =	ssub.s32 $0x2, s3;
	s3 =	sadd.s32 $0x3E00, s1  }
0xb: {  	s7 =	sor.u32 s5, s4;
	_ =	strace $0x80000056;
	s25 =	sshrl.u32 s6, $0x1  }
0xc: {  	s5 =	sshrl.u32 s7, $0x3;
	s26 =	ssub.s32 s6, s25;
	s6 =	sor.u32 $0x70, s7  }
0xd: {  	s7 =	simm.s32 $0x9;
	s25 =	simm.s32 $0x7800;
	s4 =	sadd.s32 s0, s5  }
0xe: {  	v0 =	vlaneseq.u32;
	s5 =	smax.u32 s26, $0x1;
	s26 =	simm.s32 $0x5800;
	s0 =	simm.s32 $0x0  }
.LBB2_1:
0xf: {  	[tilespmem:s2], [sflag:$0x9] =	stream.linear.gather [hbm4b:s4+s2], $0x2000, $0x38;
	[tilespmem:$0x8000] =	vst v63  }
0x10: {  	_ =	swait.ge [sflag:s7], $0x2000  }
0x11: {  	s9 =	sadd.s32 $0xFFFFFFF0, s6;
	[sflag:s7] =	ssyncset.done $0x0  }
0x12: {  	s1 =	simm.s32 $0x4040;
	s10 =	sadd.s32 $0xFFFFFFA0, s6;
	v1 =	vor.u32 s9, v0;
	[sflag:s7] =	ssyncadd.s32 $0xFFFFE000  }
0x13: {  	s13 =	sadd.s32 $0xFFFFFFD0, s6;
	v2 =	vor.u32 s10, v0;
	[tilespmem:s1+$0x20] =	vst v1  }
0x14: {  	s10 =	sadd.s32 $0xFFFFFFB0, s6;
	v3 =	vor.u32 s13, v0;
	[tilespmem:s1+$0xFFFFFFD0] =	vst v2  }
0x15: {  	s11 =	sadd.s32 $0xFFFFFF90, s6;
	v1 =	vor.u32 s10, v0;
	[tilespmem:s1+$0x0] =	vst v3  }
0x16: {  	s12 =	sadd.s32 $0xFFFFFFC0, s6;
	v2 =	vor.u32 s11, v0;
	[tilespmem:s1+$0xFFFFFFE0] =	vst v1  }
0x17: {  	s14 =	sadd.s32 $0xFFFFFFE0, s6;
	v1 =	vor.u32 s12, v0;
	[tilespmem:s1+$0xFFFFFFC0] =	vst v2  }
0x18: {  	s9 =	simm.s32 $0x0;
	s10 =	sadd.s32 $0x80, s6;
	v2 =	vor.u32 s14, v0;
	[tilespmem:s1+$0xFFFFFFF0] =	vst v1;
	v1 =	vor.u32 s6, v0  }
.LBB2_2:
0x19: {  	s11 =	sadd.s32 $0xFFFFFFA0, s10;
	s12 =	sadd.s32 $0xFFFFFFF0, s10;
	v3 =	vor.u32 s10, v0;
	s9 =	sadd.s32 $0x8, s9;
	[tilespmem:s1+$0x10] =	vst v2  }
0x1a: {  	v2 =	vor.u32 s11, v0;
	s11 =	sadd.s32 $0xFFFFFFB0, s10;
	v4 =	vor.u32 s12, v0;
	p0 =	slt.u32 s9, $0x1F8;
	[tilespmem:s1+$0x30] =	vst v1;
	s1 =	sadd.s32 $0x80, s1;
	v1 =	vmov v3  }
0x1b: {  	s13 =	sadd.s32 $0xFFFFFFE0, s10;
	s12 =	sadd.s32 $0xFFFFFFD0, s10;
	v3 =	vor.u32 s11, v0;
	s11 =	sadd.s32 $0xFFFFFFC0, s10;
	[tilespmem:s1+$0x20] =	vst v4  }
.Ltmp0:
0x1c: {  	s14 =	sadd.s32 $0xFFFFFF90, s10;
	v5 =	vor.u32 s12, v0;
	[tilespmem:s1+$0xFFFFFFD0] =	vst v2;
	v4 =	vor.u32 s11, v0;
	v2 =	vor.u32 s13, v0;
	(pc) =	sbr.rel @p0 .LBB2_2-.Ltmp0, $4  }
0x1d: {  	v6 =	vor.u32 s14, v0;
	[tilespmem:s1+$0xFFFFFFE0] =	vst v3  }
0x1e: {  	[tilespmem:s1+$0xFFFFFFC0] =	vst v6  }
0x1f: {  	[tilespmem:s1+$0xFFFFFFF0] =	vst v4  }
0x20: {  	s10 =	sadd.s32 $0x80, s10;
	[tilespmem:s1+$0x0] =	vst v5  }
0x21: {  	[tilespmem:s1+$0x10] =	vst v2  }
0x22: {  	[tilespmem:s1+$0x30] =	vst v1;
	s10 =	simm.s32 $0x2000  }
0x23: {  	[tilespmem:s10], [sflag:$0x1] =	stream.indirect.gather [hbm4b:s3+s8], $0x1, s2, s8, $0xb8;
	[tilespmem:$0x8000] =	vst v63  }
0x24: {  	s11 =	simm.s32 $0x2800  }
0x25: {  	[tilespmem:s11], [sflag:$0x2] =	stream.indirect.gather [hbm4b:s3+s8], $0x1, s8, s8, $0xb8;
	[tilespmem:$0x8000] =	vst v63  }
0x26: {  	s12 =	simm.s32 $0x1000;
	s9 =	simm.s32 $0x3000  }
0x27: {  	[tilespmem:s9], [sflag:$0x3] =	stream.indirect.gather [hbm4b:s3+s8], $0x1, s12, s8, $0xb8;
	[tilespmem:$0x8000] =	vst v63  }
0x28: {  	s13 =	simm.s32 $0x1800;
	s14 =	simm.s32 $0x3800  }
0x29: {  	[tilespmem:s14], [sflag:$0x4] =	stream.indirect.gather [hbm4b:s3+s8], $0x1, s13, s8, $0xb8;
	[tilespmem:$0x8000] =	vst v63  }
0x2a: {  	_ =	swait.ge [sflag:s15], $0x800  }
0x2b: {  	[sflag:s15] =	ssyncset.done $0x0  }
0x2c: {  	s10 =	simm.s32 $0x2040;
	[sflag:s15] =	ssyncadd.s32 $0xFFFFF800  }
0x2d: {  	s1 =	simm.s32 $0x4040;
	v1 =	vld [tilespmem:s10+$0x30]  }
0x2e: {  	s9 =	simm.s32 $0x40;
	v2 =	vld [tilespmem:s1+$0x30]  }
0x2f: {  	v3 =	vld [tilespmem:s9+$0x30]  }
0x30: {  	v4 =	vld [tilespmem:s1+$0xFFFFFFC0]  }
0x31: {  	v5 =	vld [tilespmem:s10+$0xFFFFFFD0]  }
0x32: {  	v6 =	vld [tilespmem:s1+$0xFFFFFFD0]  }
0x33: {  	v7 =	vld [tilespmem:s10+$0xFFFFFFE0]  }
0x34: {  	v8 =	vld [tilespmem:s1+$0xFFFFFFE0]  }
0x35: {  	v9 =	vld [tilespmem:s10+$0xFFFFFFF0]  }
0x36: {  	v10 =	vld [tilespmem:s1+$0xFFFFFFF0]  }
0x37: {  	v11 =	vld [tilespmem:s10+$0x0]  }
0x38: {  	v12 =	vld [tilespmem:s1+$0x0]  }
0x39: {  	v13 =	vld [tilespmem:s10+$0x10]  }
0x3a: {  	v15 =	vld [tilespmem:s10+$0xFFFFFFC0]  }
0x3b: {  	v14 =	vld [tilespmem:s1+$0x10]  }
0x3c: {  	v16 =	vld [tilespmem:s10+$0x20]  }
0x3d: {  	v17 =	vld [tilespmem:s1+$0x20]  }
0x3e: {  	v18 =	vld [tilespmem:s9+$0xFFFFFFC0];
	vm0 =	vlt.s32 v1, v2  }
0x3f: {  	v20 =	vld [tilespmem:s9+$0xFFFFFFD0];
	v1 =	vadd.s32 $0x400000, v2;
	vm5 =	vlt.s32 v5, v6;
	vm4 =	vlt.s32 v15, v4  }
0x40: {  	v5 =	vadd.s32 $0x400000, v4;
	v19 =	vsel vm0, v3, v1;
	vm0 =	vlt.s32 v7, v8;
	v7 =	vld [tilespmem:s9+$0xFFFFFFE0]  }
0x41: {  	v63 =	vadd.s32 $0x400000, v6;
	vm1 =	vlt.s32 v9, v10;
	v6 =	vld [tilespmem:s9+$0xFFFFFFF0];
	v2 =	vadd.s32 $0x400000, v10  }
0x42: {  	s10 =	simm.s32 $0x6040;
	vm2 =	vlt.s32 v11, v12;
	vm3 =	vlt.s32 v13, v14;
	v1 =	vadd.s32 $0x400000, v8;
	v8 =	vld [tilespmem:s9+$0x0]  }
0x43: {  	v4 =	vadd.s32 $0x400000, v14;
	v9 =	vld [tilespmem:s9+$0x10];
	v3 =	vadd.s32 $0x400000, v12;
	v10 =	vsel vm4, v18, v5;
	[tilespmem:s10+$0x30] =	vst v19  }
0x44: {  	s11 =	simm.s32 $0x0;
	s12 =	simm.s32 $0x20C0;
	vm4 =	vlt.s32 v16, v17;
	v5 =	vadd.s32 $0x400000, v17;
	v11 =	vsel vm5, v20, v63;
	[tilespmem:s10+$0xFFFFFFC0] =	vst v10;
	v10 =	vld [tilespmem:s9+$0x20]  }
.LBB2_4:
0x45: {  	v12 =	vld [tilespmem:s12+$0x30];
	[tilespmem:s10+$0xFFFFFFD0] =	vst v11;
	v1 =	vsel vm0, v7, v1;
	s1 =	sadd.s32 $0x80, s1  }
0x46: {  	s11 =	sadd.s32 $0x8, s11;
	s9 =	sadd.s32 $0x80, s9;
	v7 =	vld [tilespmem:s1+$0x30];
	[tilespmem:s10+$0xFFFFFFE0] =	vst v1;
	v1 =	vsel vm1, v6, v2  }
0x47: {  	p0 =	slt.u32 s11, $0x78;
	v2 =	vld [tilespmem:s9+$0x30];
	[tilespmem:s10+$0xFFFFFFF0] =	vst v1;
	v1 =	vsel vm2, v8, v3  }
0x48: {  	v8 =	vld [tilespmem:s1+$0xFFFFFFC0];
	[tilespmem:s10+$0x0] =	vst v1;
	v1 =	vsel vm3, v9, v4  }
0x49: {  	v3 =	vld [tilespmem:s12+$0xFFFFFFD0];
	[tilespmem:s10+$0x10] =	vst v1;
	v1 =	vsel vm4, v10, v5  }
0x4a: {  	v4 =	vld [tilespmem:s1+$0xFFFFFFD0];
	[tilespmem:s10+$0x20] =	vst v1  }
0x4b: {  	v1 =	vld [tilespmem:s12+$0xFFFFFFE0];
	vm0 =	vlt.s32 v12, v7;
	v5 =	vadd.s32 $0x400000, v7  }
0x4c: {  	s10 =	sadd.s32 $0x80, s10;
	v6 =	vld [tilespmem:s1+$0xFFFFFFE0];
	v2 =	vsel vm0, v2, v5  }
0x4d: {  	v9 =	vadd.s32 $0x400000, v8;
	v5 =	vld [tilespmem:s12+$0xFFFFFFF0];
	[tilespmem:s10+$0x30] =	vst v2  }
0x4e: {  	v2 =	vld [tilespmem:s1+$0xFFFFFFF0]  }
0x4f: {  	vm5 =	vlt.s32 v3, v4;
	v10 =	vadd.s32 $0x400000, v4;
	v3 =	vld [tilespmem:s12+$0x0]  }
0x50: {  	v4 =	vld [tilespmem:s1+$0x0]  }
0x51: {  	vm0 =	vlt.s32 v1, v6;
	v1 =	vadd.s32 $0x400000, v6;
	v6 =	vld [tilespmem:s12+$0x10]  }
0x52: {  	v7 =	vld [tilespmem:s1+$0x10]  }
0x53: {  	vm1 =	vlt.s32 v5, v2;
	v2 =	vadd.s32 $0x400000, v2;
	v5 =	vld [tilespmem:s12+$0x20]  }
0x54: {  	v11 =	vld [tilespmem:s1+$0x20]  }
0x55: {  	v12 =	vld [tilespmem:s12+$0xFFFFFFC0];
	vm2 =	vlt.s32 v3, v4;
	v3 =	vadd.s32 $0x400000, v4  }
0x56: {  	v13 =	vld [tilespmem:s9+$0xFFFFFFC0]  }
0x57: {  	v14 =	vld [tilespmem:s9+$0xFFFFFFD0];
	vm3 =	vlt.s32 v6, v7;
	v4 =	vadd.s32 $0x400000, v7  }
.Ltmp1:
0x58: {  	v7 =	vld [tilespmem:s9+$0xFFFFFFE0];
	(pc) =	sbr.rel @p0 .LBB2_4-.Ltmp1, $4  }
0x59: {  	v6 =	vld [tilespmem:s9+$0xFFFFFFF0];
	vm4 =	vlt.s32 v5, v11;
	v5 =	vadd.s32 $0x400000, v11  }
0x5a: {  	vm6 =	vlt.s32 v12, v8;
	v8 =	vld [tilespmem:s9+$0x0]  }
0x5b: {  	v11 =	vsel vm6, v13, v9;
	v9 =	vld [tilespmem:s9+$0x10]  }
0x5c: {  	s12 =	sadd.s32 $0x80, s12;
	[tilespmem:s10+$0xFFFFFFC0] =	vst v11;
	v11 =	vsel vm5, v14, v10;
	v10 =	vld [tilespmem:s9+$0x20]  }
0x5d: {  	[tilespmem:s10+$0xFFFFFFD0] =	vst v11;
	v1 =	vsel vm0, v7, v1  }
0x5e: {  	[tilespmem:s10+$0xFFFFFFE0] =	vst v1;
	v1 =	vsel vm1, v6, v2  }
0x5f: {  	[tilespmem:s10+$0xFFFFFFF0] =	vst v1;
	v1 =	vsel vm2, v8, v3  }
0x60: {  	[tilespmem:s10+$0x0] =	vst v1;
	v1 =	vsel vm3, v9, v4  }
0x61: {  	[tilespmem:s10+$0x10] =	vst v1;
	v1 =	vsel vm4, v10, v5  }
0x62: {  	[tilespmem:s10+$0x20] =	vst v1  }
0x63: {  	[hbm4b:s3+s8] =	stream.indirect.scatter [tilespmem:s17], [sflag:$0x5], $0x1, s16, s8, $0xb8;
	[tilespmem:$0x8000] =	vst v63  }
0x64: {  	_ =	swait.ge [sflag:s18], $0x800  }
0x65: {  	[sflag:s18] =	ssyncset.done $0x0  }
0x66: {  	s14 =	simm.s32 $0x2870;
	[sflag:s18] =	ssyncadd.s32 $0xFFFFF800  }
0x67: {  	s1 =	simm.s32 $0x4870;
	v1 =	vld [tilespmem:s14+$0x0]  }
0x68: {  	s9 =	simm.s32 $0x870;
	v2 =	vld [tilespmem:s1+$0x0]  }
0x69: {  	v3 =	vld [tilespmem:s9+$0x0]  }
0x6a: {  	v4 =	vld [tilespmem:s1+$0xFFFFFF90]  }
0x6b: {  	v5 =	vld [tilespmem:s14+$0xFFFFFFA0]  }
0x6c: {  	v6 =	vld [tilespmem:s1+$0xFFFFFFA0]  }
0x6d: {  	v7 =	vld [tilespmem:s14+$0xFFFFFFB0]  }
0x6e: {  	v8 =	vld [tilespmem:s1+$0xFFFFFFB0]  }
0x6f: {  	v9 =	vld [tilespmem:s14+$0xFFFFFFC0]  }
0x70: {  	v10 =	vld [tilespmem:s1+$0xFFFFFFC0]  }
0x71: {  	v11 =	vld [tilespmem:s14+$0xFFFFFFD0]  }
0x72: {  	v12 =	vld [tilespmem:s1+$0xFFFFFFD0]  }
0x73: {  	v13 =	vld [tilespmem:s14+$0xFFFFFFE0]  }
0x74: {  	v15 =	vld [tilespmem:s14+$0xFFFFFF90]  }
0x75: {  	v14 =	vld [tilespmem:s1+$0xFFFFFFE0]  }
0x76: {  	v16 =	vld [tilespmem:s14+$0xFFFFFFF0]  }
0x77: {  	v17 =	vld [tilespmem:s1+$0xFFFFFFF0]  }
0x78: {  	v18 =	vld [tilespmem:s9+$0xFFFFFF90];
	vm0 =	vlt.s32 v1, v2  }
0x79: {  	v20 =	vld [tilespmem:s9+$0xFFFFFFA0];
	v1 =	vadd.s32 $0x400000, v2;
	vm5 =	vlt.s32 v5, v6;
	vm4 =	vlt.s32 v15, v4  }
0x7a: {  	v5 =	vadd.s32 $0x400000, v4;
	v19 =	vsel vm0, v3, v1;
	vm0 =	vlt.s32 v7, v8;
	v7 =	vld [tilespmem:s9+$0xFFFFFFB0]  }
0x7b: {  	v63 =	vadd.s32 $0x400000, v6;
	vm1 =	vlt.s32 v9, v10;
	v6 =	vld [tilespmem:s9+$0xFFFFFFC0];
	v2 =	vadd.s32 $0x400000, v10  }
0x7c: {  	s10 =	simm.s32 $0x6870;
	vm2 =	vlt.s32 v11, v12;
	vm3 =	vlt.s32 v13, v14;
	v1 =	vadd.s32 $0x400000, v8;
	v8 =	vld [tilespmem:s9+$0xFFFFFFD0]  }
0x7d: {  	v4 =	vadd.s32 $0x400000, v14;
	v9 =	vld [tilespmem:s9+$0xFFFFFFE0];
	v3 =	vadd.s32 $0x400000, v12;
	v10 =	vsel vm4, v18, v5;
	[tilespmem:s10+$0x0] =	vst v19  }
0x7e: {  	s11 =	simm.s32 $0x80;
	s12 =	simm.s32 $0x28F0;
	vm4 =	vlt.s32 v16, v17;
	v5 =	vadd.s32 $0x400000, v17;
	v11 =	vsel vm5, v20, v63;
	[tilespmem:s10+$0xFFFFFF90] =	vst v10;
	v10 =	vld [tilespmem:s9+$0xFFFFFFF0]  }
.LBB2_6:
0x7f: {  	v12 =	vld [tilespmem:s12+$0x0];
	[tilespmem:s10+$0xFFFFFFA0] =	vst v11;
	v1 =	vsel vm0, v7, v1;
	s1 =	sadd.s32 $0x80, s1  }
0x80: {  	s11 =	sadd.s32 $0x8, s11;
	s9 =	sadd.s32 $0x80, s9;
	v7 =	vld [tilespmem:s1+$0x0];
	[tilespmem:s10+$0xFFFFFFB0] =	vst v1;
	v1 =	vsel vm1, v6, v2  }
0x81: {  	p0 =	slt.u32 s11, $0xF8;
	v2 =	vld [tilespmem:s9+$0x0];
	[tilespmem:s10+$0xFFFFFFC0] =	vst v1;
	v1 =	vsel vm2, v8, v3  }
0x82: {  	v8 =	vld [tilespmem:s1+$0xFFFFFF90];
	[tilespmem:s10+$0xFFFFFFD0] =	vst v1;
	v1 =	vsel vm3, v9, v4  }
0x83: {  	v3 =	vld [tilespmem:s12+$0xFFFFFFA0];
	[tilespmem:s10+$0xFFFFFFE0] =	vst v1;
	v1 =	vsel vm4, v10, v5  }
0x84: {  	v4 =	vld [tilespmem:s1+$0xFFFFFFA0];
	[tilespmem:s10+$0xFFFFFFF0] =	vst v1  }
0x85: {  	v1 =	vld [tilespmem:s12+$0xFFFFFFB0];
	vm0 =	vlt.s32 v12, v7;
	v5 =	vadd.s32 $0x400000, v7  }
0x86: {  	s10 =	sadd.s32 $0x80, s10;
	v6 =	vld [tilespmem:s1+$0xFFFFFFB0];
	v2 =	vsel vm0, v2, v5  }
0x87: {  	v9 =	vadd.s32 $0x400000, v8;
	v5 =	vld [tilespmem:s12+$0xFFFFFFC0];
	[tilespmem:s10+$0x0] =	vst v2  }
0x88: {  	v2 =	vld [tilespmem:s1+$0xFFFFFFC0]  }
0x89: {  	vm5 =	vlt.s32 v3, v4;
	v10 =	vadd.s32 $0x400000, v4;
	v3 =	vld [tilespmem:s12+$0xFFFFFFD0]  }
0x8a: {  	v4 =	vld [tilespmem:s1+$0xFFFFFFD0]  }
0x8b: {  	vm0 =	vlt.s32 v1, v6;
	v1 =	vadd.s32 $0x400000, v6;
	v6 =	vld [tilespmem:s12+$0xFFFFFFE0]  }
0x8c: {  	v7 =	vld [tilespmem:s1+$0xFFFFFFE0]  }
0x8d: {  	vm1 =	vlt.s32 v5, v2;
	v2 =	vadd.s32 $0x400000, v2;
	v5 =	vld [tilespmem:s12+$0xFFFFFFF0]  }
0x8e: {  	v11 =	vld [tilespmem:s1+$0xFFFFFFF0]  }
0x8f: {  	v12 =	vld [tilespmem:s12+$0xFFFFFF90];
	vm2 =	vlt.s32 v3, v4;
	v3 =	vadd.s32 $0x400000, v4  }
0x90: {  	v13 =	vld [tilespmem:s9+$0xFFFFFF90]  }
0x91: {  	v14 =	vld [tilespmem:s9+$0xFFFFFFA0];
	vm3 =	vlt.s32 v6, v7;
	v4 =	vadd.s32 $0x400000, v7  }
.Ltmp2:
0x92: {  	v7 =	vld [tilespmem:s9+$0xFFFFFFB0];
	(pc) =	sbr.rel @p0 .LBB2_6-.Ltmp2, $4  }
0x93: {  	v6 =	vld [tilespmem:s9+$0xFFFFFFC0];
	vm4 =	vlt.s32 v5, v11;
	v5 =	vadd.s32 $0x400000, v11  }
0x94: {  	vm6 =	vlt.s32 v12, v8;
	v8 =	vld [tilespmem:s9+$0xFFFFFFD0]  }
0x95: {  	v11 =	vsel vm6, v13, v9;
	v9 =	vld [tilespmem:s9+$0xFFFFFFE0]  }
0x96: {  	s12 =	sadd.s32 $0x80, s12;
	[tilespmem:s10+$0xFFFFFF90] =	vst v11;
	v11 =	vsel vm5, v14, v10;
	v10 =	vld [tilespmem:s9+$0xFFFFFFF0]  }
0x97: {  	[tilespmem:s10+$0xFFFFFFA0] =	vst v11;
	v1 =	vsel vm0, v7, v1  }
0x98: {  	[tilespmem:s10+$0xFFFFFFB0] =	vst v1;
	v1 =	vsel vm1, v6, v2  }
0x99: {  	[tilespmem:s10+$0xFFFFFFC0] =	vst v1;
	v1 =	vsel vm2, v8, v3  }
0x9a: {  	[tilespmem:s10+$0xFFFFFFD0] =	vst v1;
	v1 =	vsel vm3, v9, v4  }
0x9b: {  	[tilespmem:s10+$0xFFFFFFE0] =	vst v1;
	v1 =	vsel vm4, v10, v5  }
0x9c: {  	[tilespmem:s10+$0xFFFFFFF0] =	vst v1  }
0x9d: {  	[hbm4b:s3+s8] =	stream.indirect.scatter [tilespmem:s20], [sflag:$0x6], $0x1, s19, s8, $0xb8;
	[tilespmem:$0x8000] =	vst v63  }
0x9e: {  	_ =	swait.ge [sflag:s21], $0x800  }
0x9f: {  	[sflag:s21] =	ssyncset.done $0x0  }
0xa0: {  	s14 =	simm.s32 $0x3070;
	[sflag:s21] =	ssyncadd.s32 $0xFFFFF800  }
0xa1: {  	s1 =	simm.s32 $0x5070;
	v1 =	vld [tilespmem:s14+$0x0]  }
0xa2: {  	s9 =	simm.s32 $0x1070;
	v2 =	vld [tilespmem:s1+$0x0]  }
0xa3: {  	v3 =	vld [tilespmem:s9+$0x0]  }
0xa4: {  	v4 =	vld [tilespmem:s1+$0xFFFFFF90]  }
0xa5: {  	v5 =	vld [tilespmem:s14+$0xFFFFFFA0]  }
0xa6: {  	v6 =	vld [tilespmem:s1+$0xFFFFFFA0]  }
0xa7: {  	v7 =	vld [tilespmem:s14+$0xFFFFFFB0]  }
0xa8: {  	v8 =	vld [tilespmem:s1+$0xFFFFFFB0]  }
0xa9: {  	v9 =	vld [tilespmem:s14+$0xFFFFFFC0]  }
0xaa: {  	v10 =	vld [tilespmem:s1+$0xFFFFFFC0]  }
0xab: {  	v11 =	vld [tilespmem:s14+$0xFFFFFFD0]  }
0xac: {  	v12 =	vld [tilespmem:s1+$0xFFFFFFD0]  }
0xad: {  	v13 =	vld [tilespmem:s14+$0xFFFFFFE0]  }
0xae: {  	v15 =	vld [tilespmem:s14+$0xFFFFFF90]  }
0xaf: {  	v14 =	vld [tilespmem:s1+$0xFFFFFFE0]  }
0xb0: {  	v16 =	vld [tilespmem:s14+$0xFFFFFFF0]  }
0xb1: {  	v17 =	vld [tilespmem:s1+$0xFFFFFFF0]  }
0xb2: {  	v18 =	vld [tilespmem:s9+$0xFFFFFF90];
	vm0 =	vlt.s32 v1, v2  }
0xb3: {  	v20 =	vld [tilespmem:s9+$0xFFFFFFA0];
	v1 =	vadd.s32 $0x400000, v2;
	vm5 =	vlt.s32 v5, v6;
	vm4 =	vlt.s32 v15, v4  }
0xb4: {  	v5 =	vadd.s32 $0x400000, v4;
	v19 =	vsel vm0, v3, v1;
	vm0 =	vlt.s32 v7, v8;
	v7 =	vld [tilespmem:s9+$0xFFFFFFB0]  }
0xb5: {  	v63 =	vadd.s32 $0x400000, v6;
	vm1 =	vlt.s32 v9, v10;
	v6 =	vld [tilespmem:s9+$0xFFFFFFC0];
	v2 =	vadd.s32 $0x400000, v10  }
0xb6: {  	s10 =	simm.s32 $0x7070;
	vm2 =	vlt.s32 v11, v12;
	vm3 =	vlt.s32 v13, v14;
	v1 =	vadd.s32 $0x400000, v8;
	v8 =	vld [tilespmem:s9+$0xFFFFFFD0]  }
0xb7: {  	v4 =	vadd.s32 $0x400000, v14;
	v9 =	vld [tilespmem:s9+$0xFFFFFFE0];
	v3 =	vadd.s32 $0x400000, v12;
	v10 =	vsel vm4, v18, v5;
	[tilespmem:s10+$0x0] =	vst v19  }
0xb8: {  	s11 =	simm.s32 $0x100;
	s12 =	simm.s32 $0x30F0;
	vm4 =	vlt.s32 v16, v17;
	v5 =	vadd.s32 $0x400000, v17;
	v11 =	vsel vm5, v20, v63;
	[tilespmem:s10+$0xFFFFFF90] =	vst v10;
	v10 =	vld [tilespmem:s9+$0xFFFFFFF0]  }
.LBB2_8:
0xb9: {  	v12 =	vld [tilespmem:s12+$0x0];
	[tilespmem:s10+$0xFFFFFFA0] =	vst v11;
	v1 =	vsel vm0, v7, v1;
	s1 =	sadd.s32 $0x80, s1  }
0xba: {  	s11 =	sadd.s32 $0x8, s11;
	s9 =	sadd.s32 $0x80, s9;
	v7 =	vld [tilespmem:s1+$0x0];
	[tilespmem:s10+$0xFFFFFFB0] =	vst v1;
	v1 =	vsel vm1, v6, v2  }
0xbb: {  	p0 =	slt.u32 s11, $0x178;
	v2 =	vld [tilespmem:s9+$0x0];
	[tilespmem:s10+$0xFFFFFFC0] =	vst v1;
	v1 =	vsel vm2, v8, v3  }
0xbc: {  	v8 =	vld [tilespmem:s1+$0xFFFFFF90];
	[tilespmem:s10+$0xFFFFFFD0] =	vst v1;
	v1 =	vsel vm3, v9, v4  }
0xbd: {  	v3 =	vld [tilespmem:s12+$0xFFFFFFA0];
	[tilespmem:s10+$0xFFFFFFE0] =	vst v1;
	v1 =	vsel vm4, v10, v5  }
0xbe: {  	v4 =	vld [tilespmem:s1+$0xFFFFFFA0];
	[tilespmem:s10+$0xFFFFFFF0] =	vst v1  }
0xbf: {  	v1 =	vld [tilespmem:s12+$0xFFFFFFB0];
	vm0 =	vlt.s32 v12, v7;
	v5 =	vadd.s32 $0x400000, v7  }
0xc0: {  	s10 =	sadd.s32 $0x80, s10;
	v6 =	vld [tilespmem:s1+$0xFFFFFFB0];
	v2 =	vsel vm0, v2, v5  }
0xc1: {  	v9 =	vadd.s32 $0x400000, v8;
	v5 =	vld [tilespmem:s12+$0xFFFFFFC0];
	[tilespmem:s10+$0x0] =	vst v2  }
0xc2: {  	v2 =	vld [tilespmem:s1+$0xFFFFFFC0]  }
0xc3: {  	vm5 =	vlt.s32 v3, v4;
	v10 =	vadd.s32 $0x400000, v4;
	v3 =	vld [tilespmem:s12+$0xFFFFFFD0]  }
0xc4: {  	v4 =	vld [tilespmem:s1+$0xFFFFFFD0]  }
0xc5: {  	vm0 =	vlt.s32 v1, v6;
	v1 =	vadd.s32 $0x400000, v6;
	v6 =	vld [tilespmem:s12+$0xFFFFFFE0]  }
0xc6: {  	v7 =	vld [tilespmem:s1+$0xFFFFFFE0]  }
0xc7: {  	vm1 =	vlt.s32 v5, v2;
	v2 =	vadd.s32 $0x400000, v2;
	v5 =	vld [tilespmem:s12+$0xFFFFFFF0]  }
0xc8: {  	v11 =	vld [tilespmem:s1+$0xFFFFFFF0]  }
0xc9: {  	v12 =	vld [tilespmem:s12+$0xFFFFFF90];
	vm2 =	vlt.s32 v3, v4;
	v3 =	vadd.s32 $0x400000, v4  }
0xca: {  	v13 =	vld [tilespmem:s9+$0xFFFFFF90]  }
0xcb: {  	v14 =	vld [tilespmem:s9+$0xFFFFFFA0];
	vm3 =	vlt.s32 v6, v7;
	v4 =	vadd.s32 $0x400000, v7  }
.Ltmp3:
0xcc: {  	v7 =	vld [tilespmem:s9+$0xFFFFFFB0];
	(pc) =	sbr.rel @p0 .LBB2_8-.Ltmp3, $4  }
0xcd: {  	v6 =	vld [tilespmem:s9+$0xFFFFFFC0];
	vm4 =	vlt.s32 v5, v11;
	v5 =	vadd.s32 $0x400000, v11  }
0xce: {  	vm6 =	vlt.s32 v12, v8;
	v8 =	vld [tilespmem:s9+$0xFFFFFFD0]  }
0xcf: {  	v11 =	vsel vm6, v13, v9;
	v9 =	vld [tilespmem:s9+$0xFFFFFFE0]  }
0xd0: {  	s12 =	sadd.s32 $0x80, s12;
	[tilespmem:s10+$0xFFFFFF90] =	vst v11;
	v11 =	vsel vm5, v14, v10;
	v10 =	vld [tilespmem:s9+$0xFFFFFFF0]  }
0xd1: {  	[tilespmem:s10+$0xFFFFFFA0] =	vst v11;
	v1 =	vsel vm0, v7, v1  }
0xd2: {  	[tilespmem:s10+$0xFFFFFFB0] =	vst v1;
	v1 =	vsel vm1, v6, v2  }
0xd3: {  	[tilespmem:s10+$0xFFFFFFC0] =	vst v1;
	v1 =	vsel vm2, v8, v3  }
0xd4: {  	[tilespmem:s10+$0xFFFFFFD0] =	vst v1;
	v1 =	vsel vm3, v9, v4  }
0xd5: {  	[tilespmem:s10+$0xFFFFFFE0] =	vst v1;
	v1 =	vsel vm4, v10, v5  }
0xd6: {  	[tilespmem:s10+$0xFFFFFFF0] =	vst v1  }
0xd7: {  	[hbm4b:s3+s8] =	stream.indirect.scatter [tilespmem:s23], [sflag:$0x7], $0x1, s22, s8, $0xb8;
	[tilespmem:$0x8000] =	vst v63  }
0xd8: {  	_ =	swait.ge [sflag:s24], $0x800  }
0xd9: {  	[sflag:s24] =	ssyncset.done $0x0  }
0xda: {  	s14 =	simm.s32 $0x3870;
	[sflag:s24] =	ssyncadd.s32 $0xFFFFF800  }
0xdb: {  	s1 =	simm.s32 $0x5870;
	v1 =	vld [tilespmem:s14+$0x0]  }
0xdc: {  	s9 =	simm.s32 $0x1870;
	v2 =	vld [tilespmem:s1+$0x0]  }
0xdd: {  	v3 =	vld [tilespmem:s9+$0x0]  }
0xde: {  	v4 =	vld [tilespmem:s1+$0xFFFFFF90]  }
0xdf: {  	v5 =	vld [tilespmem:s14+$0xFFFFFFA0]  }
0xe0: {  	v6 =	vld [tilespmem:s1+$0xFFFFFFA0]  }
0xe1: {  	v7 =	vld [tilespmem:s14+$0xFFFFFFB0]  }
0xe2: {  	v8 =	vld [tilespmem:s1+$0xFFFFFFB0]  }
0xe3: {  	v9 =	vld [tilespmem:s14+$0xFFFFFFC0]  }
0xe4: {  	v10 =	vld [tilespmem:s1+$0xFFFFFFC0]  }
0xe5: {  	v11 =	vld [tilespmem:s14+$0xFFFFFFD0]  }
0xe6: {  	v12 =	vld [tilespmem:s1+$0xFFFFFFD0]  }
0xe7: {  	v13 =	vld [tilespmem:s14+$0xFFFFFFE0]  }
0xe8: {  	v15 =	vld [tilespmem:s14+$0xFFFFFF90]  }
0xe9: {  	v14 =	vld [tilespmem:s1+$0xFFFFFFE0]  }
0xea: {  	v16 =	vld [tilespmem:s14+$0xFFFFFFF0]  }
0xeb: {  	v17 =	vld [tilespmem:s1+$0xFFFFFFF0]  }
0xec: {  	v18 =	vld [tilespmem:s9+$0xFFFFFF90];
	vm0 =	vlt.s32 v1, v2  }
0xed: {  	v20 =	vld [tilespmem:s9+$0xFFFFFFA0];
	v1 =	vadd.s32 $0x400000, v2;
	vm5 =	vlt.s32 v5, v6;
	vm4 =	vlt.s32 v15, v4  }
0xee: {  	v5 =	vadd.s32 $0x400000, v4;
	v19 =	vsel vm0, v3, v1;
	vm0 =	vlt.s32 v7, v8;
	v7 =	vld [tilespmem:s9+$0xFFFFFFB0]  }
0xef: {  	v63 =	vadd.s32 $0x400000, v6;
	vm1 =	vlt.s32 v9, v10;
	v6 =	vld [tilespmem:s9+$0xFFFFFFC0];
	v2 =	vadd.s32 $0x400000, v10  }
0xf0: {  	s10 =	simm.s32 $0x7870;
	vm2 =	vlt.s32 v11, v12;
	vm3 =	vlt.s32 v13, v14;
	v1 =	vadd.s32 $0x400000, v8;
	v8 =	vld [tilespmem:s9+$0xFFFFFFD0]  }
0xf1: {  	v4 =	vadd.s32 $0x400000, v14;
	v9 =	vld [tilespmem:s9+$0xFFFFFFE0];
	v3 =	vadd.s32 $0x400000, v12;
	v10 =	vsel vm4, v18, v5;
	[tilespmem:s10+$0x0] =	vst v19  }
0xf2: {  	s11 =	simm.s32 $0x180;
	s12 =	simm.s32 $0x38F0;
	vm4 =	vlt.s32 v16, v17;
	v5 =	vadd.s32 $0x400000, v17;
	v11 =	vsel vm5, v20, v63;
	[tilespmem:s10+$0xFFFFFF90] =	vst v10;
	v10 =	vld [tilespmem:s9+$0xFFFFFFF0]  }
.LBB2_10:
0xf3: {  	v12 =	vld [tilespmem:s12+$0x0];
	[tilespmem:s10+$0xFFFFFFA0] =	vst v11;
	v1 =	vsel vm0, v7, v1;
	s1 =	sadd.s32 $0x80, s1  }
0xf4: {  	s11 =	sadd.s32 $0x8, s11;
	s9 =	sadd.s32 $0x80, s9;
	v7 =	vld [tilespmem:s1+$0x0];
	[tilespmem:s10+$0xFFFFFFB0] =	vst v1;
	v1 =	vsel vm1, v6, v2  }
0xf5: {  	p0 =	slt.u32 s11, $0x1F8;
	v2 =	vld [tilespmem:s9+$0x0];
	[tilespmem:s10+$0xFFFFFFC0] =	vst v1;
	v1 =	vsel vm2, v8, v3  }
0xf6: {  	v8 =	vld [tilespmem:s1+$0xFFFFFF90];
	[tilespmem:s10+$0xFFFFFFD0] =	vst v1;
	v1 =	vsel vm3, v9, v4  }
0xf7: {  	v3 =	vld [tilespmem:s12+$0xFFFFFFA0];
	[tilespmem:s10+$0xFFFFFFE0] =	vst v1;
	v1 =	vsel vm4, v10, v5  }
0xf8: {  	v4 =	vld [tilespmem:s1+$0xFFFFFFA0];
	[tilespmem:s10+$0xFFFFFFF0] =	vst v1  }
0xf9: {  	v1 =	vld [tilespmem:s12+$0xFFFFFFB0];
	vm0 =	vlt.s32 v12, v7;
	v5 =	vadd.s32 $0x400000, v7  }
0xfa: {  	s10 =	sadd.s32 $0x80, s10;
	v6 =	vld [tilespmem:s1+$0xFFFFFFB0];
	v2 =	vsel vm0, v2, v5  }
0xfb: {  	v9 =	vadd.s32 $0x400000, v8;
	v5 =	vld [tilespmem:s12+$0xFFFFFFC0];
	[tilespmem:s10+$0x0] =	vst v2  }
0xfc: {  	v2 =	vld [tilespmem:s1+$0xFFFFFFC0]  }
0xfd: {  	vm5 =	vlt.s32 v3, v4;
	v10 =	vadd.s32 $0x400000, v4;
	v3 =	vld [tilespmem:s12+$0xFFFFFFD0]  }
0xfe: {  	v4 =	vld [tilespmem:s1+$0xFFFFFFD0]  }
0xff: {  	vm0 =	vlt.s32 v1, v6;
	v1 =	vadd.s32 $0x400000, v6;
	v6 =	vld [tilespmem:s12+$0xFFFFFFE0]  }
0x100: {  	v7 =	vld [tilespmem:s1+$0xFFFFFFE0]  }
0x101: {  	vm1 =	vlt.s32 v5, v2;
	v2 =	vadd.s32 $0x400000, v2;
	v5 =	vld [tilespmem:s12+$0xFFFFFFF0]  }
0x102: {  	v11 =	vld [tilespmem:s1+$0xFFFFFFF0]  }
0x103: {  	v12 =	vld [tilespmem:s12+$0xFFFFFF90];
	vm2 =	vlt.s32 v3, v4;
	v3 =	vadd.s32 $0x400000, v4  }
0x104: {  	v13 =	vld [tilespmem:s9+$0xFFFFFF90]  }
0x105: {  	v14 =	vld [tilespmem:s9+$0xFFFFFFA0];
	vm3 =	vlt.s32 v6, v7;
	v4 =	vadd.s32 $0x400000, v7  }
.Ltmp4:
0x106: {  	v7 =	vld [tilespmem:s9+$0xFFFFFFB0];
	(pc) =	sbr.rel @p0 .LBB2_10-.Ltmp4, $4  }
0x107: {  	v6 =	vld [tilespmem:s9+$0xFFFFFFC0];
	vm4 =	vlt.s32 v5, v11;
	v5 =	vadd.s32 $0x400000, v11  }
0x108: {  	vm6 =	vlt.s32 v12, v8;
	v8 =	vld [tilespmem:s9+$0xFFFFFFD0]  }
0x109: {  	v11 =	vsel vm6, v13, v9;
	v9 =	vld [tilespmem:s9+$0xFFFFFFE0]  }
0x10a: {  	s12 =	sadd.s32 $0x80, s12;
	[tilespmem:s10+$0xFFFFFF90] =	vst v11;
	v11 =	vsel vm5, v14, v10;
	v10 =	vld [tilespmem:s9+$0xFFFFFFF0]  }
0x10b: {  	[tilespmem:s10+$0xFFFFFFA0] =	vst v11;
	v1 =	vsel vm0, v7, v1  }
0x10c: {  	[tilespmem:s10+$0xFFFFFFB0] =	vst v1;
	v1 =	vsel vm1, v6, v2  }
0x10d: {  	[tilespmem:s10+$0xFFFFFFC0] =	vst v1;
	v1 =	vsel vm2, v8, v3  }
0x10e: {  	[tilespmem:s10+$0xFFFFFFD0] =	vst v1;
	v1 =	vsel vm3, v9, v4  }
0x10f: {  	[tilespmem:s10+$0xFFFFFFE0] =	vst v1;
	v1 =	vsel vm4, v10, v5  }
0x110: {  	[tilespmem:s10+$0xFFFFFFF0] =	vst v1  }
0x111: {  	[hbm4b:s3+s8] =	stream.indirect.scatter [tilespmem:s26], [sflag:$0x8], $0x1, s25, s8, $0xb8;
	[tilespmem:$0x8000] =	vst v63  }
0x112: {  	_ =	swait.ge [sflag:s28], $0x800  }
0x113: {  	[sflag:s28] =	ssyncset.done $0x0  }
0x114: {  	[sflag:s28] =	ssyncadd.s32 $0xFFFFF800  }
0x115: {  	_ =	swait.ge [sflag:s29], $0x800  }
0x116: {  	[sflag:s29] =	ssyncset.done $0x0  }
0x117: {  	s0 =	sadd.s32 $0x1, s0;
	[sflag:s29] =	ssyncadd.s32 $0xFFFFF800  }
0x118: {  	p0 =	sne.s32 s0, s5;
	_ =	swait.ge [sflag:s30], $0x800  }
.Ltmp5:
0x119: {  	[sflag:s30] =	ssyncset.done $0x0;
	(pc) =	sbr.rel @p0 .LBB2_1-.Ltmp5, $4  }
0x11a: {  	[sflag:s30] =	ssyncadd.s32 $0xFFFFF800  }
0x11b: {  	_ =	swait.ge [sflag:s31], $0x800  }
0x11c: {  	[sflag:s31] =	ssyncset.done $0x0  }
0x11d: {  	[sflag:s31] =	ssyncadd.s32 $0xFFFFF800  }
0x11e: {  	_ =	sfence.sel $0x180000  }
0x11f: {  	[bflag:$0x0] =	sbarrier.arrive $0xFFFF  }
0x120: {  	_ =	strace $0x90000056  }
0x121: {  	s0 =	stileid.u32;
	[bflag:$0x2] =	sbarrier.arrive $0xFFFF  }
0x122: {  	p0 =	sne.s32 s0, $0x0;
	s0 =	rddreg [dreg:$0x2]  }
0x123: {  	s0 =	sadd.s32 @!p0 $0x100000, s0  }
0x124: {  	[sflag:s0] =	ssyncadd.tile.s32 @!p0 $0x1;
	_ =	shalt  }
.Lfunc_end2:
_tile_overlayer_lowered:
.L_overlay_start_2:
0x125: {  	(tag) =	ssettag $0x2  }
0x126: {  	s0 =	rddreg [dreg:$0x0];
	s2 =	stileid.u32  }
0x127: {  	s1 =	rddreg [dreg:$0x1];
	p0 =	sne.s32 s2, $0x0  }
0x128: {  	s3 =	rddreg [dreg:$0x2];
	[bflag:$0x3] =	sbarrier.arrive $0xFFFF;
	s2 =	simm.s32 @!p0 $0x1C09  }
0x129: {  	[timem:s3], [sflag:s2] =	dma.local @!p0 [hbm:s0], s1  }
0x12a: {  	s0 =	simm.s32 @!p0 $0x9  }
0x12b: {  	_ =	swait.ge @!p0 [sflag:s0], s1  }
0x12c: {  	s1 =	ssub.s32 @!p0 $0x0, s1;
	[sflag:s0] =	ssyncset.done @!p0 $0x0  }
0x12d: {  	[sflag:s0] =	ssyncadd.s32 @!p0 s1  }
0x12e: {  	[bflag:$0x3] =	sbarrier.arrive $0xFFFF  }
0x12f: {  	_ =	shalt  }

// kernel: kernel.29.cloned.1.call-start
scs
__scs_entry_jumppad:
0x0: {  	(pc) =	sbr.rel $0x88, $3  }
0x1: {  	(tag) =	ssettag $0x0;
	lr =	simm.s32 $0x1  }
0x2: {  	[smem:$0x3F9C] =	sst lr;
	_ =	strace $0xD0000000  }
0x3: {  	_ = 	snop  }
0x4: {  	_ = 	snop  }
0x5: {  	_ = 	snop  }
0x6: {  	_ = 	snop  }
0x7: {  	_ = 	snop  }
__scs_overlays_trampoline_lowered:
0x8: {  	[smem:$0x3FAB] =	sst s0  }
0x9: {  	[smem:$0x3FAC] =	sst s1  }
0xa: {  	[smem:$0x3FAD] =	sst s2  }
0xb: {  	[smem:$0x3FAE] =	sst s3  }
0xc: {  	[smem:$0x3FAF] =	sst s4  }
0xd: {  	[smem:$0x3FB0] =	sst s5  }
0xe: {  	[smem:$0x3FB1] =	sst s6  }
0xf: {  	[smem:$0x3FB2] =	sst s7  }
0x10: {  	[smem:$0x3FB3] =	sst s8  }
0x11: {  	[smem:$0x3FB4] =	sst s9;
	s0 =	simm.s32 @!p0 $0x0  }
0x12: {  	s1 =	sld [smem:$0x3F9A];
	s0 =	simm.s32 @p0 $0x1  }
0x13: {  	[smem:$0x3FB5] =	sst s0;
	s0 =	simm.s32 @!p1 $0x0  }
0x14: {  	s2 =	sld [smem:$0x3F99];
	s0 =	simm.s32 @p1 $0x1  }
0x15: {  	[smem:$0x3FB6] =	sst s0;
	s0 =	simm.s32 @!p2 $0x0  }
0x16: {  	s3 =	sld [smem:$0x3FDB];
	s0 =	simm.s32 @p2 $0x1  }
0x17: {  	s4 =	simm.s32 $0x1BF5;
	[smem:$0x3FB8] =	sst s0  }
0x18: {  	s0 =	sld [smem:$0x3F9B];
	_ =	swait.ge [sflag:s4], $0x0  }
0x19: {  	s7 =	sld [smem:$0x3F9C]  }
0x1a: {  	s8 =	sadd.s32 $0xFFFFE003, lr  }
0x1b: {  	s9 =	sadd.s32 $0xFFFFFEF7, lr;
	s5 =	simm.s32 $0xFFFFFFFF;
	p2 =	slt.u32 s8, $0xFFFFF086  }
0x1c: {  	p1 =	slt.u32 s9, $0xF7A;
	s5 =	simm.s32 @!p2 $0x0  }
0x1d: {  	s5 =	simm.s32 @p1 $0x1;
	p0 =	seq.s32 s7, s2  }
0x1e: {  	s7 =	smul.u32 @!p0 $0xF7A, s2;
	p2 =	seq.s32 @!p0 s5, $0x0  }
0x1f: {  	s9 =	smul.u32 $0xF7A, s1;
	s8 =	simm.s32 @!p0 $0x1BF5;
	p2 =	por !p2, p0  }
0x20: {  	[sflag:s8] =	ssyncset.s32 @!p0 $0xFFFFF086;
	s6 =	sadd.s32 @!p0 s3, s7;
	s7 =	simm.s32 @!p0 $0x108  }
0x21: {  	s3 =	sadd.s32 s3, s9;
	s6 =	sadd.s32 @!p0 $0x88, s6;
	s7 =	simm.s32 @p2 $0x1082  }
0x22: {  	[simem:s7], [sflag:s8] =	dma.local @!p0 [hbm:s6], $0xF7A  }
0x23: {  	s9 =	sor.u32 $0xD0000000, s2;
	s6 =	simm.s32 $0x108;
	_ =	swait.ge @!p0 [sflag:s8], $0x0  }
0x24: {  	s3 =	sadd.s32 $0x88, s3;
	s6 =	simm.s32 @!p1 $0x1082;
	[sflag:s4] =	ssyncset.s32 $0xFFFFF086  }
0x25: {  	[simem:s6], [sflag:s4] =	dma.local [hbm:s3], $0xF7A  }
0x26: {  	[smem:$0x3F9C] =	sst s1;
	(tag) =	ssettag s2;
	_ =	strace s9  }
0x27: {  	s1 =	sld [smem:$0x3FAC]  }
0x28: {  	s2 =	sld [smem:$0x3FAD]  }
0x29: {  	s4 =	sld [smem:$0x3FAF]  }
0x2a: {  	p0 =	seq.s32 s5, $0x0;
	s5 =	sld [smem:$0x3FB0]  }
0x2b: {  	s6 =	sld [smem:$0x3FB1]  }
0x2c: {  	s7 =	sld [smem:$0x3FB2]  }
0x2d: {  	s3 =	simm.s32 $0x108;
	s8 =	sld [smem:$0x3FB3]  }
0x2e: {  	s3 =	simm.s32 @!p0 $0x1082;
	s9 =	sld [smem:$0x3FB4]  }
0x2f: {  	lr =	sadd.s32 s0, s3;
	s0 =	sld [smem:$0x3FAB]  }
0x30: {  	s3 =	sld [smem:$0x3FAE]  }
0x31: {  	[smem:$0x3FB7] =	sst s10  }
0x32: {  	s10 =	sld [smem:$0x3FB5];
	_ =	sdelay $0x3  }
0x33: {  	p0 =	seq.s32 s10, $0x1;
	s10 =	sld [smem:$0x3FB7];
	_ =	sdelay $0x3  }
0x34: {  	[smem:$0x3FB7] =	sst s10  }
0x35: {  	s10 =	sld [smem:$0x3FB6];
	_ =	sdelay $0x3  }
0x36: {  	p1 =	seq.s32 s10, $0x1;
	s10 =	sld [smem:$0x3FB7];
	_ =	sdelay $0x3  }
0x37: {  	[smem:$0x3FB7] =	sst s10  }
0x38: {  	s10 =	sld [smem:$0x3FB8]  }
0x39: {  	_ = 	snop;
	(pc) =	sbr.ind lr, $3  }
0x3a: {  	_ = 	snop  }
0x3b: {  	_ = 	snop  }
0x3c: {  	p2 =	seq.s32 s10, $0x1;
	s10 =	sld [smem:$0x3FB7]  }
0x3d: {  	_ =	shalt  }
0x3e: {  	_ =	shalt  }
0x3f: {  	_ =	shalt  }
0x40: {  	_ =	shalt  }
0x41: {  	_ =	shalt  }
0x42: {  	_ =	shalt  }
0x43: {  	_ =	shalt  }
0x44: {  	_ =	shalt  }
0x45: {  	_ =	shalt  }
0x46: {  	_ =	shalt  }
0x47: {  	_ =	shalt  }
0x48: {  	_ =	shalt  }
0x49: {  	_ =	shalt  }
0x4a: {  	_ =	shalt  }
0x4b: {  	_ =	shalt  }
0x4c: {  	_ =	shalt  }
0x4d: {  	_ =	shalt  }
0x4e: {  	_ =	shalt  }
0x4f: {  	_ =	shalt  }
0x50: {  	_ =	shalt  }
0x51: {  	_ =	shalt  }
0x52: {  	_ =	shalt  }
0x53: {  	_ =	shalt  }
0x54: {  	_ =	shalt  }
0x55: {  	_ =	shalt  }
0x56: {  	_ =	shalt  }
0x57: {  	_ =	shalt  }
0x58: {  	_ =	shalt  }
0x59: {  	_ =	shalt  }
0x5a: {  	_ =	shalt  }
0x5b: {  	_ =	shalt  }
0x5c: {  	_ =	shalt  }
0x5d: {  	_ =	shalt  }
0x5e: {  	_ =	shalt  }
0x5f: {  	_ =	shalt  }
0x60: {  	_ =	shalt  }
0x61: {  	_ =	shalt  }
0x62: {  	_ =	shalt  }
0x63: {  	_ =	shalt  }
0x64: {  	_ =	shalt  }
0x65: {  	_ =	shalt  }
0x66: {  	_ =	shalt  }
0x67: {  	_ =	shalt  }
0x68: {  	_ =	shalt  }
0x69: {  	_ =	shalt  }
0x6a: {  	_ =	shalt  }
0x6b: {  	_ =	shalt  }
0x6c: {  	_ =	shalt  }
0x6d: {  	_ =	shalt  }
0x6e: {  	_ =	shalt  }
0x6f: {  	_ =	shalt  }
0x70: {  	_ =	shalt  }
0x71: {  	_ =	shalt  }
0x72: {  	_ =	shalt  }
0x73: {  	_ =	shalt  }
0x74: {  	_ =	shalt  }
0x75: {  	_ =	shalt  }
0x76: {  	_ =	shalt  }
0x77: {  	_ =	shalt  }
0x78: {  	_ =	shalt  }
0x79: {  	_ =	shalt  }
0x7a: {  	_ =	shalt  }
0x7b: {  	_ =	shalt  }
0x7c: {  	_ =	shalt  }
0x7d: {  	_ =	shalt  }
0x7e: {  	_ =	shalt  }
0x7f: {  	_ =	shalt  }
0x80: {  	_ =	shalt  }
0x81: {  	_ =	shalt  }
0x82: {  	_ =	shalt  }
0x83: {  	_ =	shalt  }
0x84: {  	_ =	shalt  }
0x85: {  	_ =	shalt  }
0x86: {  	_ =	shalt  }
0x87: {  	_ =	shalt  }
.Lfunc_end0:
.L_simem_size_0:
called_computation.7_lowered:
.L_overlay_start_0:
0x88: {  	s2 =	sld [smem:$0x3FD9]  }
0x89: {  	s3 =	sld [smem:$0x3FFE];
	_ =	sdelay $0x1  }
0x8a: {  	s1 =	srdreg.scid  }
0x8b: {  	s0 =	sand.u32 $0x1, s1  }
0x8c: {  	s17 =	sshll.u32 s0, $0xA;
	s2 =	sadd.s32 s3, s2  }
0x8d: {  	s2 =	sadd.s32 s2, s17  }
0x8e: {  	[smem:$0x3FC3] =	sst s2  }
0x8f: {  	_ = 	snop  }
0x90: {  	s2 =	sld [smem:$0x3FC5];
	(tm) =	ssettm $0x1  }
0x91: {  	s18 =	sld [smem:$0x3FFB];
	_ =	sdelay $0x3  }
0x92: {  	_ =	strace s18  }
0x93: {  	s3 =	sld [smem:$0x3FFC];
	_ =	sdelay $0x3  }
0x94: {  	_ =	strace s3  }
0x95: {  	s3 =	sld [smem:$0x3FFD];
	_ =	sdelay $0x3  }
0x96: {  	_ =	strace s3  }
0x97: {  	_ =	strace $0x8FFFFFFF  }
0x98: {  	s19 =	sld [smem:$0x3FDB];
	_ =	sdelay $0x1  }
0x99: {  	s4 =	simm.s32 $_scs_section_size  }
0x9a: {  	s5 =	simm.s32 $_size__tile_overlayer_lowered;
	s6 =	simm.s32 $_tile_overlayer_lowered  }
0x9b: {  	s22 =	simm.s32 $0x1BFF;
	s21 =	sshll.u32 s6, $0x1;
	s3 =	sadd.s32 s4, s19  }
0x9c: {  	s7 =	simm.s32 $0x0;
	s20 =	sshll.u32 s5, $0x1;
	s5 =	sadd.s32 s21, s3  }
0x9d: {  	[timem:s7], [sflag:s22] =	dma.local [hbm:s5], s20  }
0x9e: {  	_ =	swait.ge [sflag:s22], s20  }
0x9f: {  	s4 =	ssub.s32 $0x0, s20;
	[sflag:s22] =	ssyncset.done $0x0  }
0xa0: {  	[sflag:s22] =	ssyncadd.s32 s4;
	_ =	sdelay $0x1  }
0xa1: {  	s23 =	simm.s32 $0x1B8B  }
0xa2: {  	_ =	swait.ge [sflag:s23], $0x1  }
0xa3: {  	[sflag:s23] =	ssyncset.done $0x0  }
0xa4: {  	s25 =	simm.s32 $0x1B8E;
	s24 =	sld [smem:$0x3FFE];
	[sflag:s23] =	ssyncadd.s32 $0xFFFFFFFF  }
0xa5: {  	s26 =	simm.s32 $execute0_lowered;
	[smem:$0x3FD2] =	sst s25  }
0xa6: {  	s5 =	sshll.u32 s26, $0x1;
	_ =	strace $0x80000058;
	[dreg:$0x1] =	wrdreg $0xFFFFFFFF  }
0xa7: {  	s28 =	simm.s32 $_size_execute0_lowered;
	s3 =	sadd.s32 s3, s5;
	[dreg:$0x0] =	wrdreg $0x0  }
0xa8: {  	s5 =	sshll.u32 s28, $0x1;
	[dreg:$0x2] =	wrdreg s3  }
0xa9: {  	[dreg:$0x3] =	wrdreg s5  }
0xaa: {  	[dreg:$0x4] =	wrdreg $0xC0  }
0xab: {  	_ =	task [dreg:s7], $0x5FFFF  }
0xac: {  	[dreg:$0x1] =	wrdreg $0xFFFFFFFF  }
0xad: {  	[dreg:$0x0] =	wrdreg $0x60  }
0xae: {  	[dreg:$0x2] =	wrdreg s2  }
0xaf: {  	[dreg:$0x3] =	wrdreg s24  }
0xb0: {  	[dreg:$0x4] =	wrdreg $0x9  }
0xb1: {  	_ =	task.clear_ibuf [dreg:s7], $0x5FFFF;
	_ =	strace $0x90000058  }
0xb2: {  	s29 =	simm.s32 $0x9;
	_ =	strace $0x8000005A  }
0xb3: {  	_ =	swait.ge [sflag:s29], $0x1  }
0xb4: {  	[sflag:s29] =	ssyncadd.s32 $0xFFFFFFFF  }
0xb5: {  	_ =	strace $0x9000005A  }
0xb6: {  	_ =	sfence  }
0xb7: {  	s30 =	sld [smem:$0x0];
	_ =	sdelay $0x2  }
0xb8: {  	s31 =	sshll.u32 s1, $0xD;
	s1 =	sshrl.u32 s1, $0x2  }
0xb9: {  	s3 =	sand.u32 $0x4000, s31;
	s1 =	sadd.s32 s1, s30  }
0xba: {  	s0 =	sor.u32 s3, s0;
	s1 =	sshll.u32 s1, $0x11  }
0xbb: {  	s0 =	sor.u32 s1, s0  }
0xbc: {  	s0 =	sadd.s32 $0x8F2B, s0  }
0xbd: {  	[sflag:s0] =	ssyncadd.remote.s32 $0x1  }
0xbe: {  	_ =	sfence.sel $0xFFFF  }
0xbf: {  	[dreg:$0x0] =	wrdreg $0xFFFFFFFF;
	(pc) =	sbr.abs _section_cstart, $3  }
0xc0: {  	[dreg:$0x1] =	wrdreg $0xFFFFFFFF  }
0xc1: {  	_ =	task.clear_ibuf [dreg:s7], $0x2FFFF;
	_ =	strace $0x9FFFFFFF  }
0xc2: {  	(tm) =	ssettm $0x7FFFFFFF  }
0xc3: {  	_ =	shalt  }
tec
execute0_lowered:
.L_overlay_start_1:
0x0: {  	(tag) =	ssettag $0x1  }
0x1: {  	s0 =	rddreg [dreg:$0x0]  }
0x2: {  	s1 =	rddreg [dreg:$0x1]  }
0x3: {  	s2 =	srdreg.scid;
	s4 =	stileid.u32;
	s8 =	simm.s32 $0x800  }
0x4: {  	s15 =	simm.s32 $0x1;
	s16 =	simm.s32 $0x6000;
	s17 =	simm.s32 $0x4000  }
0x5: {  	s18 =	simm.s32 $0x2;
	s19 =	simm.s32 $0x6800;
	s20 =	simm.s32 $0x4800  }
0x6: {  	s21 =	simm.s32 $0x3;
	s22 =	simm.s32 $0x7000;
	s23 =	simm.s32 $0x5000  }
0x7: {  	s24 =	simm.s32 $0x4;
	s28 =	simm.s32 $0x5;
	s29 =	simm.s32 $0x6  }
0x8: {  	s30 =	simm.s32 $0x7;
	s31 =	simm.s32 $0x8;
	s3 =	sand.u32 $0x1, s2  }
0x9: {  	s2 =	simm.s32 $0x0;
	s4 =	sshll.u32 s4, $0xE;
	s5 =	sshll.u32 s3, $0xD  }
0xa: {  	[smem:$0x7FF] =	sst s2;
	s6 =	ssub.s32 $0x2, s3;
	s3 =	sadd.s32 $0x3E00, s1  }
0xb: {  	s7 =	sor.u32 s5, s4;
	_ =	strace $0x80000059;
	s25 =	sshrl.u32 s6, $0x1  }
0xc: {  	s5 =	sshrl.u32 s7, $0x3;
	s26 =	ssub.s32 s6, s25;
	s6 =	sor.u32 $0x70, s7  }
0xd: {  	s7 =	simm.s32 $0x9;
	s25 =	simm.s32 $0x7800;
	s4 =	sadd.s32 s0, s5  }
0xe: {  	v0 =	vlaneseq.u32;
	s5 =	smax.u32 s26, $0x1;
	s26 =	simm.s32 $0x5800;
	s0 =	simm.s32 $0x0  }
.LBB2_1:
0xf: {  	[tilespmem:s2], [sflag:$0x9] =	stream.linear.gather [hbm4b:s4+s2], $0x2000, $0x38;
	[tilespmem:$0x8000] =	vst v63  }
0x10: {  	_ =	swait.ge [sflag:s7], $0x2000  }
0x11: {  	s9 =	sadd.s32 $0xFFFFFFF0, s6;
	[sflag:s7] =	ssyncset.done $0x0  }
0x12: {  	s1 =	simm.s32 $0x4040;
	s10 =	sadd.s32 $0xFFFFFFA0, s6;
	v1 =	vor.u32 s9, v0;
	[sflag:s7] =	ssyncadd.s32 $0xFFFFE000  }
0x13: {  	s13 =	sadd.s32 $0xFFFFFFD0, s6;
	v2 =	vor.u32 s10, v0;
	[tilespmem:s1+$0x20] =	vst v1  }
0x14: {  	s10 =	sadd.s32 $0xFFFFFFB0, s6;
	v3 =	vor.u32 s13, v0;
	[tilespmem:s1+$0xFFFFFFD0] =	vst v2  }
0x15: {  	s11 =	sadd.s32 $0xFFFFFF90, s6;
	v1 =	vor.u32 s10, v0;
	[tilespmem:s1+$0x0] =	vst v3  }
0x16: {  	s12 =	sadd.s32 $0xFFFFFFC0, s6;
	v2 =	vor.u32 s11, v0;
	[tilespmem:s1+$0xFFFFFFE0] =	vst v1  }
0x17: {  	s14 =	sadd.s32 $0xFFFFFFE0, s6;
	v1 =	vor.u32 s12, v0;
	[tilespmem:s1+$0xFFFFFFC0] =	vst v2  }
0x18: {  	s9 =	simm.s32 $0x0;
	s10 =	sadd.s32 $0x80, s6;
	v2 =	vor.u32 s14, v0;
	[tilespmem:s1+$0xFFFFFFF0] =	vst v1;
	v1 =	vor.u32 s6, v0  }
.LBB2_2:
0x19: {  	s11 =	sadd.s32 $0xFFFFFFA0, s10;
	s12 =	sadd.s32 $0xFFFFFFF0, s10;
	v3 =	vor.u32 s10, v0;
	s9 =	sadd.s32 $0x8, s9;
	[tilespmem:s1+$0x10] =	vst v2  }
0x1a: {  	v2 =	vor.u32 s11, v0;
	s11 =	sadd.s32 $0xFFFFFFB0, s10;
	v4 =	vor.u32 s12, v0;
	p0 =	slt.u32 s9, $0x1F8;
	[tilespmem:s1+$0x30] =	vst v1;
	s1 =	sadd.s32 $0x80, s1;
	v1 =	vmov v3  }
0x1b: {  	s13 =	sadd.s32 $0xFFFFFFE0, s10;
	s12 =	sadd.s32 $0xFFFFFFD0, s10;
	v3 =	vor.u32 s11, v0;
	s11 =	sadd.s32 $0xFFFFFFC0, s10;
	[tilespmem:s1+$0x20] =	vst v4  }
.Ltmp0:
0x1c: {  	s14 =	sadd.s32 $0xFFFFFF90, s10;
	v5 =	vor.u32 s12, v0;
	[tilespmem:s1+$0xFFFFFFD0] =	vst v2;
	v4 =	vor.u32 s11, v0;
	v2 =	vor.u32 s13, v0;
	(pc) =	sbr.rel @p0 .LBB2_2-.Ltmp0, $4  }
0x1d: {  	v6 =	vor.u32 s14, v0;
	[tilespmem:s1+$0xFFFFFFE0] =	vst v3  }
0x1e: {  	[tilespmem:s1+$0xFFFFFFC0] =	vst v6  }
0x1f: {  	[tilespmem:s1+$0xFFFFFFF0] =	vst v4  }
0x20: {  	s10 =	sadd.s32 $0x80, s10;
	[tilespmem:s1+$0x0] =	vst v5  }
0x21: {  	[tilespmem:s1+$0x10] =	vst v2  }
0x22: {  	[tilespmem:s1+$0x30] =	vst v1;
	s10 =	simm.s32 $0x2000  }
0x23: {  	[tilespmem:s10], [sflag:$0x1] =	stream.indirect.gather [hbm4b:s3+s8], $0x1, s2, s8, $0xb8;
	[tilespmem:$0x8000] =	vst v63  }
0x24: {  	s11 =	simm.s32 $0x2800  }
0x25: {  	[tilespmem:s11], [sflag:$0x2] =	stream.indirect.gather [hbm4b:s3+s8], $0x1, s8, s8, $0xb8;
	[tilespmem:$0x8000] =	vst v63  }
0x26: {  	s12 =	simm.s32 $0x1000;
	s9 =	simm.s32 $0x3000  }
0x27: {  	[tilespmem:s9], [sflag:$0x3] =	stream.indirect.gather [hbm4b:s3+s8], $0x1, s12, s8, $0xb8;
	[tilespmem:$0x8000] =	vst v63  }
0x28: {  	s13 =	simm.s32 $0x1800;
	s14 =	simm.s32 $0x3800  }
0x29: {  	[tilespmem:s14], [sflag:$0x4] =	stream.indirect.gather [hbm4b:s3+s8], $0x1, s13, s8, $0xb8;
	[tilespmem:$0x8000] =	vst v63  }
0x2a: {  	_ =	swait.ge [sflag:s15], $0x800  }
0x2b: {  	[sflag:s15] =	ssyncset.done $0x0  }
0x2c: {  	s10 =	simm.s32 $0x2040;
	[sflag:s15] =	ssyncadd.s32 $0xFFFFF800  }
0x2d: {  	s1 =	simm.s32 $0x4040;
	v1 =	vld [tilespmem:s10+$0x30]  }
0x2e: {  	s9 =	simm.s32 $0x40;
	v2 =	vld [tilespmem:s1+$0x30]  }
0x2f: {  	v3 =	vld [tilespmem:s9+$0x30]  }
0x30: {  	v4 =	vld [tilespmem:s1+$0xFFFFFFC0]  }
0x31: {  	v5 =	vld [tilespmem:s10+$0xFFFFFFD0]  }
0x32: {  	v6 =	vld [tilespmem:s1+$0xFFFFFFD0]  }
0x33: {  	v7 =	vld [tilespmem:s10+$0xFFFFFFE0]  }
0x34: {  	v8 =	vld [tilespmem:s1+$0xFFFFFFE0]  }
0x35: {  	v9 =	vld [tilespmem:s10+$0xFFFFFFF0]  }
0x36: {  	v10 =	vld [tilespmem:s1+$0xFFFFFFF0]  }
0x37: {  	v11 =	vld [tilespmem:s10+$0x0]  }
0x38: {  	v12 =	vld [tilespmem:s1+$0x0]  }
0x39: {  	v13 =	vld [tilespmem:s10+$0x10]  }
0x3a: {  	v15 =	vld [tilespmem:s10+$0xFFFFFFC0]  }
0x3b: {  	v14 =	vld [tilespmem:s1+$0x10]  }
0x3c: {  	v16 =	vld [tilespmem:s10+$0x20]  }
0x3d: {  	v17 =	vld [tilespmem:s1+$0x20]  }
0x3e: {  	v18 =	vld [tilespmem:s9+$0xFFFFFFC0];
	vm0 =	vlt.s32 v1, v2  }
0x3f: {  	v20 =	vld [tilespmem:s9+$0xFFFFFFD0];
	v1 =	vadd.s32 $0x400000, v2;
	vm5 =	vlt.s32 v5, v6;
	vm4 =	vlt.s32 v15, v4  }
0x40: {  	v5 =	vadd.s32 $0x400000, v4;
	v19 =	vsel vm0, v3, v1;
	vm0 =	vlt.s32 v7, v8;
	v7 =	vld [tilespmem:s9+$0xFFFFFFE0]  }
0x41: {  	v63 =	vadd.s32 $0x400000, v6;
	vm1 =	vlt.s32 v9, v10;
	v6 =	vld [tilespmem:s9+$0xFFFFFFF0];
	v2 =	vadd.s32 $0x400000, v10  }
0x42: {  	s10 =	simm.s32 $0x6040;
	vm2 =	vlt.s32 v11, v12;
	vm3 =	vlt.s32 v13, v14;
	v1 =	vadd.s32 $0x400000, v8;
	v8 =	vld [tilespmem:s9+$0x0]  }
0x43: {  	v4 =	vadd.s32 $0x400000, v14;
	v9 =	vld [tilespmem:s9+$0x10];
	v3 =	vadd.s32 $0x400000, v12;
	v10 =	vsel vm4, v18, v5;
	[tilespmem:s10+$0x30] =	vst v19  }
0x44: {  	s11 =	simm.s32 $0x0;
	s12 =	simm.s32 $0x20C0;
	vm4 =	vlt.s32 v16, v17;
	v5 =	vadd.s32 $0x400000, v17;
	v11 =	vsel vm5, v20, v63;
	[tilespmem:s10+$0xFFFFFFC0] =	vst v10;
	v10 =	vld [tilespmem:s9+$0x20]  }
.LBB2_4:
0x45: {  	v12 =	vld [tilespmem:s12+$0x30];
	[tilespmem:s10+$0xFFFFFFD0] =	vst v11;
	v1 =	vsel vm0, v7, v1;
	s1 =	sadd.s32 $0x80, s1  }
0x46: {  	s11 =	sadd.s32 $0x8, s11;
	s9 =	sadd.s32 $0x80, s9;
	v7 =	vld [tilespmem:s1+$0x30];
	[tilespmem:s10+$0xFFFFFFE0] =	vst v1;
	v1 =	vsel vm1, v6, v2  }
0x47: {  	p0 =	slt.u32 s11, $0x78;
	v2 =	vld [tilespmem:s9+$0x30];
	[tilespmem:s10+$0xFFFFFFF0] =	vst v1;
	v1 =	vsel vm2, v8, v3  }
0x48: {  	v8 =	vld [tilespmem:s1+$0xFFFFFFC0];
	[tilespmem:s10+$0x0] =	vst v1;
	v1 =	vsel vm3, v9, v4  }
0x49: {  	v3 =	vld [tilespmem:s12+$0xFFFFFFD0];
	[tilespmem:s10+$0x10] =	vst v1;
	v1 =	vsel vm4, v10, v5  }
0x4a: {  	v4 =	vld [tilespmem:s1+$0xFFFFFFD0];
	[tilespmem:s10+$0x20] =	vst v1  }
0x4b: {  	v1 =	vld [tilespmem:s12+$0xFFFFFFE0];
	vm0 =	vlt.s32 v12, v7;
	v5 =	vadd.s32 $0x400000, v7  }
0x4c: {  	s10 =	sadd.s32 $0x80, s10;
	v6 =	vld [tilespmem:s1+$0xFFFFFFE0];
	v2 =	vsel vm0, v2, v5  }
0x4d: {  	v9 =	vadd.s32 $0x400000, v8;
	v5 =	vld [tilespmem:s12+$0xFFFFFFF0];
	[tilespmem:s10+$0x30] =	vst v2  }
0x4e: {  	v2 =	vld [tilespmem:s1+$0xFFFFFFF0]  }
0x4f: {  	vm5 =	vlt.s32 v3, v4;
	v10 =	vadd.s32 $0x400000, v4;
	v3 =	vld [tilespmem:s12+$0x0]  }
0x50: {  	v4 =	vld [tilespmem:s1+$0x0]  }
0x51: {  	vm0 =	vlt.s32 v1, v6;
	v1 =	vadd.s32 $0x400000, v6;
	v6 =	vld [tilespmem:s12+$0x10]  }
0x52: {  	v7 =	vld [tilespmem:s1+$0x10]  }
0x53: {  	vm1 =	vlt.s32 v5, v2;
	v2 =	vadd.s32 $0x400000, v2;
	v5 =	vld [tilespmem:s12+$0x20]  }
0x54: {  	v11 =	vld [tilespmem:s1+$0x20]  }
0x55: {  	v12 =	vld [tilespmem:s12+$0xFFFFFFC0];
	vm2 =	vlt.s32 v3, v4;
	v3 =	vadd.s32 $0x400000, v4  }
0x56: {  	v13 =	vld [tilespmem:s9+$0xFFFFFFC0]  }
0x57: {  	v14 =	vld [tilespmem:s9+$0xFFFFFFD0];
	vm3 =	vlt.s32 v6, v7;
	v4 =	vadd.s32 $0x400000, v7  }
.Ltmp1:
0x58: {  	v7 =	vld [tilespmem:s9+$0xFFFFFFE0];
	(pc) =	sbr.rel @p0 .LBB2_4-.Ltmp1, $4  }
0x59: {  	v6 =	vld [tilespmem:s9+$0xFFFFFFF0];
	vm4 =	vlt.s32 v5, v11;
	v5 =	vadd.s32 $0x400000, v11  }
0x5a: {  	vm6 =	vlt.s32 v12, v8;
	v8 =	vld [tilespmem:s9+$0x0]  }
0x5b: {  	v11 =	vsel vm6, v13, v9;
	v9 =	vld [tilespmem:s9+$0x10]  }
0x5c: {  	s12 =	sadd.s32 $0x80, s12;
	[tilespmem:s10+$0xFFFFFFC0] =	vst v11;
	v11 =	vsel vm5, v14, v10;
	v10 =	vld [tilespmem:s9+$0x20]  }
0x5d: {  	[tilespmem:s10+$0xFFFFFFD0] =	vst v11;
	v1 =	vsel vm0, v7, v1  }
0x5e: {  	[tilespmem:s10+$0xFFFFFFE0] =	vst v1;
	v1 =	vsel vm1, v6, v2  }
0x5f: {  	[tilespmem:s10+$0xFFFFFFF0] =	vst v1;
	v1 =	vsel vm2, v8, v3  }
0x60: {  	[tilespmem:s10+$0x0] =	vst v1;
	v1 =	vsel vm3, v9, v4  }
0x61: {  	[tilespmem:s10+$0x10] =	vst v1;
	v1 =	vsel vm4, v10, v5  }
0x62: {  	[tilespmem:s10+$0x20] =	vst v1  }
0x63: {  	[hbm4b:s3+s8] =	stream.indirect.scatter [tilespmem:s17], [sflag:$0x5], $0x1, s16, s8, $0xb8;
	[tilespmem:$0x8000] =	vst v63  }
0x64: {  	_ =	swait.ge [sflag:s18], $0x800  }
0x65: {  	[sflag:s18] =	ssyncset.done $0x0  }
0x66: {  	s14 =	simm.s32 $0x2870;
	[sflag:s18] =	ssyncadd.s32 $0xFFFFF800  }
0x67: {  	s1 =	simm.s32 $0x4870;
	v1 =	vld [tilespmem:s14+$0x0]  }
0x68: {  	s9 =	simm.s32 $0x870;
	v2 =	vld [tilespmem:s1+$0x0]  }
0x69: {  	v3 =	vld [tilespmem:s9+$0x0]  }
0x6a: {  	v4 =	vld [tilespmem:s1+$0xFFFFFF90]  }
0x6b: {  	v5 =	vld [tilespmem:s14+$0xFFFFFFA0]  }
0x6c: {  	v6 =	vld [tilespmem:s1+$0xFFFFFFA0]  }
0x6d: {  	v7 =	vld [tilespmem:s14+$0xFFFFFFB0]  }
0x6e: {  	v8 =	vld [tilespmem:s1+$0xFFFFFFB0]  }
0x6f: {  	v9 =	vld [tilespmem:s14+$0xFFFFFFC0]  }
0x70: {  	v10 =	vld [tilespmem:s1+$0xFFFFFFC0]  }
0x71: {  	v11 =	vld [tilespmem:s14+$0xFFFFFFD0]  }
0x72: {  	v12 =	vld [tilespmem:s1+$0xFFFFFFD0]  }
0x73: {  	v13 =	vld [tilespmem:s14+$0xFFFFFFE0]  }
0x74: {  	v15 =	vld [tilespmem:s14+$0xFFFFFF90]  }
0x75: {  	v14 =	vld [tilespmem:s1+$0xFFFFFFE0]  }
0x76: {  	v16 =	vld [tilespmem:s14+$0xFFFFFFF0]  }
0x77: {  	v17 =	vld [tilespmem:s1+$0xFFFFFFF0]  }
0x78: {  	v18 =	vld [tilespmem:s9+$0xFFFFFF90];
	vm0 =	vlt.s32 v1, v2  }
0x79: {  	v20 =	vld [tilespmem:s9+$0xFFFFFFA0];
	v1 =	vadd.s32 $0x400000, v2;
	vm5 =	vlt.s32 v5, v6;
	vm4 =	vlt.s32 v15, v4  }
0x7a: {  	v5 =	vadd.s32 $0x400000, v4;
	v19 =	vsel vm0, v3, v1;
	vm0 =	vlt.s32 v7, v8;
	v7 =	vld [tilespmem:s9+$0xFFFFFFB0]  }
0x7b: {  	v63 =	vadd.s32 $0x400000, v6;
	vm1 =	vlt.s32 v9, v10;
	v6 =	vld [tilespmem:s9+$0xFFFFFFC0];
	v2 =	vadd.s32 $0x400000, v10  }
0x7c: {  	s10 =	simm.s32 $0x6870;
	vm2 =	vlt.s32 v11, v12;
	vm3 =	vlt.s32 v13, v14;
	v1 =	vadd.s32 $0x400000, v8;
	v8 =	vld [tilespmem:s9+$0xFFFFFFD0]  }
0x7d: {  	v4 =	vadd.s32 $0x400000, v14;
	v9 =	vld [tilespmem:s9+$0xFFFFFFE0];
	v3 =	vadd.s32 $0x400000, v12;
	v10 =	vsel vm4, v18, v5;
	[tilespmem:s10+$0x0] =	vst v19  }
0x7e: {  	s11 =	simm.s32 $0x80;
	s12 =	simm.s32 $0x28F0;
	vm4 =	vlt.s32 v16, v17;
	v5 =	vadd.s32 $0x400000, v17;
	v11 =	vsel vm5, v20, v63;
	[tilespmem:s10+$0xFFFFFF90] =	vst v10;
	v10 =	vld [tilespmem:s9+$0xFFFFFFF0]  }
.LBB2_6:
0x7f: {  	v12 =	vld [tilespmem:s12+$0x0];
	[tilespmem:s10+$0xFFFFFFA0] =	vst v11;
	v1 =	vsel vm0, v7, v1;
	s1 =	sadd.s32 $0x80, s1  }
0x80: {  	s11 =	sadd.s32 $0x8, s11;
	s9 =	sadd.s32 $0x80, s9;
	v7 =	vld [tilespmem:s1+$0x0];
	[tilespmem:s10+$0xFFFFFFB0] =	vst v1;
	v1 =	vsel vm1, v6, v2  }
0x81: {  	p0 =	slt.u32 s11, $0xF8;
	v2 =	vld [tilespmem:s9+$0x0];
	[tilespmem:s10+$0xFFFFFFC0] =	vst v1;
	v1 =	vsel vm2, v8, v3  }
0x82: {  	v8 =	vld [tilespmem:s1+$0xFFFFFF90];
	[tilespmem:s10+$0xFFFFFFD0] =	vst v1;
	v1 =	vsel vm3, v9, v4  }
0x83: {  	v3 =	vld [tilespmem:s12+$0xFFFFFFA0];
	[tilespmem:s10+$0xFFFFFFE0] =	vst v1;
	v1 =	vsel vm4, v10, v5  }
0x84: {  	v4 =	vld [tilespmem:s1+$0xFFFFFFA0];
	[tilespmem:s10+$0xFFFFFFF0] =	vst v1  }
0x85: {  	v1 =	vld [tilespmem:s12+$0xFFFFFFB0];
	vm0 =	vlt.s32 v12, v7;
	v5 =	vadd.s32 $0x400000, v7  }
0x86: {  	s10 =	sadd.s32 $0x80, s10;
	v6 =	vld [tilespmem:s1+$0xFFFFFFB0];
	v2 =	vsel vm0, v2, v5  }
0x87: {  	v9 =	vadd.s32 $0x400000, v8;
	v5 =	vld [tilespmem:s12+$0xFFFFFFC0];
	[tilespmem:s10+$0x0] =	vst v2  }
0x88: {  	v2 =	vld [tilespmem:s1+$0xFFFFFFC0]  }
0x89: {  	vm5 =	vlt.s32 v3, v4;
	v10 =	vadd.s32 $0x400000, v4;
	v3 =	vld [tilespmem:s12+$0xFFFFFFD0]  }
0x8a: {  	v4 =	vld [tilespmem:s1+$0xFFFFFFD0]  }
0x8b: {  	vm0 =	vlt.s32 v1, v6;
	v1 =	vadd.s32 $0x400000, v6;
	v6 =	vld [tilespmem:s12+$0xFFFFFFE0]  }
0x8c: {  	v7 =	vld [tilespmem:s1+$0xFFFFFFE0]  }
0x8d: {  	vm1 =	vlt.s32 v5, v2;
	v2 =	vadd.s32 $0x400000, v2;
	v5 =	vld [tilespmem:s12+$0xFFFFFFF0]  }
0x8e: {  	v11 =	vld [tilespmem:s1+$0xFFFFFFF0]  }
0x8f: {  	v12 =	vld [tilespmem:s12+$0xFFFFFF90];
	vm2 =	vlt.s32 v3, v4;
	v3 =	vadd.s32 $0x400000, v4  }
0x90: {  	v13 =	vld [tilespmem:s9+$0xFFFFFF90]  }
0x91: {  	v14 =	vld [tilespmem:s9+$0xFFFFFFA0];
	vm3 =	vlt.s32 v6, v7;
	v4 =	vadd.s32 $0x400000, v7  }
.Ltmp2:
0x92: {  	v7 =	vld [tilespmem:s9+$0xFFFFFFB0];
	(pc) =	sbr.rel @p0 .LBB2_6-.Ltmp2, $4  }
0x93: {  	v6 =	vld [tilespmem:s9+$0xFFFFFFC0];
	vm4 =	vlt.s32 v5, v11;
	v5 =	vadd.s32 $0x400000, v11  }
0x94: {  	vm6 =	vlt.s32 v12, v8;
	v8 =	vld [tilespmem:s9+$0xFFFFFFD0]  }
0x95: {  	v11 =	vsel vm6, v13, v9;
	v9 =	vld [tilespmem:s9+$0xFFFFFFE0]  }
0x96: {  	s12 =	sadd.s32 $0x80, s12;
	[tilespmem:s10+$0xFFFFFF90] =	vst v11;
	v11 =	vsel vm5, v14, v10;
	v10 =	vld [tilespmem:s9+$0xFFFFFFF0]  }
0x97: {  	[tilespmem:s10+$0xFFFFFFA0] =	vst v11;
	v1 =	vsel vm0, v7, v1  }
0x98: {  	[tilespmem:s10+$0xFFFFFFB0] =	vst v1;
	v1 =	vsel vm1, v6, v2  }
0x99: {  	[tilespmem:s10+$0xFFFFFFC0] =	vst v1;
	v1 =	vsel vm2, v8, v3  }
0x9a: {  	[tilespmem:s10+$0xFFFFFFD0] =	vst v1;
	v1 =	vsel vm3, v9, v4  }
0x9b: {  	[tilespmem:s10+$0xFFFFFFE0] =	vst v1;
	v1 =	vsel vm4, v10, v5  }
0x9c: {  	[tilespmem:s10+$0xFFFFFFF0] =	vst v1  }
0x9d: {  	[hbm4b:s3+s8] =	stream.indirect.scatter [tilespmem:s20], [sflag:$0x6], $0x1, s19, s8, $0xb8;
	[tilespmem:$0x8000] =	vst v63  }
0x9e: {  	_ =	swait.ge [sflag:s21], $0x800  }
0x9f: {  	[sflag:s21] =	ssyncset.done $0x0  }
0xa0: {  	s14 =	simm.s32 $0x3070;
	[sflag:s21] =	ssyncadd.s32 $0xFFFFF800  }
0xa1: {  	s1 =	simm.s32 $0x5070;
	v1 =	vld [tilespmem:s14+$0x0]  }
0xa2: {  	s9 =	simm.s32 $0x1070;
	v2 =	vld [tilespmem:s1+$0x0]  }
0xa3: {  	v3 =	vld [tilespmem:s9+$0x0]  }
0xa4: {  	v4 =	vld [tilespmem:s1+$0xFFFFFF90]  }
0xa5: {  	v5 =	vld [tilespmem:s14+$0xFFFFFFA0]  }
0xa6: {  	v6 =	vld [tilespmem:s1+$0xFFFFFFA0]  }
0xa7: {  	v7 =	vld [tilespmem:s14+$0xFFFFFFB0]  }
0xa8: {  	v8 =	vld [tilespmem:s1+$0xFFFFFFB0]  }
0xa9: {  	v9 =	vld [tilespmem:s14+$0xFFFFFFC0]  }
0xaa: {  	v10 =	vld [tilespmem:s1+$0xFFFFFFC0]  }
0xab: {  	v11 =	vld [tilespmem:s14+$0xFFFFFFD0]  }
0xac: {  	v12 =	vld [tilespmem:s1+$0xFFFFFFD0]  }
0xad: {  	v13 =	vld [tilespmem:s14+$0xFFFFFFE0]  }
0xae: {  	v15 =	vld [tilespmem:s14+$0xFFFFFF90]  }
0xaf: {  	v14 =	vld [tilespmem:s1+$0xFFFFFFE0]  }
0xb0: {  	v16 =	vld [tilespmem:s14+$0xFFFFFFF0]  }
0xb1: {  	v17 =	vld [tilespmem:s1+$0xFFFFFFF0]  }
0xb2: {  	v18 =	vld [tilespmem:s9+$0xFFFFFF90];
	vm0 =	vlt.s32 v1, v2  }
0xb3: {  	v20 =	vld [tilespmem:s9+$0xFFFFFFA0];
	v1 =	vadd.s32 $0x400000, v2;
	vm5 =	vlt.s32 v5, v6;
	vm4 =	vlt.s32 v15, v4  }
0xb4: {  	v5 =	vadd.s32 $0x400000, v4;
	v19 =	vsel vm0, v3, v1;
	vm0 =	vlt.s32 v7, v8;
	v7 =	vld [tilespmem:s9+$0xFFFFFFB0]  }
0xb5: {  	v63 =	vadd.s32 $0x400000, v6;
	vm1 =	vlt.s32 v9, v10;
	v6 =	vld [tilespmem:s9+$0xFFFFFFC0];
	v2 =	vadd.s32 $0x400000, v10  }
0xb6: {  	s10 =	simm.s32 $0x7070;
	vm2 =	vlt.s32 v11, v12;
	vm3 =	vlt.s32 v13, v14;
	v1 =	vadd.s32 $0x400000, v8;
	v8 =	vld [tilespmem:s9+$0xFFFFFFD0]  }
0xb7: {  	v4 =	vadd.s32 $0x400000, v14;
	v9 =	vld [tilespmem:s9+$0xFFFFFFE0];
	v3 =	vadd.s32 $0x400000, v12;
	v10 =	vsel vm4, v18, v5;
	[tilespmem:s10+$0x0] =	vst v19  }
0xb8: {  	s11 =	simm.s32 $0x100;
	s12 =	simm.s32 $0x30F0;
	vm4 =	vlt.s32 v16, v17;
	v5 =	vadd.s32 $0x400000, v17;
	v11 =	vsel vm5, v20, v63;
	[tilespmem:s10+$0xFFFFFF90] =	vst v10;
	v10 =	vld [tilespmem:s9+$0xFFFFFFF0]  }
.LBB2_8:
0xb9: {  	v12 =	vld [tilespmem:s12+$0x0];
	[tilespmem:s10+$0xFFFFFFA0] =	vst v11;
	v1 =	vsel vm0, v7, v1;
	s1 =	sadd.s32 $0x80, s1  }
0xba: {  	s11 =	sadd.s32 $0x8, s11;
	s9 =	sadd.s32 $0x80, s9;
	v7 =	vld [tilespmem:s1+$0x0];
	[tilespmem:s10+$0xFFFFFFB0] =	vst v1;
	v1 =	vsel vm1, v6, v2  }
0xbb: {  	p0 =	slt.u32 s11, $0x178;
	v2 =	vld [tilespmem:s9+$0x0];
	[tilespmem:s10+$0xFFFFFFC0] =	vst v1;
	v1 =	vsel vm2, v8, v3  }
0xbc: {  	v8 =	vld [tilespmem:s1+$0xFFFFFF90];
	[tilespmem:s10+$0xFFFFFFD0] =	vst v1;
	v1 =	vsel vm3, v9, v4  }
0xbd: {  	v3 =	vld [tilespmem:s12+$0xFFFFFFA0];
	[tilespmem:s10+$0xFFFFFFE0] =	vst v1;
	v1 =	vsel vm4, v10, v5  }
0xbe: {  	v4 =	vld [tilespmem:s1+$0xFFFFFFA0];
	[tilespmem:s10+$0xFFFFFFF0] =	vst v1  }
0xbf: {  	v1 =	vld [tilespmem:s12+$0xFFFFFFB0];
	vm0 =	vlt.s32 v12, v7;
	v5 =	vadd.s32 $0x400000, v7  }
0xc0: {  	s10 =	sadd.s32 $0x80, s10;
	v6 =	vld [tilespmem:s1+$0xFFFFFFB0];
	v2 =	vsel vm0, v2, v5  }
0xc1: {  	v9 =	vadd.s32 $0x400000, v8;
	v5 =	vld [tilespmem:s12+$0xFFFFFFC0];
	[tilespmem:s10+$0x0] =	vst v2  }
0xc2: {  	v2 =	vld [tilespmem:s1+$0xFFFFFFC0]  }
0xc3: {  	vm5 =	vlt.s32 v3, v4;
	v10 =	vadd.s32 $0x400000, v4;
	v3 =	vld [tilespmem:s12+$0xFFFFFFD0]  }
0xc4: {  	v4 =	vld [tilespmem:s1+$0xFFFFFFD0]  }
0xc5: {  	vm0 =	vlt.s32 v1, v6;
	v1 =	vadd.s32 $0x400000, v6;
	v6 =	vld [tilespmem:s12+$0xFFFFFFE0]  }
0xc6: {  	v7 =	vld [tilespmem:s1+$0xFFFFFFE0]  }
0xc7: {  	vm1 =	vlt.s32 v5, v2;
	v2 =	vadd.s32 $0x400000, v2;
	v5 =	vld [tilespmem:s12+$0xFFFFFFF0]  }
0xc8: {  	v11 =	vld [tilespmem:s1+$0xFFFFFFF0]  }
0xc9: {  	v12 =	vld [tilespmem:s12+$0xFFFFFF90];
	vm2 =	vlt.s32 v3, v4;
	v3 =	vadd.s32 $0x400000, v4  }
0xca: {  	v13 =	vld [tilespmem:s9+$0xFFFFFF90]  }
0xcb: {  	v14 =	vld [tilespmem:s9+$0xFFFFFFA0];
	vm3 =	vlt.s32 v6, v7;
	v4 =	vadd.s32 $0x400000, v7  }
.Ltmp3:
0xcc: {  	v7 =	vld [tilespmem:s9+$0xFFFFFFB0];
	(pc) =	sbr.rel @p0 .LBB2_8-.Ltmp3, $4  }
0xcd: {  	v6 =	vld [tilespmem:s9+$0xFFFFFFC0];
	vm4 =	vlt.s32 v5, v11;
	v5 =	vadd.s32 $0x400000, v11  }
0xce: {  	vm6 =	vlt.s32 v12, v8;
	v8 =	vld [tilespmem:s9+$0xFFFFFFD0]  }
0xcf: {  	v11 =	vsel vm6, v13, v9;
	v9 =	vld [tilespmem:s9+$0xFFFFFFE0]  }
0xd0: {  	s12 =	sadd.s32 $0x80, s12;
	[tilespmem:s10+$0xFFFFFF90] =	vst v11;
	v11 =	vsel vm5, v14, v10;
	v10 =	vld [tilespmem:s9+$0xFFFFFFF0]  }
0xd1: {  	[tilespmem:s10+$0xFFFFFFA0] =	vst v11;
	v1 =	vsel vm0, v7, v1  }
0xd2: {  	[tilespmem:s10+$0xFFFFFFB0] =	vst v1;
	v1 =	vsel vm1, v6, v2  }
0xd3: {  	[tilespmem:s10+$0xFFFFFFC0] =	vst v1;
	v1 =	vsel vm2, v8, v3  }
0xd4: {  	[tilespmem:s10+$0xFFFFFFD0] =	vst v1;
	v1 =	vsel vm3, v9, v4  }
0xd5: {  	[tilespmem:s10+$0xFFFFFFE0] =	vst v1;
	v1 =	vsel vm4, v10, v5  }
0xd6: {  	[tilespmem:s10+$0xFFFFFFF0] =	vst v1  }
0xd7: {  	[hbm4b:s3+s8] =	stream.indirect.scatter [tilespmem:s23], [sflag:$0x7], $0x1, s22, s8, $0xb8;
	[tilespmem:$0x8000] =	vst v63  }
0xd8: {  	_ =	swait.ge [sflag:s24], $0x800  }
0xd9: {  	[sflag:s24] =	ssyncset.done $0x0  }
0xda: {  	s14 =	simm.s32 $0x3870;
	[sflag:s24] =	ssyncadd.s32 $0xFFFFF800  }
0xdb: {  	s1 =	simm.s32 $0x5870;
	v1 =	vld [tilespmem:s14+$0x0]  }
0xdc: {  	s9 =	simm.s32 $0x1870;
	v2 =	vld [tilespmem:s1+$0x0]  }
0xdd: {  	v3 =	vld [tilespmem:s9+$0x0]  }
0xde: {  	v4 =	vld [tilespmem:s1+$0xFFFFFF90]  }
0xdf: {  	v5 =	vld [tilespmem:s14+$0xFFFFFFA0]  }
0xe0: {  	v6 =	vld [tilespmem:s1+$0xFFFFFFA0]  }
0xe1: {  	v7 =	vld [tilespmem:s14+$0xFFFFFFB0]  }
0xe2: {  	v8 =	vld [tilespmem:s1+$0xFFFFFFB0]  }
0xe3: {  	v9 =	vld [tilespmem:s14+$0xFFFFFFC0]  }
0xe4: {  	v10 =	vld [tilespmem:s1+$0xFFFFFFC0]  }
0xe5: {  	v11 =	vld [tilespmem:s14+$0xFFFFFFD0]  }
0xe6: {  	v12 =	vld [tilespmem:s1+$0xFFFFFFD0]  }
0xe7: {  	v13 =	vld [tilespmem:s14+$0xFFFFFFE0]  }
0xe8: {  	v15 =	vld [tilespmem:s14+$0xFFFFFF90]  }
0xe9: {  	v14 =	vld [tilespmem:s1+$0xFFFFFFE0]  }
0xea: {  	v16 =	vld [tilespmem:s14+$0xFFFFFFF0]  }
0xeb: {  	v17 =	vld [tilespmem:s1+$0xFFFFFFF0]  }
0xec: {  	v18 =	vld [tilespmem:s9+$0xFFFFFF90];
	vm0 =	vlt.s32 v1, v2  }
0xed: {  	v20 =	vld [tilespmem:s9+$0xFFFFFFA0];
	v1 =	vadd.s32 $0x400000, v2;
	vm5 =	vlt.s32 v5, v6;
	vm4 =	vlt.s32 v15, v4  }
0xee: {  	v5 =	vadd.s32 $0x400000, v4;
	v19 =	vsel vm0, v3, v1;
	vm0 =	vlt.s32 v7, v8;
	v7 =	vld [tilespmem:s9+$0xFFFFFFB0]  }
0xef: {  	v63 =	vadd.s32 $0x400000, v6;
	vm1 =	vlt.s32 v9, v10;
	v6 =	vld [tilespmem:s9+$0xFFFFFFC0];
	v2 =	vadd.s32 $0x400000, v10  }
0xf0: {  	s10 =	simm.s32 $0x7870;
	vm2 =	vlt.s32 v11, v12;
	vm3 =	vlt.s32 v13, v14;
	v1 =	vadd.s32 $0x400000, v8;
	v8 =	vld [tilespmem:s9+$0xFFFFFFD0]  }
0xf1: {  	v4 =	vadd.s32 $0x400000, v14;
	v9 =	vld [tilespmem:s9+$0xFFFFFFE0];
	v3 =	vadd.s32 $0x400000, v12;
	v10 =	vsel vm4, v18, v5;
	[tilespmem:s10+$0x0] =	vst v19  }
0xf2: {  	s11 =	simm.s32 $0x180;
	s12 =	simm.s32 $0x38F0;
	vm4 =	vlt.s32 v16, v17;
	v5 =	vadd.s32 $0x400000, v17;
	v11 =	vsel vm5, v20, v63;
	[tilespmem:s10+$0xFFFFFF90] =	vst v10;
	v10 =	vld [tilespmem:s9+$0xFFFFFFF0]  }
.LBB2_10:
0xf3: {  	v12 =	vld [tilespmem:s12+$0x0];
	[tilespmem:s10+$0xFFFFFFA0] =	vst v11;
	v1 =	vsel vm0, v7, v1;
	s1 =	sadd.s32 $0x80, s1  }
0xf4: {  	s11 =	sadd.s32 $0x8, s11;
	s9 =	sadd.s32 $0x80, s9;
	v7 =	vld [tilespmem:s1+$0x0];
	[tilespmem:s10+$0xFFFFFFB0] =	vst v1;
	v1 =	vsel vm1, v6, v2  }
0xf5: {  	p0 =	slt.u32 s11, $0x1F8;
	v2 =	vld [tilespmem:s9+$0x0];
	[tilespmem:s10+$0xFFFFFFC0] =	vst v1;
	v1 =	vsel vm2, v8, v3  }
0xf6: {  	v8 =	vld [tilespmem:s1+$0xFFFFFF90];
	[tilespmem:s10+$0xFFFFFFD0] =	vst v1;
	v1 =	vsel vm3, v9, v4  }
0xf7: {  	v3 =	vld [tilespmem:s12+$0xFFFFFFA0];
	[tilespmem:s10+$0xFFFFFFE0] =	vst v1;
	v1 =	vsel vm4, v10, v5  }
0xf8: {  	v4 =	vld [tilespmem:s1+$0xFFFFFFA0];
	[tilespmem:s10+$0xFFFFFFF0] =	vst v1  }
0xf9: {  	v1 =	vld [tilespmem:s12+$0xFFFFFFB0];
	vm0 =	vlt.s32 v12, v7;
	v5 =	vadd.s32 $0x400000, v7  }
0xfa: {  	s10 =	sadd.s32 $0x80, s10;
	v6 =	vld [tilespmem:s1+$0xFFFFFFB0];
	v2 =	vsel vm0, v2, v5  }
0xfb: {  	v9 =	vadd.s32 $0x400000, v8;
	v5 =	vld [tilespmem:s12+$0xFFFFFFC0];
	[tilespmem:s10+$0x0] =	vst v2  }
0xfc: {  	v2 =	vld [tilespmem:s1+$0xFFFFFFC0]  }
0xfd: {  	vm5 =	vlt.s32 v3, v4;
	v10 =	vadd.s32 $0x400000, v4;
	v3 =	vld [tilespmem:s12+$0xFFFFFFD0]  }
0xfe: {  	v4 =	vld [tilespmem:s1+$0xFFFFFFD0]  }
0xff: {  	vm0 =	vlt.s32 v1, v6;
	v1 =	vadd.s32 $0x400000, v6;
	v6 =	vld [tilespmem:s12+$0xFFFFFFE0]  }
0x100: {  	v7 =	vld [tilespmem:s1+$0xFFFFFFE0]  }
0x101: {  	vm1 =	vlt.s32 v5, v2;
	v2 =	vadd.s32 $0x400000, v2;
	v5 =	vld [tilespmem:s12+$0xFFFFFFF0]  }
0x102: {  	v11 =	vld [tilespmem:s1+$0xFFFFFFF0]  }
0x103: {  	v12 =	vld [tilespmem:s12+$0xFFFFFF90];
	vm2 =	vlt.s32 v3, v4;
	v3 =	vadd.s32 $0x400000, v4  }
0x104: {  	v13 =	vld [tilespmem:s9+$0xFFFFFF90]  }
0x105: {  	v14 =	vld [tilespmem:s9+$0xFFFFFFA0];
	vm3 =	vlt.s32 v6, v7;
	v4 =	vadd.s32 $0x400000, v7  }
.Ltmp4:
0x106: {  	v7 =	vld [tilespmem:s9+$0xFFFFFFB0];
	(pc) =	sbr.rel @p0 .LBB2_10-.Ltmp4, $4  }
0x107: {  	v6 =	vld [tilespmem:s9+$0xFFFFFFC0];
	vm4 =	vlt.s32 v5, v11;
	v5 =	vadd.s32 $0x400000, v11  }
0x108: {  	vm6 =	vlt.s32 v12, v8;
	v8 =	vld [tilespmem:s9+$0xFFFFFFD0]  }
0x109: {  	v11 =	vsel vm6, v13, v9;
	v9 =	vld [tilespmem:s9+$0xFFFFFFE0]  }
0x10a: {  	s12 =	sadd.s32 $0x80, s12;
	[tilespmem:s10+$0xFFFFFF90] =	vst v11;
	v11 =	vsel vm5, v14, v10;
	v10 =	vld [tilespmem:s9+$0xFFFFFFF0]  }
0x10b: {  	[tilespmem:s10+$0xFFFFFFA0] =	vst v11;
	v1 =	vsel vm0, v7, v1  }
0x10c: {  	[tilespmem:s10+$0xFFFFFFB0] =	vst v1;
	v1 =	vsel vm1, v6, v2  }
0x10d: {  	[tilespmem:s10+$0xFFFFFFC0] =	vst v1;
	v1 =	vsel vm2, v8, v3  }
0x10e: {  	[tilespmem:s10+$0xFFFFFFD0] =	vst v1;
	v1 =	vsel vm3, v9, v4  }
0x10f: {  	[tilespmem:s10+$0xFFFFFFE0] =	vst v1;
	v1 =	vsel vm4, v10, v5  }
0x110: {  	[tilespmem:s10+$0xFFFFFFF0] =	vst v1  }
0x111: {  	[hbm4b:s3+s8] =	stream.indirect.scatter [tilespmem:s26], [sflag:$0x8], $0x1, s25, s8, $0xb8;
	[tilespmem:$0x8000] =	vst v63  }
0x112: {  	_ =	swait.ge [sflag:s28], $0x800  }
0x113: {  	[sflag:s28] =	ssyncset.done $0x0  }
0x114: {  	[sflag:s28] =	ssyncadd.s32 $0xFFFFF800  }
0x115: {  	_ =	swait.ge [sflag:s29], $0x800  }
0x116: {  	[sflag:s29] =	ssyncset.done $0x0  }
0x117: {  	s0 =	sadd.s32 $0x1, s0;
	[sflag:s29] =	ssyncadd.s32 $0xFFFFF800  }
0x118: {  	p0 =	sne.s32 s0, s5;
	_ =	swait.ge [sflag:s30], $0x800  }
.Ltmp5:
0x119: {  	[sflag:s30] =	ssyncset.done $0x0;
	(pc) =	sbr.rel @p0 .LBB2_1-.Ltmp5, $4  }
0x11a: {  	[sflag:s30] =	ssyncadd.s32 $0xFFFFF800  }
0x11b: {  	_ =	swait.ge [sflag:s31], $0x800  }
0x11c: {  	[sflag:s31] =	ssyncset.done $0x0  }
0x11d: {  	[sflag:s31] =	ssyncadd.s32 $0xFFFFF800  }
0x11e: {  	_ =	sfence.sel $0x180000  }
0x11f: {  	[bflag:$0x0] =	sbarrier.arrive $0xFFFF  }
0x120: {  	_ =	strace $0x90000059  }
0x121: {  	s0 =	stileid.u32;
	[bflag:$0x2] =	sbarrier.arrive $0xFFFF  }
0x122: {  	p0 =	sne.s32 s0, $0x0;
	s0 =	rddreg [dreg:$0x2]  }
0x123: {  	s0 =	sadd.s32 @!p0 $0x100000, s0  }
0x124: {  	[sflag:s0] =	ssyncadd.tile.s32 @!p0 $0x1;
	_ =	shalt  }
.Lfunc_end2:
_tile_overlayer_lowered:
.L_overlay_start_2:
0x125: {  	(tag) =	ssettag $0x2  }
0x126: {  	s0 =	rddreg [dreg:$0x0];
	s2 =	stileid.u32  }
0x127: {  	s1 =	rddreg [dreg:$0x1];
	p0 =	sne.s32 s2, $0x0  }
0x128: {  	s3 =	rddreg [dreg:$0x2];
	[bflag:$0x3] =	sbarrier.arrive $0xFFFF;
	s2 =	simm.s32 @!p0 $0x1C09  }
0x129: {  	[timem:s3], [sflag:s2] =	dma.local @!p0 [hbm:s0], s1  }
0x12a: {  	s0 =	simm.s32 @!p0 $0x9  }
0x12b: {  	_ =	swait.ge @!p0 [sflag:s0], s1  }
0x12c: {  	s1 =	ssub.s32 @!p0 $0x0, s1;
	[sflag:s0] =	ssyncset.done @!p0 $0x0  }
0x12d: {  	[sflag:s0] =	ssyncadd.s32 @!p0 s1  }
0x12e: {  	[bflag:$0x3] =	sbarrier.arrive $0xFFFF  }
0x12f: {  	_ =	shalt  }

// kernel: kernel.32.cloned.1.call-start
scs
__scs_entry_jumppad:
0x0: {  	(pc) =	sbr.rel $0x88, $3  }
0x1: {  	(tag) =	ssettag $0x0;
	lr =	simm.s32 $0x1  }
0x2: {  	[smem:$0x3F9C] =	sst lr;
	_ =	strace $0xD0000000  }
0x3: {  	_ = 	snop  }
0x4: {  	_ = 	snop  }
0x5: {  	_ = 	snop  }
0x6: {  	_ = 	snop  }
0x7: {  	_ = 	snop  }
__scs_overlays_trampoline_lowered:
0x8: {  	[smem:$0x3FAB] =	sst s0  }
0x9: {  	[smem:$0x3FAC] =	sst s1  }
0xa: {  	[smem:$0x3FAD] =	sst s2  }
0xb: {  	[smem:$0x3FAE] =	sst s3  }
0xc: {  	[smem:$0x3FAF] =	sst s4  }
0xd: {  	[smem:$0x3FB0] =	sst s5  }
0xe: {  	[smem:$0x3FB1] =	sst s6  }
0xf: {  	[smem:$0x3FB2] =	sst s7  }
0x10: {  	[smem:$0x3FB3] =	sst s8  }
0x11: {  	[smem:$0x3FB4] =	sst s9;
	s0 =	simm.s32 @!p0 $0x0  }
0x12: {  	s1 =	sld [smem:$0x3F9A];
	s0 =	simm.s32 @p0 $0x1  }
0x13: {  	[smem:$0x3FB5] =	sst s0;
	s0 =	simm.s32 @!p1 $0x0  }
0x14: {  	s2 =	sld [smem:$0x3F99];
	s0 =	simm.s32 @p1 $0x1  }
0x15: {  	[smem:$0x3FB6] =	sst s0;
	s0 =	simm.s32 @!p2 $0x0  }
0x16: {  	s3 =	sld [smem:$0x3FDB];
	s0 =	simm.s32 @p2 $0x1  }
0x17: {  	s4 =	simm.s32 $0x1BF5;
	[smem:$0x3FB8] =	sst s0  }
0x18: {  	s0 =	sld [smem:$0x3F9B];
	_ =	swait.ge [sflag:s4], $0x0  }
0x19: {  	s7 =	sld [smem:$0x3F9C]  }
0x1a: {  	s8 =	sadd.s32 $0xFFFFE003, lr  }
0x1b: {  	s9 =	sadd.s32 $0xFFFFFEF7, lr;
	s5 =	simm.s32 $0xFFFFFFFF;
	p2 =	slt.u32 s8, $0xFFFFF086  }
0x1c: {  	p1 =	slt.u32 s9, $0xF7A;
	s5 =	simm.s32 @!p2 $0x0  }
0x1d: {  	s5 =	simm.s32 @p1 $0x1;
	p0 =	seq.s32 s7, s2  }
0x1e: {  	s7 =	smul.u32 @!p0 $0xF7A, s2;
	p2 =	seq.s32 @!p0 s5, $0x0  }
0x1f: {  	s9 =	smul.u32 $0xF7A, s1;
	s8 =	simm.s32 @!p0 $0x1BF5;
	p2 =	por !p2, p0  }
0x20: {  	[sflag:s8] =	ssyncset.s32 @!p0 $0xFFFFF086;
	s6 =	sadd.s32 @!p0 s3, s7;
	s7 =	simm.s32 @!p0 $0x108  }
0x21: {  	s3 =	sadd.s32 s3, s9;
	s6 =	sadd.s32 @!p0 $0x88, s6;
	s7 =	simm.s32 @p2 $0x1082  }
0x22: {  	[simem:s7], [sflag:s8] =	dma.local @!p0 [hbm:s6], $0xF7A  }
0x23: {  	s9 =	sor.u32 $0xD0000000, s2;
	s6 =	simm.s32 $0x108;
	_ =	swait.ge @!p0 [sflag:s8], $0x0  }
0x24: {  	s3 =	sadd.s32 $0x88, s3;
	s6 =	simm.s32 @!p1 $0x1082;
	[sflag:s4] =	ssyncset.s32 $0xFFFFF086  }
0x25: {  	[simem:s6], [sflag:s4] =	dma.local [hbm:s3], $0xF7A  }
0x26: {  	[smem:$0x3F9C] =	sst s1;
	(tag) =	ssettag s2;
	_ =	strace s9  }
0x27: {  	s1 =	sld [smem:$0x3FAC]  }
0x28: {  	s2 =	sld [smem:$0x3FAD]  }
0x29: {  	s4 =	sld [smem:$0x3FAF]  }
0x2a: {  	p0 =	seq.s32 s5, $0x0;
	s5 =	sld [smem:$0x3FB0]  }
0x2b: {  	s6 =	sld [smem:$0x3FB1]  }
0x2c: {  	s7 =	sld [smem:$0x3FB2]  }
0x2d: {  	s3 =	simm.s32 $0x108;
	s8 =	sld [smem:$0x3FB3]  }
0x2e: {  	s3 =	simm.s32 @!p0 $0x1082;
	s9 =	sld [smem:$0x3FB4]  }
0x2f: {  	lr =	sadd.s32 s0, s3;
	s0 =	sld [smem:$0x3FAB]  }
0x30: {  	s3 =	sld [smem:$0x3FAE]  }
0x31: {  	[smem:$0x3FB7] =	sst s10  }
0x32: {  	s10 =	sld [smem:$0x3FB5];
	_ =	sdelay $0x3  }
0x33: {  	p0 =	seq.s32 s10, $0x1;
	s10 =	sld [smem:$0x3FB7];
	_ =	sdelay $0x3  }
0x34: {  	[smem:$0x3FB7] =	sst s10  }
0x35: {  	s10 =	sld [smem:$0x3FB6];
	_ =	sdelay $0x3  }
0x36: {  	p1 =	seq.s32 s10, $0x1;
	s10 =	sld [smem:$0x3FB7];
	_ =	sdelay $0x3  }
0x37: {  	[smem:$0x3FB7] =	sst s10  }
0x38: {  	s10 =	sld [smem:$0x3FB8]  }
0x39: {  	_ = 	snop;
	(pc) =	sbr.ind lr, $3  }
0x3a: {  	_ = 	snop  }
0x3b: {  	_ = 	snop  }
0x3c: {  	p2 =	seq.s32 s10, $0x1;
	s10 =	sld [smem:$0x3FB7]  }
0x3d: {  	_ =	shalt  }
0x3e: {  	_ =	shalt  }
0x3f: {  	_ =	shalt  }
0x40: {  	_ =	shalt  }
0x41: {  	_ =	shalt  }
0x42: {  	_ =	shalt  }
0x43: {  	_ =	shalt  }
0x44: {  	_ =	shalt  }
0x45: {  	_ =	shalt  }
0x46: {  	_ =	shalt  }
0x47: {  	_ =	shalt  }
0x48: {  	_ =	shalt  }
0x49: {  	_ =	shalt  }
0x4a: {  	_ =	shalt  }
0x4b: {  	_ =	shalt  }
0x4c: {  	_ =	shalt  }
0x4d: {  	_ =	shalt  }
0x4e: {  	_ =	shalt  }
0x4f: {  	_ =	shalt  }
0x50: {  	_ =	shalt  }
0x51: {  	_ =	shalt  }
0x52: {  	_ =	shalt  }
0x53: {  	_ =	shalt  }
0x54: {  	_ =	shalt  }
0x55: {  	_ =	shalt  }
0x56: {  	_ =	shalt  }
0x57: {  	_ =	shalt  }
0x58: {  	_ =	shalt  }
0x59: {  	_ =	shalt  }
0x5a: {  	_ =	shalt  }
0x5b: {  	_ =	shalt  }
0x5c: {  	_ =	shalt  }
0x5d: {  	_ =	shalt  }
0x5e: {  	_ =	shalt  }
0x5f: {  	_ =	shalt  }
0x60: {  	_ =	shalt  }
0x61: {  	_ =	shalt  }
0x62: {  	_ =	shalt  }
0x63: {  	_ =	shalt  }
0x64: {  	_ =	shalt  }
0x65: {  	_ =	shalt  }
0x66: {  	_ =	shalt  }
0x67: {  	_ =	shalt  }
0x68: {  	_ =	shalt  }
0x69: {  	_ =	shalt  }
0x6a: {  	_ =	shalt  }
0x6b: {  	_ =	shalt  }
0x6c: {  	_ =	shalt  }
0x6d: {  	_ =	shalt  }
0x6e: {  	_ =	shalt  }
0x6f: {  	_ =	shalt  }
0x70: {  	_ =	shalt  }
0x71: {  	_ =	shalt  }
0x72: {  	_ =	shalt  }
0x73: {  	_ =	shalt  }
0x74: {  	_ =	shalt  }
0x75: {  	_ =	shalt  }
0x76: {  	_ =	shalt  }
0x77: {  	_ =	shalt  }
0x78: {  	_ =	shalt  }
0x79: {  	_ =	shalt  }
0x7a: {  	_ =	shalt  }
0x7b: {  	_ =	shalt  }
0x7c: {  	_ =	shalt  }
0x7d: {  	_ =	shalt  }
0x7e: {  	_ =	shalt  }
0x7f: {  	_ =	shalt  }
0x80: {  	_ =	shalt  }
0x81: {  	_ =	shalt  }
0x82: {  	_ =	shalt  }
0x83: {  	_ =	shalt  }
0x84: {  	_ =	shalt  }
0x85: {  	_ =	shalt  }
0x86: {  	_ =	shalt  }
0x87: {  	_ =	shalt  }
.Lfunc_end0:
.L_simem_size_0:
called_computation.8_lowered:
.L_overlay_start_0:
0x88: {  	s2 =	sld [smem:$0x3FD9]  }
0x89: {  	s3 =	sld [smem:$0x3FFE];
	_ =	sdelay $0x1  }
0x8a: {  	s1 =	srdreg.scid  }
0x8b: {  	s0 =	sand.u32 $0x1, s1  }
0x8c: {  	s17 =	sshll.u32 s0, $0xA;
	s2 =	sadd.s32 s3, s2  }
0x8d: {  	s2 =	sadd.s32 s2, s17  }
0x8e: {  	[smem:$0x3FC3] =	sst s2  }
0x8f: {  	_ = 	snop  }
0x90: {  	s2 =	sld [smem:$0x3FC5]  }
0x91: {  	s18 =	sld [smem:$0x3FD0];
	(tm) =	ssettm $0x1  }
0x92: {  	s4 =	sld [smem:$0x3FFB];
	_ =	sdelay $0x3  }
0x93: {  	_ =	strace s4  }
0x94: {  	s4 =	sld [smem:$0x3FFC];
	_ =	sdelay $0x3  }
0x95: {  	_ =	strace s4  }
0x96: {  	s4 =	sld [smem:$0x3FFD];
	_ =	sdelay $0x3  }
0x97: {  	_ =	strace s4  }
0x98: {  	_ =	strace $0x8FFFFFFF  }
0x99: {  	s19 =	sld [smem:$0x3FDB];
	_ =	sdelay $0x1  }
0x9a: {  	s5 =	simm.s32 $_scs_section_size  }
0x9b: {  	s6 =	simm.s32 $_size__tile_overlayer_lowered;
	s7 =	simm.s32 $_tile_overlayer_lowered  }
0x9c: {  	s22 =	simm.s32 $0x1BFF;
	s21 =	sshll.u32 s7, $0x1;
	s4 =	sadd.s32 s5, s19  }
0x9d: {  	s8 =	simm.s32 $0x0;
	s20 =	sshll.u32 s6, $0x1;
	s6 =	sadd.s32 s21, s4  }
0x9e: {  	[timem:s8], [sflag:s22] =	dma.local [hbm:s6], s20  }
0x9f: {  	_ =	swait.ge [sflag:s22], s20  }
0xa0: {  	s5 =	ssub.s32 $0x0, s20;
	[sflag:s22] =	ssyncset.done $0x0  }
0xa1: {  	[sflag:s22] =	ssyncadd.s32 s5;
	_ =	sdelay $0x1  }
0xa2: {  	s23 =	simm.s32 $0x1B8B  }
0xa3: {  	_ =	swait.ge [sflag:s23], $0x1  }
0xa4: {  	[sflag:s23] =	ssyncset.done $0x0  }
0xa5: {  	s25 =	simm.s32 $0x1B8E;
	s24 =	sld [smem:$0x3FFE];
	[sflag:s23] =	ssyncadd.s32 $0xFFFFFFFF  }
0xa6: {  	s26 =	simm.s32 $execute0_lowered;
	[smem:$0x3FD2] =	sst s25  }
0xa7: {  	s6 =	sshll.u32 s26, $0x1;
	_ =	strace $0x8000005B;
	[dreg:$0x1] =	wrdreg $0xFFFFFFFF  }
0xa8: {  	s28 =	simm.s32 $_size_execute0_lowered;
	s4 =	sadd.s32 s4, s6;
	[dreg:$0x0] =	wrdreg $0x0  }
0xa9: {  	s6 =	sshll.u32 s28, $0x1;
	[dreg:$0x2] =	wrdreg s4  }
0xaa: {  	[dreg:$0x3] =	wrdreg s6  }
0xab: {  	[dreg:$0x4] =	wrdreg $0xC0  }
0xac: {  	_ =	task [dreg:s8], $0x5FFFF  }
0xad: {  	[dreg:$0x1] =	wrdreg $0xFFFFFFFF  }
0xae: {  	[dreg:$0x0] =	wrdreg $0x60  }
0xaf: {  	[dreg:$0x2] =	wrdreg s2  }
0xb0: {  	[dreg:$0x3] =	wrdreg s24  }
0xb1: {  	[dreg:$0x4] =	wrdreg s18  }
0xb2: {  	[dreg:$0x5] =	wrdreg $0x9  }
0xb3: {  	_ =	task.clear_ibuf [dreg:s8], $0x6FFFF;
	_ =	strace $0x9000005B  }
0xb4: {  	s29 =	simm.s32 $0x9;
	_ =	strace $0x8000005D  }
0xb5: {  	_ =	swait.ge [sflag:s29], $0x1  }
0xb6: {  	[sflag:s29] =	ssyncadd.s32 $0xFFFFFFFF  }
0xb7: {  	_ =	strace $0x9000005D  }
0xb8: {  	_ =	sfence  }
0xb9: {  	s30 =	sld [smem:$0x0];
	_ =	sdelay $0x2  }
0xba: {  	s31 =	sshll.u32 s1, $0xD;
	s1 =	sshrl.u32 s1, $0x2  }
0xbb: {  	s3 =	sand.u32 $0x4000, s31;
	s1 =	sadd.s32 s1, s30  }
0xbc: {  	s0 =	sor.u32 s3, s0;
	s1 =	sshll.u32 s1, $0x11  }
0xbd: {  	s0 =	sor.u32 s1, s0  }
0xbe: {  	s0 =	sadd.s32 $0x8F2B, s0  }
0xbf: {  	[sflag:s0] =	ssyncadd.remote.s32 $0x1  }
0xc0: {  	_ =	sfence.sel $0xFFFF  }
0xc1: {  	[dreg:$0x0] =	wrdreg $0xFFFFFFFF;
	(pc) =	sbr.abs _section_cstart, $3  }
0xc2: {  	[dreg:$0x1] =	wrdreg $0xFFFFFFFF  }
0xc3: {  	_ =	task.clear_ibuf [dreg:s8], $0x2FFFF;
	_ =	strace $0x9FFFFFFF  }
0xc4: {  	(tm) =	ssettm $0x7FFFFFFF  }
0xc5: {  	_ =	shalt  }
tec
execute0_lowered:
.L_overlay_start_1:
0x0: {  	(tag) =	ssettag $0x1  }
0x1: {  	s4 =	rddreg [dreg:$0x0]  }
0x2: {  	s9 =	rddreg [dreg:$0x1]  }
0x3: {  	s2 =	rddreg [dreg:$0x2];
	s1 =	srdreg.scid  }
0x4: {  	s0 =	rddreg [dreg:$0x3];
	s10 =	sand.u32 $0x1, s1  }
0x5: {  	s3 =	simm.s32 $0x0;
	s1 =	stileid.u32;
	s5 =	sshll.u32 s10, $0xA  }
0x6: {  	[smem:$0x7FF] =	sst s3;
	s6 =	sshll.u32 s1, $0xB;
	s4 =	sadd.s32 s4, s5  }
0x7: {  	_ =	strace $0x8000005C;
	s5 =	simm.s32 $0x3;
	s4 =	sadd.s32 s6, s4  }
0x8: {  	[tilespmem:s3], [sflag:$0x3] =	stream.linear.gather [hbm4b:s4+s3], $0x2000, $0x38;
	[tilespmem:$0x14000] =	vst v63  }
0x9: {  	_ =	swait.ge [sflag:s5], $0x2000  }
0xa: {  	s7 =	simm.s32 $0x2000;
	s8 =	simm.s32 $0x1;
	[sflag:s5] =	ssyncset.done $0x0  }
0xb: {  	s11 =	ssub.s32 $0x2, s10;
	s6 =	sadd.s32 $0x3E00, s9;
	[sflag:s5] =	ssyncadd.s32 $0xFFFFE000  }
0xc: {  	[tilespmem:s7], [sflag:$0x1] =	stream.indirect.gather [hbm4b:s6+s7], $0x1, s3, s7, $0xb8;
	[tilespmem:$0x14000] =	vst v63  }
0xd: {  	s12 =	sshrl.u32 s11, $0x1;
	_ =	swait.ge [sflag:s8], $0x2000  }
0xe: {  	s10 =	simm.s32 $0x4000;
	s11 =	ssub.s32 s11, s12;
	[sflag:s8] =	ssyncset.done $0x0  }
0xf: {  	s9 =	sadd.s32 $0x8BE00, s9;
	s12 =	smax.u32 s11, $0x1;
	[sflag:s8] =	ssyncadd.s32 $0xFFFFE000  }
0x10: {  	[tilespmem:s10], [sflag:$0x1] =	stream.indirect.gather [hbm4b:s9+s7], $0x8, s7, s7, $0xb8;
	[tilespmem:$0x14000] =	vst v63  }
0x11: {  	p0 =	sne.s32 s12, $0x1;
	_ =	swait.ge [sflag:s8], $0x10000  }
.Ltmp0:
0x12: {  	[sflag:s8] =	ssyncset.done $0x0;
	(pc) =	sbr.rel @!p0 .LBB2_2-.Ltmp0, $4  }
0x13: {  	s11 =	simm.s32 $0x2;
	[sflag:s8] =	ssyncadd.s32 $0xFFFF0000  }
0x14: {  	[hbm4b:s2+s7] =	stream.indirect.scatter [tilespmem:s10], [sflag:$0x2], $0x8, s3, s7, $0xb8;
	[tilespmem:$0x14000] =	vst v63  }
0x15: {  	_ =	swait.ge [sflag:s11], $0x10000  }
0x16: {  	s12 =	sadd.s32 $0xFFFFFFFF, s12;
	[sflag:s11] =	ssyncset.done $0x0  }
.LBB2_1:
0x17: {  	p0 =	sne.s32 s12, $0x1;
	s12 =	sadd.s32 $0xFFFFFFFF, s12;
	[sflag:s11] =	ssyncadd.s32 $0xFFFF0000  }
0x18: {  	[tilespmem:s3], [sflag:$0x3] =	stream.linear.gather [hbm4b:s4+s3], $0x2000, $0x38;
	[tilespmem:$0x14000] =	vst v63  }
0x19: {  	_ =	swait.ge [sflag:s5], $0x2000  }
0x1a: {  	[sflag:s5] =	ssyncset.done $0x0  }
0x1b: {  	[sflag:s5] =	ssyncadd.s32 $0xFFFFE000  }
0x1c: {  	[tilespmem:s7], [sflag:$0x1] =	stream.indirect.gather [hbm4b:s6+s7], $0x1, s3, s7, $0xb8;
	[tilespmem:$0x14000] =	vst v63  }
0x1d: {  	_ =	swait.ge [sflag:s8], $0x2000  }
0x1e: {  	[sflag:s8] =	ssyncset.done $0x0  }
0x1f: {  	[sflag:s8] =	ssyncadd.s32 $0xFFFFE000  }
0x20: {  	[tilespmem:s10], [sflag:$0x1] =	stream.indirect.gather [hbm4b:s9+s7], $0x8, s7, s7, $0xb8;
	[tilespmem:$0x14000] =	vst v63  }
0x21: {  	_ =	swait.ge [sflag:s8], $0x10000  }
.Ltmp1:
0x22: {  	[sflag:s8] =	ssyncset.done $0x0;
	(pc) =	sbr.rel @p0 .LBB2_1-.Ltmp1, $4  }
0x23: {  	[sflag:s8] =	ssyncadd.s32 $0xFFFF0000  }
0x24: {  	[hbm4b:s2+s7] =	stream.indirect.scatter [tilespmem:s10], [sflag:$0x2], $0x8, s3, s7, $0xb8;
	[tilespmem:$0x14000] =	vst v63  }
0x25: {  	_ =	swait.ge [sflag:s11], $0x10000  }
0x26: {  	[sflag:s11] =	ssyncset.done $0x0  }
.LBB2_2:
0x27: {  	[sflag:s11] =	ssyncadd.s32 $0xFFFF0000  }
0x28: {  	_ =	sfence.sel $0x180000  }
0x29: {  	[bflag:$0x0] =	sbarrier.arrive $0xFFFF  }
0x2a: {  	p0 =	sne.s32 s1, $0x0;
	_ =	strace $0x9000005C  }
0x2b: {  	s0 =	sadd.s32 @!p0 $0x100000, s0;
	[bflag:$0x2] =	sbarrier.arrive $0xFFFF  }
0x2c: {  	[sflag:s0] =	ssyncadd.tile.s32 @!p0 $0x1;
	_ =	shalt  }
.Lfunc_end2:
_tile_overlayer_lowered:
.L_overlay_start_2:
0x2d: {  	(tag) =	ssettag $0x2  }
0x2e: {  	s0 =	rddreg [dreg:$0x0];
	s2 =	stileid.u32  }
0x2f: {  	s1 =	rddreg [dreg:$0x1];
	p0 =	sne.s32 s2, $0x0  }
0x30: {  	s3 =	rddreg [dreg:$0x2];
	[bflag:$0x3] =	sbarrier.arrive $0xFFFF;
	s2 =	simm.s32 @!p0 $0x1C03  }
0x31: {  	[timem:s3], [sflag:s2] =	dma.local @!p0 [hbm:s0], s1  }
0x32: {  	s0 =	simm.s32 @!p0 $0x3  }
0x33: {  	_ =	swait.ge @!p0 [sflag:s0], s1  }
0x34: {  	s1 =	ssub.s32 @!p0 $0x0, s1;
	[sflag:s0] =	ssyncset.done @!p0 $0x0  }
0x35: {  	[sflag:s0] =	ssyncadd.s32 @!p0 s1  }
0x36: {  	[bflag:$0x3] =	sbarrier.arrive $0xFFFF  }
0x37: {  	_ =	shalt  }

// kernel: sparse-core-data-format-call.cloned.1.call-start
scs
called_computation_lowered:
.L_overlay_start_0:
0x0: {  	s2 =	sld [smem:$0x3FD9]  }
0x1: {  	s3 =	sld [smem:$0x3FFE];
	_ =	sdelay $0x1  }
0x2: {  	s1 =	srdreg.scid  }
0x3: {  	s0 =	sand.u32 $0x1, s1  }
0x4: {  	s18 =	sshll.u32 s0, $0xA;
	s2 =	sadd.s32 s3, s2  }
0x5: {  	s2 =	sadd.s32 s2, s18  }
0x6: {  	[smem:$0x3FC3] =	sst s2  }
0x7: {  	_ = 	snop  }
0x8: {  	s2 =	sld [smem:$0x3FD0];
	(tm) =	ssettm $0x1  }
0x9: {  	s19 =	sld [smem:$0x3FFB];
	_ =	sdelay $0x3  }
0xa: {  	_ =	strace s19  }
0xb: {  	s3 =	sld [smem:$0x3FFC];
	_ =	sdelay $0x3  }
0xc: {  	_ =	strace s3  }
0xd: {  	s3 =	sld [smem:$0x3FFD];
	_ =	sdelay $0x3  }
0xe: {  	_ =	strace s3  }
0xf: {  	_ =	strace $0x8FFFFFFF  }
0x10: {  	s20 =	sld [smem:$0x3FDB];
	_ =	sdelay $0x1  }
0x11: {  	s4 =	simm.s32 $_scs_section_size  }
0x12: {  	s5 =	simm.s32 $_size__tile_overlayer_lowered;
	s6 =	simm.s32 $_tile_overlayer_lowered  }
0x13: {  	s23 =	simm.s32 $0x1BFF;
	s22 =	sshll.u32 s6, $0x1;
	s3 =	sadd.s32 s4, s20  }
0x14: {  	s7 =	simm.s32 $0x0;
	s21 =	sshll.u32 s5, $0x1;
	s5 =	sadd.s32 s22, s3  }
0x15: {  	[timem:s7], [sflag:s23] =	dma.local [hbm:s5], s21  }
0x16: {  	_ =	swait.ge [sflag:s23], s21  }
0x17: {  	s4 =	ssub.s32 $0x0, s21;
	[sflag:s23] =	ssyncset.done $0x0  }
0x18: {  	[sflag:s23] =	ssyncadd.s32 s4;
	_ =	sdelay $0x1  }
0x19: {  	s24 =	simm.s32 $0x1B8B  }
0x1a: {  	_ =	swait.ge [sflag:s24], $0x1  }
0x1b: {  	[sflag:s24] =	ssyncset.done $0x0  }
0x1c: {  	s26 =	simm.s32 $0x1B8E;
	s25 =	sld [smem:$0x3FFE];
	[sflag:s24] =	ssyncadd.s32 $0xFFFFFFFF  }
0x1d: {  	s27 =	simm.s32 $execute0_lowered;
	[smem:$0x3FD2] =	sst s26  }
0x1e: {  	s5 =	sshll.u32 s27, $0x1;
	_ =	strace $0x8000005E;
	[dreg:$0x1] =	wrdreg $0xFFFFFFFF  }
0x1f: {  	s28 =	simm.s32 $_size_execute0_lowered;
	s3 =	sadd.s32 s3, s5;
	[dreg:$0x0] =	wrdreg $0x0  }
0x20: {  	s5 =	sshll.u32 s28, $0x1;
	[dreg:$0x2] =	wrdreg s3  }
0x21: {  	[dreg:$0x3] =	wrdreg s5  }
0x22: {  	[dreg:$0x4] =	wrdreg $0xC0  }
0x23: {  	_ =	task [dreg:s7], $0x5FFFF  }
0x24: {  	[dreg:$0x1] =	wrdreg $0xFFFFFFFF  }
0x25: {  	[dreg:$0x0] =	wrdreg $0x60  }
0x26: {  	[dreg:$0x2] =	wrdreg s25  }
0x27: {  	[dreg:$0x3] =	wrdreg s2  }
0x28: {  	[dreg:$0x4] =	wrdreg $0x9  }
0x29: {  	_ =	task.clear_ibuf [dreg:s7], $0x5FFFF;
	_ =	strace $0x9000005E  }
0x2a: {  	s29 =	simm.s32 $0x9;
	_ =	strace $0x80000060  }
0x2b: {  	_ =	swait.ge [sflag:s29], $0x1  }
0x2c: {  	[sflag:s29] =	ssyncadd.s32 $0xFFFFFFFF  }
0x2d: {  	_ =	strace $0x90000060  }
0x2e: {  	_ =	sfence  }
0x2f: {  	s30 =	sld [smem:$0x0];
	_ =	sdelay $0x2  }
0x30: {  	s31 =	sshll.u32 s1, $0xD;
	s1 =	sshrl.u32 s1, $0x2  }
0x31: {  	s3 =	sand.u32 $0x4000, s31;
	s1 =	sadd.s32 s1, s30  }
0x32: {  	s0 =	sor.u32 s3, s0;
	s1 =	sshll.u32 s1, $0x11  }
0x33: {  	s0 =	sor.u32 s1, s0  }
0x34: {  	s0 =	sadd.s32 $0x8F2B, s0  }
0x35: {  	[sflag:s0] =	ssyncadd.remote.s32 $0x1  }
0x36: {  	_ =	sfence.sel $0xFFFF  }
0x37: {  	[dreg:$0x0] =	wrdreg $0xFFFFFFFF;
	(pc) =	sbr.abs _section_cstart, $3  }
0x38: {  	[dreg:$0x1] =	wrdreg $0xFFFFFFFF  }
0x39: {  	_ =	task.clear_ibuf [dreg:s7], $0x2FFFF;
	_ =	strace $0x9FFFFFFF  }
0x3a: {  	(tm) =	ssettm $0x7FFFFFFF  }
0x3b: {  	_ =	shalt  }
tec
execute0_lowered:
.L_overlay_start_1:
0x0: {  	(tag) =	ssettag $0x1  }
0x1: {  	s0 =	srdreg.scid  }
0x2: {  	s1 =	sshll.u32 s0, $0x4  }
0x3: {  	s6 =	rddreg [dreg:$0x0];
	s0 =	stileid.u32;
	s1 =	sand.u32 $0x10, s1  }
0x4: {  	s3 =	rddreg [dreg:$0x1];
	s1 =	sor.u32 s0, s1  }
0x5: {  	s7 =	simm.s32 $0x1;
	s8 =	simm.s32 $0x2;
	s2 =	sshll.u32 s1, $0x7  }
0x6: {  	s10 =	simm.s32 $0x0;
	s9 =	simm.s32 $0x0;
	s5 =	ssub.s32 $0x400000, s2  }
.Ltmp0:
0x7: {  	s6 =	sadd.s32 $0x3E00, s6;
	s4 =	sand.u32 $0xF80, s5;
	(pc) =	sbr.rel .LBB1_1-.Ltmp0, $4  }
0x8: {  	s1 =	rddreg [dreg:$0x2];
	_ =	strace $0x8000005F;
	p0 =	sne.s32 s4, $0x0  }
0x9: {  	s5 =	sshrl.u32 s5, $0xC;
	s4 =	simm.s32 $0x1;
	s7 =	simm.s32 @!p0 $0x0  }
0xa: {  	[sflag:s4] =	ssyncpa.u1 $0x0;
	p0 =	por $0x0, $0x0;
	s5 =	sadd.s32 s7, s5  }
0xb: {  	[sflag:s8] =	ssyncpa.u1 $0x0;
	s8 =	smov.u32 s2;
	s7 =	sadd.s32 $0x1, s5  }
.LBB1_4:
0xc: {  	[tilespmem:s20+$0xFFFFFFFA ss:$0x81] =	vst.msk $0xff, v4  }
0xd: {  	v4 =	vld.msk [tilespmem:s21+$0xFFFFFFF0], $0xff;
	_ =	sdelay $0x3  }
0xe: {  	[tilespmem:s18+$0xFFFFFFFB ss:$0x81] =	vst.msk $0xff, v3  }
0xf: {  	v3 =	vld.msk [tilespmem:s19+$0xFFFFFFF8], $0xff;
	[tilespmem:s20+$0xFFFFFFFB ss:$0x81] =	vst.msk $0xff, v4  }
0x10: {  	v4 =	vld.msk [tilespmem:s21+$0xFFFFFFF8], $0xff;
	_ =	sdelay $0x3  }
0x11: {  	v5 =	vld.msk [tilespmem:s17+$0x0], $0xff;
	[tilespmem:s18+$0xFFFFFFFC ss:$0x81] =	vst.msk $0xff, v3  }
0x12: {  	v3 =	vld.msk [tilespmem:s19+$0x0], $0xff;
	[tilespmem:s20+$0xFFFFFFFC ss:$0x81] =	vst.msk $0xff, v4  }
0x13: {  	v4 =	vld.msk [tilespmem:s21+$0x0], $0xff;
	_ =	sdelay $0x2  }
0x14: {  	[tilespmem:s16+$0xFFFFFFFD ss:$0x81] =	vst.msk $0xff, v5  }
0x15: {  	v5 =	vld.msk [tilespmem:s17+$0x8], $0xff;
	[tilespmem:s18+$0xFFFFFFFD ss:$0x81] =	vst.msk $0xff, v3  }
0x16: {  	v3 =	vld.msk [tilespmem:s19+$0x8], $0xff;
	[tilespmem:s20+$0xFFFFFFFD ss:$0x81] =	vst.msk $0xff, v4  }
0x17: {  	v4 =	vld.msk [tilespmem:s21+$0x8], $0xff;
	_ =	sdelay $0x1  }
0x18: {  	[tilespmem:s14+$0xFFFFFFFE ss:$0x81] =	vst.msk $0xff, v2  }
0x19: {  	v2 =	vld.msk [tilespmem:s15+$0x10], $0xff;
	[tilespmem:s16+$0xFFFFFFFE ss:$0x81] =	vst.msk $0xff, v5  }
0x1a: {  	v5 =	vld.msk [tilespmem:s17+$0x10], $0xff;
	[tilespmem:s18+$0xFFFFFFFE ss:$0x81] =	vst.msk $0xff, v3  }
0x1b: {  	v3 =	vld.msk [tilespmem:s19+$0x10], $0xff;
	[tilespmem:s20+$0xFFFFFFFE ss:$0x81] =	vst.msk $0xff, v4  }
0x1c: {  	v4 =	vld.msk [tilespmem:s21+$0x10], $0xff  }
0x1d: {  	[tilespmem:s12+$0xFFFFFFFF ss:$0x81] =	vst.msk $0xff, v1  }
0x1e: {  	v1 =	vld.msk [tilespmem:s13+$0x18], $0xff;
	[tilespmem:s14+$0xFFFFFFFF ss:$0x81] =	vst.msk $0xff, v2  }
0x1f: {  	v2 =	vld.msk [tilespmem:s15+$0x18], $0xff;
	[tilespmem:s16+$0xFFFFFFFF ss:$0x81] =	vst.msk $0xff, v5  }
0x20: {  	v61 =	vld.msk [tilespmem:s17+$0x18], $0xff;
	[tilespmem:s18+$0xFFFFFFFF ss:$0x81] =	vst.msk $0xff, v3  }
0x21: {  	v62 =	vld.msk [tilespmem:s19+$0x18], $0xff;
	[tilespmem:s20+$0xFFFFFFFF ss:$0x81] =	vst.msk $0xff, v4  }
0x22: {  	[tilespmem:s11+$0x0 ss:$0x81] =	vst.msk $0xff, v0;
	v63 =	vld.msk [tilespmem:s21+$0x18], $0xff  }
0x23: {  	s28 =	sshll.u32 s10, $0x3;
	[tilespmem:s12+$0x0 ss:$0x81] =	vst.msk $0xff, v1  }
0x24: {  	s29 =	sand.u32 $0x78, s10;
	s11 =	sand.u32 $0x3FFC00, s28;
	[tilespmem:s14+$0x0 ss:$0x81] =	vst.msk $0xff, v2  }
0x25: {  	s30 =	sand.u32 $0x380000, s10;
	s11 =	sor.u32 s29, s11;
	[tilespmem:s16+$0x0 ss:$0x81] =	vst.msk $0xff, v61  }
0x26: {  	s11 =	sshrl.u32 s11, $0x3;
	s12 =	sadd.s32 s3, s30;
	[tilespmem:s18+$0x0 ss:$0x81] =	vst.msk $0xff, v62  }
0x27: {  	s31 =	sand.u32 $0x7, s10;
	s11 =	sadd.s32 s11, s12;
	[tilespmem:s20+$0x0 ss:$0x81] =	vst.msk $0xff, v63  }
0x28: {  	[hbm4b:s11+s31] =	stream.linear.scatter [tilespmem:s22], [sflag:$0x2], $0x400, $0x20;
	[tilespmem:$0x1010] =	vst v63  }
.LBB1_5:
0x29: {  	s12 =	sadd.s32 $0x1000, s8  }
0x2a: {  	p2 =	sgt.s32 s12, $0x3FFFFF  }
0x2b: {  	s12 =	smov.u32 @p2 s2;
	p2 =	sne.s32 s9, s7  }
.Ltmp1:
0x2c: {  	p1 =	slt.u32 s9, $0x2;
	(pc) =	sbr.rel @!p2 .LBB1_6-.Ltmp1, $4  }
0x2d: {  	s11 =	simm.s32 @!p1 $0x2  }
0x2e: {  	s13 =	sadd.s32 $0x1, s9;
	_ =	swait.ge @!p1 [sflag:s11], $0x400  }
0x2f: {  	s10 =	smov.u32 s8;
	p0 =	por !p0, !p0;
	[sflag:s11] =	ssyncset.done @!p1 $0x0  }
0x30: {  	s9 =	smov.u32 s13;
	s8 =	smov.u32 s12;
	[sflag:s11] =	ssyncadd.s32 @!p1 $0xFFFFFC00  }
.LBB1_1:
0x31: {  	p1 =	sge.u32 s9, s5  }
0x32: {  	s31 =	sadd.s32 $0xFFFFFFFF, s9;
	s11 =	sxor.u32 @!p1 $0xFFFFFFFF, s9;
	s12 =	sshll.u32 @!p1 s8, $0x4  }
0x33: {  	s13 =	simm.s32 @!p1 $0x8;
	s11 =	sshll.u32 @!p1 s11, $0xA;
	s12 =	sand.u32 @!p1 $0x3FFFFF0, s12  }
0x34: {  	s14 =	simm.s32 @!p1 $0x80;
	s11 =	sand.u32 @!p1 $0x400, s11;
	s12 =	sadd.s32 @!p1 s6, s12  }
0x35: {  	[tilespmem:s11], [sflag:$0x1] =	stream.strided.gather @!p1 [hbm4b:s12+s13], $0x400, s14, s13, $0x38;
	[tilespmem:$0x1010] =	vst v63  }
0x36: {  	p1 =	sge.u32 s31, s5  }
.Ltmp2:
0x37: {  	_ = 	snop;
	(pc) =	sbr.rel @p1 .LBB1_5-.Ltmp2, $1  }
0x38: {  	_ =	sdelay $0x3  }
0x39: {  	s11 =	simm.s32 $0x1  }
0x3a: {  	_ =	swait.ge [sflag:s4], $0x400;
	s11 =	simm.s32 @!p0 $0x0  }
0x3b: {  	[sflag:s4] =	ssyncset.done $0x0;
	s12 =	sshll.u32 s11, $0xA  }
0x3c: {  	[sflag:s4] =	ssyncadd.s32 $0xFFFFFC00;
	s20 =	sor.u32 $0x20, s12  }
0x3d: {  	v0 =	vld.msk [tilespmem:s20+$0xFFFFFFE0], $0xff  }
0x3e: {  	s11 =	smul.u32 $0x1020, s11;
	_ =	sdelay $0x1  }
0x3f: {  	s11 =	sshrl.u32 s11, $0x2  }
0x40: {  	s11 =	sor.u32 $0x807, s11  }
0x41: {  	[tilespmem:s11+$0xFFFFFFF9 ss:$0x81] =	vst.msk $0xff, v0  }
0x42: {  	v0 =	vld.msk [tilespmem:s20+$0xFFFFFFE8], $0xff  }
0x43: {  	s13 =	sadd.s32 $0x40, s20  }
0x44: {  	v1 =	vld.msk [tilespmem:s13+$0xFFFFFFE0], $0xff;
	_ =	sdelay $0x2  }
0x45: {  	[tilespmem:s11+$0xFFFFFFFA ss:$0x81] =	vst.msk $0xff, v0  }
0x46: {  	s12 =	sadd.s32 $0x8, s11;
	v0 =	vld.msk [tilespmem:s20+$0xFFFFFFF0], $0xff  }
0x47: {  	[tilespmem:s12+$0xFFFFFFF9 ss:$0x81] =	vst.msk $0xff, v1  }
0x48: {  	v1 =	vld.msk [tilespmem:s13+$0xFFFFFFE8], $0xff  }
0x49: {  	s15 =	sadd.s32 $0x40, s13  }
0x4a: {  	v2 =	vld.msk [tilespmem:s15+$0xFFFFFFE0], $0xff  }
0x4b: {  	[tilespmem:s11+$0xFFFFFFFB ss:$0x81] =	vst.msk $0xff, v0  }
0x4c: {  	v0 =	vld.msk [tilespmem:s20+$0xFFFFFFF8], $0xff  }
0x4d: {  	[tilespmem:s12+$0xFFFFFFFA ss:$0x81] =	vst.msk $0xff, v1  }
0x4e: {  	s14 =	sadd.s32 $0x8, s12;
	v1 =	vld.msk [tilespmem:s13+$0xFFFFFFF0], $0xff  }
0x4f: {  	[tilespmem:s14+$0xFFFFFFF9 ss:$0x81] =	vst.msk $0xff, v2  }
0x50: {  	s17 =	sadd.s32 $0x40, s15;
	v2 =	vld.msk [tilespmem:s15+$0xFFFFFFE8], $0xff  }
0x51: {  	[tilespmem:s11+$0xFFFFFFFC ss:$0x81] =	vst.msk $0xff, v0;
	v0 =	vld.msk [tilespmem:s17+$0xFFFFFFE0], $0xff  }
0x52: {  	v3 =	vld.msk [tilespmem:s20+$0x0], $0xff  }
0x53: {  	[tilespmem:s12+$0xFFFFFFFB ss:$0x81] =	vst.msk $0xff, v1  }
0x54: {  	v1 =	vld.msk [tilespmem:s13+$0xFFFFFFF8], $0xff  }
0x55: {  	s16 =	sadd.s32 $0x8, s14;
	[tilespmem:s14+$0xFFFFFFFA ss:$0x81] =	vst.msk $0xff, v2  }
0x56: {  	v2 =	vld.msk [tilespmem:s15+$0xFFFFFFF0], $0xff;
	[tilespmem:s16+$0xFFFFFFF9 ss:$0x81] =	vst.msk $0xff, v0  }
0x57: {  	v0 =	vld.msk [tilespmem:s17+$0xFFFFFFE8], $0xff;
	[tilespmem:s11+$0xFFFFFFFD ss:$0x81] =	vst.msk $0xff, v3  }
0x58: {  	s19 =	sadd.s32 $0x40, s17;
	v3 =	vld.msk [tilespmem:s20+$0x8], $0xff  }
0x59: {  	[tilespmem:s12+$0xFFFFFFFC ss:$0x81] =	vst.msk $0xff, v1;
	v1 =	vld.msk [tilespmem:s19+$0xFFFFFFE0], $0xff  }
0x5a: {  	v4 =	vld.msk [tilespmem:s13+$0x0], $0xff  }
0x5b: {  	[tilespmem:s14+$0xFFFFFFFB ss:$0x81] =	vst.msk $0xff, v2  }
0x5c: {  	v2 =	vld.msk [tilespmem:s15+$0xFFFFFFF8], $0xff;
	[tilespmem:s16+$0xFFFFFFFA ss:$0x81] =	vst.msk $0xff, v0  }
0x5d: {  	s18 =	sadd.s32 $0x8, s16;
	v0 =	vld.msk [tilespmem:s17+$0xFFFFFFF0], $0xff;
	[tilespmem:s11+$0xFFFFFFFE ss:$0x81] =	vst.msk $0xff, v3  }
0x5e: {  	[tilespmem:s18+$0xFFFFFFF9 ss:$0x81] =	vst.msk $0xff, v1;
	v1 =	vld.msk [tilespmem:s20+$0x10], $0xff  }
0x5f: {  	[tilespmem:s12+$0xFFFFFFFD ss:$0x81] =	vst.msk $0xff, v4;
	v3 =	vld.msk [tilespmem:s19+$0xFFFFFFE8], $0xff  }
0x60: {  	s21 =	sadd.s32 $0x40, s19;
	v4 =	vld.msk [tilespmem:s13+$0x8], $0xff  }
0x61: {  	[tilespmem:s14+$0xFFFFFFFC ss:$0x81] =	vst.msk $0xff, v2;
	v2 =	vld.msk [tilespmem:s21+$0xFFFFFFE0], $0xff  }
0x62: {  	v5 =	vld.msk [tilespmem:s15+$0x0], $0xff;
	[tilespmem:s16+$0xFFFFFFFB ss:$0x81] =	vst.msk $0xff, v0  }
0x63: {  	v6 =	vld.msk [tilespmem:s17+$0xFFFFFFF8], $0xff;
	[tilespmem:s11+$0xFFFFFFFF ss:$0x81] =	vst.msk $0xff, v1  }
0x64: {  	s22 =	sand.u32 $0x1, s9;
	[tilespmem:s18+$0xFFFFFFFA ss:$0x81] =	vst.msk $0xff, v3;
	v0 =	vld.msk [tilespmem:s20+$0x18], $0xff  }
0x65: {  	s22 =	smul.u32 $0x1020, s22;
	[tilespmem:s12+$0xFFFFFFFE ss:$0x81] =	vst.msk $0xff, v4;
	v3 =	vld.msk [tilespmem:s19+$0xFFFFFFF0], $0xff;
	s20 =	sadd.s32 $0x8, s18  }
0x66: {  	v1 =	vld.msk [tilespmem:s13+$0x10], $0xff;
	[tilespmem:s20+$0xFFFFFFF9 ss:$0x81] =	vst.msk $0xff, v2  }
0x67: {  	s22 =	sshrl.u32 s22, $0x2;
	[tilespmem:s14+$0xFFFFFFFD ss:$0x81] =	vst.msk $0xff, v5;
	v4 =	vld.msk [tilespmem:s21+$0xFFFFFFE8], $0xff  }
0x68: {  	s23 =	simm.s32 $0x28;
	s22 =	sor.u32 $0x800, s22;
	s24 =	sadd.s32 $0x40, s21;
	v2 =	vld.msk [tilespmem:s15+$0x8], $0xff;
	[tilespmem:s16+$0xFFFFFFFC ss:$0x81] =	vst.msk $0xff, v6  }
.LBB1_3:
0x69: {  	v5 =	vld.msk [tilespmem:s24+$0xFFFFFFE0], $0xff;
	[tilespmem:s11+$0x0 ss:$0x81] =	vst.msk $0xff, v0;
	s11 =	smov.u32 s12;
	s12 =	smov.u32 s14;
	s14 =	smov.u32 s16  }
0x6a: {  	s23 =	sadd.s32 $0x8, s23;
	s16 =	smov.u32 s18;
	[tilespmem:s18+$0xFFFFFFFB ss:$0x81] =	vst.msk $0xff, v3;
	v6 =	vld.msk [tilespmem:s17+$0x0], $0xff;
	s18 =	smov.u32 s20  }
0x6b: {  	p1 =	slt.u32 s23, $0x78;
	v7 =	vld.msk [tilespmem:s19+$0xFFFFFFF8], $0xff;
	[tilespmem:s11+$0xFFFFFFFF ss:$0x81] =	vst.msk $0xff, v1  }
.Ltmp3:
0x6c: {  	[tilespmem:s20+$0xFFFFFFFA ss:$0x81] =	vst.msk $0xff, v4;
	v0 =	vld.msk [tilespmem:s13+$0x18], $0xff;
	s13 =	smov.u32 s15;
	s15 =	smov.u32 s17;
	(pc) =	sbr.rel @p1 .LBB1_3-.Ltmp3, $4  }
0x6d: {  	s20 =	sadd.s32 $0x8, s20;
	s17 =	smov.u32 s19;
	s19 =	smov.u32 s21;
	v3 =	vld.msk [tilespmem:s21+$0xFFFFFFF0], $0xff;
	[tilespmem:s12+$0xFFFFFFFE ss:$0x81] =	vst.msk $0xff, v2  }
0x6e: {  	s21 =	smov.u32 s24;
	[tilespmem:s20+$0xFFFFFFF9 ss:$0x81] =	vst.msk $0xff, v5;
	v1 =	vld.msk [tilespmem:s13+$0x10], $0xff  }
0x6f: {  	v4 =	vld.msk [tilespmem:s24+$0xFFFFFFE8], $0xff;
	[tilespmem:s14+$0xFFFFFFFD ss:$0x81] =	vst.msk $0xff, v6  }
0x70: {  	s24 =	sadd.s32 $0x40, s24;
	[tilespmem:s16+$0xFFFFFFFC ss:$0x81] =	vst.msk $0xff, v7;
	v2 =	vld.msk [tilespmem:s15+$0x8], $0xff  }
.Ltmp4:
0x71: {  	_ = 	snop;
	(pc) =	sbr.rel .LBB1_4-.Ltmp4, $1  }
0x72: {  	_ =	sdelay $0x3  }
.LBB1_6:
0x73: {  	_ =	sfence.sel $0x180000  }
0x74: {  	s2 =	simm.s32 $0x1;
	[bflag:$0x0] =	sbarrier.arrive $0xFFFF  }
0x75: {  	s31 =	simm.s32 $0x2;
	[sflag:s2] =	ssyncpa.u1 $0x1  }
0x76: {  	[sflag:s31] =	ssyncpa.u1 $0x1  }
0x77: {  	p0 =	sne.s32 s0, $0x0;
	_ =	strace $0x9000005F  }
0x78: {  	s0 =	sadd.s32 @!p0 $0x100000, s1;
	[bflag:$0x2] =	sbarrier.arrive $0xFFFF  }
0x79: {  	[sflag:s0] =	ssyncadd.tile.s32 @!p0 $0x1;
	_ =	shalt  }
.Lfunc_end1:
_tile_overlayer_lowered:
.L_overlay_start_2:
0x7a: {  	(tag) =	ssettag $0x2  }
0x7b: {  	s0 =	rddreg [dreg:$0x0];
	s2 =	stileid.u32  }
0x7c: {  	s1 =	rddreg [dreg:$0x1];
	p0 =	sne.s32 s2, $0x0  }
0x7d: {  	s3 =	rddreg [dreg:$0x2];
	[bflag:$0x3] =	sbarrier.arrive $0xFFFF;
	s2 =	simm.s32 @!p0 $0x1C01  }
0x7e: {  	[timem:s3], [sflag:s2] =	dma.local @!p0 [hbm:s0], s1  }
0x7f: {  	s0 =	simm.s32 @!p0 $0x1  }
0x80: {  	_ =	swait.ge @!p0 [sflag:s0], s1  }
0x81: {  	s1 =	ssub.s32 @!p0 $0x0, s1;
	[sflag:s0] =	ssyncset.done @!p0 $0x0  }
0x82: {  	[sflag:s0] =	ssyncadd.s32 @!p0 s1  }
0x83: {  	[bflag:$0x3] =	sbarrier.arrive $0xFFFF  }
0x84: {  	_ =	shalt  }

</sc_bundles>
